<compile_context>
chip_gen: v7x
topology: tpu7x:2x2x1
jax: 0.10.2.dev20260603
libtpu: 0.0.44.dev20260713+nightly
codegen_flags: <defaults>
</compile_context>

<pallas_src>
import functools
import numpy as np
import jax
from jax import lax
import jax.numpy as jnp
from jax.experimental import pallas as pl
from jax.experimental.pallas import tpu as pltpu
from jax.experimental.pallas import tpu_sc as plsc

_Nr = 1000
_Ng = 32
_C = 200
_B = 8
_T = 4032

_FG_IOU = 0.7
_BG_IOU = 0.01

_NW = 32
_RPW = (_B * _Nr) // _NW

_sc_mesh = plsc.VectorSubcoreMesh(core_axis_name="c", subcore_axis_name="s")


_RPAD = 256
_QLEN = (248, 248, 248, 256)


@functools.partial(
    pl.kernel,
    mesh=_sc_mesh,
    compiler_params=pltpu.CompilerParams(needs_layout_passes=False),
    out_type=[
        jax.ShapeDtypeStruct((_B, 1, 4 * _RPAD), jnp.float32),
        jax.ShapeDtypeStruct((_B, 1, 4 * _RPAD), jnp.float32),
        jax.ShapeDtypeStruct((_B, 1, 4 * _RPAD), jnp.float32),
        jax.ShapeDtypeStruct((_B, 4, _Ng, _RPAD), jnp.float32),
    ],
    scratch_types=[
        pltpu.VMEM((_RPAD, _C), jnp.float32),
        pltpu.VMEM((_B, _Ng), jnp.int32),
        pltpu.VMEM((_RPAD,), jnp.float32),
        pltpu.VMEM((_RPAD,), jnp.float32),
        pltpu.VMEM((_RPAD,), jnp.float32),
        pltpu.VMEM((_Ng, _RPAD), jnp.float32),
    ],
)
def _sc_stats(cls_hbm, lab_hbm, rmax_hbm, esum_hbm, col0_hbm, pick_hbm,
              rows_v, lab_v, rmax_v, esum_v, col0_v, pick_v):
    wid = lax.axis_index("s") * 2 + lax.axis_index("c")
    b = wid // 4
    q = wid % 4
    st = q * 248
    pltpu.sync_copy(cls_hbm.at[b, pl.ds(st, _RPAD)], rows_v)
    pltpu.sync_copy(lab_hbm, lab_v)
    la = lab_v[b, pl.ds(0, 16)]
    lb = lab_v[b, pl.ds(16, 16)]
    lanes = lax.iota(jnp.int32, 16)
    tmask = lanes >= 8

    def grp_body(g, carry):
        base = g * 16
        mvec = jnp.zeros((16,), jnp.float32)
        svec = jnp.zeros((16,), jnp.float32)
        cvec = jnp.zeros((16,), jnp.float32)
        for l in range(16):
            r = base + l
            v0 = rows_v[r, pl.ds(0, 16)]
            vs = [v0]
            m = v0
            for k in range(1, _C // 16):
                vk = rows_v[r, pl.ds(16 * k, 16)]
                vs.append(vk)
                m = jnp.maximum(m, vk)
            vt = rows_v[r, pl.ds(_C - 16, 16)]
            m = jnp.maximum(m, vt)
            for hop in (8, 4, 2, 1):
                perm = jnp.bitwise_xor(lanes, hop)
                m = jnp.maximum(m, m.at[perm].get(mode="promise_in_bounds"))
            s = jnp.exp(vs[0] - m)
            for vk in vs[1:]:
                s = s + jnp.exp(vk - m)
            s = s + jnp.where(tmask, jnp.exp(vt - m), 0.0)
            for hop in (8, 4, 2, 1):
                perm = jnp.bitwise_xor(lanes, hop)
                s = s + s.at[perm].get(mode="promise_in_bounds")
            isl = lanes == l
            mvec = jnp.where(isl, m, mvec)
            svec = jnp.where(isl, s, svec)
            cvec = jnp.where(isl, v0[0], cvec)
        rmax_v[pl.ds(base, 16)] = mvec
        esum_v[pl.ds(base, 16)] = svec
        col0_v[pl.ds(base, 16)] = cvec
        rowvec = jnp.full((16,), base, jnp.int32) + lanes
        for j in range(_Ng):
            labj = la[j] if j < 16 else lb[j - 16]
            labv = jnp.full((16,), labj, jnp.int32)
            pick_v[j, pl.ds(base, 16)] = plsc.load_gather(
                rows_v, [rowvec, labv])
        return carry

    lax.fori_loop(0, _RPAD // 16, grp_body, 0)
    pltpu.sync_copy(rmax_v, rmax_hbm.at[b, 0, pl.ds(q * _RPAD, _RPAD)])
    pltpu.sync_copy(esum_v, esum_hbm.at[b, 0, pl.ds(q * _RPAD, _RPAD)])
    pltpu.sync_copy(col0_v, col0_hbm.at[b, 0, pl.ds(q * _RPAD, _RPAD)])
    pltpu.sync_copy(pick_v, pick_hbm.at[b, q])


def _body(rr3_ref, segc_ref, tri32_ref, rmax_ref, esum_ref, col0_ref,
          pick_ref, pts_ref, out_ref, acc_ref):
    j = pl.program_id(0)

    @pl.when(j == 0)
    def _init():
        x = pts_ref[0:8].astype(jnp.float32)
        g = pts_ref[8:16].astype(jnp.float32)
        m = pts_ref[16:24].astype(jnp.float32)
        t = (g > 0.5).astype(jnp.float32)
        ax = jnp.abs(x)
        l1p = jnp.log1p(jnp.exp(-ax))
        ls_pos = jnp.minimum(x, 0.0) - l1p
        ls_neg = jnp.minimum(-x, 0.0) - l1p
        ce_f = -(t * ls_pos + (1.0 - t) * ls_neg)
        p = 1.0 / (1.0 + jnp.exp(-x))
        p_t = p * t + (1.0 - p) * (1.0 - t)
        q = 1.0 - p_t
        alpha_t = 0.25 * t + 0.75 * (1.0 - t)
        fl = alpha_t * ce_f * q * q
        acc_ref[2] = jnp.sum(fl * m)
        posm = t * m
        acc_ref[4] = jnp.sum(posm)

        lp = pts_ref[24:32].astype(jnp.float32)
        rp = pts_ref[32:40].astype(jnp.float32)
        lg = pts_ref[40:48].astype(jnp.float32)
        rg = pts_ref[48:56].astype(jnp.float32)
        intsctk = jnp.minimum(rp, rg) + jnp.minimum(lp, lg)
        unionk = (lp + rp) + (lg + rg) - intsctk
        iouk = intsctk / jnp.maximum(unionk, 1e-8)
        len_c = jnp.maximum(lp, lg) + jnp.maximum(rp, rg)
        rho = 0.5 * (rp - lp - rg + lg)
        rr_ = rho / jnp.maximum(len_c, 1e-8)
        dl = 1.0 - iouk + rr_ * rr_
        acc_ref[3] = jnp.sum(dl * posm)

        acc_ref[0] = 0.0
        acc_ref[1] = 0.0

    rl = rr3_ref[pl.ds(j, 1)]
    rr = rr3_ref[pl.ds(j + 8, 1)]
    sc = rr3_ref[pl.ds(j + 16, 1)]
    segc = segc_ref[0]
    gl = segc[:, 0:1]
    gr = segc[:, 1:2]
    min_l = jnp.minimum(gl, rl)
    max_l = jnp.maximum(gl, rl)
    min_r = jnp.minimum(gr, rr)
    max_r = jnp.maximum(gr, rr)
    mat = (min_r - max_l) / (max_r - min_l)
    ious = jnp.max(mat, axis=0, keepdims=True)
    ismax = mat >= ious
    ismax_bf = ismax.astype(jnp.bfloat16)
    cnt = jnp.dot(tri32_ref[...], ismax_bf,
                  preferred_element_type=jnp.float32)
    posf = (ious > _FG_IOU).astype(jnp.float32)
    npos = jnp.sum(posf)
    G = jnp.where(ismax & (cnt < 1.5), posf, 0.0)
    bgf = jnp.where((ious < _BG_IOU) & (sc > 0.0), 1.0, 0.0)
    cum = bgf
    for k in (1, 2, 4, 8, 16, 32, 64, 128, 256, 512):
        cum = cum + jnp.concatenate(
            [jnp.zeros((1, k), jnp.float32), cum[:, :-k]], axis=1)
    bg_sel = bgf * (cum < npos + 0.5).astype(jnp.float32)
    sel = jnp.maximum(posf, bg_sel)

    ce_acc = jnp.float32(0.0)
    for q in range(4):
        n = _QLEN[q]
        mq = rmax_ref[0][:, q * _RPAD:q * _RPAD + n]
        eq = esum_ref[0][:, q * _RPAD:q * _RPAD + n]
        cq = col0_ref[0][:, q * _RPAD:q * _RPAD + n]
        lseq = mq + jnp.log(eq)
        sel_q = sel[:, q * 248:q * 248 + n]
        bg_q = bg_sel[:, q * 248:q * 248 + n]
        G_q = G[:, q * 248:q * 248 + n]
        pq = pick_ref[0, q][:, 0:n]
        ce_acc = ce_acc + (jnp.sum(sel_q * lseq) - jnp.sum(bg_q * cq)
                           - jnp.sum(G_q * pq))
    acc_ref[0] = acc_ref[0] + ce_acc
    acc_ref[1] = acc_ref[1] + jnp.sum(sel)

    @pl.when(j == _B - 1)
    def _fin():
        norm = 90.0 + 0.1 * jnp.maximum(acc_ref[4], 1.0)
        out_ref[0, 0] = (acc_ref[2] + acc_ref[3]) / norm + acc_ref[0] / acc_ref[1]


_TRI32 = np.tri(_Ng, dtype=np.float32).astype(jnp.bfloat16)


def kernel(fpn_masks, out_cls_logits, out_offsets, out_rois, out_scores,
           out_roimask, cls_log, gt_cls, gt_offsets, gt_segments,
           segments_label, segments_mask):
    f32 = jnp.float32
    tri32 = jnp.asarray(_TRI32)

    rmax8, esum8, col08, pick4 = _sc_stats(
        cls_log, segments_label.astype(jnp.int32))

    rr3 = jnp.concatenate(
        [out_rois[:, :, 1], out_rois[:, :, 2], out_scores], axis=0)
    segc = jnp.stack(
        [gt_segments[:, :, 0], gt_segments[:, :, 1],
         segments_label.astype(f32)], axis=2)
    pts = jnp.concatenate(
        [out_cls_logits, gt_cls.astype(f32), fpn_masks.astype(f32),
         out_offsets[:, :, 0], out_offsets[:, :, 1],
         gt_offsets[:, :, 0], gt_offsets[:, :, 1]],
        axis=0).astype(jnp.bfloat16)

    out = pl.pallas_call(
        _body,
        grid=(_B,),
        in_specs=[
            pl.BlockSpec((3 * _B, _Nr), lambda j: (0, 0)),
            pl.BlockSpec((1, _Ng, 3), lambda j: (j, 0, 0)),
            pl.BlockSpec((_Ng, _Ng), lambda j: (0, 0)),
            pl.BlockSpec((1, 1, 4 * _RPAD), lambda j: (j, 0, 0)),
            pl.BlockSpec((1, 1, 4 * _RPAD), lambda j: (j, 0, 0)),
            pl.BlockSpec((1, 1, 4 * _RPAD), lambda j: (j, 0, 0)),
            pl.BlockSpec((1, 4, _Ng, _RPAD), lambda j: (j, 0, 0, 0)),
            pl.BlockSpec((7 * _B, _T), lambda j: (0, 0)),
        ],
        out_specs=pl.BlockSpec((1, 1), lambda j: (0, 0), memory_space=pltpu.SMEM),
        out_shape=jax.ShapeDtypeStruct((1, 1), f32),
        scratch_shapes=[pltpu.SMEM((8,), f32)],
    )(rr3, segc, tri32, rmax8, esum8, col08, pick4, pts)
    return out[0, 0]

# --- scband reference (transcript-rebuilt; emitter-appended) ---
"""Pipeline reference for scband-former-loss-18631568130087 (READ-ONLY COPY).

The authoritative reference and input builder live on the scoring server;
editing this copy changes nothing except your own understanding.
"""

import jax, jax.numpy as jnp
import numpy as np

INIT_LOSS_NORM = 100.0
LOSS_NORM_MOMENTUM = 0.9
LOSS_WEIGHT = 1.0
FG_IOU = 0.7
BG_IOU = 0.01
SAMPLE_RATIO = 1


def sigmoid_focal_loss(logits, targets, alpha=0.25, gamma=2.0):
    p = jax.nn.sigmoid(logits)
    ce = -(targets * jax.nn.log_sigmoid(logits) + (1.0 - targets) * jax.nn.log_sigmoid(-logits))
    p_t = p * targets + (1.0 - p) * (1.0 - targets)
    loss = ce * (1.0 - p_t) ** gamma
    alpha_t = alpha * targets + (1.0 - alpha) * (1.0 - targets)
    return alpha_t * loss


def ctr_diou_loss_1d(pred, target, eps=1e-8):
    lp, rp = pred[..., 0], pred[..., 1]
    lg, rg = target[..., 0], target[..., 1]
    lkis = jnp.minimum(lp, lg)
    rkis = jnp.minimum(rp, rg)
    intsctk = rkis + lkis
    unionk = (lp + rp) + (lg + rg) - intsctk
    iouk = intsctk / jnp.maximum(unionk, eps)
    lc = jnp.maximum(lp, lg)
    rc = jnp.maximum(rp, rg)
    len_c = lc + rc
    rho = 0.5 * (rp - lp - rg + lg)
    return 1.0 - iouk + (rho / jnp.maximum(len_c, eps)) ** 2


def former_loss(fpn_masks, out_cls_logits, out_offsets, out_rois, out_scores, out_roimask, cls_log, gt_cls, gt_offsets, gt_segments, segments_label, segments_mask):
    B = out_rois.shape[0]
    # ---- proposal classification loss (CrossEntropy, reduction='mean' over all sampled proposals) ----
    ce_sum = 0.0
    ce_cnt = 0.0
    for j in range(B):
        r = out_rois[j][:, 1:]
        g = gt_segments[j]
        min_l = jnp.minimum(g[None, :, 0], r[:, None, 0])
        max_l = jnp.maximum(g[None, :, 0], r[:, None, 0])
        min_r = jnp.minimum(g[None, :, 1], r[:, None, 1])
        max_r = jnp.maximum(g[None, :, 1], r[:, None, 1])
        ious_mat = (min_r - max_l) / (max_r - min_l)
        ious = ious_mat.max(axis=1)
        iou_idx = ious_mat.argmax(axis=1)
        iou_labels = segments_label[j][iou_idx]
        pos = ious > FG_IOU
        labels = iou_labels * pos  # background / non-pos proposals -> class 0
        num_pos_j = pos.sum()
        bg = (ious < BG_IOU) & (out_scores[j] > 0)
        bg_rank = jnp.cumsum(bg.astype(jnp.int32)) - 1  # position within bg pool (index order)
        bg_sel = bg & (bg_rank < SAMPLE_RATIO * num_pos_j)  # take first ratio*num_pos bg proposals
        sel = (pos | bg_sel).astype(cls_log.dtype)
        logp = jax.nn.log_softmax(cls_log[j], axis=-1)
        ce = -jnp.take_along_axis(logp, labels[:, None].astype(jnp.int32), axis=1)[:, 0]
        ce_sum = ce_sum + (ce * sel).sum()
        ce_cnt = ce_cnt + sel.sum()
    act_loss = ce_sum / ce_cnt

    # ---- anchor-free point losses (focal cls + ctr-diou reg) ----
    valid_mask = fpn_masks
    pos_mask = (gt_cls >= 0) & (gt_cls != 0) & valid_mask
    num_pos = pos_mask.sum()
    loss_normalizer = LOSS_NORM_MOMENTUM * INIT_LOSS_NORM + (1.0 - LOSS_NORM_MOMENTUM) * jnp.maximum(num_pos, 1).astype(jnp.float32)
    gt_target = (gt_cls > 0).astype(out_cls_logits.dtype)
    fl = sigmoid_focal_loss(out_cls_logits, gt_target)
    cls_loss = (fl * valid_mask.astype(fl.dtype)).sum() / loss_normalizer
    dl = ctr_diou_loss_1d(out_offsets, gt_offsets)
    reg_loss = (dl * pos_mask.astype(dl.dtype)).sum() / loss_normalizer
    final_loss = cls_loss + reg_loss * LOSS_WEIGHT
    return final_loss + act_loss


def setup_inputs(seed: int = 0) -> dict:
    key = jax.random.key(seed)
    ks = jax.random.split(key, 14)
    B, T = 8, 4032
    Nr, Ng, C = 1000, 32, 200
    fpn_masks = jax.random.uniform(ks[0], (B, T)) < 0.95
    out_cls_logits = jax.random.normal(ks[1], (B, T), dtype=jnp.float32)
    out_offsets = jax.random.uniform(ks[2], (B, T, 2), dtype=jnp.float32) * 4.0 + 0.1
    gt_cls = jax.random.randint(ks[3], (B, T), 0, 4)
    gt_offsets = jax.random.uniform(ks[4], (B, T, 2), dtype=jnp.float32) * 4.0 + 0.1
    gstart = jax.random.uniform(ks[5], (B, Ng)) * 90.0
    glen = jax.random.uniform(ks[6], (B, Ng)) * 8.0 + 1.0
    gt_segments = jnp.stack([gstart, gstart + glen], axis=-1)
    segments_label = jax.random.randint(ks[7], (B, Ng), 1, C)
    segments_mask = jnp.ones((B, Ng), dtype=bool)
    rstart = jax.random.uniform(ks[8], (B, Nr)) * 90.0
    rlen = jax.random.uniform(ks[9], (B, Nr)) * 8.0 + 1.0
    rsegs = jnp.stack([rstart, rstart + rlen], axis=-1)
    jit = jax.random.normal(ks[10], (B, Ng, 2)) * 0.05
    rsegs = rsegs.at[:, :Ng, :].set(gt_segments + jit)  # guarantee high-IoU positives
    bidx = jnp.broadcast_to(jnp.arange(B, dtype=jnp.float32)[:, None, None], (B, Nr, 1))
    out_rois = jnp.concatenate([bidx, rsegs], axis=2)
    out_scores = jax.random.uniform(ks[11], (B, Nr), dtype=jnp.float32)
    out_roimask = jnp.ones((B, Nr), dtype=bool)
    cls_log = jax.random.normal(ks[12], (B, Nr, C), dtype=jnp.float32)
    return {
        "fpn_masks": fpn_masks,
        "out_cls_logits": out_cls_logits,
        "out_offsets": out_offsets,
        "out_rois": out_rois,
        "out_scores": out_scores,
        "out_roimask": out_roimask,
        "cls_log": cls_log,
        "gt_cls": gt_cls,
        "gt_offsets": gt_offsets,
        "gt_segments": gt_segments,
        "segments_label": segments_label,
        "segments_mask": segments_mask,
    }


def reference(fpn_masks, out_cls_logits, out_offsets, out_rois, out_scores, out_roimask, cls_log, gt_cls, gt_offsets, gt_segments, segments_label, segments_mask):
    return former_loss(fpn_masks, out_cls_logits, out_offsets, out_rois, out_scores, out_roimask, cls_log, gt_cls, gt_offsets, gt_segments, segments_label, segments_mask)

if __name__ == "__main__":
    import jax
    _d = setup_inputs()
    print(jax.jit(kernel)(*tuple(_d.values())))

</pallas_src>

<mosaic_0001>
#map = affine_map<(d0, d1) -> (0, 0, 0)>
#map1 = affine_map<(d0, d1) -> (0, 0)>
#map2 = affine_map<(d0, d1) -> (0, 0, 0, 0)>
module attributes {stable_mosaic.version = 14 : i64} {
  func.func @_sc_stats(%arg0: i32, %arg1: i32, %arg2: memref<8x1000x200xf32, #tpu.memory_space<hbm>>, %arg3: memref<8x32xi32, #tpu.memory_space<hbm>>, %arg4: memref<8x1x1024xf32, #tpu.memory_space<hbm>>, %arg5: memref<8x1x1024xf32, #tpu.memory_space<hbm>>, %arg6: memref<8x1x1024xf32, #tpu.memory_space<hbm>>, %arg7: memref<8x4x32x256xf32, #tpu.memory_space<hbm>>, %arg8: memref<256x200xf32, #tpu.memory_space<vmem>>, %arg9: memref<8x32xi32, #tpu.memory_space<vmem>>, %arg10: memref<256xf32, #tpu.memory_space<vmem>>, %arg11: memref<256xf32, #tpu.memory_space<vmem>>, %arg12: memref<256xf32, #tpu.memory_space<vmem>>, %arg13: memref<32x256xf32, #tpu.memory_space<vmem>>) attributes {dimension_semantics = [#tpu.dimension_semantics<core_parallel>, #tpu.dimension_semantics<subcore_parallel>], iteration_bounds = array<i64: 2, 16>, scalar_prefetch = 0 : i64, scratch_operands = 6 : i64, tpu.core_type = #tpu.core_type<sc_vector_subcore>, window_params = [{transform_indices = #map}, {transform_indices = #map1}, {transform_indices = #map}, {transform_indices = #map}, {transform_indices = #map}, {transform_indices = #map2}]} {
    %mul3A = arith.constant 2 : i32
    %mul3A_0 = arith.muli %arg1, %mul3A : i32
    %add3A = arith.addi %mul3A_0, %arg0 : i32
    %jit3A = arith.constant 4 : i32
    %div3A = arith.divsi %add3A, %jit3A : i32
    %sign3A = arith.constant 0 : i32
    %sign3A_1 = arith.cmpi sgt, %add3A, %sign3A : i32
    %sign3A_2 = arith.extui %sign3A_1 : i1 to i32
    %sign3A_3 = arith.constant 0 : i32
    %sign3A_4 = arith.cmpi slt, %add3A, %sign3A_3 : i32
    %sign3A_5 = arith.extui %sign3A_4 : i1 to i32
    %sign3A_6 = arith.subi %sign3A_2, %sign3A_5 : i32
    %sign3A_7 = arith.constant 0 : i32
    %sign3A_8 = arith.cmpi sgt, %jit3A, %sign3A_7 : i32
    %sign3A_9 = arith.extui %sign3A_8 : i1 to i32
    %sign3A_10 = arith.constant 0 : i32
    %sign3A_11 = arith.cmpi slt, %jit3A, %sign3A_10 : i32
    %sign3A_12 = arith.extui %sign3A_11 : i1 to i32
    %sign3A_13 = arith.subi %sign3A_9, %sign3A_12 : i32
    %ne3A = arith.cmpi ne, %sign3A_6, %sign3A_13 : i32
    %rem3A = arith.remsi %add3A, %jit3A : i32
    %ne3A_14 = arith.constant 0 : i32
    %ne3A_15 = arith.cmpi ne, %rem3A, %ne3A_14 : i32
    %and3A = arith.andi %ne3A, %ne3A_15 : i1
    %sub3A = arith.constant 1 : i32
    %sub3A_16 = arith.subi %div3A, %sub3A : i32
    %select_n3A = arith.select %and3A, %sub3A_16, %div3A : i32
    %jit3A_17 = arith.constant 4 : i32
    %eq3A = arith.constant 0 : i32
    %eq3A_18 = arith.cmpi eq, %jit3A_17, %eq3A : i32
    %jit3A_19 = arith.constant 1 : i32
    %select_n3A_20 = arith.select %eq3A_18, %jit3A_19, %jit3A_17 : i32
    %rem3A_21 = arith.remsi %add3A, %select_n3A_20 : i32
    %ne3A_22 = arith.constant 0 : i32
    %ne3A_23 = arith.cmpi ne, %rem3A_21, %ne3A_22 : i32
    %lt3A = arith.constant 0 : i32
    %lt3A_24 = arith.cmpi slt, %rem3A_21, %lt3A : i32
    %lt3A_25 = arith.constant 0 : i32
    %lt3A_26 = arith.cmpi slt, %select_n3A_20, %lt3A_25 : i32
    %ne3A_27 = arith.xori %lt3A_24, %lt3A_26 : i1
    %and3A_28 = arith.andi %ne3A_27, %ne3A_23 : i1
    %add3A_29 = arith.addi %rem3A_21, %select_n3A_20 : i32
    %select_n3A_30 = arith.select %and3A_28, %add3A_29, %rem3A_21 : i32
    %mul3A_31 = arith.constant 248 : i32
    %mul3A_32 = arith.muli %select_n3A_30, %mul3A_31 : i32
    "tpu.region"() ({
      %run_scoped3A_53 = tpu.sem_alloc : memref<!tpu.dma_semaphore, #tpu.memory_space<semaphore_mem>>
      %dma_start3A = arith.constant 0 : i32
      %dma_start3A_54 = tpu.memref_slice %arg2[%select_n3A, %mul3A_32, %dma_start3A] : memref<8x1000x200xf32, #tpu.memory_space<hbm>> -> memref<1x256x200xf32, #tpu.memory_space<hbm>>
      %dma_start3A_55 = tpu.memref_squeeze %dma_start3A_54 : memref<1x256x200xf32, #tpu.memory_space<hbm>> -> memref<256x200xf32, #tpu.memory_space<hbm>>
      %dma_start3A_56 = arith.constant 0 : i32
      %dma_start3A_57 = tpu.memref_slice %arg2[%select_n3A, %mul3A_32, %dma_start3A_56] : memref<8x1000x200xf32, #tpu.memory_space<hbm>> -> memref<1x256x200xf32, #tpu.memory_space<hbm>>
      %dma_start3A_58 = tpu.memref_squeeze %dma_start3A_57 : memref<1x256x200xf32, #tpu.memory_space<hbm>> -> memref<256x200xf32, #tpu.memory_space<hbm>>
      tpu.enqueue_dma source(%dma_start3A_58 : memref<256x200xf32, #tpu.memory_space<hbm>>) target(%arg8 : memref<256x200xf32, #tpu.memory_space<vmem>>) target_semaphore(%run_scoped3A_53 : memref<!tpu.dma_semaphore, #tpu.memory_space<semaphore_mem>>)
      %dma_wait3A = arith.constant 0 : i32
      %dma_wait3A_59 = tpu.memref_slice %arg2[%select_n3A, %mul3A_32, %dma_wait3A] : memref<8x1000x200xf32, #tpu.memory_space<hbm>> -> memref<1x256x200xf32, #tpu.memory_space<hbm>>
      %dma_wait3A_60 = tpu.memref_squeeze %dma_wait3A_59 : memref<1x256x200xf32, #tpu.memory_space<hbm>> -> memref<256x200xf32, #tpu.memory_space<hbm>>
      %dma_wait3A_61 = arith.constant 0 : i32
      %dma_wait3A_62 = tpu.memref_slice %arg2[%select_n3A, %mul3A_32, %dma_wait3A_61] : memref<8x1000x200xf32, #tpu.memory_space<hbm>> -> memref<1x256x200xf32, #tpu.memory_space<hbm>>
      %dma_wait3A_63 = tpu.memref_squeeze %dma_wait3A_62 : memref<1x256x200xf32, #tpu.memory_space<hbm>> -> memref<256x200xf32, #tpu.memory_space<hbm>>
      tpu.wait_dma2 semaphore(%run_scoped3A_53 : memref<!tpu.dma_semaphore, #tpu.memory_space<semaphore_mem>>) src(%dma_wait3A_63 : memref<256x200xf32, #tpu.memory_space<hbm>>) dst(%arg8 : memref<256x200xf32, #tpu.memory_space<vmem>>)
      tpu.yield
    }) : () -> ()
    "tpu.region"() ({
      %run_scoped3A_53 = tpu.sem_alloc : memref<!tpu.dma_semaphore, #tpu.memory_space<semaphore_mem>>
      tpu.enqueue_dma source(%arg3 : memref<8x32xi32, #tpu.memory_space<hbm>>) target(%arg9 : memref<8x32xi32, #tpu.memory_space<vmem>>) target_semaphore(%run_scoped3A_53 : memref<!tpu.dma_semaphore, #tpu.memory_space<semaphore_mem>>)
      tpu.wait_dma2 semaphore(%run_scoped3A_53 : memref<!tpu.dma_semaphore, #tpu.memory_space<semaphore_mem>>) src(%arg3 : memref<8x32xi32, #tpu.memory_space<hbm>>) dst(%arg9 : memref<8x32xi32, #tpu.memory_space<vmem>>)
      tpu.yield
    }) : () -> ()
    %get3A = arith.index_cast %select_n3A : i32 to index
    %get3A_33 = arith.constant 0 : index
    %get3A_34 = tpu.vector_load %arg9[%get3A, %get3A_33] {strides = array<i32>} : memref<8x32xi32, #tpu.memory_space<vmem>>, vector<16xi32>,
    %get3A_35 = arith.index_cast %select_n3A : i32 to index
    %get3A_36 = arith.constant 16 : index
    %get3A_37 = tpu.vector_load %arg9[%get3A_35, %get3A_36] {strides = array<i32>} : memref<8x32xi32, #tpu.memory_space<vmem>>, vector<16xi32>,
    %iota3A = tpu.iota {dimensions = array<i32: 0>} : vector<16xi32>
    %ge3A = arith.constant 8 : i32
    %ge3A_38 = vector.broadcast %ge3A : i32 to vector<16xi32>
    %ge3A_39 = arith.cmpi sge, %iota3A, %ge3A_38 : vector<16xi32>
    %scan3A = arith.constant 0 : i32
    %scan3A_40 = arith.constant 0 : i32
    %scan3A_41 = arith.constant 16 : i32
    %scan3A_42 = arith.addi %scan3A_40, %scan3A_41 : i32
    %scan3A_43 = arith.constant 1 : i32
    scf.for %scan3A_53 = %scan3A_40 to %scan3A_42 step %scan3A_43  : i32 {
      %mul3A_54 = arith.constant 16 : i32
      %mul3A_55 = arith.muli %scan3A_53, %mul3A_54 : i32
      %broadcast_in_dim3A = arith.constant 0.000000e+00 : f32
      %broadcast_in_dim3A_56 = vector.broadcast %broadcast_in_dim3A : f32 to vector<16xf32>
      %broadcast_in_dim3A_57 = arith.constant 0.000000e+00 : f32
      %broadcast_in_dim3A_58 = vector.broadcast %broadcast_in_dim3A_57 : f32 to vector<16xf32>
      %broadcast_in_dim3A_59 = arith.constant 0.000000e+00 : f32
      %broadcast_in_dim3A_60 = vector.broadcast %broadcast_in_dim3A_59 : f32 to vector<16xf32>
      %add3A_61 = arith.constant 0 : i32
      %add3A_62 = arith.addi %mul3A_55, %add3A_61 : i32
      %get3A_63 = arith.index_cast %add3A_62 : i32 to index
      %get3A_64 = arith.constant 0 : index
      %get3A_65 = tpu.vector_load %arg8[%get3A_63, %get3A_64] {strides = array<i32>} : memref<256x200xf32, #tpu.memory_space<vmem>>, vector<16xf32>,
      %get3A_66 = arith.index_cast %add3A_62 : i32 to index
      %get3A_67 = arith.constant 16 : index
      %get3A_68 = tpu.vector_load %arg8[%get3A_66, %get3A_67] {strides = array<i32>} : memref<256x200xf32, #tpu.memory_space<vmem>>, vector<16xf32>,
      %max3A = arith.maximumf %get3A_65, %get3A_68 : vector<16xf32>
      %get3A_69 = arith.index_cast %add3A_62 : i32 to index
      %get3A_70 = arith.constant 32 : index
      %get3A_71 = tpu.vector_load %arg8[%get3A_69, %get3A_70] {strides = array<i32>} : memref<256x200xf32, #tpu.memory_space<vmem>>, vector<16xf32>,
      %max3A_72 = arith.maximumf %max3A, %get3A_71 : vector<16xf32>
      %get3A_73 = arith.index_cast %add3A_62 : i32 to index
      %get3A_74 = arith.constant 48 : index
      %get3A_75 = tpu.vector_load %arg8[%get3A_73, %get3A_74] {strides = array<i32>} : memref<256x200xf32, #tpu.memory_space<vmem>>, vector<16xf32>,
      %max3A_76 = arith.maximumf %max3A_72, %get3A_75 : vector<16xf32>
      %get3A_77 = arith.index_cast %add3A_62 : i32 to index
      %get3A_78 = arith.constant 64 : index
      %get3A_79 = tpu.vector_load %arg8[%get3A_77, %get3A_78] {strides = array<i32>} : memref<256x200xf32, #tpu.memory_space<vmem>>, vector<16xf32>,
      %max3A_80 = arith.maximumf %max3A_76, %get3A_79 : vector<16xf32>
      %get3A_81 = arith.index_cast %add3A_62 : i32 to index
      %get3A_82 = arith.constant 80 : index
      %get3A_83 = tpu.vector_load %arg8[%get3A_81, %get3A_82] {strides = array<i32>} : memref<256x200xf32, #tpu.memory_space<vmem>>, vector<16xf32>,
      %max3A_84 = arith.maximumf %max3A_80, %get3A_83 : vector<16xf32>
      %get3A_85 = arith.index_cast %add3A_62 : i32 to index
      %get3A_86 = arith.constant 96 : index
      %get3A_87 = tpu.vector_load %arg8[%get3A_85, %get3A_86] {strides = array<i32>} : memref<256x200xf32, #tpu.memory_space<vmem>>, vector<16xf32>,
      %max3A_88 = arith.maximumf %max3A_84, %get3A_87 : vector<16xf32>
      %get3A_89 = arith.index_cast %add3A_62 : i32 to index
      %get3A_90 = arith.constant 112 : index
      %get3A_91 = tpu.vector_load %arg8[%get3A_89, %get3A_90] {strides = array<i32>} : memref<256x200xf32, #tpu.memory_space<vmem>>, vector<16xf32>,
      %max3A_92 = arith.maximumf %max3A_88, %get3A_91 : vector<16xf32>
      %get3A_93 = arith.index_cast %add3A_62 : i32 to index
      %get3A_94 = arith.constant 128 : index
      %get3A_95 = tpu.vector_load %arg8[%get3A_93, %get3A_94] {strides = array<i32>} : memref<256x200xf32, #tpu.memory_space<vmem>>, vector<16xf32>,
      %max3A_96 = arith.maximumf %max3A_92, %get3A_95 : vector<16xf32>
      %get3A_97 = arith.index_cast %add3A_62 : i32 to index
      %get3A_98 = arith.constant 144 : index
      %get3A_99 = tpu.vector_load %arg8[%get3A_97, %get3A_98] {strides = array<i32>} : memref<256x200xf32, #tpu.memory_space<vmem>>, vector<16xf32>,
      %max3A_100 = arith.maximumf %max3A_96, %get3A_99 : vector<16xf32>
      %get3A_101 = arith.index_cast %add3A_62 : i32 to index
      %get3A_102 = arith.constant 160 : index
      %get3A_103 = tpu.vector_load %arg8[%get3A_101, %get3A_102] {strides = array<i32>} : memref<256x200xf32, #tpu.memory_space<vmem>>, vector<16xf32>,
      %max3A_104 = arith.maximumf %max3A_100, %get3A_103 : vector<16xf32>
      %get3A_105 = arith.index_cast %add3A_62 : i32 to index
      %get3A_106 = arith.constant 176 : index
      %get3A_107 = tpu.vector_load %arg8[%get3A_105, %get3A_106] {strides = array<i32>} : memref<256x200xf32, #tpu.memory_space<vmem>>, vector<16xf32>,
      %max3A_108 = arith.maximumf %max3A_104, %get3A_107 : vector<16xf32>
      %get3A_109 = arith.index_cast %add3A_62 : i32 to index
      %get3A_110 = arith.constant 184 : index
      %get3A_111 = tpu.vector_load %arg8[%get3A_109, %get3A_110] {strides = array<i32>} : memref<256x200xf32, #tpu.memory_space<vmem>>, vector<16xf32>,
      %max3A_112 = arith.maximumf %max3A_108, %get3A_111 : vector<16xf32>
      %xor3A = arith.constant 8 : i32
      %xor3A_113 = vector.broadcast %xor3A : i32 to vector<16xi32>
      %xor3A_114 = arith.xori %iota3A, %xor3A_113 : vector<16xi32>
      %lt3A_115 = arith.constant 0 : i32
      %lt3A_116 = vector.broadcast %lt3A_115 : i32 to vector<16xi32>
      %lt3A_117 = arith.cmpi slt, %xor3A_114, %lt3A_116 : vector<16xi32>
      %add3A_118 = arith.constant 16 : i32
      %add3A_119 = vector.broadcast %add3A_118 : i32 to vector<16xi32>
      %add3A_120 = arith.addi %xor3A_114, %add3A_119 : vector<16xi32>
      %select_n3A_121 = arith.select %lt3A_117, %add3A_120, %xor3A_114 : vector<16xi1>, vector<16xi32>
      %broadcast_in_dim3A_122 = vector.shape_cast %select_n3A_121 : vector<16xi32> to vector<16x1xi32>
      %gather3A = vector.shape_cast %broadcast_in_dim3A_122 : vector<16x1xi32> to vector<16xi32>
      %gather3A_123 = tpu.dynamic_gather %max3A_112[%gather3A] in [0] : vector<16xf32>, vector<16xi32> -> vector<16xf32>
      %max3A_124 = arith.maximumf %max3A_112, %gather3A_123 : vector<16xf32>
      %xor3A_125 = arith.constant 4 : i32
      %xor3A_126 = vector.broadcast %xor3A_125 : i32 to vector<16xi32>
      %xor3A_127 = arith.xori %iota3A, %xor3A_126 : vector<16xi32>
      %lt3A_128 = arith.constant 0 : i32
      %lt3A_129 = vector.broadcast %lt3A_128 : i32 to vector<16xi32>
      %lt3A_130 = arith.cmpi slt, %xor3A_127, %lt3A_129 : vector<16xi32>
      %add3A_131 = arith.constant 16 : i32
      %add3A_132 = vector.broadcast %add3A_131 : i32 to vector<16xi32>
      %add3A_133 = arith.addi %xor3A_127, %add3A_132 : vector<16xi32>
      %select_n3A_134 = arith.select %lt3A_130, %add3A_133, %xor3A_127 : vector<16xi1>, vector<16xi32>
      %broadcast_in_dim3A_135 = vector.shape_cast %select_n3A_134 : vector<16xi32> to vector<16x1xi32>
      %gather3A_136 = vector.shape_cast %broadcast_in_dim3A_135 : vector<16x1xi32> to vector<16xi32>
      %gather3A_137 = tpu.dynamic_gather %max3A_124[%gather3A_136] in [0] : vector<16xf32>, vector<16xi32> -> vector<16xf32>
      %max3A_138 = arith.maximumf %max3A_124, %gather3A_137 : vector<16xf32>
      %xor3A_139 = arith.constant 2 : i32
      %xor3A_140 = vector.broadcast %xor3A_139 : i32 to vector<16xi32>
      %xor3A_141 = arith.xori %iota3A, %xor3A_140 : vector<16xi32>
      %lt3A_142 = arith.constant 0 : i32
      %lt3A_143 = vector.broadcast %lt3A_142 : i32 to vector<16xi32>
      %lt3A_144 = arith.cmpi slt, %xor3A_141, %lt3A_143 : vector<16xi32>
      %add3A_145 = arith.constant 16 : i32
      %add3A_146 = vector.broadcast %add3A_145 : i32 to vector<16xi32>
      %add3A_147 = arith.addi %xor3A_141, %add3A_146 : vector<16xi32>
      %select_n3A_148 = arith.select %lt3A_144, %add3A_147, %xor3A_141 : vector<16xi1>, vector<16xi32>
      %broadcast_in_dim3A_149 = vector.shape_cast %select_n3A_148 : vector<16xi32> to vector<16x1xi32>
      %gather3A_150 = vector.shape_cast %broadcast_in_dim3A_149 : vector<16x1xi32> to vector<16xi32>
      %gather3A_151 = tpu.dynamic_gather %max3A_138[%gather3A_150] in [0] : vector<16xf32>, vector<16xi32> -> vector<16xf32>
      %max3A_152 = arith.maximumf %max3A_138, %gather3A_151 : vector<16xf32>
      %xor3A_153 = arith.constant 1 : i32
      %xor3A_154 = vector.broadcast %xor3A_153 : i32 to vector<16xi32>
      %xor3A_155 = arith.xori %iota3A, %xor3A_154 : vector<16xi32>
      %lt3A_156 = arith.constant 0 : i32
      %lt3A_157 = vector.broadcast %lt3A_156 : i32 to vector<16xi32>
      %lt3A_158 = arith.cmpi slt, %xor3A_155, %lt3A_157 : vector<16xi32>
      %add3A_159 = arith.constant 16 : i32
      %add3A_160 = vector.broadcast %add3A_159 : i32 to vector<16xi32>
      %add3A_161 = arith.addi %xor3A_155, %add3A_160 : vector<16xi32>
      %select_n3A_162 = arith.select %lt3A_158, %add3A_161, %xor3A_155 : vector<16xi1>, vector<16xi32>
      %broadcast_in_dim3A_163 = vector.shape_cast %select_n3A_162 : vector<16xi32> to vector<16x1xi32>
      %gather3A_164 = vector.shape_cast %broadcast_in_dim3A_163 : vector<16x1xi32> to vector<16xi32>
      %gather3A_165 = tpu.dynamic_gather %max3A_152[%gather3A_164] in [0] : vector<16xf32>, vector<16xi32> -> vector<16xf32>
      %max3A_166 = arith.maximumf %max3A_152, %gather3A_165 : vector<16xf32>
      %sub3A_167 = arith.subf %get3A_65, %max3A_166 : vector<16xf32>
      %exp3A = math.exp %sub3A_167 : vector<16xf32>
      %sub3A_168 = arith.subf %get3A_68, %max3A_166 : vector<16xf32>
      %exp3A_169 = math.exp %sub3A_168 : vector<16xf32>
      %add3A_170 = arith.addf %exp3A, %exp3A_169 : vector<16xf32>
      %sub3A_171 = arith.subf %get3A_71, %max3A_166 : vector<16xf32>
      %exp3A_172 = math.exp %sub3A_171 : vector<16xf32>
      %add3A_173 = arith.addf %add3A_170, %exp3A_172 : vector<16xf32>
      %sub3A_174 = arith.subf %get3A_75, %max3A_166 : vector<16xf32>
      %exp3A_175 = math.exp %sub3A_174 : vector<16xf32>
      %add3A_176 = arith.addf %add3A_173, %exp3A_175 : vector<16xf32>
      %sub3A_177 = arith.subf %get3A_79, %max3A_166 : vector<16xf32>
      %exp3A_178 = math.exp %sub3A_177 : vector<16xf32>
      %add3A_179 = arith.addf %add3A_176, %exp3A_178 : vector<16xf32>
      %sub3A_180 = arith.subf %get3A_83, %max3A_166 : vector<16xf32>
      %exp3A_181 = math.exp %sub3A_180 : vector<16xf32>
      %add3A_182 = arith.addf %add3A_179, %exp3A_181 : vector<16xf32>
      %sub3A_183 = arith.subf %get3A_87, %max3A_166 : vector<16xf32>
      %exp3A_184 = math.exp %sub3A_183 : vector<16xf32>
      %add3A_185 = arith.addf %add3A_182, %exp3A_184 : vector<16xf32>
      %sub3A_186 = arith.subf %get3A_91, %max3A_166 : vector<16xf32>
      %exp3A_187 = math.exp %sub3A_186 : vector<16xf32>
      %add3A_188 = arith.addf %add3A_185, %exp3A_187 : vector<16xf32>
      %sub3A_189 = arith.subf %get3A_95, %max3A_166 : vector<16xf32>
      %exp3A_190 = math.exp %sub3A_189 : vector<16xf32>
      %add3A_191 = arith.addf %add3A_188, %exp3A_190 : vector<16xf32>
      %sub3A_192 = arith.subf %get3A_99, %max3A_166 : vector<16xf32>
      %exp3A_193 = math.exp %sub3A_192 : vector<16xf32>
      %add3A_194 = arith.addf %add3A_191, %exp3A_193 : vector<16xf32>
      %sub3A_195 = arith.subf %get3A_103, %max3A_166 : vector<16xf32>
      %exp3A_196 = math.exp %sub3A_195 : vector<16xf32>
      %add3A_197 = arith.addf %add3A_194, %exp3A_196 : vector<16xf32>
      %sub3A_198 = arith.subf %get3A_107, %max3A_166 : vector<16xf32>
      %exp3A_199 = math.exp %sub3A_198 : vector<16xf32>
      %add3A_200 = arith.addf %add3A_197, %exp3A_199 : vector<16xf32>
      %sub3A_201 = arith.subf %get3A_111, %max3A_166 : vector<16xf32>
      %exp3A_202 = math.exp %sub3A_201 : vector<16xf32>
      %jit3A_203 = arith.constant 0.000000e+00 : f32
      %broadcast_in_dim3A_204 = vector.broadcast %jit3A_203 : f32 to vector<16xf32>
      %select_n3A_205 = arith.select %ge3A_39, %exp3A_202, %broadcast_in_dim3A_204 : vector<16xi1>, vector<16xf32>
      %add3A_206 = arith.addf %add3A_200, %select_n3A_205 : vector<16xf32>
      %xor3A_207 = arith.constant 8 : i32
      %xor3A_208 = vector.broadcast %xor3A_207 : i32 to vector<16xi32>
      %xor3A_209 = arith.xori %iota3A, %xor3A_208 : vector<16xi32>
      %lt3A_210 = arith.constant 0 : i32
      %lt3A_211 = vector.broadcast %lt3A_210 : i32 to vector<16xi32>
      %lt3A_212 = arith.cmpi slt, %xor3A_209, %lt3A_211 : vector<16xi32>
      %add3A_213 = arith.constant 16 : i32
      %add3A_214 = vector.broadcast %add3A_213 : i32 to vector<16xi32>
      %add3A_215 = arith.addi %xor3A_209, %add3A_214 : vector<16xi32>
      %select_n3A_216 = arith.select %lt3A_212, %add3A_215, %xor3A_209 : vector<16xi1>, vector<16xi32>
      %broadcast_in_dim3A_217 = vector.shape_cast %select_n3A_216 : vector<16xi32> to vector<16x1xi32>
      %gather3A_218 = vector.shape_cast %broadcast_in_dim3A_217 : vector<16x1xi32> to vector<16xi32>
      %gather3A_219 = tpu.dynamic_gather %add3A_206[%gather3A_218] in [0] : vector<16xf32>, vector<16xi32> -> vector<16xf32>
      %add3A_220 = arith.addf %add3A_206, %gather3A_219 : vector<16xf32>
      %xor3A_221 = arith.constant 4 : i32
      %xor3A_222 = vector.broadcast %xor3A_221 : i32 to vector<16xi32>
      %xor3A_223 = arith.xori %iota3A, %xor3A_222 : vector<16xi32>
      %lt3A_224 = arith.constant 0 : i32
      %lt3A_225 = vector.broadcast %lt3A_224 : i32 to vector<16xi32>
      %lt3A_226 = arith.cmpi slt, %xor3A_223, %lt3A_225 : vector<16xi32>
      %add3A_227 = arith.constant 16 : i32
      %add3A_228 = vector.broadcast %add3A_227 : i32 to vector<16xi32>
      %add3A_229 = arith.addi %xor3A_223, %add3A_228 : vector<16xi32>
      %select_n3A_230 = arith.select %lt3A_226, %add3A_229, %xor3A_223 : vector<16xi1>, vector<16xi32>
      %broadcast_in_dim3A_231 = vector.shape_cast %select_n3A_230 : vector<16xi32> to vector<16x1xi32>
      %gather3A_232 = vector.shape_cast %broadcast_in_dim3A_231 : vector<16x1xi32> to vector<16xi32>
      %gather3A_233 = tpu.dynamic_gather %add3A_220[%gather3A_232] in [0] : vector<16xf32>, vector<16xi32> -> vector<16xf32>
      %add3A_234 = arith.addf %add3A_220, %gather3A_233 : vector<16xf32>
      %xor3A_235 = arith.constant 2 : i32
      %xor3A_236 = vector.broadcast %xor3A_235 : i32 to vector<16xi32>
      %xor3A_237 = arith.xori %iota3A, %xor3A_236 : vector<16xi32>
      %lt3A_238 = arith.constant 0 : i32
      %lt3A_239 = vector.broadcast %lt3A_238 : i32 to vector<16xi32>
      %lt3A_240 = arith.cmpi slt, %xor3A_237, %lt3A_239 : vector<16xi32>
      %add3A_241 = arith.constant 16 : i32
      %add3A_242 = vector.broadcast %add3A_241 : i32 to vector<16xi32>
      %add3A_243 = arith.addi %xor3A_237, %add3A_242 : vector<16xi32>
      %select_n3A_244 = arith.select %lt3A_240, %add3A_243, %xor3A_237 : vector<16xi1>, vector<16xi32>
      %broadcast_in_dim3A_245 = vector.shape_cast %select_n3A_244 : vector<16xi32> to vector<16x1xi32>
      %gather3A_246 = vector.shape_cast %broadcast_in_dim3A_245 : vector<16x1xi32> to vector<16xi32>
      %gather3A_247 = tpu.dynamic_gather %add3A_234[%gather3A_246] in [0] : vector<16xf32>, vector<16xi32> -> vector<16xf32>
      %add3A_248 = arith.addf %add3A_234, %gather3A_247 : vector<16xf32>
      %xor3A_249 = arith.constant 1 : i32
      %xor3A_250 = vector.broadcast %xor3A_249 : i32 to vector<16xi32>
      %xor3A_251 = arith.xori %iota3A, %xor3A_250 : vector<16xi32>
      %lt3A_252 = arith.constant 0 : i32
      %lt3A_253 = vector.broadcast %lt3A_252 : i32 to vector<16xi32>
      %lt3A_254 = arith.cmpi slt, %xor3A_251, %lt3A_253 : vector<16xi32>
      %add3A_255 = arith.constant 16 : i32
      %add3A_256 = vector.broadcast %add3A_255 : i32 to vector<16xi32>
      %add3A_257 = arith.addi %xor3A_251, %add3A_256 : vector<16xi32>
      %select_n3A_258 = arith.select %lt3A_254, %add3A_257, %xor3A_251 : vector<16xi1>, vector<16xi32>
      %broadcast_in_dim3A_259 = vector.shape_cast %select_n3A_258 : vector<16xi32> to vector<16x1xi32>
      %gather3A_260 = vector.shape_cast %broadcast_in_dim3A_259 : vector<16x1xi32> to vector<16xi32>
      %gather3A_261 = tpu.dynamic_gather %add3A_248[%gather3A_260] in [0] : vector<16xf32>, vector<16xi32> -> vector<16xf32>
      %add3A_262 = arith.addf %add3A_248, %gather3A_261 : vector<16xf32>
      %eq3A_263 = arith.constant 0 : i32
      %eq3A_264 = vector.broadcast %eq3A_263 : i32 to vector<16xi32>
      %eq3A_265 = arith.cmpi eq, %iota3A, %eq3A_264 : vector<16xi32>
      %select_n3A_266 = arith.select %eq3A_265, %max3A_166, %broadcast_in_dim3A_56 : vector<16xi1>, vector<16xf32>
      %select_n3A_267 = arith.select %eq3A_265, %add3A_262, %broadcast_in_dim3A_58 : vector<16xi1>, vector<16xf32>
      %slice3A = vector.extract_strided_slice %get3A_65 {offsets = [0], sizes = [1], strides = [1]} : vector<16xf32> to vector<1xf32>
      %squeeze3A = vector.extract %slice3A[0] : f32 from vector<1xf32>
      %broadcast_in_dim3A_268 = vector.broadcast %squeeze3A : f32 to vector<16xf32>
      %select_n3A_269 = arith.select %eq3A_265, %broadcast_in_dim3A_268, %broadcast_in_dim3A_60 : vector<16xi1>, vector<16xf32>
      %add3A_270 = arith.constant 1 : i32
      %add3A_271 = arith.addi %mul3A_55, %add3A_270 : i32
      %get3A_272 = arith.index_cast %add3A_271 : i32 to index
      %get3A_273 = arith.constant 0 : index
      %get3A_274 = tpu.vector_load %arg8[%get3A_272, %get3A_273] {strides = array<i32>} : memref<256x200xf32, #tpu.memory_space<vmem>>, vector<16xf32>,
      %get3A_275 = arith.index_cast %add3A_271 : i32 to index
      %get3A_276 = arith.constant 16 : index
      %get3A_277 = tpu.vector_load %arg8[%get3A_275, %get3A_276] {strides = array<i32>} : memref<256x200xf32, #tpu.memory_space<vmem>>, vector<16xf32>,
      %max3A_278 = arith.maximumf %get3A_274, %get3A_277 : vector<16xf32>
      %get3A_279 = arith.index_cast %add3A_271 : i32 to index
      %get3A_280 = arith.constant 32 : index
      %get3A_281 = tpu.vector_load %arg8[%get3A_279, %get3A_280] {strides = array<i32>} : memref<256x200xf32, #tpu.memory_space<vmem>>, vector<16xf32>,
      %max3A_282 = arith.maximumf %max3A_278, %get3A_281 : vector<16xf32>
      %get3A_283 = arith.index_cast %add3A_271 : i32 to index
      %get3A_284 = arith.constant 48 : index
      %get3A_285 = tpu.vector_load %arg8[%get3A_283, %get3A_284] {strides = array<i32>} : memref<256x200xf32, #tpu.memory_space<vmem>>, vector<16xf32>,
      %max3A_286 = arith.maximumf %max3A_282, %get3A_285 : vector<16xf32>
      %get3A_287 = arith.index_cast %add3A_271 : i32 to index
      %get3A_288 = arith.constant 64 : index
      %get3A_289 = tpu.vector_load %arg8[%get3A_287, %get3A_288] {strides = array<i32>} : memref<256x200xf32, #tpu.memory_space<vmem>>, vector<16xf32>,
      %max3A_290 = arith.maximumf %max3A_286, %get3A_289 : vector<16xf32>
      %get3A_291 = arith.index_cast %add3A_271 : i32 to index
      %get3A_292 = arith.constant 80 : index
      %get3A_293 = tpu.vector_load %arg8[%get3A_291, %get3A_292] {strides = array<i32>} : memref<256x200xf32, #tpu.memory_space<vmem>>, vector<16xf32>,
      %max3A_294 = arith.maximumf %max3A_290, %get3A_293 : vector<16xf32>
      %get3A_295 = arith.index_cast %add3A_271 : i32 to index
      %get3A_296 = arith.constant 96 : index
      %get3A_297 = tpu.vector_load %arg8[%get3A_295, %get3A_296] {strides = array<i32>} : memref<256x200xf32, #tpu.memory_space<vmem>>, vector<16xf32>,
      %max3A_298 = arith.maximumf %max3A_294, %get3A_297 : vector<16xf32>
      %get3A_299 = arith.index_cast %add3A_271 : i32 to index
      %get3A_300 = arith.constant 112 : index
      %get3A_301 = tpu.vector_load %arg8[%get3A_299, %get3A_300] {strides = array<i32>} : memref<256x200xf32, #tpu.memory_space<vmem>>, vector<16xf32>,
      %max3A_302 = arith.maximumf %max3A_298, %get3A_301 : vector<16xf32>
      %get3A_303 = arith.index_cast %add3A_271 : i32 to index
      %get3A_304 = arith.constant 128 : index
      %get3A_305 = tpu.vector_load %arg8[%get3A_303, %get3A_304] {strides = array<i32>} : memref<256x200xf32, #tpu.memory_space<vmem>>, vector<16xf32>,
      %max3A_306 = arith.maximumf %max3A_302, %get3A_305 : vector<16xf32>
      %get3A_307 = arith.index_cast %add3A_271 : i32 to index
      %get3A_308 = arith.constant 144 : index
      %get3A_309 = tpu.vector_load %arg8[%get3A_307, %get3A_308] {strides = array<i32>} : memref<256x200xf32, #tpu.memory_space<vmem>>, vector<16xf32>,
      %max3A_310 = arith.maximumf %max3A_306, %get3A_309 : vector<16xf32>
      %get3A_311 = arith.index_cast %add3A_271 : i32 to index
      %get3A_312 = arith.constant 160 : index
      %get3A_313 = tpu.vector_load %arg8[%get3A_311, %get3A_312] {strides = array<i32>} : memref<256x200xf32, #tpu.memory_space<vmem>>, vector<16xf32>,
      %max3A_314 = arith.maximumf %max3A_310, %get3A_313 : vector<16xf32>
      %get3A_315 = arith.index_cast %add3A_271 : i32 to index
      %get3A_316 = arith.constant 176 : index
      %get3A_317 = tpu.vector_load %arg8[%get3A_315, %get3A_316] {strides = array<i32>} : memref<256x200xf32, #tpu.memory_space<vmem>>, vector<16xf32>,
      %max3A_318 = arith.maximumf %max3A_314, %get3A_317 : vector<16xf32>
      %get3A_319 = arith.index_cast %add3A_271 : i32 to index
      %get3A_320 = arith.constant 184 : index
      %get3A_321 = tpu.vector_load %arg8[%get3A_319, %get3A_320] {strides = array<i32>} : memref<256x200xf32, #tpu.memory_space<vmem>>, vector<16xf32>,
      %max3A_322 = arith.maximumf %max3A_318, %get3A_321 : vector<16xf32>
      %xor3A_323 = arith.constant 8 : i32
      %xor3A_324 = vector.broadcast %xor3A_323 : i32 to vector<16xi32>
      %xor3A_325 = arith.xori %iota3A, %xor3A_324 : vector<16xi32>
      %lt3A_326 = arith.constant 0 : i32
      %lt3A_327 = vector.broadcast %lt3A_326 : i32 to vector<16xi32>
      %lt3A_328 = arith.cmpi slt, %xor3A_325, %lt3A_327 : vector<16xi32>
      %add3A_329 = arith.constant 16 : i32
      %add3A_330 = vector.broadcast %add3A_329 : i32 to vector<16xi32>
      %add3A_331 = arith.addi %xor3A_325, %add3A_330 : vector<16xi32>
      %select_n3A_332 = arith.select %lt3A_328, %add3A_331, %xor3A_325 : vector<16xi1>, vector<16xi32>
      %broadcast_in_dim3A_333 = vector.shape_cast %select_n3A_332 : vector<16xi32> to vector<16x1xi32>
      %gather3A_334 = vector.shape_cast %broadcast_in_dim3A_333 : vector<16x1xi32> to vector<16xi32>
      %gather3A_335 = tpu.dynamic_gather %max3A_322[%gather3A_334] in [0] : vector<16xf32>, vector<16xi32> -> vector<16xf32>
      %max3A_336 = arith.maximumf %max3A_322, %gather3A_335 : vector<16xf32>
      %xor3A_337 = arith.constant 4 : i32
      %xor3A_338 = vector.broadcast %xor3A_337 : i32 to vector<16xi32>
      %xor3A_339 = arith.xori %iota3A, %xor3A_338 : vector<16xi32>
      %lt3A_340 = arith.constant 0 : i32
      %lt3A_341 = vector.broadcast %lt3A_340 : i32 to vector<16xi32>
      %lt3A_342 = arith.cmpi slt, %xor3A_339, %lt3A_341 : vector<16xi32>
      %add3A_343 = arith.constant 16 : i32
      %add3A_344 = vector.broadcast %add3A_343 : i32 to vector<16xi32>
      %add3A_345 = arith.addi %xor3A_339, %add3A_344 : vector<16xi32>
      %select_n3A_346 = arith.select %lt3A_342, %add3A_345, %xor3A_339 : vector<16xi1>, vector<16xi32>
      %broadcast_in_dim3A_347 = vector.shape_cast %select_n3A_346 : vector<16xi32> to vector<16x1xi32>
      %gather3A_348 = vector.shape_cast %broadcast_in_dim3A_347 : vector<16x1xi32> to vector<16xi32>
      %gather3A_349 = tpu.dynamic_gather %max3A_336[%gather3A_348] in [0] : vector<16xf32>, vector<16xi32> -> vector<16xf32>
      %max3A_350 = arith.maximumf %max3A_336, %gather3A_349 : vector<16xf32>
      %xor3A_351 = arith.constant 2 : i32
      %xor3A_352 = vector.broadcast %xor3A_351 : i32 to vector<16xi32>
      %xor3A_353 = arith.xori %iota3A, %xor3A_352 : vector<16xi32>
      %lt3A_354 = arith.constant 0 : i32
      %lt3A_355 = vector.broadcast %lt3A_354 : i32 to vector<16xi32>
      %lt3A_356 = arith.cmpi slt, %xor3A_353, %lt3A_355 : vector<16xi32>
      %add3A_357 = arith.constant 16 : i32
      %add3A_358 = vector.broadcast %add3A_357 : i32 to vector<16xi32>
      %add3A_359 = arith.addi %xor3A_353, %add3A_358 : vector<16xi32>
      %select_n3A_360 = arith.select %lt3A_356, %add3A_359, %xor3A_353 : vector<16xi1>, vector<16xi32>
      %broadcast_in_dim3A_361 = vector.shape_cast %select_n3A_360 : vector<16xi32> to vector<16x1xi32>
      %gather3A_362 = vector.shape_cast %broadcast_in_dim3A_361 : vector<16x1xi32> to vector<16xi32>
      %gather3A_363 = tpu.dynamic_gather %max3A_350[%gather3A_362] in [0] : vector<16xf32>, vector<16xi32> -> vector<16xf32>
      %max3A_364 = arith.maximumf %max3A_350, %gather3A_363 : vector<16xf32>
      %xor3A_365 = arith.constant 1 : i32
      %xor3A_366 = vector.broadcast %xor3A_365 : i32 to vector<16xi32>
      %xor3A_367 = arith.xori %iota3A, %xor3A_366 : vector<16xi32>
      %lt3A_368 = arith.constant 0 : i32
      %lt3A_369 = vector.broadcast %lt3A_368 : i32 to vector<16xi32>
      %lt3A_370 = arith.cmpi slt, %xor3A_367, %lt3A_369 : vector<16xi32>
      %add3A_371 = arith.constant 16 : i32
      %add3A_372 = vector.broadcast %add3A_371 : i32 to vector<16xi32>
      %add3A_373 = arith.addi %xor3A_367, %add3A_372 : vector<16xi32>
      %select_n3A_374 = arith.select %lt3A_370, %add3A_373, %xor3A_367 : vector<16xi1>, vector<16xi32>
      %broadcast_in_dim3A_375 = vector.shape_cast %select_n3A_374 : vector<16xi32> to vector<16x1xi32>
      %gather3A_376 = vector.shape_cast %broadcast_in_dim3A_375 : vector<16x1xi32> to vector<16xi32>
      %gather3A_377 = tpu.dynamic_gather %max3A_364[%gather3A_376] in [0] : vector<16xf32>, vector<16xi32> -> vector<16xf32>
      %max3A_378 = arith.maximumf %max3A_364, %gather3A_377 : vector<16xf32>
      %sub3A_379 = arith.subf %get3A_274, %max3A_378 : vector<16xf32>
      %exp3A_380 = math.exp %sub3A_379 : vector<16xf32>
      %sub3A_381 = arith.subf %get3A_277, %max3A_378 : vector<16xf32>
      %exp3A_382 = math.exp %sub3A_381 : vector<16xf32>
      %add3A_383 = arith.addf %exp3A_380, %exp3A_382 : vector<16xf32>
      %sub3A_384 = arith.subf %get3A_281, %max3A_378 : vector<16xf32>
      %exp3A_385 = math.exp %sub3A_384 : vector<16xf32>
      %add3A_386 = arith.addf %add3A_383, %exp3A_385 : vector<16xf32>
      %sub3A_387 = arith.subf %get3A_285, %max3A_378 : vector<16xf32>
      %exp3A_388 = math.exp %sub3A_387 : vector<16xf32>
      %add3A_389 = arith.addf %add3A_386, %exp3A_388 : vector<16xf32>
      %sub3A_390 = arith.subf %get3A_289, %max3A_378 : vector<16xf32>
      %exp3A_391 = math.exp %sub3A_390 : vector<16xf32>
      %add3A_392 = arith.addf %add3A_389, %exp3A_391 : vector<16xf32>
      %sub3A_393 = arith.subf %get3A_293, %max3A_378 : vector<16xf32>
      %exp3A_394 = math.exp %sub3A_393 : vector<16xf32>
      %add3A_395 = arith.addf %add3A_392, %exp3A_394 : vector<16xf32>
      %sub3A_396 = arith.subf %get3A_297, %max3A_378 : vector<16xf32>
      %exp3A_397 = math.exp %sub3A_396 : vector<16xf32>
      %add3A_398 = arith.addf %add3A_395, %exp3A_397 : vector<16xf32>
      %sub3A_399 = arith.subf %get3A_301, %max3A_378 : vector<16xf32>
      %exp3A_400 = math.exp %sub3A_399 : vector<16xf32>
      %add3A_401 = arith.addf %add3A_398, %exp3A_400 : vector<16xf32>
      %sub3A_402 = arith.subf %get3A_305, %max3A_378 : vector<16xf32>
      %exp3A_403 = math.exp %sub3A_402 : vector<16xf32>
      %add3A_404 = arith.addf %add3A_401, %exp3A_403 : vector<16xf32>
      %sub3A_405 = arith.subf %get3A_309, %max3A_378 : vector<16xf32>
      %exp3A_406 = math.exp %sub3A_405 : vector<16xf32>
      %add3A_407 = arith.addf %add3A_404, %exp3A_406 : vector<16xf32>
      %sub3A_408 = arith.subf %get3A_313, %max3A_378 : vector<16xf32>
      %exp3A_409 = math.exp %sub3A_408 : vector<16xf32>
      %add3A_410 = arith.addf %add3A_407, %exp3A_409 : vector<16xf32>
      %sub3A_411 = arith.subf %get3A_317, %max3A_378 : vector<16xf32>
      %exp3A_412 = math.exp %sub3A_411 : vector<16xf32>
      %add3A_413 = arith.addf %add3A_410, %exp3A_412 : vector<16xf32>
      %sub3A_414 = arith.subf %get3A_321, %max3A_378 : vector<16xf32>
      %exp3A_415 = math.exp %sub3A_414 : vector<16xf32>
      %jit3A_416 = arith.constant 0.000000e+00 : f32
      %broadcast_in_dim3A_417 = vector.broadcast %jit3A_416 : f32 to vector<16xf32>
      %select_n3A_418 = arith.select %ge3A_39, %exp3A_415, %broadcast_in_dim3A_417 : vector<16xi1>, vector<16xf32>
      %add3A_419 = arith.addf %add3A_413, %select_n3A_418 : vector<16xf32>
      %xor3A_420 = arith.constant 8 : i32
      %xor3A_421 = vector.broadcast %xor3A_420 : i32 to vector<16xi32>
      %xor3A_422 = arith.xori %iota3A, %xor3A_421 : vector<16xi32>
      %lt3A_423 = arith.constant 0 : i32
      %lt3A_424 = vector.broadcast %lt3A_423 : i32 to vector<16xi32>
      %lt3A_425 = arith.cmpi slt, %xor3A_422, %lt3A_424 : vector<16xi32>
      %add3A_426 = arith.constant 16 : i32
      %add3A_427 = vector.broadcast %add3A_426 : i32 to vector<16xi32>
      %add3A_428 = arith.addi %xor3A_422, %add3A_427 : vector<16xi32>
      %select_n3A_429 = arith.select %lt3A_425, %add3A_428, %xor3A_422 : vector<16xi1>, vector<16xi32>
      %broadcast_in_dim3A_430 = vector.shape_cast %select_n3A_429 : vector<16xi32> to vector<16x1xi32>
      %gather3A_431 = vector.shape_cast %broadcast_in_dim3A_430 : vector<16x1xi32> to vector<16xi32>
      %gather3A_432 = tpu.dynamic_gather %add3A_419[%gather3A_431] in [0] : vector<16xf32>, vector<16xi32> -> vector<16xf32>
      %add3A_433 = arith.addf %add3A_419, %gather3A_432 : vector<16xf32>
      %xor3A_434 = arith.constant 4 : i32
      %xor3A_435 = vector.broadcast %xor3A_434 : i32 to vector<16xi32>
      %xor3A_436 = arith.xori %iota3A, %xor3A_435 : vector<16xi32>
      %lt3A_437 = arith.constant 0 : i32
      %lt3A_438 = vector.broadcast %lt3A_437 : i32 to vector<16xi32>
      %lt3A_439 = arith.cmpi slt, %xor3A_436, %lt3A_438 : vector<16xi32>
      %add3A_440 = arith.constant 16 : i32
      %add3A_441 = vector.broadcast %add3A_440 : i32 to vector<16xi32>
      %add3A_442 = arith.addi %xor3A_436, %add3A_441 : vector<16xi32>
      %select_n3A_443 = arith.select %lt3A_439, %add3A_442, %xor3A_436 : vector<16xi1>, vector<16xi32>
      %broadcast_in_dim3A_444 = vector.shape_cast %select_n3A_443 : vector<16xi32> to vector<16x1xi32>
      %gather3A_445 = vector.shape_cast %broadcast_in_dim3A_444 : vector<16x1xi32> to vector<16xi32>
      %gather3A_446 = tpu.dynamic_gather %add3A_433[%gather3A_445] in [0] : vector<16xf32>, vector<16xi32> -> vector<16xf32>
      %add3A_447 = arith.addf %add3A_433, %gather3A_446 : vector<16xf32>
      %xor3A_448 = arith.constant 2 : i32
      %xor3A_449 = vector.broadcast %xor3A_448 : i32 to vector<16xi32>
      %xor3A_450 = arith.xori %iota3A, %xor3A_449 : vector<16xi32>
      %lt3A_451 = arith.constant 0 : i32
      %lt3A_452 = vector.broadcast %lt3A_451 : i32 to vector<16xi32>
      %lt3A_453 = arith.cmpi slt, %xor3A_450, %lt3A_452 : vector<16xi32>
      %add3A_454 = arith.constant 16 : i32
      %add3A_455 = vector.broadcast %add3A_454 : i32 to vector<16xi32>
      %add3A_456 = arith.addi %xor3A_450, %add3A_455 : vector<16xi32>
      %select_n3A_457 = arith.select %lt3A_453, %add3A_456, %xor3A_450 : vector<16xi1>, vector<16xi32>
      %broadcast_in_dim3A_458 = vector.shape_cast %select_n3A_457 : vector<16xi32> to vector<16x1xi32>
      %gather3A_459 = vector.shape_cast %broadcast_in_dim3A_458 : vector<16x1xi32> to vector<16xi32>
      %gather3A_460 = tpu.dynamic_gather %add3A_447[%gather3A_459] in [0] : vector<16xf32>, vector<16xi32> -> vector<16xf32>
      %add3A_461 = arith.addf %add3A_447, %gather3A_460 : vector<16xf32>
      %xor3A_462 = arith.constant 1 : i32
      %xor3A_463 = vector.broadcast %xor3A_462 : i32 to vector<16xi32>
      %xor3A_464 = arith.xori %iota3A, %xor3A_463 : vector<16xi32>
      %lt3A_465 = arith.constant 0 : i32
      %lt3A_466 = vector.broadcast %lt3A_465 : i32 to vector<16xi32>
      %lt3A_467 = arith.cmpi slt, %xor3A_464, %lt3A_466 : vector<16xi32>
      %add3A_468 = arith.constant 16 : i32
      %add3A_469 = vector.broadcast %add3A_468 : i32 to vector<16xi32>
      %add3A_470 = arith.addi %xor3A_464, %add3A_469 : vector<16xi32>
      %select_n3A_471 = arith.select %lt3A_467, %add3A_470, %xor3A_464 : vector<16xi1>, vector<16xi32>
      %broadcast_in_dim3A_472 = vector.shape_cast %select_n3A_471 : vector<16xi32> to vector<16x1xi32>
      %gather3A_473 = vector.shape_cast %broadcast_in_dim3A_472 : vector<16x1xi32> to vector<16xi32>
      %gather3A_474 = tpu.dynamic_gather %add3A_461[%gather3A_473] in [0] : vector<16xf32>, vector<16xi32> -> vector<16xf32>
      %add3A_475 = arith.addf %add3A_461, %gather3A_474 : vector<16xf32>
      %eq3A_476 = arith.constant 1 : i32
      %eq3A_477 = vector.broadcast %eq3A_476 : i32 to vector<16xi32>
      %eq3A_478 = arith.cmpi eq, %iota3A, %eq3A_477 : vector<16xi32>
      %select_n3A_479 = arith.select %eq3A_478, %max3A_378, %select_n3A_266 : vector<16xi1>, vector<16xf32>
      %select_n3A_480 = arith.select %eq3A_478, %add3A_475, %select_n3A_267 : vector<16xi1>, vector<16xf32>
      %slice3A_481 = vector.extract_strided_slice %get3A_274 {offsets = [0], sizes = [1], strides = [1]} : vector<16xf32> to vector<1xf32>
      %squeeze3A_482 = vector.extract %slice3A_481[0] : f32 from vector<1xf32>
      %broadcast_in_dim3A_483 = vector.broadcast %squeeze3A_482 : f32 to vector<16xf32>
      %select_n3A_484 = arith.select %eq3A_478, %broadcast_in_dim3A_483, %select_n3A_269 : vector<16xi1>, vector<16xf32>
      %add3A_485 = arith.constant 2 : i32
      %add3A_486 = arith.addi %mul3A_55, %add3A_485 : i32
      %get3A_487 = arith.index_cast %add3A_486 : i32 to index
      %get3A_488 = arith.constant 0 : index
      %get3A_489 = tpu.vector_load %arg8[%get3A_487, %get3A_488] {strides = array<i32>} : memref<256x200xf32, #tpu.memory_space<vmem>>, vector<16xf32>,
      %get3A_490 = arith.index_cast %add3A_486 : i32 to index
      %get3A_491 = arith.constant 16 : index
      %get3A_492 = tpu.vector_load %arg8[%get3A_490, %get3A_491] {strides = array<i32>} : memref<256x200xf32, #tpu.memory_space<vmem>>, vector<16xf32>,
      %max3A_493 = arith.maximumf %get3A_489, %get3A_492 : vector<16xf32>
      %get3A_494 = arith.index_cast %add3A_486 : i32 to index
      %get3A_495 = arith.constant 32 : index
      %get3A_496 = tpu.vector_load %arg8[%get3A_494, %get3A_495] {strides = array<i32>} : memref<256x200xf32, #tpu.memory_space<vmem>>, vector<16xf32>,
      %max3A_497 = arith.maximumf %max3A_493, %get3A_496 : vector<16xf32>
      %get3A_498 = arith.index_cast %add3A_486 : i32 to index
      %get3A_499 = arith.constant 48 : index
      %get3A_500 = tpu.vector_load %arg8[%get3A_498, %get3A_499] {strides = array<i32>} : memref<256x200xf32, #tpu.memory_space<vmem>>, vector<16xf32>,
      %max3A_501 = arith.maximumf %max3A_497, %get3A_500 : vector<16xf32>
      %get3A_502 = arith.index_cast %add3A_486 : i32 to index
      %get3A_503 = arith.constant 64 : index
      %get3A_504 = tpu.vector_load %arg8[%get3A_502, %get3A_503] {strides = array<i32>} : memref<256x200xf32, #tpu.memory_space<vmem>>, vector<16xf32>,
      %max3A_505 = arith.maximumf %max3A_501, %get3A_504 : vector<16xf32>
      %get3A_506 = arith.index_cast %add3A_486 : i32 to index
      %get3A_507 = arith.constant 80 : index
      %get3A_508 = tpu.vector_load %arg8[%get3A_506, %get3A_507] {strides = array<i32>} : memref<256x200xf32, #tpu.memory_space<vmem>>, vector<16xf32>,
      %max3A_509 = arith.maximumf %max3A_505, %get3A_508 : vector<16xf32>
      %get3A_510 = arith.index_cast %add3A_486 : i32 to index
      %get3A_511 = arith.constant 96 : index
      %get3A_512 = tpu.vector_load %arg8[%get3A_510, %get3A_511] {strides = array<i32>} : memref<256x200xf32, #tpu.memory_space<vmem>>, vector<16xf32>,
      %max3A_513 = arith.maximumf %max3A_509, %get3A_512 : vector<16xf32>
      %get3A_514 = arith.index_cast %add3A_486 : i32 to index
      %get3A_515 = arith.constant 112 : index
      %get3A_516 = tpu.vector_load %arg8[%get3A_514, %get3A_515] {strides = array<i32>} : memref<256x200xf32, #tpu.memory_space<vmem>>, vector<16xf32>,
      %max3A_517 = arith.maximumf %max3A_513, %get3A_516 : vector<16xf32>
      %get3A_518 = arith.index_cast %add3A_486 : i32 to index
      %get3A_519 = arith.constant 128 : index
      %get3A_520 = tpu.vector_load %arg8[%get3A_518, %get3A_519] {strides = array<i32>} : memref<256x200xf32, #tpu.memory_space<vmem>>, vector<16xf32>,
      %max3A_521 = arith.maximumf %max3A_517, %get3A_520 : vector<16xf32>
      %get3A_522 = arith.index_cast %add3A_486 : i32 to index
      %get3A_523 = arith.constant 144 : index
      %get3A_524 = tpu.vector_load %arg8[%get3A_522, %get3A_523] {strides = array<i32>} : memref<256x200xf32, #tpu.memory_space<vmem>>, vector<16xf32>,
      %max3A_525 = arith.maximumf %max3A_521, %get3A_524 : vector<16xf32>
      %get3A_526 = arith.index_cast %add3A_486 : i32 to index
      %get3A_527 = arith.constant 160 : index
      %get3A_528 = tpu.vector_load %arg8[%get3A_526, %get3A_527] {strides = array<i32>} : memref<256x200xf32, #tpu.memory_space<vmem>>, vector<16xf32>,
      %max3A_529 = arith.maximumf %max3A_525, %get3A_528 : vector<16xf32>
      %get3A_530 = arith.index_cast %add3A_486 : i32 to index
      %get3A_531 = arith.constant 176 : index
      %get3A_532 = tpu.vector_load %arg8[%get3A_530, %get3A_531] {strides = array<i32>} : memref<256x200xf32, #tpu.memory_space<vmem>>, vector<16xf32>,
      %max3A_533 = arith.maximumf %max3A_529, %get3A_532 : vector<16xf32>
      %get3A_534 = arith.index_cast %add3A_486 : i32 to index
      %get3A_535 = arith.constant 184 : index
      %get3A_536 = tpu.vector_load %arg8[%get3A_534, %get3A_535] {strides = array<i32>} : memref<256x200xf32, #tpu.memory_space<vmem>>, vector<16xf32>,
      %max3A_537 = arith.maximumf %max3A_533, %get3A_536 : vector<16xf32>
      %xor3A_538 = arith.constant 8 : i32
      %xor3A_539 = vector.broadcast %xor3A_538 : i32 to vector<16xi32>
      %xor3A_540 = arith.xori %iota3A, %xor3A_539 : vector<16xi32>
      %lt3A_541 = arith.constant 0 : i32
      %lt3A_542 = vector.broadcast %lt3A_541 : i32 to vector<16xi32>
      %lt3A_543 = arith.cmpi slt, %xor3A_540, %lt3A_542 : vector<16xi32>
      %add3A_544 = arith.constant 16 : i32
      %add3A_545 = vector.broadcast %add3A_544 : i32 to vector<16xi32>
      %add3A_546 = arith.addi %xor3A_540, %add3A_545 : vector<16xi32>
      %select_n3A_547 = arith.select %lt3A_543, %add3A_546, %xor3A_540 : vector<16xi1>, vector<16xi32>
      %broadcast_in_dim3A_548 = vector.shape_cast %select_n3A_547 : vector<16xi32> to vector<16x1xi32>
      %gather3A_549 = vector.shape_cast %broadcast_in_dim3A_548 : vector<16x1xi32> to vector<16xi32>
      %gather3A_550 = tpu.dynamic_gather %max3A_537[%gather3A_549] in [0] : vector<16xf32>, vector<16xi32> -> vector<16xf32>
      %max3A_551 = arith.maximumf %max3A_537, %gather3A_550 : vector<16xf32>
      %xor3A_552 = arith.constant 4 : i32
      %xor3A_553 = vector.broadcast %xor3A_552 : i32 to vector<16xi32>
      %xor3A_554 = arith.xori %iota3A, %xor3A_553 : vector<16xi32>
      %lt3A_555 = arith.constant 0 : i32
      %lt3A_556 = vector.broadcast %lt3A_555 : i32 to vector<16xi32>
      %lt3A_557 = arith.cmpi slt, %xor3A_554, %lt3A_556 : vector<16xi32>
      %add3A_558 = arith.constant 16 : i32
      %add3A_559 = vector.broadcast %add3A_558 : i32 to vector<16xi32>
      %add3A_560 = arith.addi %xor3A_554, %add3A_559 : vector<16xi32>
      %select_n3A_561 = arith.select %lt3A_557, %add3A_560, %xor3A_554 : vector<16xi1>, vector<16xi32>
      %broadcast_in_dim3A_562 = vector.shape_cast %select_n3A_561 : vector<16xi32> to vector<16x1xi32>
      %gather3A_563 = vector.shape_cast %broadcast_in_dim3A_562 : vector<16x1xi32> to vector<16xi32>
      %gather3A_564 = tpu.dynamic_gather %max3A_551[%gather3A_563] in [0] : vector<16xf32>, vector<16xi32> -> vector<16xf32>
      %max3A_565 = arith.maximumf %max3A_551, %gather3A_564 : vector<16xf32>
      %xor3A_566 = arith.constant 2 : i32
      %xor3A_567 = vector.broadcast %xor3A_566 : i32 to vector<16xi32>
      %xor3A_568 = arith.xori %iota3A, %xor3A_567 : vector<16xi32>
      %lt3A_569 = arith.constant 0 : i32
      %lt3A_570 = vector.broadcast %lt3A_569 : i32 to vector<16xi32>
      %lt3A_571 = arith.cmpi slt, %xor3A_568, %lt3A_570 : vector<16xi32>
      %add3A_572 = arith.constant 16 : i32
      %add3A_573 = vector.broadcast %add3A_572 : i32 to vector<16xi32>
      %add3A_574 = arith.addi %xor3A_568, %add3A_573 : vector<16xi32>
      %select_n3A_575 = arith.select %lt3A_571, %add3A_574, %xor3A_568 : vector<16xi1>, vector<16xi32>
      %broadcast_in_dim3A_576 = vector.shape_cast %select_n3A_575 : vector<16xi32> to vector<16x1xi32>
      %gather3A_577 = vector.shape_cast %broadcast_in_dim3A_576 : vector<16x1xi32> to vector<16xi32>
      %gather3A_578 = tpu.dynamic_gather %max3A_565[%gather3A_577] in [0] : vector<16xf32>, vector<16xi32> -> vector<16xf32>
      %max3A_579 = arith.maximumf %max3A_565, %gather3A_578 : vector<16xf32>
      %xor3A_580 = arith.constant 1 : i32
      %xor3A_581 = vector.broadcast %xor3A_580 : i32 to vector<16xi32>
      %xor3A_582 = arith.xori %iota3A, %xor3A_581 : vector<16xi32>
      %lt3A_583 = arith.constant 0 : i32
      %lt3A_584 = vector.broadcast %lt3A_583 : i32 to vector<16xi32>
      %lt3A_585 = arith.cmpi slt, %xor3A_582, %lt3A_584 : vector<16xi32>
      %add3A_586 = arith.constant 16 : i32
      %add3A_587 = vector.broadcast %add3A_586 : i32 to vector<16xi32>
      %add3A_588 = arith.addi %xor3A_582, %add3A_587 : vector<16xi32>
      %select_n3A_589 = arith.select %lt3A_585, %add3A_588, %xor3A_582 : vector<16xi1>, vector<16xi32>
      %broadcast_in_dim3A_590 = vector.shape_cast %select_n3A_589 : vector<16xi32> to vector<16x1xi32>
      %gather3A_591 = vector.shape_cast %broadcast_in_dim3A_590 : vector<16x1xi32> to vector<16xi32>
      %gather3A_592 = tpu.dynamic_gather %max3A_579[%gather3A_591] in [0] : vector<16xf32>, vector<16xi32> -> vector<16xf32>
      %max3A_593 = arith.maximumf %max3A_579, %gather3A_592 : vector<16xf32>
      %sub3A_594 = arith.subf %get3A_489, %max3A_593 : vector<16xf32>
      %exp3A_595 = math.exp %sub3A_594 : vector<16xf32>
      %sub3A_596 = arith.subf %get3A_492, %max3A_593 : vector<16xf32>
      %exp3A_597 = math.exp %sub3A_596 : vector<16xf32>
      %add3A_598 = arith.addf %exp3A_595, %exp3A_597 : vector<16xf32>
      %sub3A_599 = arith.subf %get3A_496, %max3A_593 : vector<16xf32>
      %exp3A_600 = math.exp %sub3A_599 : vector<16xf32>
      %add3A_601 = arith.addf %add3A_598, %exp3A_600 : vector<16xf32>
      %sub3A_602 = arith.subf %get3A_500, %max3A_593 : vector<16xf32>
      %exp3A_603 = math.exp %sub3A_602 : vector<16xf32>
      %add3A_604 = arith.addf %add3A_601, %exp3A_603 : vector<16xf32>
      %sub3A_605 = arith.subf %get3A_504, %max3A_593 : vector<16xf32>
      %exp3A_606 = math.exp %sub3A_605 : vector<16xf32>
      %add3A_607 = arith.addf %add3A_604, %exp3A_606 : vector<16xf32>
      %sub3A_608 = arith.subf %get3A_508, %max3A_593 : vector<16xf32>
      %exp3A_609 = math.exp %sub3A_608 : vector<16xf32>
      %add3A_610 = arith.addf %add3A_607, %exp3A_609 : vector<16xf32>
      %sub3A_611 = arith.subf %get3A_512, %max3A_593 : vector<16xf32>
      %exp3A_612 = math.exp %sub3A_611 : vector<16xf32>
      %add3A_613 = arith.addf %add3A_610, %exp3A_612 : vector<16xf32>
      %sub3A_614 = arith.subf %get3A_516, %max3A_593 : vector<16xf32>
      %exp3A_615 = math.exp %sub3A_614 : vector<16xf32>
      %add3A_616 = arith.addf %add3A_613, %exp3A_615 : vector<16xf32>
      %sub3A_617 = arith.subf %get3A_520, %max3A_593 : vector<16xf32>
      %exp3A_618 = math.exp %sub3A_617 : vector<16xf32>
      %add3A_619 = arith.addf %add3A_616, %exp3A_618 : vector<16xf32>
      %sub3A_620 = arith.subf %get3A_524, %max3A_593 : vector<16xf32>
      %exp3A_621 = math.exp %sub3A_620 : vector<16xf32>
      %add3A_622 = arith.addf %add3A_619, %exp3A_621 : vector<16xf32>
      %sub3A_623 = arith.subf %get3A_528, %max3A_593 : vector<16xf32>
      %exp3A_624 = math.exp %sub3A_623 : vector<16xf32>
      %add3A_625 = arith.addf %add3A_622, %exp3A_624 : vector<16xf32>
      %sub3A_626 = arith.subf %get3A_532, %max3A_593 : vector<16xf32>
      %exp3A_627 = math.exp %sub3A_626 : vector<16xf32>
      %add3A_628 = arith.addf %add3A_625, %exp3A_627 : vector<16xf32>
      %sub3A_629 = arith.subf %get3A_536, %max3A_593 : vector<16xf32>
      %exp3A_630 = math.exp %sub3A_629 : vector<16xf32>
      %jit3A_631 = arith.constant 0.000000e+00 : f32
      %broadcast_in_dim3A_632 = vector.broadcast %jit3A_631 : f32 to vector<16xf32>
      %select_n3A_633 = arith.select %ge3A_39, %exp3A_630, %broadcast_in_dim3A_632 : vector<16xi1>, vector<16xf32>
      %add3A_634 = arith.addf %add3A_628, %select_n3A_633 : vector<16xf32>
      %xor3A_635 = arith.constant 8 : i32
      %xor3A_636 = vector.broadcast %xor3A_635 : i32 to vector<16xi32>
      %xor3A_637 = arith.xori %iota3A, %xor3A_636 : vector<16xi32>
      %lt3A_638 = arith.constant 0 : i32
      %lt3A_639 = vector.broadcast %lt3A_638 : i32 to vector<16xi32>
      %lt3A_640 = arith.cmpi slt, %xor3A_637, %lt3A_639 : vector<16xi32>
      %add3A_641 = arith.constant 16 : i32
      %add3A_642 = vector.broadcast %add3A_641 : i32 to vector<16xi32>
      %add3A_643 = arith.addi %xor3A_637, %add3A_642 : vector<16xi32>
      %select_n3A_644 = arith.select %lt3A_640, %add3A_643, %xor3A_637 : vector<16xi1>, vector<16xi32>
      %broadcast_in_dim3A_645 = vector.shape_cast %select_n3A_644 : vector<16xi32> to vector<16x1xi32>
      %gather3A_646 = vector.shape_cast %broadcast_in_dim3A_645 : vector<16x1xi32> to vector<16xi32>
      %gather3A_647 = tpu.dynamic_gather %add3A_634[%gather3A_646] in [0] : vector<16xf32>, vector<16xi32> -> vector<16xf32>
      %add3A_648 = arith.addf %add3A_634, %gather3A_647 : vector<16xf32>
      %xor3A_649 = arith.constant 4 : i32
      %xor3A_650 = vector.broadcast %xor3A_649 : i32 to vector<16xi32>
      %xor3A_651 = arith.xori %iota3A, %xor3A_650 : vector<16xi32>
      %lt3A_652 = arith.constant 0 : i32
      %lt3A_653 = vector.broadcast %lt3A_652 : i32 to vector<16xi32>
      %lt3A_654 = arith.cmpi slt, %xor3A_651, %lt3A_653 : vector<16xi32>
      %add3A_655 = arith.constant 16 : i32
      %add3A_656 = vector.broadcast %add3A_655 : i32 to vector<16xi32>
      %add3A_657 = arith.addi %xor3A_651, %add3A_656 : vector<16xi32>
      %select_n3A_658 = arith.select %lt3A_654, %add3A_657, %xor3A_651 : vector<16xi1>, vector<16xi32>
      %broadcast_in_dim3A_659 = vector.shape_cast %select_n3A_658 : vector<16xi32> to vector<16x1xi32>
      %gather3A_660 = vector.shape_cast %broadcast_in_dim3A_659 : vector<16x1xi32> to vector<16xi32>
      %gather3A_661 = tpu.dynamic_gather %add3A_648[%gather3A_660] in [0] : vector<16xf32>, vector<16xi32> -> vector<16xf32>
      %add3A_662 = arith.addf %add3A_648, %gather3A_661 : vector<16xf32>
      %xor3A_663 = arith.constant 2 : i32
      %xor3A_664 = vector.broadcast %xor3A_663 : i32 to vector<16xi32>
      %xor3A_665 = arith.xori %iota3A, %xor3A_664 : vector<16xi32>
      %lt3A_666 = arith.constant 0 : i32
      %lt3A_667 = vector.broadcast %lt3A_666 : i32 to vector<16xi32>
      %lt3A_668 = arith.cmpi slt, %xor3A_665, %lt3A_667 : vector<16xi32>
      %add3A_669 = arith.constant 16 : i32
      %add3A_670 = vector.broadcast %add3A_669 : i32 to vector<16xi32>
      %add3A_671 = arith.addi %xor3A_665, %add3A_670 : vector<16xi32>
      %select_n3A_672 = arith.select %lt3A_668, %add3A_671, %xor3A_665 : vector<16xi1>, vector<16xi32>
      %broadcast_in_dim3A_673 = vector.shape_cast %select_n3A_672 : vector<16xi32> to vector<16x1xi32>
      %gather3A_674 = vector.shape_cast %broadcast_in_dim3A_673 : vector<16x1xi32> to vector<16xi32>
      %gather3A_675 = tpu.dynamic_gather %add3A_662[%gather3A_674] in [0] : vector<16xf32>, vector<16xi32> -> vector<16xf32>
      %add3A_676 = arith.addf %add3A_662, %gather3A_675 : vector<16xf32>
      %xor3A_677 = arith.constant 1 : i32
      %xor3A_678 = vector.broadcast %xor3A_677 : i32 to vector<16xi32>
      %xor3A_679 = arith.xori %iota3A, %xor3A_678 : vector<16xi32>
      %lt3A_680 = arith.constant 0 : i32
      %lt3A_681 = vector.broadcast %lt3A_680 : i32 to vector<16xi32>
      %lt3A_682 = arith.cmpi slt, %xor3A_679, %lt3A_681 : vector<16xi32>
      %add3A_683 = arith.constant 16 : i32
      %add3A_684 = vector.broadcast %add3A_683 : i32 to vector<16xi32>
      %add3A_685 = arith.addi %xor3A_679, %add3A_684 : vector<16xi32>
      %select_n3A_686 = arith.select %lt3A_682, %add3A_685, %xor3A_679 : vector<16xi1>, vector<16xi32>
      %broadcast_in_dim3A_687 = vector.shape_cast %select_n3A_686 : vector<16xi32> to vector<16x1xi32>
      %gather3A_688 = vector.shape_cast %broadcast_in_dim3A_687 : vector<16x1xi32> to vector<16xi32>
      %gather3A_689 = tpu.dynamic_gather %add3A_676[%gather3A_688] in [0] : vector<16xf32>, vector<16xi32> -> vector<16xf32>
      %add3A_690 = arith.addf %add3A_676, %gather3A_689 : vector<16xf32>
      %eq3A_691 = arith.constant 2 : i32
      %eq3A_692 = vector.broadcast %eq3A_691 : i32 to vector<16xi32>
      %eq3A_693 = arith.cmpi eq, %iota3A, %eq3A_692 : vector<16xi32>
      %select_n3A_694 = arith.select %eq3A_693, %max3A_593, %select_n3A_479 : vector<16xi1>, vector<16xf32>
      %select_n3A_695 = arith.select %eq3A_693, %add3A_690, %select_n3A_480 : vector<16xi1>, vector<16xf32>
      %slice3A_696 = vector.extract_strided_slice %get3A_489 {offsets = [0], sizes = [1], strides = [1]} : vector<16xf32> to vector<1xf32>
      %squeeze3A_697 = vector.extract %slice3A_696[0] : f32 from vector<1xf32>
      %broadcast_in_dim3A_698 = vector.broadcast %squeeze3A_697 : f32 to vector<16xf32>
      %select_n3A_699 = arith.select %eq3A_693, %broadcast_in_dim3A_698, %select_n3A_484 : vector<16xi1>, vector<16xf32>
      %add3A_700 = arith.constant 3 : i32
      %add3A_701 = arith.addi %mul3A_55, %add3A_700 : i32
      %get3A_702 = arith.index_cast %add3A_701 : i32 to index
      %get3A_703 = arith.constant 0 : index
      %get3A_704 = tpu.vector_load %arg8[%get3A_702, %get3A_703] {strides = array<i32>} : memref<256x200xf32, #tpu.memory_space<vmem>>, vector<16xf32>,
      %get3A_705 = arith.index_cast %add3A_701 : i32 to index
      %get3A_706 = arith.constant 16 : index
      %get3A_707 = tpu.vector_load %arg8[%get3A_705, %get3A_706] {strides = array<i32>} : memref<256x200xf32, #tpu.memory_space<vmem>>, vector<16xf32>,
      %max3A_708 = arith.maximumf %get3A_704, %get3A_707 : vector<16xf32>
      %get3A_709 = arith.index_cast %add3A_701 : i32 to index
      %get3A_710 = arith.constant 32 : index
      %get3A_711 = tpu.vector_load %arg8[%get3A_709, %get3A_710] {strides = array<i32>} : memref<256x200xf32, #tpu.memory_space<vmem>>, vector<16xf32>,
      %max3A_712 = arith.maximumf %max3A_708, %get3A_711 : vector<16xf32>
      %get3A_713 = arith.index_cast %add3A_701 : i32 to index
      %get3A_714 = arith.constant 48 : index
      %get3A_715 = tpu.vector_load %arg8[%get3A_713, %get3A_714] {strides = array<i32>} : memref<256x200xf32, #tpu.memory_space<vmem>>, vector<16xf32>,
      %max3A_716 = arith.maximumf %max3A_712, %get3A_715 : vector<16xf32>
      %get3A_717 = arith.index_cast %add3A_701 : i32 to index
      %get3A_718 = arith.constant 64 : index
      %get3A_719 = tpu.vector_load %arg8[%get3A_717, %get3A_718] {strides = array<i32>} : memref<256x200xf32, #tpu.memory_space<vmem>>, vector<16xf32>,
      %max3A_720 = arith.maximumf %max3A_716, %get3A_719 : vector<16xf32>
      %get3A_721 = arith.index_cast %add3A_701 : i32 to index
      %get3A_722 = arith.constant 80 : index
      %get3A_723 = tpu.vector_load %arg8[%get3A_721, %get3A_722] {strides = array<i32>} : memref<256x200xf32, #tpu.memory_space<vmem>>, vector<16xf32>,
      %max3A_724 = arith.maximumf %max3A_720, %get3A_723 : vector<16xf32>
      %get3A_725 = arith.index_cast %add3A_701 : i32 to index
      %get3A_726 = arith.constant 96 : index
      %get3A_727 = tpu.vector_load %arg8[%get3A_725, %get3A_726] {strides = array<i32>} : memref<256x200xf32, #tpu.memory_space<vmem>>, vector<16xf32>,
      %max3A_728 = arith.maximumf %max3A_724, %get3A_727 : vector<16xf32>
      %get3A_729 = arith.index_cast %add3A_701 : i32 to index
      %get3A_730 = arith.constant 112 : index
      %get3A_731 = tpu.vector_load %arg8[%get3A_729, %get3A_730] {strides = array<i32>} : memref<256x200xf32, #tpu.memory_space<vmem>>, vector<16xf32>,
      %max3A_732 = arith.maximumf %max3A_728, %get3A_731 : vector<16xf32>
      %get3A_733 = arith.index_cast %add3A_701 : i32 to index
      %get3A_734 = arith.constant 128 : index
      %get3A_735 = tpu.vector_load %arg8[%get3A_733, %get3A_734] {strides = array<i32>} : memref<256x200xf32, #tpu.memory_space<vmem>>, vector<16xf32>,
      %max3A_736 = arith.maximumf %max3A_732, %get3A_735 : vector<16xf32>
      %get3A_737 = arith.index_cast %add3A_701 : i32 to index
      %get3A_738 = arith.constant 144 : index
      %get3A_739 = tpu.vector_load %arg8[%get3A_737, %get3A_738] {strides = array<i32>} : memref<256x200xf32, #tpu.memory_space<vmem>>, vector<16xf32>,
      %max3A_740 = arith.maximumf %max3A_736, %get3A_739 : vector<16xf32>
      %get3A_741 = arith.index_cast %add3A_701 : i32 to index
      %get3A_742 = arith.constant 160 : index
      %get3A_743 = tpu.vector_load %arg8[%get3A_741, %get3A_742] {strides = array<i32>} : memref<256x200xf32, #tpu.memory_space<vmem>>, vector<16xf32>,
      %max3A_744 = arith.maximumf %max3A_740, %get3A_743 : vector<16xf32>
      %get3A_745 = arith.index_cast %add3A_701 : i32 to index
      %get3A_746 = arith.constant 176 : index
      %get3A_747 = tpu.vector_load %arg8[%get3A_745, %get3A_746] {strides = array<i32>} : memref<256x200xf32, #tpu.memory_space<vmem>>, vector<16xf32>,
      %max3A_748 = arith.maximumf %max3A_744, %get3A_747 : vector<16xf32>
      %get3A_749 = arith.index_cast %add3A_701 : i32 to index
      %get3A_750 = arith.constant 184 : index
      %get3A_751 = tpu.vector_load %arg8[%get3A_749, %get3A_750] {strides = array<i32>} : memref<256x200xf32, #tpu.memory_space<vmem>>, vector<16xf32>,
      %max3A_752 = arith.maximumf %max3A_748, %get3A_751 : vector<16xf32>
      %xor3A_753 = arith.constant 8 : i32
      %xor3A_754 = vector.broadcast %xor3A_753 : i32 to vector<16xi32>
      %xor3A_755 = arith.xori %iota3A, %xor3A_754 : vector<16xi32>
      %lt3A_756 = arith.constant 0 : i32
      %lt3A_757 = vector.broadcast %lt3A_756 : i32 to vector<16xi32>
      %lt3A_758 = arith.cmpi slt, %xor3A_755, %lt3A_757 : vector<16xi32>
      %add3A_759 = arith.constant 16 : i32
      %add3A_760 = vector.broadcast %add3A_759 : i32 to vector<16xi32>
      %add3A_761 = arith.addi %xor3A_755, %add3A_760 : vector<16xi32>
      %select_n3A_762 = arith.select %lt3A_758, %add3A_761, %xor3A_755 : vector<16xi1>, vector<16xi32>
      %broadcast_in_dim3A_763 = vector.shape_cast %select_n3A_762 : vector<16xi32> to vector<16x1xi32>
      %gather3A_764 = vector.shape_cast %broadcast_in_dim3A_763 : vector<16x1xi32> to vector<16xi32>
      %gather3A_765 = tpu.dynamic_gather %max3A_752[%gather3A_764] in [0] : vector<16xf32>, vector<16xi32> -> vector<16xf32>
      %max3A_766 = arith.maximumf %max3A_752, %gather3A_765 : vector<16xf32>
      %xor3A_767 = arith.constant 4 : i32
      %xor3A_768 = vector.broadcast %xor3A_767 : i32 to vector<16xi32>
      %xor3A_769 = arith.xori %iota3A, %xor3A_768 : vector<16xi32>
      %lt3A_770 = arith.constant 0 : i32
      %lt3A_771 = vector.broadcast %lt3A_770 : i32 to vector<16xi32>
      %lt3A_772 = arith.cmpi slt, %xor3A_769, %lt3A_771 : vector<16xi32>
      %add3A_773 = arith.constant 16 : i32
      %add3A_774 = vector.broadcast %add3A_773 : i32 to vector<16xi32>
      %add3A_775 = arith.addi %xor3A_769, %add3A_774 : vector<16xi32>
      %select_n3A_776 = arith.select %lt3A_772, %add3A_775, %xor3A_769 : vector<16xi1>, vector<16xi32>
      %broadcast_in_dim3A_777 = vector.shape_cast %select_n3A_776 : vector<16xi32> to vector<16x1xi32>
      %gather3A_778 = vector.shape_cast %broadcast_in_dim3A_777 : vector<16x1xi32> to vector<16xi32>
      %gather3A_779 = tpu.dynamic_gather %max3A_766[%gather3A_778] in [0] : vector<16xf32>, vector<16xi32> -> vector<16xf32>
      %max3A_780 = arith.maximumf %max3A_766, %gather3A_779 : vector<16xf32>
      %xor3A_781 = arith.constant 2 : i32
      %xor3A_782 = vector.broadcast %xor3A_781 : i32 to vector<16xi32>
      %xor3A_783 = arith.xori %iota3A, %xor3A_782 : vector<16xi32>
      %lt3A_784 = arith.constant 0 : i32
      %lt3A_785 = vector.broadcast %lt3A_784 : i32 to vector<16xi32>
      %lt3A_786 = arith.cmpi slt, %xor3A_783, %lt3A_785 : vector<16xi32>
      %add3A_787 = arith.constant 16 : i32
      %add3A_788 = vector.broadcast %add3A_787 : i32 to vector<16xi32>
      %add3A_789 = arith.addi %xor3A_783, %add3A_788 : vector<16xi32>
      %select_n3A_790 = arith.select %lt3A_786, %add3A_789, %xor3A_783 : vector<16xi1>, vector<16xi32>
      %broadcast_in_dim3A_791 = vector.shape_cast %select_n3A_790 : vector<16xi32> to vector<16x1xi32>
      %gather3A_792 = vector.shape_cast %broadcast_in_dim3A_791 : vector<16x1xi32> to vector<16xi32>
      %gather3A_793 = tpu.dynamic_gather %max3A_780[%gather3A_792] in [0] : vector<16xf32>, vector<16xi32> -> vector<16xf32>
      %max3A_794 = arith.maximumf %max3A_780, %gather3A_793 : vector<16xf32>
      %xor3A_795 = arith.constant 1 : i32
      %xor3A_796 = vector.broadcast %xor3A_795 : i32 to vector<16xi32>
      %xor3A_797 = arith.xori %iota3A, %xor3A_796 : vector<16xi32>
      %lt3A_798 = arith.constant 0 : i32
      %lt3A_799 = vector.broadcast %lt3A_798 : i32 to vector<16xi32>
      %lt3A_800 = arith.cmpi slt, %xor3A_797, %lt3A_799 : vector<16xi32>
      %add3A_801 = arith.constant 16 : i32
      %add3A_802 = vector.broadcast %add3A_801 : i32 to vector<16xi32>
      %add3A_803 = arith.addi %xor3A_797, %add3A_802 : vector<16xi32>
      %select_n3A_804 = arith.select %lt3A_800, %add3A_803, %xor3A_797 : vector<16xi1>, vector<16xi32>
      %broadcast_in_dim3A_805 = vector.shape_cast %select_n3A_804 : vector<16xi32> to vector<16x1xi32>
      %gather3A_806 = vector.shape_cast %broadcast_in_dim3A_805 : vector<16x1xi32> to vector<16xi32>
      %gather3A_807 = tpu.dynamic_gather %max3A_794[%gather3A_806] in [0] : vector<16xf32>, vector<16xi32> -> vector<16xf32>
      %max3A_808 = arith.maximumf %max3A_794, %gather3A_807 : vector<16xf32>
      %sub3A_809 = arith.subf %get3A_704, %max3A_808 : vector<16xf32>
      %exp3A_810 = math.exp %sub3A_809 : vector<16xf32>
      %sub3A_811 = arith.subf %get3A_707, %max3A_808 : vector<16xf32>
      %exp3A_812 = math.exp %sub3A_811 : vector<16xf32>
      %add3A_813 = arith.addf %exp3A_810, %exp3A_812 : vector<16xf32>
      %sub3A_814 = arith.subf %get3A_711, %max3A_808 : vector<16xf32>
      %exp3A_815 = math.exp %sub3A_814 : vector<16xf32>
      %add3A_816 = arith.addf %add3A_813, %exp3A_815 : vector<16xf32>
      %sub3A_817 = arith.subf %get3A_715, %max3A_808 : vector<16xf32>
      %exp3A_818 = math.exp %sub3A_817 : vector<16xf32>
      %add3A_819 = arith.addf %add3A_816, %exp3A_818 : vector<16xf32>
      %sub3A_820 = arith.subf %get3A_719, %max3A_808 : vector<16xf32>
      %exp3A_821 = math.exp %sub3A_820 : vector<16xf32>
      %add3A_822 = arith.addf %add3A_819, %exp3A_821 : vector<16xf32>
      %sub3A_823 = arith.subf %get3A_723, %max3A_808 : vector<16xf32>
      %exp3A_824 = math.exp %sub3A_823 : vector<16xf32>
      %add3A_825 = arith.addf %add3A_822, %exp3A_824 : vector<16xf32>
      %sub3A_826 = arith.subf %get3A_727, %max3A_808 : vector<16xf32>
      %exp3A_827 = math.exp %sub3A_826 : vector<16xf32>
      %add3A_828 = arith.addf %add3A_825, %exp3A_827 : vector<16xf32>
      %sub3A_829 = arith.subf %get3A_731, %max3A_808 : vector<16xf32>
      %exp3A_830 = math.exp %sub3A_829 : vector<16xf32>
      %add3A_831 = arith.addf %add3A_828, %exp3A_830 : vector<16xf32>
      %sub3A_832 = arith.subf %get3A_735, %max3A_808 : vector<16xf32>
      %exp3A_833 = math.exp %sub3A_832 : vector<16xf32>
      %add3A_834 = arith.addf %add3A_831, %exp3A_833 : vector<16xf32>
      %sub3A_835 = arith.subf %get3A_739, %max3A_808 : vector<16xf32>
      %exp3A_836 = math.exp %sub3A_835 : vector<16xf32>
      %add3A_837 = arith.addf %add3A_834, %exp3A_836 : vector<16xf32>
      %sub3A_838 = arith.subf %get3A_743, %max3A_808 : vector<16xf32>
      %exp3A_839 = math.exp %sub3A_838 : vector<16xf32>
      %add3A_840 = arith.addf %add3A_837, %exp3A_839 : vector<16xf32>
      %sub3A_841 = arith.subf %get3A_747, %max3A_808 : vector<16xf32>
      %exp3A_842 = math.exp %sub3A_841 : vector<16xf32>
      %add3A_843 = arith.addf %add3A_840, %exp3A_842 : vector<16xf32>
      %sub3A_844 = arith.subf %get3A_751, %max3A_808 : vector<16xf32>
      %exp3A_845 = math.exp %sub3A_844 : vector<16xf32>
      %jit3A_846 = arith.constant 0.000000e+00 : f32
      %broadcast_in_dim3A_847 = vector.broadcast %jit3A_846 : f32 to vector<16xf32>
      %select_n3A_848 = arith.select %ge3A_39, %exp3A_845, %broadcast_in_dim3A_847 : vector<16xi1>, vector<16xf32>
      %add3A_849 = arith.addf %add3A_843, %select_n3A_848 : vector<16xf32>
      %xor3A_850 = arith.constant 8 : i32
      %xor3A_851 = vector.broadcast %xor3A_850 : i32 to vector<16xi32>
      %xor3A_852 = arith.xori %iota3A, %xor3A_851 : vector<16xi32>
      %lt3A_853 = arith.constant 0 : i32
      %lt3A_854 = vector.broadcast %lt3A_853 : i32 to vector<16xi32>
      %lt3A_855 = arith.cmpi slt, %xor3A_852, %lt3A_854 : vector<16xi32>
      %add3A_856 = arith.constant 16 : i32
      %add3A_857 = vector.broadcast %add3A_856 : i32 to vector<16xi32>
      %add3A_858 = arith.addi %xor3A_852, %add3A_857 : vector<16xi32>
      %select_n3A_859 = arith.select %lt3A_855, %add3A_858, %xor3A_852 : vector<16xi1>, vector<16xi32>
      %broadcast_in_dim3A_860 = vector.shape_cast %select_n3A_859 : vector<16xi32> to vector<16x1xi32>
      %gather3A_861 = vector.shape_cast %broadcast_in_dim3A_860 : vector<16x1xi32> to vector<16xi32>
      %gather3A_862 = tpu.dynamic_gather %add3A_849[%gather3A_861] in [0] : vector<16xf32>, vector<16xi32> -> vector<16xf32>
      %add3A_863 = arith.addf %add3A_849, %gather3A_862 : vector<16xf32>
      %xor3A_864 = arith.constant 4 : i32
      %xor3A_865 = vector.broadcast %xor3A_864 : i32 to vector<16xi32>
      %xor3A_866 = arith.xori %iota3A, %xor3A_865 : vector<16xi32>
      %lt3A_867 = arith.constant 0 : i32
      %lt3A_868 = vector.broadcast %lt3A_867 : i32 to vector<16xi32>
      %lt3A_869 = arith.cmpi slt, %xor3A_866, %lt3A_868 : vector<16xi32>
      %add3A_870 = arith.constant 16 : i32
      %add3A_871 = vector.broadcast %add3A_870 : i32 to vector<16xi32>
      %add3A_872 = arith.addi %xor3A_866, %add3A_871 : vector<16xi32>
      %select_n3A_873 = arith.select %lt3A_869, %add3A_872, %xor3A_866 : vector<16xi1>, vector<16xi32>
      %broadcast_in_dim3A_874 = vector.shape_cast %select_n3A_873 : vector<16xi32> to vector<16x1xi32>
      %gather3A_875 = vector.shape_cast %broadcast_in_dim3A_874 : vector<16x1xi32> to vector<16xi32>
      %gather3A_876 = tpu.dynamic_gather %add3A_863[%gather3A_875] in [0] : vector<16xf32>, vector<16xi32> -> vector<16xf32>
      %add3A_877 = arith.addf %add3A_863, %gather3A_876 : vector<16xf32>
      %xor3A_878 = arith.constant 2 : i32
      %xor3A_879 = vector.broadcast %xor3A_878 : i32 to vector<16xi32>
      %xor3A_880 = arith.xori %iota3A, %xor3A_879 : vector<16xi32>
      %lt3A_881 = arith.constant 0 : i32
      %lt3A_882 = vector.broadcast %lt3A_881 : i32 to vector<16xi32>
      %lt3A_883 = arith.cmpi slt, %xor3A_880, %lt3A_882 : vector<16xi32>
      %add3A_884 = arith.constant 16 : i32
      %add3A_885 = vector.broadcast %add3A_884 : i32 to vector<16xi32>
      %add3A_886 = arith.addi %xor3A_880, %add3A_885 : vector<16xi32>
      %select_n3A_887 = arith.select %lt3A_883, %add3A_886, %xor3A_880 : vector<16xi1>, vector<16xi32>
      %broadcast_in_dim3A_888 = vector.shape_cast %select_n3A_887 : vector<16xi32> to vector<16x1xi32>
      %gather3A_889 = vector.shape_cast %broadcast_in_dim3A_888 : vector<16x1xi32> to vector<16xi32>
      %gather3A_890 = tpu.dynamic_gather %add3A_877[%gather3A_889] in [0] : vector<16xf32>, vector<16xi32> -> vector<16xf32>
      %add3A_891 = arith.addf %add3A_877, %gather3A_890 : vector<16xf32>
      %xor3A_892 = arith.constant 1 : i32
      %xor3A_893 = vector.broadcast %xor3A_892 : i32 to vector<16xi32>
      %xor3A_894 = arith.xori %iota3A, %xor3A_893 : vector<16xi32>
      %lt3A_895 = arith.constant 0 : i32
      %lt3A_896 = vector.broadcast %lt3A_895 : i32 to vector<16xi32>
      %lt3A_897 = arith.cmpi slt, %xor3A_894, %lt3A_896 : vector<16xi32>
      %add3A_898 = arith.constant 16 : i32
      %add3A_899 = vector.broadcast %add3A_898 : i32 to vector<16xi32>
      %add3A_900 = arith.addi %xor3A_894, %add3A_899 : vector<16xi32>
      %select_n3A_901 = arith.select %lt3A_897, %add3A_900, %xor3A_894 : vector<16xi1>, vector<16xi32>
      %broadcast_in_dim3A_902 = vector.shape_cast %select_n3A_901 : vector<16xi32> to vector<16x1xi32>
      %gather3A_903 = vector.shape_cast %broadcast_in_dim3A_902 : vector<16x1xi32> to vector<16xi32>
      %gather3A_904 = tpu.dynamic_gather %add3A_891[%gather3A_903] in [0] : vector<16xf32>, vector<16xi32> -> vector<16xf32>
      %add3A_905 = arith.addf %add3A_891, %gather3A_904 : vector<16xf32>
      %eq3A_906 = arith.constant 3 : i32
      %eq3A_907 = vector.broadcast %eq3A_906 : i32 to vector<16xi32>
      %eq3A_908 = arith.cmpi eq, %iota3A, %eq3A_907 : vector<16xi32>
      %select_n3A_909 = arith.select %eq3A_908, %max3A_808, %select_n3A_694 : vector<16xi1>, vector<16xf32>
      %select_n3A_910 = arith.select %eq3A_908, %add3A_905, %select_n3A_695 : vector<16xi1>, vector<16xf32>
      %slice3A_911 = vector.extract_strided_slice %get3A_704 {offsets = [0], sizes = [1], strides = [1]} : vector<16xf32> to vector<1xf32>
      %squeeze3A_912 = vector.extract %slice3A_911[0] : f32 from vector<1xf32>
      %broadcast_in_dim3A_913 = vector.broadcast %squeeze3A_912 : f32 to vector<16xf32>
      %select_n3A_914 = arith.select %eq3A_908, %broadcast_in_dim3A_913, %select_n3A_699 : vector<16xi1>, vector<16xf32>
      %add3A_915 = arith.constant 4 : i32
      %add3A_916 = arith.addi %mul3A_55, %add3A_915 : i32
      %get3A_917 = arith.index_cast %add3A_916 : i32 to index
      %get3A_918 = arith.constant 0 : index
      %get3A_919 = tpu.vector_load %arg8[%get3A_917, %get3A_918] {strides = array<i32>} : memref<256x200xf32, #tpu.memory_space<vmem>>, vector<16xf32>,
      %get3A_920 = arith.index_cast %add3A_916 : i32 to index
      %get3A_921 = arith.constant 16 : index
      %get3A_922 = tpu.vector_load %arg8[%get3A_920, %get3A_921] {strides = array<i32>} : memref<256x200xf32, #tpu.memory_space<vmem>>, vector<16xf32>,
      %max3A_923 = arith.maximumf %get3A_919, %get3A_922 : vector<16xf32>
      %get3A_924 = arith.index_cast %add3A_916 : i32 to index
      %get3A_925 = arith.constant 32 : index
      %get3A_926 = tpu.vector_load %arg8[%get3A_924, %get3A_925] {strides = array<i32>} : memref<256x200xf32, #tpu.memory_space<vmem>>, vector<16xf32>,
      %max3A_927 = arith.maximumf %max3A_923, %get3A_926 : vector<16xf32>
      %get3A_928 = arith.index_cast %add3A_916 : i32 to index
      %get3A_929 = arith.constant 48 : index
      %get3A_930 = tpu.vector_load %arg8[%get3A_928, %get3A_929] {strides = array<i32>} : memref<256x200xf32, #tpu.memory_space<vmem>>, vector<16xf32>,
      %max3A_931 = arith.maximumf %max3A_927, %get3A_930 : vector<16xf32>
      %get3A_932 = arith.index_cast %add3A_916 : i32 to index
      %get3A_933 = arith.constant 64 : index
      %get3A_934 = tpu.vector_load %arg8[%get3A_932, %get3A_933] {strides = array<i32>} : memref<256x200xf32, #tpu.memory_space<vmem>>, vector<16xf32>,
      %max3A_935 = arith.maximumf %max3A_931, %get3A_934 : vector<16xf32>
      %get3A_936 = arith.index_cast %add3A_916 : i32 to index
      %get3A_937 = arith.constant 80 : index
      %get3A_938 = tpu.vector_load %arg8[%get3A_936, %get3A_937] {strides = array<i32>} : memref<256x200xf32, #tpu.memory_space<vmem>>, vector<16xf32>,
      %max3A_939 = arith.maximumf %max3A_935, %get3A_938 : vector<16xf32>
      %get3A_940 = arith.index_cast %add3A_916 : i32 to index
      %get3A_941 = arith.constant 96 : index
      %get3A_942 = tpu.vector_load %arg8[%get3A_940, %get3A_941] {strides = array<i32>} : memref<256x200xf32, #tpu.memory_space<vmem>>, vector<16xf32>,
      %max3A_943 = arith.maximumf %max3A_939, %get3A_942 : vector<16xf32>
      %get3A_944 = arith.index_cast %add3A_916 : i32 to index
      %get3A_945 = arith.constant 112 : index
      %get3A_946 = tpu.vector_load %arg8[%get3A_944, %get3A_945] {strides = array<i32>} : memref<256x200xf32, #tpu.memory_space<vmem>>, vector<16xf32>,
      %max3A_947 = arith.maximumf %max3A_943, %get3A_946 : vector<16xf32>
      %get3A_948 = arith.index_cast %add3A_916 : i32 to index
      %get3A_949 = arith.constant 128 : index
      %get3A_950 = tpu.vector_load %arg8[%get3A_948, %get3A_949] {strides = array<i32>} : memref<256x200xf32, #tpu.memory_space<vmem>>, vector<16xf32>,
      %max3A_951 = arith.maximumf %max3A_947, %get3A_950 : vector<16xf32>
      %get3A_952 = arith.index_cast %add3A_916 : i32 to index
      %get3A_953 = arith.constant 144 : index
      %get3A_954 = tpu.vector_load %arg8[%get3A_952, %get3A_953] {strides = array<i32>} : memref<256x200xf32, #tpu.memory_space<vmem>>, vector<16xf32>,
      %max3A_955 = arith.maximumf %max3A_951, %get3A_954 : vector<16xf32>
      %get3A_956 = arith.index_cast %add3A_916 : i32 to index
      %get3A_957 = arith.constant 160 : index
      %get3A_958 = tpu.vector_load %arg8[%get3A_956, %get3A_957] {strides = array<i32>} : memref<256x200xf32, #tpu.memory_space<vmem>>, vector<16xf32>,
      %max3A_959 = arith.maximumf %max3A_955, %get3A_958 : vector<16xf32>
      %get3A_960 = arith.index_cast %add3A_916 : i32 to index
      %get3A_961 = arith.constant 176 : index
      %get3A_962 = tpu.vector_load %arg8[%get3A_960, %get3A_961] {strides = array<i32>} : memref<256x200xf32, #tpu.memory_space<vmem>>, vector<16xf32>,
      %max3A_963 = arith.maximumf %max3A_959, %get3A_962 : vector<16xf32>
      %get3A_964 = arith.index_cast %add3A_916 : i32 to index
      %get3A_965 = arith.constant 184 : index
      %get3A_966 = tpu.vector_load %arg8[%get3A_964, %get3A_965] {strides = array<i32>} : memref<256x200xf32, #tpu.memory_space<vmem>>, vector<16xf32>,
      %max3A_967 = arith.maximumf %max3A_963, %get3A_966 : vector<16xf32>
      %xor3A_968 = arith.constant 8 : i32
      %xor3A_969 = vector.broadcast %xor3A_968 : i32 to vector<16xi32>
      %xor3A_970 = arith.xori %iota3A, %xor3A_969 : vector<16xi32>
      %lt3A_971 = arith.constant 0 : i32
      %lt3A_972 = vector.broadcast %lt3A_971 : i32 to vector<16xi32>
      %lt3A_973 = arith.cmpi slt, %xor3A_970, %lt3A_972 : vector<16xi32>
      %add3A_974 = arith.constant 16 : i32
      %add3A_975 = vector.broadcast %add3A_974 : i32 to vector<16xi32>
      %add3A_976 = arith.addi %xor3A_970, %add3A_975 : vector<16xi32>
      %select_n3A_977 = arith.select %lt3A_973, %add3A_976, %xor3A_970 : vector<16xi1>, vector<16xi32>
      %broadcast_in_dim3A_978 = vector.shape_cast %select_n3A_977 : vector<16xi32> to vector<16x1xi32>
      %gather3A_979 = vector.shape_cast %broadcast_in_dim3A_978 : vector<16x1xi32> to vector<16xi32>
      %gather3A_980 = tpu.dynamic_gather %max3A_967[%gather3A_979] in [0] : vector<16xf32>, vector<16xi32> -> vector<16xf32>
      %max3A_981 = arith.maximumf %max3A_967, %gather3A_980 : vector<16xf32>
      %xor3A_982 = arith.constant 4 : i32
      %xor3A_983 = vector.broadcast %xor3A_982 : i32 to vector<16xi32>
      %xor3A_984 = arith.xori %iota3A, %xor3A_983 : vector<16xi32>
      %lt3A_985 = arith.constant 0 : i32
      %lt3A_986 = vector.broadcast %lt3A_985 : i32 to vector<16xi32>
      %lt3A_987 = arith.cmpi slt, %xor3A_984, %lt3A_986 : vector<16xi32>
      %add3A_988 = arith.constant 16 : i32
      %add3A_989 = vector.broadcast %add3A_988 : i32 to vector<16xi32>
      %add3A_990 = arith.addi %xor3A_984, %add3A_989 : vector<16xi32>
      %select_n3A_991 = arith.select %lt3A_987, %add3A_990, %xor3A_984 : vector<16xi1>, vector<16xi32>
      %broadcast_in_dim3A_992 = vector.shape_cast %select_n3A_991 : vector<16xi32> to vector<16x1xi32>
      %gather3A_993 = vector.shape_cast %broadcast_in_dim3A_992 : vector<16x1xi32> to vector<16xi32>
      %gather3A_994 = tpu.dynamic_gather %max3A_981[%gather3A_993] in [0] : vector<16xf32>, vector<16xi32> -> vector<16xf32>
      %max3A_995 = arith.maximumf %max3A_981, %gather3A_994 : vector<16xf32>
      %xor3A_996 = arith.constant 2 : i32
      %xor3A_997 = vector.broadcast %xor3A_996 : i32 to vector<16xi32>
      %xor3A_998 = arith.xori %iota3A, %xor3A_997 : vector<16xi32>
      %lt3A_999 = arith.constant 0 : i32
      %lt3A_1000 = vector.broadcast %lt3A_999 : i32 to vector<16xi32>
      %lt3A_1001 = arith.cmpi slt, %xor3A_998, %lt3A_1000 : vector<16xi32>
      %add3A_1002 = arith.constant 16 : i32
      %add3A_1003 = vector.broadcast %add3A_1002 : i32 to vector<16xi32>
      %add3A_1004 = arith.addi %xor3A_998, %add3A_1003 : vector<16xi32>
      %select_n3A_1005 = arith.select %lt3A_1001, %add3A_1004, %xor3A_998 : vector<16xi1>, vector<16xi32>
      %broadcast_in_dim3A_1006 = vector.shape_cast %select_n3A_1005 : vector<16xi32> to vector<16x1xi32>
      %gather3A_1007 = vector.shape_cast %broadcast_in_dim3A_1006 : vector<16x1xi32> to vector<16xi32>
      %gather3A_1008 = tpu.dynamic_gather %max3A_995[%gather3A_1007] in [0] : vector<16xf32>, vector<16xi32> -> vector<16xf32>
      %max3A_1009 = arith.maximumf %max3A_995, %gather3A_1008 : vector<16xf32>
      %xor3A_1010 = arith.constant 1 : i32
      %xor3A_1011 = vector.broadcast %xor3A_1010 : i32 to vector<16xi32>
      %xor3A_1012 = arith.xori %iota3A, %xor3A_1011 : vector<16xi32>
      %lt3A_1013 = arith.constant 0 : i32
      %lt3A_1014 = vector.broadcast %lt3A_1013 : i32 to vector<16xi32>
      %lt3A_1015 = arith.cmpi slt, %xor3A_1012, %lt3A_1014 : vector<16xi32>
      %add3A_1016 = arith.constant 16 : i32
      %add3A_1017 = vector.broadcast %add3A_1016 : i32 to vector<16xi32>
      %add3A_1018 = arith.addi %xor3A_1012, %add3A_1017 : vector<16xi32>
      %select_n3A_1019 = arith.select %lt3A_1015, %add3A_1018, %xor3A_1012 : vector<16xi1>, vector<16xi32>
      %broadcast_in_dim3A_1020 = vector.shape_cast %select_n3A_1019 : vector<16xi32> to vector<16x1xi32>
      %gather3A_1021 = vector.shape_cast %broadcast_in_dim3A_1020 : vector<16x1xi32> to vector<16xi32>
      %gather3A_1022 = tpu.dynamic_gather %max3A_1009[%gather3A_1021] in [0] : vector<16xf32>, vector<16xi32> -> vector<16xf32>
      %max3A_1023 = arith.maximumf %max3A_1009, %gather3A_1022 : vector<16xf32>
      %sub3A_1024 = arith.subf %get3A_919, %max3A_1023 : vector<16xf32>
      %exp3A_1025 = math.exp %sub3A_1024 : vector<16xf32>
      %sub3A_1026 = arith.subf %get3A_922, %max3A_1023 : vector<16xf32>
      %exp3A_1027 = math.exp %sub3A_1026 : vector<16xf32>
      %add3A_1028 = arith.addf %exp3A_1025, %exp3A_1027 : vector<16xf32>
      %sub3A_1029 = arith.subf %get3A_926, %max3A_1023 : vector<16xf32>
      %exp3A_1030 = math.exp %sub3A_1029 : vector<16xf32>
      %add3A_1031 = arith.addf %add3A_1028, %exp3A_1030 : vector<16xf32>
      %sub3A_1032 = arith.subf %get3A_930, %max3A_1023 : vector<16xf32>
      %exp3A_1033 = math.exp %sub3A_1032 : vector<16xf32>
      %add3A_1034 = arith.addf %add3A_1031, %exp3A_1033 : vector<16xf32>
      %sub3A_1035 = arith.subf %get3A_934, %max3A_1023 : vector<16xf32>
      %exp3A_1036 = math.exp %sub3A_1035 : vector<16xf32>
      %add3A_1037 = arith.addf %add3A_1034, %exp3A_1036 : vector<16xf32>
      %sub3A_1038 = arith.subf %get3A_938, %max3A_1023 : vector<16xf32>
      %exp3A_1039 = math.exp %sub3A_1038 : vector<16xf32>
      %add3A_1040 = arith.addf %add3A_1037, %exp3A_1039 : vector<16xf32>
      %sub3A_1041 = arith.subf %get3A_942, %max3A_1023 : vector<16xf32>
      %exp3A_1042 = math.exp %sub3A_1041 : vector<16xf32>
      %add3A_1043 = arith.addf %add3A_1040, %exp3A_1042 : vector<16xf32>
      %sub3A_1044 = arith.subf %get3A_946, %max3A_1023 : vector<16xf32>
      %exp3A_1045 = math.exp %sub3A_1044 : vector<16xf32>
      %add3A_1046 = arith.addf %add3A_1043, %exp3A_1045 : vector<16xf32>
      %sub3A_1047 = arith.subf %get3A_950, %max3A_1023 : vector<16xf32>
      %exp3A_1048 = math.exp %sub3A_1047 : vector<16xf32>
      %add3A_1049 = arith.addf %add3A_1046, %exp3A_1048 : vector<16xf32>
      %sub3A_1050 = arith.subf %get3A_954, %max3A_1023 : vector<16xf32>
      %exp3A_1051 = math.exp %sub3A_1050 : vector<16xf32>
      %add3A_1052 = arith.addf %add3A_1049, %exp3A_1051 : vector<16xf32>
      %sub3A_1053 = arith.subf %get3A_958, %max3A_1023 : vector<16xf32>
      %exp3A_1054 = math.exp %sub3A_1053 : vector<16xf32>
      %add3A_1055 = arith.addf %add3A_1052, %exp3A_1054 : vector<16xf32>
      %sub3A_1056 = arith.subf %get3A_962, %max3A_1023 : vector<16xf32>
      %exp3A_1057 = math.exp %sub3A_1056 : vector<16xf32>
      %add3A_1058 = arith.addf %add3A_1055, %exp3A_1057 : vector<16xf32>
      %sub3A_1059 = arith.subf %get3A_966, %max3A_1023 : vector<16xf32>
      %exp3A_1060 = math.exp %sub3A_1059 : vector<16xf32>
      %jit3A_1061 = arith.constant 0.000000e+00 : f32
      %broadcast_in_dim3A_1062 = vector.broadcast %jit3A_1061 : f32 to vector<16xf32>
      %select_n3A_1063 = arith.select %ge3A_39, %exp3A_1060, %broadcast_in_dim3A_1062 : vector<16xi1>, vector<16xf32>
      %add3A_1064 = arith.addf %add3A_1058, %select_n3A_1063 : vector<16xf32>
      %xor3A_1065 = arith.constant 8 : i32
      %xor3A_1066 = vector.broadcast %xor3A_1065 : i32 to vector<16xi32>
      %xor3A_1067 = arith.xori %iota3A, %xor3A_1066 : vector<16xi32>
      %lt3A_1068 = arith.constant 0 : i32
      %lt3A_1069 = vector.broadcast %lt3A_1068 : i32 to vector<16xi32>
      %lt3A_1070 = arith.cmpi slt, %xor3A_1067, %lt3A_1069 : vector<16xi32>
      %add3A_1071 = arith.constant 16 : i32
      %add3A_1072 = vector.broadcast %add3A_1071 : i32 to vector<16xi32>
      %add3A_1073 = arith.addi %xor3A_1067, %add3A_1072 : vector<16xi32>
      %select_n3A_1074 = arith.select %lt3A_1070, %add3A_1073, %xor3A_1067 : vector<16xi1>, vector<16xi32>
      %broadcast_in_dim3A_1075 = vector.shape_cast %select_n3A_1074 : vector<16xi32> to vector<16x1xi32>
      %gather3A_1076 = vector.shape_cast %broadcast_in_dim3A_1075 : vector<16x1xi32> to vector<16xi32>
      %gather3A_1077 = tpu.dynamic_gather %add3A_1064[%gather3A_1076] in [0] : vector<16xf32>, vector<16xi32> -> vector<16xf32>
      %add3A_1078 = arith.addf %add3A_1064, %gather3A_1077 : vector<16xf32>
      %xor3A_1079 = arith.constant 4 : i32
      %xor3A_1080 = vector.broadcast %xor3A_1079 : i32 to vector<16xi32>
      %xor3A_1081 = arith.xori %iota3A, %xor3A_1080 : vector<16xi32>
      %lt3A_1082 = arith.constant 0 : i32
      %lt3A_1083 = vector.broadcast %lt3A_1082 : i32 to vector<16xi32>
      %lt3A_1084 = arith.cmpi slt, %xor3A_1081, %lt3A_1083 : vector<16xi32>
      %add3A_1085 = arith.constant 16 : i32
      %add3A_1086 = vector.broadcast %add3A_1085 : i32 to vector<16xi32>
      %add3A_1087 = arith.addi %xor3A_1081, %add3A_1086 : vector<16xi32>
      %select_n3A_1088 = arith.select %lt3A_1084, %add3A_1087, %xor3A_1081 : vector<16xi1>, vector<16xi32>
      %broadcast_in_dim3A_1089 = vector.shape_cast %select_n3A_1088 : vector<16xi32> to vector<16x1xi32>
      %gather3A_1090 = vector.shape_cast %broadcast_in_dim3A_1089 : vector<16x1xi32> to vector<16xi32>
      %gather3A_1091 = tpu.dynamic_gather %add3A_1078[%gather3A_1090] in [0] : vector<16xf32>, vector<16xi32> -> vector<16xf32>
      %add3A_1092 = arith.addf %add3A_1078, %gather3A_1091 : vector<16xf32>
      %xor3A_1093 = arith.constant 2 : i32
      %xor3A_1094 = vector.broadcast %xor3A_1093 : i32 to vector<16xi32>
      %xor3A_1095 = arith.xori %iota3A, %xor3A_1094 : vector<16xi32>
      %lt3A_1096 = arith.constant 0 : i32
      %lt3A_1097 = vector.broadcast %lt3A_1096 : i32 to vector<16xi32>
      %lt3A_1098 = arith.cmpi slt, %xor3A_1095, %lt3A_1097 : vector<16xi32>
      %add3A_1099 = arith.constant 16 : i32
      %add3A_1100 = vector.broadcast %add3A_1099 : i32 to vector<16xi32>
      %add3A_1101 = arith.addi %xor3A_1095, %add3A_1100 : vector<16xi32>
      %select_n3A_1102 = arith.select %lt3A_1098, %add3A_1101, %xor3A_1095 : vector<16xi1>, vector<16xi32>
      %broadcast_in_dim3A_1103 = vector.shape_cast %select_n3A_1102 : vector<16xi32> to vector<16x1xi32>
      %gather3A_1104 = vector.shape_cast %broadcast_in_dim3A_1103 : vector<16x1xi32> to vector<16xi32>
      %gather3A_1105 = tpu.dynamic_gather %add3A_1092[%gather3A_1104] in [0] : vector<16xf32>, vector<16xi32> -> vector<16xf32>
      %add3A_1106 = arith.addf %add3A_1092, %gather3A_1105 : vector<16xf32>
      %xor3A_1107 = arith.constant 1 : i32
      %xor3A_1108 = vector.broadcast %xor3A_1107 : i32 to vector<16xi32>
      %xor3A_1109 = arith.xori %iota3A, %xor3A_1108 : vector<16xi32>
      %lt3A_1110 = arith.constant 0 : i32
      %lt3A_1111 = vector.broadcast %lt3A_1110 : i32 to vector<16xi32>
      %lt3A_1112 = arith.cmpi slt, %xor3A_1109, %lt3A_1111 : vector<16xi32>
      %add3A_1113 = arith.constant 16 : i32
      %add3A_1114 = vector.broadcast %add3A_1113 : i32 to vector<16xi32>
      %add3A_1115 = arith.addi %xor3A_1109, %add3A_1114 : vector<16xi32>
      %select_n3A_1116 = arith.select %lt3A_1112, %add3A_1115, %xor3A_1109 : vector<16xi1>, vector<16xi32>
      %broadcast_in_dim3A_1117 = vector.shape_cast %select_n3A_1116 : vector<16xi32> to vector<16x1xi32>
      %gather3A_1118 = vector.shape_cast %broadcast_in_dim3A_1117 : vector<16x1xi32> to vector<16xi32>
      %gather3A_1119 = tpu.dynamic_gather %add3A_1106[%gather3A_1118] in [0] : vector<16xf32>, vector<16xi32> -> vector<16xf32>
      %add3A_1120 = arith.addf %add3A_1106, %gather3A_1119 : vector<16xf32>
      %eq3A_1121 = arith.constant 4 : i32
      %eq3A_1122 = vector.broadcast %eq3A_1121 : i32 to vector<16xi32>
      %eq3A_1123 = arith.cmpi eq, %iota3A, %eq3A_1122 : vector<16xi32>
      %select_n3A_1124 = arith.select %eq3A_1123, %max3A_1023, %select_n3A_909 : vector<16xi1>, vector<16xf32>
      %select_n3A_1125 = arith.select %eq3A_1123, %add3A_1120, %select_n3A_910 : vector<16xi1>, vector<16xf32>
      %slice3A_1126 = vector.extract_strided_slice %get3A_919 {offsets = [0], sizes = [1], strides = [1]} : vector<16xf32> to vector<1xf32>
      %squeeze3A_1127 = vector.extract %slice3A_1126[0] : f32 from vector<1xf32>
      %broadcast_in_dim3A_1128 = vector.broadcast %squeeze3A_1127 : f32 to vector<16xf32>
      %select_n3A_1129 = arith.select %eq3A_1123, %broadcast_in_dim3A_1128, %select_n3A_914 : vector<16xi1>, vector<16xf32>
      %add3A_1130 = arith.constant 5 : i32
      %add3A_1131 = arith.addi %mul3A_55, %add3A_1130 : i32
      %get3A_1132 = arith.index_cast %add3A_1131 : i32 to index
      %get3A_1133 = arith.constant 0 : index
      %get3A_1134 = tpu.vector_load %arg8[%get3A_1132, %get3A_1133] {strides = array<i32>} : memref<256x200xf32, #tpu.memory_space<vmem>>, vector<16xf32>,
      %get3A_1135 = arith.index_cast %add3A_1131 : i32 to index
      %get3A_1136 = arith.constant 16 : index
      %get3A_1137 = tpu.vector_load %arg8[%get3A_1135, %get3A_1136] {strides = array<i32>} : memref<256x200xf32, #tpu.memory_space<vmem>>, vector<16xf32>,
      %max3A_1138 = arith.maximumf %get3A_1134, %get3A_1137 : vector<16xf32>
      %get3A_1139 = arith.index_cast %add3A_1131 : i32 to index
      %get3A_1140 = arith.constant 32 : index
      %get3A_1141 = tpu.vector_load %arg8[%get3A_1139, %get3A_1140] {strides = array<i32>} : memref<256x200xf32, #tpu.memory_space<vmem>>, vector<16xf32>,
      %max3A_1142 = arith.maximumf %max3A_1138, %get3A_1141 : vector<16xf32>
      %get3A_1143 = arith.index_cast %add3A_1131 : i32 to index
      %get3A_1144 = arith.constant 48 : index
      %get3A_1145 = tpu.vector_load %arg8[%get3A_1143, %get3A_1144] {strides = array<i32>} : memref<256x200xf32, #tpu.memory_space<vmem>>, vector<16xf32>,
      %max3A_1146 = arith.maximumf %max3A_1142, %get3A_1145 : vector<16xf32>
      %get3A_1147 = arith.index_cast %add3A_1131 : i32 to index
      %get3A_1148 = arith.constant 64 : index
      %get3A_1149 = tpu.vector_load %arg8[%get3A_1147, %get3A_1148] {strides = array<i32>} : memref<256x200xf32, #tpu.memory_space<vmem>>, vector<16xf32>,
      %max3A_1150 = arith.maximumf %max3A_1146, %get3A_1149 : vector<16xf32>
      %get3A_1151 = arith.index_cast %add3A_1131 : i32 to index
      %get3A_1152 = arith.constant 80 : index
      %get3A_1153 = tpu.vector_load %arg8[%get3A_1151, %get3A_1152] {strides = array<i32>} : memref<256x200xf32, #tpu.memory_space<vmem>>, vector<16xf32>,
      %max3A_1154 = arith.maximumf %max3A_1150, %get3A_1153 : vector<16xf32>
      %get3A_1155 = arith.index_cast %add3A_1131 : i32 to index
      %get3A_1156 = arith.constant 96 : index
      %get3A_1157 = tpu.vector_load %arg8[%get3A_1155, %get3A_1156] {strides = array<i32>} : memref<256x200xf32, #tpu.memory_space<vmem>>, vector<16xf32>,
      %max3A_1158 = arith.maximumf %max3A_1154, %get3A_1157 : vector<16xf32>
      %get3A_1159 = arith.index_cast %add3A_1131 : i32 to index
      %get3A_1160 = arith.constant 112 : index
      %get3A_1161 = tpu.vector_load %arg8[%get3A_1159, %get3A_1160] {strides = array<i32>} : memref<256x200xf32, #tpu.memory_space<vmem>>, vector<16xf32>,
      %max3A_1162 = arith.maximumf %max3A_1158, %get3A_1161 : vector<16xf32>
      %get3A_1163 = arith.index_cast %add3A_1131 : i32 to index
      %get3A_1164 = arith.constant 128 : index
      %get3A_1165 = tpu.vector_load %arg8[%get3A_1163, %get3A_1164] {strides = array<i32>} : memref<256x200xf32, #tpu.memory_space<vmem>>, vector<16xf32>,
      %max3A_1166 = arith.maximumf %max3A_1162, %get3A_1165 : vector<16xf32>
      %get3A_1167 = arith.index_cast %add3A_1131 : i32 to index
      %get3A_1168 = arith.constant 144 : index
      %get3A_1169 = tpu.vector_load %arg8[%get3A_1167, %get3A_1168] {strides = array<i32>} : memref<256x200xf32, #tpu.memory_space<vmem>>, vector<16xf32>,
      %max3A_1170 = arith.maximumf %max3A_1166, %get3A_1169 : vector<16xf32>
      %get3A_1171 = arith.index_cast %add3A_1131 : i32 to index
      %get3A_1172 = arith.constant 160 : index
      %get3A_1173 = tpu.vector_load %arg8[%get3A_1171, %get3A_1172] {strides = array<i32>} : memref<256x200xf32, #tpu.memory_space<vmem>>, vector<16xf32>,
      %max3A_1174 = arith.maximumf %max3A_1170, %get3A_1173 : vector<16xf32>
      %get3A_1175 = arith.index_cast %add3A_1131 : i32 to index
      %get3A_1176 = arith.constant 176 : index
      %get3A_1177 = tpu.vector_load %arg8[%get3A_1175, %get3A_1176] {strides = array<i32>} : memref<256x200xf32, #tpu.memory_space<vmem>>, vector<16xf32>,
      %max3A_1178 = arith.maximumf %max3A_1174, %get3A_1177 : vector<16xf32>
      %get3A_1179 = arith.index_cast %add3A_1131 : i32 to index
      %get3A_1180 = arith.constant 184 : index
      %get3A_1181 = tpu.vector_load %arg8[%get3A_1179, %get3A_1180] {strides = array<i32>} : memref<256x200xf32, #tpu.memory_space<vmem>>, vector<16xf32>,
      %max3A_1182 = arith.maximumf %max3A_1178, %get3A_1181 : vector<16xf32>
      %xor3A_1183 = arith.constant 8 : i32
      %xor3A_1184 = vector.broadcast %xor3A_1183 : i32 to vector<16xi32>
      %xor3A_1185 = arith.xori %iota3A, %xor3A_1184 : vector<16xi32>
      %lt3A_1186 = arith.constant 0 : i32
      %lt3A_1187 = vector.broadcast %lt3A_1186 : i32 to vector<16xi32>
      %lt3A_1188 = arith.cmpi slt, %xor3A_1185, %lt3A_1187 : vector<16xi32>
      %add3A_1189 = arith.constant 16 : i32
      %add3A_1190 = vector.broadcast %add3A_1189 : i32 to vector<16xi32>
      %add3A_1191 = arith.addi %xor3A_1185, %add3A_1190 : vector<16xi32>
      %select_n3A_1192 = arith.select %lt3A_1188, %add3A_1191, %xor3A_1185 : vector<16xi1>, vector<16xi32>
      %broadcast_in_dim3A_1193 = vector.shape_cast %select_n3A_1192 : vector<16xi32> to vector<16x1xi32>
      %gather3A_1194 = vector.shape_cast %broadcast_in_dim3A_1193 : vector<16x1xi32> to vector<16xi32>
      %gather3A_1195 = tpu.dynamic_gather %max3A_1182[%gather3A_1194] in [0] : vector<16xf32>, vector<16xi32> -> vector<16xf32>
      %max3A_1196 = arith.maximumf %max3A_1182, %gather3A_1195 : vector<16xf32>
      %xor3A_1197 = arith.constant 4 : i32
      %xor3A_1198 = vector.broadcast %xor3A_1197 : i32 to vector<16xi32>
      %xor3A_1199 = arith.xori %iota3A, %xor3A_1198 : vector<16xi32>
      %lt3A_1200 = arith.constant 0 : i32
      %lt3A_1201 = vector.broadcast %lt3A_1200 : i32 to vector<16xi32>
      %lt3A_1202 = arith.cmpi slt, %xor3A_1199, %lt3A_1201 : vector<16xi32>
      %add3A_1203 = arith.constant 16 : i32
      %add3A_1204 = vector.broadcast %add3A_1203 : i32 to vector<16xi32>
      %add3A_1205 = arith.addi %xor3A_1199, %add3A_1204 : vector<16xi32>
      %select_n3A_1206 = arith.select %lt3A_1202, %add3A_1205, %xor3A_1199 : vector<16xi1>, vector<16xi32>
      %broadcast_in_dim3A_1207 = vector.shape_cast %select_n3A_1206 : vector<16xi32> to vector<16x1xi32>
      %gather3A_1208 = vector.shape_cast %broadcast_in_dim3A_1207 : vector<16x1xi32> to vector<16xi32>
      %gather3A_1209 = tpu.dynamic_gather %max3A_1196[%gather3A_1208] in [0] : vector<16xf32>, vector<16xi32> -> vector<16xf32>
      %max3A_1210 = arith.maximumf %max3A_1196, %gather3A_1209 : vector<16xf32>
      %xor3A_1211 = arith.constant 2 : i32
      %xor3A_1212 = vector.broadcast %xor3A_1211 : i32 to vector<16xi32>
      %xor3A_1213 = arith.xori %iota3A, %xor3A_1212 : vector<16xi32>
      %lt3A_1214 = arith.constant 0 : i32
      %lt3A_1215 = vector.broadcast %lt3A_1214 : i32 to vector<16xi32>
      %lt3A_1216 = arith.cmpi slt, %xor3A_1213, %lt3A_1215 : vector<16xi32>
      %add3A_1217 = arith.constant 16 : i32
      %add3A_1218 = vector.broadcast %add3A_1217 : i32 to vector<16xi32>
      %add3A_1219 = arith.addi %xor3A_1213, %add3A_1218 : vector<16xi32>
      %select_n3A_1220 = arith.select %lt3A_1216, %add3A_1219, %xor3A_1213 : vector<16xi1>, vector<16xi32>
      %broadcast_in_dim3A_1221 = vector.shape_cast %select_n3A_1220 : vector<16xi32> to vector<16x1xi32>
      %gather3A_1222 = vector.shape_cast %broadcast_in_dim3A_1221 : vector<16x1xi32> to vector<16xi32>
      %gather3A_1223 = tpu.dynamic_gather %max3A_1210[%gather3A_1222] in [0] : vector<16xf32>, vector<16xi32> -> vector<16xf32>
      %max3A_1224 = arith.maximumf %max3A_1210, %gather3A_1223 : vector<16xf32>
      %xor3A_1225 = arith.constant 1 : i32
      %xor3A_1226 = vector.broadcast %xor3A_1225 : i32 to vector<16xi32>
      %xor3A_1227 = arith.xori %iota3A, %xor3A_1226 : vector<16xi32>
      %lt3A_1228 = arith.constant 0 : i32
      %lt3A_1229 = vector.broadcast %lt3A_1228 : i32 to vector<16xi32>
      %lt3A_1230 = arith.cmpi slt, %xor3A_1227, %lt3A_1229 : vector<16xi32>
      %add3A_1231 = arith.constant 16 : i32
      %add3A_1232 = vector.broadcast %add3A_1231 : i32 to vector<16xi32>
      %add3A_1233 = arith.addi %xor3A_1227, %add3A_1232 : vector<16xi32>
      %select_n3A_1234 = arith.select %lt3A_1230, %add3A_1233, %xor3A_1227 : vector<16xi1>, vector<16xi32>
      %broadcast_in_dim3A_1235 = vector.shape_cast %select_n3A_1234 : vector<16xi32> to vector<16x1xi32>
      %gather3A_1236 = vector.shape_cast %broadcast_in_dim3A_1235 : vector<16x1xi32> to vector<16xi32>
      %gather3A_1237 = tpu.dynamic_gather %max3A_1224[%gather3A_1236] in [0] : vector<16xf32>, vector<16xi32> -> vector<16xf32>
      %max3A_1238 = arith.maximumf %max3A_1224, %gather3A_1237 : vector<16xf32>
      %sub3A_1239 = arith.subf %get3A_1134, %max3A_1238 : vector<16xf32>
      %exp3A_1240 = math.exp %sub3A_1239 : vector<16xf32>
      %sub3A_1241 = arith.subf %get3A_1137, %max3A_1238 : vector<16xf32>
      %exp3A_1242 = math.exp %sub3A_1241 : vector<16xf32>
      %add3A_1243 = arith.addf %exp3A_1240, %exp3A_1242 : vector<16xf32>
      %sub3A_1244 = arith.subf %get3A_1141, %max3A_1238 : vector<16xf32>
      %exp3A_1245 = math.exp %sub3A_1244 : vector<16xf32>
      %add3A_1246 = arith.addf %add3A_1243, %exp3A_1245 : vector<16xf32>
      %sub3A_1247 = arith.subf %get3A_1145, %max3A_1238 : vector<16xf32>
      %exp3A_1248 = math.exp %sub3A_1247 : vector<16xf32>
      %add3A_1249 = arith.addf %add3A_1246, %exp3A_1248 : vector<16xf32>
      %sub3A_1250 = arith.subf %get3A_1149, %max3A_1238 : vector<16xf32>
      %exp3A_1251 = math.exp %sub3A_1250 : vector<16xf32>
      %add3A_1252 = arith.addf %add3A_1249, %exp3A_1251 : vector<16xf32>
      %sub3A_1253 = arith.subf %get3A_1153, %max3A_1238 : vector<16xf32>
      %exp3A_1254 = math.exp %sub3A_1253 : vector<16xf32>
      %add3A_1255 = arith.addf %add3A_1252, %exp3A_1254 : vector<16xf32>
      %sub3A_1256 = arith.subf %get3A_1157, %max3A_1238 : vector<16xf32>
      %exp3A_1257 = math.exp %sub3A_1256 : vector<16xf32>
      %add3A_1258 = arith.addf %add3A_1255, %exp3A_1257 : vector<16xf32>
      %sub3A_1259 = arith.subf %get3A_1161, %max3A_1238 : vector<16xf32>
      %exp3A_1260 = math.exp %sub3A_1259 : vector<16xf32>
      %add3A_1261 = arith.addf %add3A_1258, %exp3A_1260 : vector<16xf32>
      %sub3A_1262 = arith.subf %get3A_1165, %max3A_1238 : vector<16xf32>
      %exp3A_1263 = math.exp %sub3A_1262 : vector<16xf32>
      %add3A_1264 = arith.addf %add3A_1261, %exp3A_1263 : vector<16xf32>
      %sub3A_1265 = arith.subf %get3A_1169, %max3A_1238 : vector<16xf32>
      %exp3A_1266 = math.exp %sub3A_1265 : vector<16xf32>
      %add3A_1267 = arith.addf %add3A_1264, %exp3A_1266 : vector<16xf32>
      %sub3A_1268 = arith.subf %get3A_1173, %max3A_1238 : vector<16xf32>
      %exp3A_1269 = math.exp %sub3A_1268 : vector<16xf32>
      %add3A_1270 = arith.addf %add3A_1267, %exp3A_1269 : vector<16xf32>
      %sub3A_1271 = arith.subf %get3A_1177, %max3A_1238 : vector<16xf32>
      %exp3A_1272 = math.exp %sub3A_1271 : vector<16xf32>
      %add3A_1273 = arith.addf %add3A_1270, %exp3A_1272 : vector<16xf32>
      %sub3A_1274 = arith.subf %get3A_1181, %max3A_1238 : vector<16xf32>
      %exp3A_1275 = math.exp %sub3A_1274 : vector<16xf32>
      %jit3A_1276 = arith.constant 0.000000e+00 : f32
      %broadcast_in_dim3A_1277 = vector.broadcast %jit3A_1276 : f32 to vector<16xf32>
      %select_n3A_1278 = arith.select %ge3A_39, %exp3A_1275, %broadcast_in_dim3A_1277 : vector<16xi1>, vector<16xf32>
      %add3A_1279 = arith.addf %add3A_1273, %select_n3A_1278 : vector<16xf32>
      %xor3A_1280 = arith.constant 8 : i32
      %xor3A_1281 = vector.broadcast %xor3A_1280 : i32 to vector<16xi32>
      %xor3A_1282 = arith.xori %iota3A, %xor3A_1281 : vector<16xi32>
      %lt3A_1283 = arith.constant 0 : i32
      %lt3A_1284 = vector.broadcast %lt3A_1283 : i32 to vector<16xi32>
      %lt3A_1285 = arith.cmpi slt, %xor3A_1282, %lt3A_1284 : vector<16xi32>
      %add3A_1286 = arith.constant 16 : i32
      %add3A_1287 = vector.broadcast %add3A_1286 : i32 to vector<16xi32>
      %add3A_1288 = arith.addi %xor3A_1282, %add3A_1287 : vector<16xi32>
      %select_n3A_1289 = arith.select %lt3A_1285, %add3A_1288, %xor3A_1282 : vector<16xi1>, vector<16xi32>
      %broadcast_in_dim3A_1290 = vector.shape_cast %select_n3A_1289 : vector<16xi32> to vector<16x1xi32>
      %gather3A_1291 = vector.shape_cast %broadcast_in_dim3A_1290 : vector<16x1xi32> to vector<16xi32>
      %gather3A_1292 = tpu.dynamic_gather %add3A_1279[%gather3A_1291] in [0] : vector<16xf32>, vector<16xi32> -> vector<16xf32>
      %add3A_1293 = arith.addf %add3A_1279, %gather3A_1292 : vector<16xf32>
      %xor3A_1294 = arith.constant 4 : i32
      %xor3A_1295 = vector.broadcast %xor3A_1294 : i32 to vector<16xi32>
      %xor3A_1296 = arith.xori %iota3A, %xor3A_1295 : vector<16xi32>
      %lt3A_1297 = arith.constant 0 : i32
      %lt3A_1298 = vector.broadcast %lt3A_1297 : i32 to vector<16xi32>
      %lt3A_1299 = arith.cmpi slt, %xor3A_1296, %lt3A_1298 : vector<16xi32>
      %add3A_1300 = arith.constant 16 : i32
      %add3A_1301 = vector.broadcast %add3A_1300 : i32 to vector<16xi32>
      %add3A_1302 = arith.addi %xor3A_1296, %add3A_1301 : vector<16xi32>
      %select_n3A_1303 = arith.select %lt3A_1299, %add3A_1302, %xor3A_1296 : vector<16xi1>, vector<16xi32>
      %broadcast_in_dim3A_1304 = vector.shape_cast %select_n3A_1303 : vector<16xi32> to vector<16x1xi32>
      %gather3A_1305 = vector.shape_cast %broadcast_in_dim3A_1304 : vector<16x1xi32> to vector<16xi32>
      %gather3A_1306 = tpu.dynamic_gather %add3A_1293[%gather3A_1305] in [0] : vector<16xf32>, vector<16xi32> -> vector<16xf32>
      %add3A_1307 = arith.addf %add3A_1293, %gather3A_1306 : vector<16xf32>
      %xor3A_1308 = arith.constant 2 : i32
      %xor3A_1309 = vector.broadcast %xor3A_1308 : i32 to vector<16xi32>
      %xor3A_1310 = arith.xori %iota3A, %xor3A_1309 : vector<16xi32>
      %lt3A_1311 = arith.constant 0 : i32
      %lt3A_1312 = vector.broadcast %lt3A_1311 : i32 to vector<16xi32>
      %lt3A_1313 = arith.cmpi slt, %xor3A_1310, %lt3A_1312 : vector<16xi32>
      %add3A_1314 = arith.constant 16 : i32
      %add3A_1315 = vector.broadcast %add3A_1314 : i32 to vector<16xi32>
      %add3A_1316 = arith.addi %xor3A_1310, %add3A_1315 : vector<16xi32>
      %select_n3A_1317 = arith.select %lt3A_1313, %add3A_1316, %xor3A_1310 : vector<16xi1>, vector<16xi32>
      %broadcast_in_dim3A_1318 = vector.shape_cast %select_n3A_1317 : vector<16xi32> to vector<16x1xi32>
      %gather3A_1319 = vector.shape_cast %broadcast_in_dim3A_1318 : vector<16x1xi32> to vector<16xi32>
      %gather3A_1320 = tpu.dynamic_gather %add3A_1307[%gather3A_1319] in [0] : vector<16xf32>, vector<16xi32> -> vector<16xf32>
      %add3A_1321 = arith.addf %add3A_1307, %gather3A_1320 : vector<16xf32>
      %xor3A_1322 = arith.constant 1 : i32
      %xor3A_1323 = vector.broadcast %xor3A_1322 : i32 to vector<16xi32>
      %xor3A_1324 = arith.xori %iota3A, %xor3A_1323 : vector<16xi32>
      %lt3A_1325 = arith.constant 0 : i32
      %lt3A_1326 = vector.broadcast %lt3A_1325 : i32 to vector<16xi32>
      %lt3A_1327 = arith.cmpi slt, %xor3A_1324, %lt3A_1326 : vector<16xi32>
      %add3A_1328 = arith.constant 16 : i32
      %add3A_1329 = vector.broadcast %add3A_1328 : i32 to vector<16xi32>
      %add3A_1330 = arith.addi %xor3A_1324, %add3A_1329 : vector<16xi32>
      %select_n3A_1331 = arith.select %lt3A_1327, %add3A_1330, %xor3A_1324 : vector<16xi1>, vector<16xi32>
      %broadcast_in_dim3A_1332 = vector.shape_cast %select_n3A_1331 : vector<16xi32> to vector<16x1xi32>
      %gather3A_1333 = vector.shape_cast %broadcast_in_dim3A_1332 : vector<16x1xi32> to vector<16xi32>
      %gather3A_1334 = tpu.dynamic_gather %add3A_1321[%gather3A_1333] in [0] : vector<16xf32>, vector<16xi32> -> vector<16xf32>
      %add3A_1335 = arith.addf %add3A_1321, %gather3A_1334 : vector<16xf32>
      %eq3A_1336 = arith.constant 5 : i32
      %eq3A_1337 = vector.broadcast %eq3A_1336 : i32 to vector<16xi32>
      %eq3A_1338 = arith.cmpi eq, %iota3A, %eq3A_1337 : vector<16xi32>
      %select_n3A_1339 = arith.select %eq3A_1338, %max3A_1238, %select_n3A_1124 : vector<16xi1>, vector<16xf32>
      %select_n3A_1340 = arith.select %eq3A_1338, %add3A_1335, %select_n3A_1125 : vector<16xi1>, vector<16xf32>
      %slice3A_1341 = vector.extract_strided_slice %get3A_1134 {offsets = [0], sizes = [1], strides = [1]} : vector<16xf32> to vector<1xf32>
      %squeeze3A_1342 = vector.extract %slice3A_1341[0] : f32 from vector<1xf32>
      %broadcast_in_dim3A_1343 = vector.broadcast %squeeze3A_1342 : f32 to vector<16xf32>
      %select_n3A_1344 = arith.select %eq3A_1338, %broadcast_in_dim3A_1343, %select_n3A_1129 : vector<16xi1>, vector<16xf32>
      %add3A_1345 = arith.constant 6 : i32
      %add3A_1346 = arith.addi %mul3A_55, %add3A_1345 : i32
      %get3A_1347 = arith.index_cast %add3A_1346 : i32 to index
      %get3A_1348 = arith.constant 0 : index
      %get3A_1349 = tpu.vector_load %arg8[%get3A_1347, %get3A_1348] {strides = array<i32>} : memref<256x200xf32, #tpu.memory_space<vmem>>, vector<16xf32>,
      %get3A_1350 = arith.index_cast %add3A_1346 : i32 to index
      %get3A_1351 = arith.constant 16 : index
      %get3A_1352 = tpu.vector_load %arg8[%get3A_1350, %get3A_1351] {strides = array<i32>} : memref<256x200xf32, #tpu.memory_space<vmem>>, vector<16xf32>,
      %max3A_1353 = arith.maximumf %get3A_1349, %get3A_1352 : vector<16xf32>
      %get3A_1354 = arith.index_cast %add3A_1346 : i32 to index
      %get3A_1355 = arith.constant 32 : index
      %get3A_1356 = tpu.vector_load %arg8[%get3A_1354, %get3A_1355] {strides = array<i32>} : memref<256x200xf32, #tpu.memory_space<vmem>>, vector<16xf32>,
      %max3A_1357 = arith.maximumf %max3A_1353, %get3A_1356 : vector<16xf32>
      %get3A_1358 = arith.index_cast %add3A_1346 : i32 to index
      %get3A_1359 = arith.constant 48 : index
      %get3A_1360 = tpu.vector_load %arg8[%get3A_1358, %get3A_1359] {strides = array<i32>} : memref<256x200xf32, #tpu.memory_space<vmem>>, vector<16xf32>,
      %max3A_1361 = arith.maximumf %max3A_1357, %get3A_1360 : vector<16xf32>
      %get3A_1362 = arith.index_cast %add3A_1346 : i32 to index
      %get3A_1363 = arith.constant 64 : index
      %get3A_1364 = tpu.vector_load %arg8[%get3A_1362, %get3A_1363] {strides = array<i32>} : memref<256x200xf32, #tpu.memory_space<vmem>>, vector<16xf32>,
      %max3A_1365 = arith.maximumf %max3A_1361, %get3A_1364 : vector<16xf32>
      %get3A_1366 = arith.index_cast %add3A_1346 : i32 to index
      %get3A_1367 = arith.constant 80 : index
      %get3A_1368 = tpu.vector_load %arg8[%get3A_1366, %get3A_1367] {strides = array<i32>} : memref<256x200xf32, #tpu.memory_space<vmem>>, vector<16xf32>,
      %max3A_1369 = arith.maximumf %max3A_1365, %get3A_1368 : vector<16xf32>
      %get3A_1370 = arith.index_cast %add3A_1346 : i32 to index
      %get3A_1371 = arith.constant 96 : index
      %get3A_1372 = tpu.vector_load %arg8[%get3A_1370, %get3A_1371] {strides = array<i32>} : memref<256x200xf32, #tpu.memory_space<vmem>>, vector<16xf32>,
      %max3A_1373 = arith.maximumf %max3A_1369, %get3A_1372 : vector<16xf32>
      %get3A_1374 = arith.index_cast %add3A_1346 : i32 to index
      %get3A_1375 = arith.constant 112 : index
      %get3A_1376 = tpu.vector_load %arg8[%get3A_1374, %get3A_1375] {strides = array<i32>} : memref<256x200xf32, #tpu.memory_space<vmem>>, vector<16xf32>,
      %max3A_1377 = arith.maximumf %max3A_1373, %get3A_1376 : vector<16xf32>
      %get3A_1378 = arith.index_cast %add3A_1346 : i32 to index
      %get3A_1379 = arith.constant 128 : index
      %get3A_1380 = tpu.vector_load %arg8[%get3A_1378, %get3A_1379] {strides = array<i32>} : memref<256x200xf32, #tpu.memory_space<vmem>>, vector<16xf32>,
      %max3A_1381 = arith.maximumf %max3A_1377, %get3A_1380 : vector<16xf32>
      %get3A_1382 = arith.index_cast %add3A_1346 : i32 to index
      %get3A_1383 = arith.constant 144 : index
      %get3A_1384 = tpu.vector_load %arg8[%get3A_1382, %get3A_1383] {strides = array<i32>} : memref<256x200xf32, #tpu.memory_space<vmem>>, vector<16xf32>,
      %max3A_1385 = arith.maximumf %max3A_1381, %get3A_1384 : vector<16xf32>
      %get3A_1386 = arith.index_cast %add3A_1346 : i32 to index
      %get3A_1387 = arith.constant 160 : index
      %get3A_1388 = tpu.vector_load %arg8[%get3A_1386, %get3A_1387] {strides = array<i32>} : memref<256x200xf32, #tpu.memory_space<vmem>>, vector<16xf32>,
      %max3A_1389 = arith.maximumf %max3A_1385, %get3A_1388 : vector<16xf32>
      %get3A_1390 = arith.index_cast %add3A_1346 : i32 to index
      %get3A_1391 = arith.constant 176 : index
      %get3A_1392 = tpu.vector_load %arg8[%get3A_1390, %get3A_1391] {strides = array<i32>} : memref<256x200xf32, #tpu.memory_space<vmem>>, vector<16xf32>,
      %max3A_1393 = arith.maximumf %max3A_1389, %get3A_1392 : vector<16xf32>
      %get3A_1394 = arith.index_cast %add3A_1346 : i32 to index
      %get3A_1395 = arith.constant 184 : index
      %get3A_1396 = tpu.vector_load %arg8[%get3A_1394, %get3A_1395] {strides = array<i32>} : memref<256x200xf32, #tpu.memory_space<vmem>>, vector<16xf32>,
      %max3A_1397 = arith.maximumf %max3A_1393, %get3A_1396 : vector<16xf32>
      %xor3A_1398 = arith.constant 8 : i32
      %xor3A_1399 = vector.broadcast %xor3A_1398 : i32 to vector<16xi32>
      %xor3A_1400 = arith.xori %iota3A, %xor3A_1399 : vector<16xi32>
      %lt3A_1401 = arith.constant 0 : i32
      %lt3A_1402 = vector.broadcast %lt3A_1401 : i32 to vector<16xi32>
      %lt3A_1403 = arith.cmpi slt, %xor3A_1400, %lt3A_1402 : vector<16xi32>
      %add3A_1404 = arith.constant 16 : i32
      %add3A_1405 = vector.broadcast %add3A_1404 : i32 to vector<16xi32>
      %add3A_1406 = arith.addi %xor3A_1400, %add3A_1405 : vector<16xi32>
      %select_n3A_1407 = arith.select %lt3A_1403, %add3A_1406, %xor3A_1400 : vector<16xi1>, vector<16xi32>
      %broadcast_in_dim3A_1408 = vector.shape_cast %select_n3A_1407 : vector<16xi32> to vector<16x1xi32>
      %gather3A_1409 = vector.shape_cast %broadcast_in_dim3A_1408 : vector<16x1xi32> to vector<16xi32>
      %gather3A_1410 = tpu.dynamic_gather %max3A_1397[%gather3A_1409] in [0] : vector<16xf32>, vector<16xi32> -> vector<16xf32>
      %max3A_1411 = arith.maximumf %max3A_1397, %gather3A_1410 : vector<16xf32>
      %xor3A_1412 = arith.constant 4 : i32
      %xor3A_1413 = vector.broadcast %xor3A_1412 : i32 to vector<16xi32>
      %xor3A_1414 = arith.xori %iota3A, %xor3A_1413 : vector<16xi32>
      %lt3A_1415 = arith.constant 0 : i32
      %lt3A_1416 = vector.broadcast %lt3A_1415 : i32 to vector<16xi32>
      %lt3A_1417 = arith.cmpi slt, %xor3A_1414, %lt3A_1416 : vector<16xi32>
      %add3A_1418 = arith.constant 16 : i32
      %add3A_1419 = vector.broadcast %add3A_1418 : i32 to vector<16xi32>
      %add3A_1420 = arith.addi %xor3A_1414, %add3A_1419 : vector<16xi32>
      %select_n3A_1421 = arith.select %lt3A_1417, %add3A_1420, %xor3A_1414 : vector<16xi1>, vector<16xi32>
      %broadcast_in_dim3A_1422 = vector.shape_cast %select_n3A_1421 : vector<16xi32> to vector<16x1xi32>
      %gather3A_1423 = vector.shape_cast %broadcast_in_dim3A_1422 : vector<16x1xi32> to vector<16xi32>
      %gather3A_1424 = tpu.dynamic_gather %max3A_1411[%gather3A_1423] in [0] : vector<16xf32>, vector<16xi32> -> vector<16xf32>
      %max3A_1425 = arith.maximumf %max3A_1411, %gather3A_1424 : vector<16xf32>
      %xor3A_1426 = arith.constant 2 : i32
      %xor3A_1427 = vector.broadcast %xor3A_1426 : i32 to vector<16xi32>
      %xor3A_1428 = arith.xori %iota3A, %xor3A_1427 : vector<16xi32>
      %lt3A_1429 = arith.constant 0 : i32
      %lt3A_1430 = vector.broadcast %lt3A_1429 : i32 to vector<16xi32>
      %lt3A_1431 = arith.cmpi slt, %xor3A_1428, %lt3A_1430 : vector<16xi32>
      %add3A_1432 = arith.constant 16 : i32
      %add3A_1433 = vector.broadcast %add3A_1432 : i32 to vector<16xi32>
      %add3A_1434 = arith.addi %xor3A_1428, %add3A_1433 : vector<16xi32>
      %select_n3A_1435 = arith.select %lt3A_1431, %add3A_1434, %xor3A_1428 : vector<16xi1>, vector<16xi32>
      %broadcast_in_dim3A_1436 = vector.shape_cast %select_n3A_1435 : vector<16xi32> to vector<16x1xi32>
      %gather3A_1437 = vector.shape_cast %broadcast_in_dim3A_1436 : vector<16x1xi32> to vector<16xi32>
      %gather3A_1438 = tpu.dynamic_gather %max3A_1425[%gather3A_1437] in [0] : vector<16xf32>, vector<16xi32> -> vector<16xf32>
      %max3A_1439 = arith.maximumf %max3A_1425, %gather3A_1438 : vector<16xf32>
      %xor3A_1440 = arith.constant 1 : i32
      %xor3A_1441 = vector.broadcast %xor3A_1440 : i32 to vector<16xi32>
      %xor3A_1442 = arith.xori %iota3A, %xor3A_1441 : vector<16xi32>
      %lt3A_1443 = arith.constant 0 : i32
      %lt3A_1444 = vector.broadcast %lt3A_1443 : i32 to vector<16xi32>
      %lt3A_1445 = arith.cmpi slt, %xor3A_1442, %lt3A_1444 : vector<16xi32>
      %add3A_1446 = arith.constant 16 : i32
      %add3A_1447 = vector.broadcast %add3A_1446 : i32 to vector<16xi32>
      %add3A_1448 = arith.addi %xor3A_1442, %add3A_1447 : vector<16xi32>
      %select_n3A_1449 = arith.select %lt3A_1445, %add3A_1448, %xor3A_1442 : vector<16xi1>, vector<16xi32>
      %broadcast_in_dim3A_1450 = vector.shape_cast %select_n3A_1449 : vector<16xi32> to vector<16x1xi32>
      %gather3A_1451 = vector.shape_cast %broadcast_in_dim3A_1450 : vector<16x1xi32> to vector<16xi32>
      %gather3A_1452 = tpu.dynamic_gather %max3A_1439[%gather3A_1451] in [0] : vector<16xf32>, vector<16xi32> -> vector<16xf32>
      %max3A_1453 = arith.maximumf %max3A_1439, %gather3A_1452 : vector<16xf32>
      %sub3A_1454 = arith.subf %get3A_1349, %max3A_1453 : vector<16xf32>
      %exp3A_1455 = math.exp %sub3A_1454 : vector<16xf32>
      %sub3A_1456 = arith.subf %get3A_1352, %max3A_1453 : vector<16xf32>
      %exp3A_1457 = math.exp %sub3A_1456 : vector<16xf32>
      %add3A_1458 = arith.addf %exp3A_1455, %exp3A_1457 : vector<16xf32>
      %sub3A_1459 = arith.subf %get3A_1356, %max3A_1453 : vector<16xf32>
      %exp3A_1460 = math.exp %sub3A_1459 : vector<16xf32>
      %add3A_1461 = arith.addf %add3A_1458, %exp3A_1460 : vector<16xf32>
      %sub3A_1462 = arith.subf %get3A_1360, %max3A_1453 : vector<16xf32>
      %exp3A_1463 = math.exp %sub3A_1462 : vector<16xf32>
      %add3A_1464 = arith.addf %add3A_1461, %exp3A_1463 : vector<16xf32>
      %sub3A_1465 = arith.subf %get3A_1364, %max3A_1453 : vector<16xf32>
      %exp3A_1466 = math.exp %sub3A_1465 : vector<16xf32>
      %add3A_1467 = arith.addf %add3A_1464, %exp3A_1466 : vector<16xf32>
      %sub3A_1468 = arith.subf %get3A_1368, %max3A_1453 : vector<16xf32>
      %exp3A_1469 = math.exp %sub3A_1468 : vector<16xf32>
      %add3A_1470 = arith.addf %add3A_1467, %exp3A_1469 : vector<16xf32>
      %sub3A_1471 = arith.subf %get3A_1372, %max3A_1453 : vector<16xf32>
      %exp3A_1472 = math.exp %sub3A_1471 : vector<16xf32>
      %add3A_1473 = arith.addf %add3A_1470, %exp3A_1472 : vector<16xf32>
      %sub3A_1474 = arith.subf %get3A_1376, %max3A_1453 : vector<16xf32>
      %exp3A_1475 = math.exp %sub3A_1474 : vector<16xf32>
      %add3A_1476 = arith.addf %add3A_1473, %exp3A_1475 : vector<16xf32>
      %sub3A_1477 = arith.subf %get3A_1380, %max3A_1453 : vector<16xf32>
      %exp3A_1478 = math.exp %sub3A_1477 : vector<16xf32>
      %add3A_1479 = arith.addf %add3A_1476, %exp3A_1478 : vector<16xf32>
      %sub3A_1480 = arith.subf %get3A_1384, %max3A_1453 : vector<16xf32>
      %exp3A_1481 = math.exp %sub3A_1480 : vector<16xf32>
      %add3A_1482 = arith.addf %add3A_1479, %exp3A_1481 : vector<16xf32>
      %sub3A_1483 = arith.subf %get3A_1388, %max3A_1453 : vector<16xf32>
      %exp3A_1484 = math.exp %sub3A_1483 : vector<16xf32>
      %add3A_1485 = arith.addf %add3A_1482, %exp3A_1484 : vector<16xf32>
      %sub3A_1486 = arith.subf %get3A_1392, %max3A_1453 : vector<16xf32>
      %exp3A_1487 = math.exp %sub3A_1486 : vector<16xf32>
      %add3A_1488 = arith.addf %add3A_1485, %exp3A_1487 : vector<16xf32>
      %sub3A_1489 = arith.subf %get3A_1396, %max3A_1453 : vector<16xf32>
      %exp3A_1490 = math.exp %sub3A_1489 : vector<16xf32>
      %jit3A_1491 = arith.constant 0.000000e+00 : f32
      %broadcast_in_dim3A_1492 = vector.broadcast %jit3A_1491 : f32 to vector<16xf32>
      %select_n3A_1493 = arith.select %ge3A_39, %exp3A_1490, %broadcast_in_dim3A_1492 : vector<16xi1>, vector<16xf32>
      %add3A_1494 = arith.addf %add3A_1488, %select_n3A_1493 : vector<16xf32>
      %xor3A_1495 = arith.constant 8 : i32
      %xor3A_1496 = vector.broadcast %xor3A_1495 : i32 to vector<16xi32>
      %xor3A_1497 = arith.xori %iota3A, %xor3A_1496 : vector<16xi32>
      %lt3A_1498 = arith.constant 0 : i32
      %lt3A_1499 = vector.broadcast %lt3A_1498 : i32 to vector<16xi32>
      %lt3A_1500 = arith.cmpi slt, %xor3A_1497, %lt3A_1499 : vector<16xi32>
      %add3A_1501 = arith.constant 16 : i32
      %add3A_1502 = vector.broadcast %add3A_1501 : i32 to vector<16xi32>
      %add3A_1503 = arith.addi %xor3A_1497, %add3A_1502 : vector<16xi32>
      %select_n3A_1504 = arith.select %lt3A_1500, %add3A_1503, %xor3A_1497 : vector<16xi1>, vector<16xi32>
      %broadcast_in_dim3A_1505 = vector.shape_cast %select_n3A_1504 : vector<16xi32> to vector<16x1xi32>
      %gather3A_1506 = vector.shape_cast %broadcast_in_dim3A_1505 : vector<16x1xi32> to vector<16xi32>
      %gather3A_1507 = tpu.dynamic_gather %add3A_1494[%gather3A_1506] in [0] : vector<16xf32>, vector<16xi32> -> vector<16xf32>
      %add3A_1508 = arith.addf %add3A_1494, %gather3A_1507 : vector<16xf32>
      %xor3A_1509 = arith.constant 4 : i32
      %xor3A_1510 = vector.broadcast %xor3A_1509 : i32 to vector<16xi32>
      %xor3A_1511 = arith.xori %iota3A, %xor3A_1510 : vector<16xi32>
      %lt3A_1512 = arith.constant 0 : i32
      %lt3A_1513 = vector.broadcast %lt3A_1512 : i32 to vector<16xi32>
      %lt3A_1514 = arith.cmpi slt, %xor3A_1511, %lt3A_1513 : vector<16xi32>
      %add3A_1515 = arith.constant 16 : i32
      %add3A_1516 = vector.broadcast %add3A_1515 : i32 to vector<16xi32>
      %add3A_1517 = arith.addi %xor3A_1511, %add3A_1516 : vector<16xi32>
      %select_n3A_1518 = arith.select %lt3A_1514, %add3A_1517, %xor3A_1511 : vector<16xi1>, vector<16xi32>
      %broadcast_in_dim3A_1519 = vector.shape_cast %select_n3A_1518 : vector<16xi32> to vector<16x1xi32>
      %gather3A_1520 = vector.shape_cast %broadcast_in_dim3A_1519 : vector<16x1xi32> to vector<16xi32>
      %gather3A_1521 = tpu.dynamic_gather %add3A_1508[%gather3A_1520] in [0] : vector<16xf32>, vector<16xi32> -> vector<16xf32>
      %add3A_1522 = arith.addf %add3A_1508, %gather3A_1521 : vector<16xf32>
      %xor3A_1523 = arith.constant 2 : i32
      %xor3A_1524 = vector.broadcast %xor3A_1523 : i32 to vector<16xi32>
      %xor3A_1525 = arith.xori %iota3A, %xor3A_1524 : vector<16xi32>
      %lt3A_1526 = arith.constant 0 : i32
      %lt3A_1527 = vector.broadcast %lt3A_1526 : i32 to vector<16xi32>
      %lt3A_1528 = arith.cmpi slt, %xor3A_1525, %lt3A_1527 : vector<16xi32>
      %add3A_1529 = arith.constant 16 : i32
      %add3A_1530 = vector.broadcast %add3A_1529 : i32 to vector<16xi32>
      %add3A_1531 = arith.addi %xor3A_1525, %add3A_1530 : vector<16xi32>
      %select_n3A_1532 = arith.select %lt3A_1528, %add3A_1531, %xor3A_1525 : vector<16xi1>, vector<16xi32>
      %broadcast_in_dim3A_1533 = vector.shape_cast %select_n3A_1532 : vector<16xi32> to vector<16x1xi32>
      %gather3A_1534 = vector.shape_cast %broadcast_in_dim3A_1533 : vector<16x1xi32> to vector<16xi32>
      %gather3A_1535 = tpu.dynamic_gather %add3A_1522[%gather3A_1534] in [0] : vector<16xf32>, vector<16xi32> -> vector<16xf32>
      %add3A_1536 = arith.addf %add3A_1522, %gather3A_1535 : vector<16xf32>
      %xor3A_1537 = arith.constant 1 : i32
      %xor3A_1538 = vector.broadcast %xor3A_1537 : i32 to vector<16xi32>
      %xor3A_1539 = arith.xori %iota3A, %xor3A_1538 : vector<16xi32>
      %lt3A_1540 = arith.constant 0 : i32
      %lt3A_1541 = vector.broadcast %lt3A_1540 : i32 to vector<16xi32>
      %lt3A_1542 = arith.cmpi slt, %xor3A_1539, %lt3A_1541 : vector<16xi32>
      %add3A_1543 = arith.constant 16 : i32
      %add3A_1544 = vector.broadcast %add3A_1543 : i32 to vector<16xi32>
      %add3A_1545 = arith.addi %xor3A_1539, %add3A_1544 : vector<16xi32>
      %select_n3A_1546 = arith.select %lt3A_1542, %add3A_1545, %xor3A_1539 : vector<16xi1>, vector<16xi32>
      %broadcast_in_dim3A_1547 = vector.shape_cast %select_n3A_1546 : vector<16xi32> to vector<16x1xi32>
      %gather3A_1548 = vector.shape_cast %broadcast_in_dim3A_1547 : vector<16x1xi32> to vector<16xi32>
      %gather3A_1549 = tpu.dynamic_gather %add3A_1536[%gather3A_1548] in [0] : vector<16xf32>, vector<16xi32> -> vector<16xf32>
      %add3A_1550 = arith.addf %add3A_1536, %gather3A_1549 : vector<16xf32>
      %eq3A_1551 = arith.constant 6 : i32
      %eq3A_1552 = vector.broadcast %eq3A_1551 : i32 to vector<16xi32>
      %eq3A_1553 = arith.cmpi eq, %iota3A, %eq3A_1552 : vector<16xi32>
      %select_n3A_1554 = arith.select %eq3A_1553, %max3A_1453, %select_n3A_1339 : vector<16xi1>, vector<16xf32>
      %select_n3A_1555 = arith.select %eq3A_1553, %add3A_1550, %select_n3A_1340 : vector<16xi1>, vector<16xf32>
      %slice3A_1556 = vector.extract_strided_slice %get3A_1349 {offsets = [0], sizes = [1], strides = [1]} : vector<16xf32> to vector<1xf32>
      %squeeze3A_1557 = vector.extract %slice3A_1556[0] : f32 from vector<1xf32>
      %broadcast_in_dim3A_1558 = vector.broadcast %squeeze3A_1557 : f32 to vector<16xf32>
      %select_n3A_1559 = arith.select %eq3A_1553, %broadcast_in_dim3A_1558, %select_n3A_1344 : vector<16xi1>, vector<16xf32>
      %add3A_1560 = arith.constant 7 : i32
      %add3A_1561 = arith.addi %mul3A_55, %add3A_1560 : i32
      %get3A_1562 = arith.index_cast %add3A_1561 : i32 to index
      %get3A_1563 = arith.constant 0 : index
      %get3A_1564 = tpu.vector_load %arg8[%get3A_1562, %get3A_1563] {strides = array<i32>} : memref<256x200xf32, #tpu.memory_space<vmem>>, vector<16xf32>,
      %get3A_1565 = arith.index_cast %add3A_1561 : i32 to index
      %get3A_1566 = arith.constant 16 : index
      %get3A_1567 = tpu.vector_load %arg8[%get3A_1565, %get3A_1566] {strides = array<i32>} : memref<256x200xf32, #tpu.memory_space<vmem>>, vector<16xf32>,
      %max3A_1568 = arith.maximumf %get3A_1564, %get3A_1567 : vector<16xf32>
      %get3A_1569 = arith.index_cast %add3A_1561 : i32 to index
      %get3A_1570 = arith.constant 32 : index
      %get3A_1571 = tpu.vector_load %arg8[%get3A_1569, %get3A_1570] {strides = array<i32>} : memref<256x200xf32, #tpu.memory_space<vmem>>, vector<16xf32>,
      %max3A_1572 = arith.maximumf %max3A_1568, %get3A_1571 : vector<16xf32>
      %get3A_1573 = arith.index_cast %add3A_1561 : i32 to index
      %get3A_1574 = arith.constant 48 : index
      %get3A_1575 = tpu.vector_load %arg8[%get3A_1573, %get3A_1574] {strides = array<i32>} : memref<256x200xf32, #tpu.memory_space<vmem>>, vector<16xf32>,
      %max3A_1576 = arith.maximumf %max3A_1572, %get3A_1575 : vector<16xf32>
      %get3A_1577 = arith.index_cast %add3A_1561 : i32 to index
      %get3A_1578 = arith.constant 64 : index
      %get3A_1579 = tpu.vector_load %arg8[%get3A_1577, %get3A_1578] {strides = array<i32>} : memref<256x200xf32, #tpu.memory_space<vmem>>, vector<16xf32>,
      %max3A_1580 = arith.maximumf %max3A_1576, %get3A_1579 : vector<16xf32>
      %get3A_1581 = arith.index_cast %add3A_1561 : i32 to index
      %get3A_1582 = arith.constant 80 : index
      %get3A_1583 = tpu.vector_load %arg8[%get3A_1581, %get3A_1582] {strides = array<i32>} : memref<256x200xf32, #tpu.memory_space<vmem>>, vector<16xf32>,
      %max3A_1584 = arith.maximumf %max3A_1580, %get3A_1583 : vector<16xf32>
      %get3A_1585 = arith.index_cast %add3A_1561 : i32 to index
      %get3A_1586 = arith.constant 96 : index
      %get3A_1587 = tpu.vector_load %arg8[%get3A_1585, %get3A_1586] {strides = array<i32>} : memref<256x200xf32, #tpu.memory_space<vmem>>, vector<16xf32>,
      %max3A_1588 = arith.maximumf %max3A_1584, %get3A_1587 : vector<16xf32>
      %get3A_1589 = arith.index_cast %add3A_1561 : i32 to index
      %get3A_1590 = arith.constant 112 : index
      %get3A_1591 = tpu.vector_load %arg8[%get3A_1589, %get3A_1590] {strides = array<i32>} : memref<256x200xf32, #tpu.memory_space<vmem>>, vector<16xf32>,
      %max3A_1592 = arith.maximumf %max3A_1588, %get3A_1591 : vector<16xf32>
      %get3A_1593 = arith.index_cast %add3A_1561 : i32 to index
      %get3A_1594 = arith.constant 128 : index
      %get3A_1595 = tpu.vector_load %arg8[%get3A_1593, %get3A_1594] {strides = array<i32>} : memref<256x200xf32, #tpu.memory_space<vmem>>, vector<16xf32>,
      %max3A_1596 = arith.maximumf %max3A_1592, %get3A_1595 : vector<16xf32>
      %get3A_1597 = arith.index_cast %add3A_1561 : i32 to index
      %get3A_1598 = arith.constant 144 : index
      %get3A_1599 = tpu.vector_load %arg8[%get3A_1597, %get3A_1598] {strides = array<i32>} : memref<256x200xf32, #tpu.memory_space<vmem>>, vector<16xf32>,
      %max3A_1600 = arith.maximumf %max3A_1596, %get3A_1599 : vector<16xf32>
      %get3A_1601 = arith.index_cast %add3A_1561 : i32 to index
      %get3A_1602 = arith.constant 160 : index
      %get3A_1603 = tpu.vector_load %arg8[%get3A_1601, %get3A_1602] {strides = array<i32>} : memref<256x200xf32, #tpu.memory_space<vmem>>, vector<16xf32>,
      %max3A_1604 = arith.maximumf %max3A_1600, %get3A_1603 : vector<16xf32>
      %get3A_1605 = arith.index_cast %add3A_1561 : i32 to index
      %get3A_1606 = arith.constant 176 : index
      %get3A_1607 = tpu.vector_load %arg8[%get3A_1605, %get3A_1606] {strides = array<i32>} : memref<256x200xf32, #tpu.memory_space<vmem>>, vector<16xf32>,
      %max3A_1608 = arith.maximumf %max3A_1604, %get3A_1607 : vector<16xf32>
      %get3A_1609 = arith.index_cast %add3A_1561 : i32 to index
      %get3A_1610 = arith.constant 184 : index
      %get3A_1611 = tpu.vector_load %arg8[%get3A_1609, %get3A_1610] {strides = array<i32>} : memref<256x200xf32, #tpu.memory_space<vmem>>, vector<16xf32>,
      %max3A_1612 = arith.maximumf %max3A_1608, %get3A_1611 : vector<16xf32>
      %xor3A_1613 = arith.constant 8 : i32
      %xor3A_1614 = vector.broadcast %xor3A_1613 : i32 to vector<16xi32>
      %xor3A_1615 = arith.xori %iota3A, %xor3A_1614 : vector<16xi32>
      %lt3A_1616 = arith.constant 0 : i32
      %lt3A_1617 = vector.broadcast %lt3A_1616 : i32 to vector<16xi32>
      %lt3A_1618 = arith.cmpi slt, %xor3A_1615, %lt3A_1617 : vector<16xi32>
      %add3A_1619 = arith.constant 16 : i32
      %add3A_1620 = vector.broadcast %add3A_1619 : i32 to vector<16xi32>
      %add3A_1621 = arith.addi %xor3A_1615, %add3A_1620 : vector<16xi32>
      %select_n3A_1622 = arith.select %lt3A_1618, %add3A_1621, %xor3A_1615 : vector<16xi1>, vector<16xi32>
      %broadcast_in_dim3A_1623 = vector.shape_cast %select_n3A_1622 : vector<16xi32> to vector<16x1xi32>
      %gather3A_1624 = vector.shape_cast %broadcast_in_dim3A_1623 : vector<16x1xi32> to vector<16xi32>
      %gather3A_1625 = tpu.dynamic_gather %max3A_1612[%gather3A_1624] in [0] : vector<16xf32>, vector<16xi32> -> vector<16xf32>
      %max3A_1626 = arith.maximumf %max3A_1612, %gather3A_1625 : vector<16xf32>
      %xor3A_1627 = arith.constant 4 : i32
      %xor3A_1628 = vector.broadcast %xor3A_1627 : i32 to vector<16xi32>
      %xor3A_1629 = arith.xori %iota3A, %xor3A_1628 : vector<16xi32>
      %lt3A_1630 = arith.constant 0 : i32
      %lt3A_1631 = vector.broadcast %lt3A_1630 : i32 to vector<16xi32>
      %lt3A_1632 = arith.cmpi slt, %xor3A_1629, %lt3A_1631 : vector<16xi32>
      %add3A_1633 = arith.constant 16 : i32
      %add3A_1634 = vector.broadcast %add3A_1633 : i32 to vector<16xi32>
      %add3A_1635 = arith.addi %xor3A_1629, %add3A_1634 : vector<16xi32>
      %select_n3A_1636 = arith.select %lt3A_1632, %add3A_1635, %xor3A_1629 : vector<16xi1>, vector<16xi32>
      %broadcast_in_dim3A_1637 = vector.shape_cast %select_n3A_1636 : vector<16xi32> to vector<16x1xi32>
      %gather3A_1638 = vector.shape_cast %broadcast_in_dim3A_1637 : vector<16x1xi32> to vector<16xi32>
      %gather3A_1639 = tpu.dynamic_gather %max3A_1626[%gather3A_1638] in [0] : vector<16xf32>, vector<16xi32> -> vector<16xf32>
      %max3A_1640 = arith.maximumf %max3A_1626, %gather3A_1639 : vector<16xf32>
      %xor3A_1641 = arith.constant 2 : i32
      %xor3A_1642 = vector.broadcast %xor3A_1641 : i32 to vector<16xi32>
      %xor3A_1643 = arith.xori %iota3A, %xor3A_1642 : vector<16xi32>
      %lt3A_1644 = arith.constant 0 : i32
      %lt3A_1645 = vector.broadcast %lt3A_1644 : i32 to vector<16xi32>
      %lt3A_1646 = arith.cmpi slt, %xor3A_1643, %lt3A_1645 : vector<16xi32>
      %add3A_1647 = arith.constant 16 : i32
      %add3A_1648 = vector.broadcast %add3A_1647 : i32 to vector<16xi32>
      %add3A_1649 = arith.addi %xor3A_1643, %add3A_1648 : vector<16xi32>
      %select_n3A_1650 = arith.select %lt3A_1646, %add3A_1649, %xor3A_1643 : vector<16xi1>, vector<16xi32>
      %broadcast_in_dim3A_1651 = vector.shape_cast %select_n3A_1650 : vector<16xi32> to vector<16x1xi32>
      %gather3A_1652 = vector.shape_cast %broadcast_in_dim3A_1651 : vector<16x1xi32> to vector<16xi32>
      %gather3A_1653 = tpu.dynamic_gather %max3A_1640[%gather3A_1652] in [0] : vector<16xf32>, vector<16xi32> -> vector<16xf32>
      %max3A_1654 = arith.maximumf %max3A_1640, %gather3A_1653 : vector<16xf32>
      %xor3A_1655 = arith.constant 1 : i32
      %xor3A_1656 = vector.broadcast %xor3A_1655 : i32 to vector<16xi32>
      %xor3A_1657 = arith.xori %iota3A, %xor3A_1656 : vector<16xi32>
      %lt3A_1658 = arith.constant 0 : i32
      %lt3A_1659 = vector.broadcast %lt3A_1658 : i32 to vector<16xi32>
      %lt3A_1660 = arith.cmpi slt, %xor3A_1657, %lt3A_1659 : vector<16xi32>
      %add3A_1661 = arith.constant 16 : i32
      %add3A_1662 = vector.broadcast %add3A_1661 : i32 to vector<16xi32>
      %add3A_1663 = arith.addi %xor3A_1657, %add3A_1662 : vector<16xi32>
      %select_n3A_1664 = arith.select %lt3A_1660, %add3A_1663, %xor3A_1657 : vector<16xi1>, vector<16xi32>
      %broadcast_in_dim3A_1665 = vector.shape_cast %select_n3A_1664 : vector<16xi32> to vector<16x1xi32>
      %gather3A_1666 = vector.shape_cast %broadcast_in_dim3A_1665 : vector<16x1xi32> to vector<16xi32>
      %gather3A_1667 = tpu.dynamic_gather %max3A_1654[%gather3A_1666] in [0] : vector<16xf32>, vector<16xi32> -> vector<16xf32>
      %max3A_1668 = arith.maximumf %max3A_1654, %gather3A_1667 : vector<16xf32>
      %sub3A_1669 = arith.subf %get3A_1564, %max3A_1668 : vector<16xf32>
      %exp3A_1670 = math.exp %sub3A_1669 : vector<16xf32>
      %sub3A_1671 = arith.subf %get3A_1567, %max3A_1668 : vector<16xf32>
      %exp3A_1672 = math.exp %sub3A_1671 : vector<16xf32>
      %add3A_1673 = arith.addf %exp3A_1670, %exp3A_1672 : vector<16xf32>
      %sub3A_1674 = arith.subf %get3A_1571, %max3A_1668 : vector<16xf32>
      %exp3A_1675 = math.exp %sub3A_1674 : vector<16xf32>
      %add3A_1676 = arith.addf %add3A_1673, %exp3A_1675 : vector<16xf32>
      %sub3A_1677 = arith.subf %get3A_1575, %max3A_1668 : vector<16xf32>
      %exp3A_1678 = math.exp %sub3A_1677 : vector<16xf32>
      %add3A_1679 = arith.addf %add3A_1676, %exp3A_1678 : vector<16xf32>
      %sub3A_1680 = arith.subf %get3A_1579, %max3A_1668 : vector<16xf32>
      %exp3A_1681 = math.exp %sub3A_1680 : vector<16xf32>
      %add3A_1682 = arith.addf %add3A_1679, %exp3A_1681 : vector<16xf32>
      %sub3A_1683 = arith.subf %get3A_1583, %max3A_1668 : vector<16xf32>
      %exp3A_1684 = math.exp %sub3A_1683 : vector<16xf32>
      %add3A_1685 = arith.addf %add3A_1682, %exp3A_1684 : vector<16xf32>
      %sub3A_1686 = arith.subf %get3A_1587, %max3A_1668 : vector<16xf32>
      %exp3A_1687 = math.exp %sub3A_1686 : vector<16xf32>
      %add3A_1688 = arith.addf %add3A_1685, %exp3A_1687 : vector<16xf32>
      %sub3A_1689 = arith.subf %get3A_1591, %max3A_1668 : vector<16xf32>
      %exp3A_1690 = math.exp %sub3A_1689 : vector<16xf32>
      %add3A_1691 = arith.addf %add3A_1688, %exp3A_1690 : vector<16xf32>
      %sub3A_1692 = arith.subf %get3A_1595, %max3A_1668 : vector<16xf32>
      %exp3A_1693 = math.exp %sub3A_1692 : vector<16xf32>
      %add3A_1694 = arith.addf %add3A_1691, %exp3A_1693 : vector<16xf32>
      %sub3A_1695 = arith.subf %get3A_1599, %max3A_1668 : vector<16xf32>
      %exp3A_1696 = math.exp %sub3A_1695 : vector<16xf32>
      %add3A_1697 = arith.addf %add3A_1694, %exp3A_1696 : vector<16xf32>
      %sub3A_1698 = arith.subf %get3A_1603, %max3A_1668 : vector<16xf32>
      %exp3A_1699 = math.exp %sub3A_1698 : vector<16xf32>
      %add3A_1700 = arith.addf %add3A_1697, %exp3A_1699 : vector<16xf32>
      %sub3A_1701 = arith.subf %get3A_1607, %max3A_1668 : vector<16xf32>
      %exp3A_1702 = math.exp %sub3A_1701 : vector<16xf32>
      %add3A_1703 = arith.addf %add3A_1700, %exp3A_1702 : vector<16xf32>
      %sub3A_1704 = arith.subf %get3A_1611, %max3A_1668 : vector<16xf32>
      %exp3A_1705 = math.exp %sub3A_1704 : vector<16xf32>
      %jit3A_1706 = arith.constant 0.000000e+00 : f32
      %broadcast_in_dim3A_1707 = vector.broadcast %jit3A_1706 : f32 to vector<16xf32>
      %select_n3A_1708 = arith.select %ge3A_39, %exp3A_1705, %broadcast_in_dim3A_1707 : vector<16xi1>, vector<16xf32>
      %add3A_1709 = arith.addf %add3A_1703, %select_n3A_1708 : vector<16xf32>
      %xor3A_1710 = arith.constant 8 : i32
      %xor3A_1711 = vector.broadcast %xor3A_1710 : i32 to vector<16xi32>
      %xor3A_1712 = arith.xori %iota3A, %xor3A_1711 : vector<16xi32>
      %lt3A_1713 = arith.constant 0 : i32
      %lt3A_1714 = vector.broadcast %lt3A_1713 : i32 to vector<16xi32>
      %lt3A_1715 = arith.cmpi slt, %xor3A_1712, %lt3A_1714 : vector<16xi32>
      %add3A_1716 = arith.constant 16 : i32
      %add3A_1717 = vector.broadcast %add3A_1716 : i32 to vector<16xi32>
      %add3A_1718 = arith.addi %xor3A_1712, %add3A_1717 : vector<16xi32>
      %select_n3A_1719 = arith.select %lt3A_1715, %add3A_1718, %xor3A_1712 : vector<16xi1>, vector<16xi32>
      %broadcast_in_dim3A_1720 = vector.shape_cast %select_n3A_1719 : vector<16xi32> to vector<16x1xi32>
      %gather3A_1721 = vector.shape_cast %broadcast_in_dim3A_1720 : vector<16x1xi32> to vector<16xi32>
      %gather3A_1722 = tpu.dynamic_gather %add3A_1709[%gather3A_1721] in [0] : vector<16xf32>, vector<16xi32> -> vector<16xf32>
      %add3A_1723 = arith.addf %add3A_1709, %gather3A_1722 : vector<16xf32>
      %xor3A_1724 = arith.constant 4 : i32
      %xor3A_1725 = vector.broadcast %xor3A_1724 : i32 to vector<16xi32>
      %xor3A_1726 = arith.xori %iota3A, %xor3A_1725 : vector<16xi32>
      %lt3A_1727 = arith.constant 0 : i32
      %lt3A_1728 = vector.broadcast %lt3A_1727 : i32 to vector<16xi32>
      %lt3A_1729 = arith.cmpi slt, %xor3A_1726, %lt3A_1728 : vector<16xi32>
      %add3A_1730 = arith.constant 16 : i32
      %add3A_1731 = vector.broadcast %add3A_1730 : i32 to vector<16xi32>
      %add3A_1732 = arith.addi %xor3A_1726, %add3A_1731 : vector<16xi32>
      %select_n3A_1733 = arith.select %lt3A_1729, %add3A_1732, %xor3A_1726 : vector<16xi1>, vector<16xi32>
      %broadcast_in_dim3A_1734 = vector.shape_cast %select_n3A_1733 : vector<16xi32> to vector<16x1xi32>
      %gather3A_1735 = vector.shape_cast %broadcast_in_dim3A_1734 : vector<16x1xi32> to vector<16xi32>
      %gather3A_1736 = tpu.dynamic_gather %add3A_1723[%gather3A_1735] in [0] : vector<16xf32>, vector<16xi32> -> vector<16xf32>
      %add3A_1737 = arith.addf %add3A_1723, %gather3A_1736 : vector<16xf32>
      %xor3A_1738 = arith.constant 2 : i32
      %xor3A_1739 = vector.broadcast %xor3A_1738 : i32 to vector<16xi32>
      %xor3A_1740 = arith.xori %iota3A, %xor3A_1739 : vector<16xi32>
      %lt3A_1741 = arith.constant 0 : i32
      %lt3A_1742 = vector.broadcast %lt3A_1741 : i32 to vector<16xi32>
      %lt3A_1743 = arith.cmpi slt, %xor3A_1740, %lt3A_1742 : vector<16xi32>
      %add3A_1744 = arith.constant 16 : i32
      %add3A_1745 = vector.broadcast %add3A_1744 : i32 to vector<16xi32>
      %add3A_1746 = arith.addi %xor3A_1740, %add3A_1745 : vector<16xi32>
      %select_n3A_1747 = arith.select %lt3A_1743, %add3A_1746, %xor3A_1740 : vector<16xi1>, vector<16xi32>
      %broadcast_in_dim3A_1748 = vector.shape_cast %select_n3A_1747 : vector<16xi32> to vector<16x1xi32>
      %gather3A_1749 = vector.shape_cast %broadcast_in_dim3A_1748 : vector<16x1xi32> to vector<16xi32>
      %gather3A_1750 = tpu.dynamic_gather %add3A_1737[%gather3A_1749] in [0] : vector<16xf32>, vector<16xi32> -> vector<16xf32>
      %add3A_1751 = arith.addf %add3A_1737, %gather3A_1750 : vector<16xf32>
      %xor3A_1752 = arith.constant 1 : i32
      %xor3A_1753 = vector.broadcast %xor3A_1752 : i32 to vector<16xi32>
      %xor3A_1754 = arith.xori %iota3A, %xor3A_1753 : vector<16xi32>
      %lt3A_1755 = arith.constant 0 : i32
      %lt3A_1756 = vector.broadcast %lt3A_1755 : i32 to vector<16xi32>
      %lt3A_1757 = arith.cmpi slt, %xor3A_1754, %lt3A_1756 : vector<16xi32>
      %add3A_1758 = arith.constant 16 : i32
      %add3A_1759 = vector.broadcast %add3A_1758 : i32 to vector<16xi32>
      %add3A_1760 = arith.addi %xor3A_1754, %add3A_1759 : vector<16xi32>
      %select_n3A_1761 = arith.select %lt3A_1757, %add3A_1760, %xor3A_1754 : vector<16xi1>, vector<16xi32>
      %broadcast_in_dim3A_1762 = vector.shape_cast %select_n3A_1761 : vector<16xi32> to vector<16x1xi32>
      %gather3A_1763 = vector.shape_cast %broadcast_in_dim3A_1762 : vector<16x1xi32> to vector<16xi32>
      %gather3A_1764 = tpu.dynamic_gather %add3A_1751[%gather3A_1763] in [0] : vector<16xf32>, vector<16xi32> -> vector<16xf32>
      %add3A_1765 = arith.addf %add3A_1751, %gather3A_1764 : vector<16xf32>
      %eq3A_1766 = arith.constant 7 : i32
      %eq3A_1767 = vector.broadcast %eq3A_1766 : i32 to vector<16xi32>
      %eq3A_1768 = arith.cmpi eq, %iota3A, %eq3A_1767 : vector<16xi32>
      %select_n3A_1769 = arith.select %eq3A_1768, %max3A_1668, %select_n3A_1554 : vector<16xi1>, vector<16xf32>
      %select_n3A_1770 = arith.select %eq3A_1768, %add3A_1765, %select_n3A_1555 : vector<16xi1>, vector<16xf32>
      %slice3A_1771 = vector.extract_strided_slice %get3A_1564 {offsets = [0], sizes = [1], strides = [1]} : vector<16xf32> to vector<1xf32>
      %squeeze3A_1772 = vector.extract %slice3A_1771[0] : f32 from vector<1xf32>
      %broadcast_in_dim3A_1773 = vector.broadcast %squeeze3A_1772 : f32 to vector<16xf32>
      %select_n3A_1774 = arith.select %eq3A_1768, %broadcast_in_dim3A_1773, %select_n3A_1559 : vector<16xi1>, vector<16xf32>
      %add3A_1775 = arith.constant 8 : i32
      %add3A_1776 = arith.addi %mul3A_55, %add3A_1775 : i32
      %get3A_1777 = arith.index_cast %add3A_1776 : i32 to index
      %get3A_1778 = arith.constant 0 : index
      %get3A_1779 = tpu.vector_load %arg8[%get3A_1777, %get3A_1778] {strides = array<i32>} : memref<256x200xf32, #tpu.memory_space<vmem>>, vector<16xf32>,
      %get3A_1780 = arith.index_cast %add3A_1776 : i32 to index
      %get3A_1781 = arith.constant 16 : index
      %get3A_1782 = tpu.vector_load %arg8[%get3A_1780, %get3A_1781] {strides = array<i32>} : memref<256x200xf32, #tpu.memory_space<vmem>>, vector<16xf32>,
      %max3A_1783 = arith.maximumf %get3A_1779, %get3A_1782 : vector<16xf32>
      %get3A_1784 = arith.index_cast %add3A_1776 : i32 to index
      %get3A_1785 = arith.constant 32 : index
      %get3A_1786 = tpu.vector_load %arg8[%get3A_1784, %get3A_1785] {strides = array<i32>} : memref<256x200xf32, #tpu.memory_space<vmem>>, vector<16xf32>,
      %max3A_1787 = arith.maximumf %max3A_1783, %get3A_1786 : vector<16xf32>
      %get3A_1788 = arith.index_cast %add3A_1776 : i32 to index
      %get3A_1789 = arith.constant 48 : index
      %get3A_1790 = tpu.vector_load %arg8[%get3A_1788, %get3A_1789] {strides = array<i32>} : memref<256x200xf32, #tpu.memory_space<vmem>>, vector<16xf32>,
      %max3A_1791 = arith.maximumf %max3A_1787, %get3A_1790 : vector<16xf32>
      %get3A_1792 = arith.index_cast %add3A_1776 : i32 to index
      %get3A_1793 = arith.constant 64 : index
      %get3A_1794 = tpu.vector_load %arg8[%get3A_1792, %get3A_1793] {strides = array<i32>} : memref<256x200xf32, #tpu.memory_space<vmem>>, vector<16xf32>,
      %max3A_1795 = arith.maximumf %max3A_1791, %get3A_1794 : vector<16xf32>
      %get3A_1796 = arith.index_cast %add3A_1776 : i32 to index
      %get3A_1797 = arith.constant 80 : index
      %get3A_1798 = tpu.vector_load %arg8[%get3A_1796, %get3A_1797] {strides = array<i32>} : memref<256x200xf32, #tpu.memory_space<vmem>>, vector<16xf32>,
      %max3A_1799 = arith.maximumf %max3A_1795, %get3A_1798 : vector<16xf32>
      %get3A_1800 = arith.index_cast %add3A_1776 : i32 to index
      %get3A_1801 = arith.constant 96 : index
      %get3A_1802 = tpu.vector_load %arg8[%get3A_1800, %get3A_1801] {strides = array<i32>} : memref<256x200xf32, #tpu.memory_space<vmem>>, vector<16xf32>,
      %max3A_1803 = arith.maximumf %max3A_1799, %get3A_1802 : vector<16xf32>
      %get3A_1804 = arith.index_cast %add3A_1776 : i32 to index
      %get3A_1805 = arith.constant 112 : index
      %get3A_1806 = tpu.vector_load %arg8[%get3A_1804, %get3A_1805] {strides = array<i32>} : memref<256x200xf32, #tpu.memory_space<vmem>>, vector<16xf32>,
      %max3A_1807 = arith.maximumf %max3A_1803, %get3A_1806 : vector<16xf32>
      %get3A_1808 = arith.index_cast %add3A_1776 : i32 to index
      %get3A_1809 = arith.constant 128 : index
      %get3A_1810 = tpu.vector_load %arg8[%get3A_1808, %get3A_1809] {strides = array<i32>} : memref<256x200xf32, #tpu.memory_space<vmem>>, vector<16xf32>,
      %max3A_1811 = arith.maximumf %max3A_1807, %get3A_1810 : vector<16xf32>
      %get3A_1812 = arith.index_cast %add3A_1776 : i32 to index
      %get3A_1813 = arith.constant 144 : index
      %get3A_1814 = tpu.vector_load %arg8[%get3A_1812, %get3A_1813] {strides = array<i32>} : memref<256x200xf32, #tpu.memory_space<vmem>>, vector<16xf32>,
      %max3A_1815 = arith.maximumf %max3A_1811, %get3A_1814 : vector<16xf32>
      %get3A_1816 = arith.index_cast %add3A_1776 : i32 to index
      %get3A_1817 = arith.constant 160 : index
      %get3A_1818 = tpu.vector_load %arg8[%get3A_1816, %get3A_1817] {strides = array<i32>} : memref<256x200xf32, #tpu.memory_space<vmem>>, vector<16xf32>,
      %max3A_1819 = arith.maximumf %max3A_1815, %get3A_1818 : vector<16xf32>
      %get3A_1820 = arith.index_cast %add3A_1776 : i32 to index
      %get3A_1821 = arith.constant 176 : index
      %get3A_1822 = tpu.vector_load %arg8[%get3A_1820, %get3A_1821] {strides = array<i32>} : memref<256x200xf32, #tpu.memory_space<vmem>>, vector<16xf32>,
      %max3A_1823 = arith.maximumf %max3A_1819, %get3A_1822 : vector<16xf32>
      %get3A_1824 = arith.index_cast %add3A_1776 : i32 to index
      %get3A_1825 = arith.constant 184 : index
      %get3A_1826 = tpu.vector_load %arg8[%get3A_1824, %get3A_1825] {strides = array<i32>} : memref<256x200xf32, #tpu.memory_space<vmem>>, vector<16xf32>,
      %max3A_1827 = arith.maximumf %max3A_1823, %get3A_1826 : vector<16xf32>
      %xor3A_1828 = arith.constant 8 : i32
      %xor3A_1829 = vector.broadcast %xor3A_1828 : i32 to vector<16xi32>
      %xor3A_1830 = arith.xori %iota3A, %xor3A_1829 : vector<16xi32>
      %lt3A_1831 = arith.constant 0 : i32
      %lt3A_1832 = vector.broadcast %lt3A_1831 : i32 to vector<16xi32>
      %lt3A_1833 = arith.cmpi slt, %xor3A_1830, %lt3A_1832 : vector<16xi32>
      %add3A_1834 = arith.constant 16 : i32
      %add3A_1835 = vector.broadcast %add3A_1834 : i32 to vector<16xi32>
      %add3A_1836 = arith.addi %xor3A_1830, %add3A_1835 : vector<16xi32>
      %select_n3A_1837 = arith.select %lt3A_1833, %add3A_1836, %xor3A_1830 : vector<16xi1>, vector<16xi32>
      %broadcast_in_dim3A_1838 = vector.shape_cast %select_n3A_1837 : vector<16xi32> to vector<16x1xi32>
      %gather3A_1839 = vector.shape_cast %broadcast_in_dim3A_1838 : vector<16x1xi32> to vector<16xi32>
      %gather3A_1840 = tpu.dynamic_gather %max3A_1827[%gather3A_1839] in [0] : vector<16xf32>, vector<16xi32> -> vector<16xf32>
      %max3A_1841 = arith.maximumf %max3A_1827, %gather3A_1840 : vector<16xf32>
      %xor3A_1842 = arith.constant 4 : i32
      %xor3A_1843 = vector.broadcast %xor3A_1842 : i32 to vector<16xi32>
      %xor3A_1844 = arith.xori %iota3A, %xor3A_1843 : vector<16xi32>
      %lt3A_1845 = arith.constant 0 : i32
      %lt3A_1846 = vector.broadcast %lt3A_1845 : i32 to vector<16xi32>
      %lt3A_1847 = arith.cmpi slt, %xor3A_1844, %lt3A_1846 : vector<16xi32>
      %add3A_1848 = arith.constant 16 : i32
      %add3A_1849 = vector.broadcast %add3A_1848 : i32 to vector<16xi32>
      %add3A_1850 = arith.addi %xor3A_1844, %add3A_1849 : vector<16xi32>
      %select_n3A_1851 = arith.select %lt3A_1847, %add3A_1850, %xor3A_1844 : vector<16xi1>, vector<16xi32>
      %broadcast_in_dim3A_1852 = vector.shape_cast %select_n3A_1851 : vector<16xi32> to vector<16x1xi32>
      %gather3A_1853 = vector.shape_cast %broadcast_in_dim3A_1852 : vector<16x1xi32> to vector<16xi32>
      %gather3A_1854 = tpu.dynamic_gather %max3A_1841[%gather3A_1853] in [0] : vector<16xf32>, vector<16xi32> -> vector<16xf32>
      %max3A_1855 = arith.maximumf %max3A_1841, %gather3A_1854 : vector<16xf32>
      %xor3A_1856 = arith.constant 2 : i32
      %xor3A_1857 = vector.broadcast %xor3A_1856 : i32 to vector<16xi32>
      %xor3A_1858 = arith.xori %iota3A, %xor3A_1857 : vector<16xi32>
      %lt3A_1859 = arith.constant 0 : i32
      %lt3A_1860 = vector.broadcast %lt3A_1859 : i32 to vector<16xi32>
      %lt3A_1861 = arith.cmpi slt, %xor3A_1858, %lt3A_1860 : vector<16xi32>
      %add3A_1862 = arith.constant 16 : i32
      %add3A_1863 = vector.broadcast %add3A_1862 : i32 to vector<16xi32>
      %add3A_1864 = arith.addi %xor3A_1858, %add3A_1863 : vector<16xi32>
      %select_n3A_1865 = arith.select %lt3A_1861, %add3A_1864, %xor3A_1858 : vector<16xi1>, vector<16xi32>
      %broadcast_in_dim3A_1866 = vector.shape_cast %select_n3A_1865 : vector<16xi32> to vector<16x1xi32>
      %gather3A_1867 = vector.shape_cast %broadcast_in_dim3A_1866 : vector<16x1xi32> to vector<16xi32>
      %gather3A_1868 = tpu.dynamic_gather %max3A_1855[%gather3A_1867] in [0] : vector<16xf32>, vector<16xi32> -> vector<16xf32>
      %max3A_1869 = arith.maximumf %max3A_1855, %gather3A_1868 : vector<16xf32>
      %xor3A_1870 = arith.constant 1 : i32
      %xor3A_1871 = vector.broadcast %xor3A_1870 : i32 to vector<16xi32>
      %xor3A_1872 = arith.xori %iota3A, %xor3A_1871 : vector<16xi32>
      %lt3A_1873 = arith.constant 0 : i32
      %lt3A_1874 = vector.broadcast %lt3A_1873 : i32 to vector<16xi32>
      %lt3A_1875 = arith.cmpi slt, %xor3A_1872, %lt3A_1874 : vector<16xi32>
      %add3A_1876 = arith.constant 16 : i32
      %add3A_1877 = vector.broadcast %add3A_1876 : i32 to vector<16xi32>
      %add3A_1878 = arith.addi %xor3A_1872, %add3A_1877 : vector<16xi32>
      %select_n3A_1879 = arith.select %lt3A_1875, %add3A_1878, %xor3A_1872 : vector<16xi1>, vector<16xi32>
      %broadcast_in_dim3A_1880 = vector.shape_cast %select_n3A_1879 : vector<16xi32> to vector<16x1xi32>
      %gather3A_1881 = vector.shape_cast %broadcast_in_dim3A_1880 : vector<16x1xi32> to vector<16xi32>
      %gather3A_1882 = tpu.dynamic_gather %max3A_1869[%gather3A_1881] in [0] : vector<16xf32>, vector<16xi32> -> vector<16xf32>
      %max3A_1883 = arith.maximumf %max3A_1869, %gather3A_1882 : vector<16xf32>
      %sub3A_1884 = arith.subf %get3A_1779, %max3A_1883 : vector<16xf32>
      %exp3A_1885 = math.exp %sub3A_1884 : vector<16xf32>
      %sub3A_1886 = arith.subf %get3A_1782, %max3A_1883 : vector<16xf32>
      %exp3A_1887 = math.exp %sub3A_1886 : vector<16xf32>
      %add3A_1888 = arith.addf %exp3A_1885, %exp3A_1887 : vector<16xf32>
      %sub3A_1889 = arith.subf %get3A_1786, %max3A_1883 : vector<16xf32>
      %exp3A_1890 = math.exp %sub3A_1889 : vector<16xf32>
      %add3A_1891 = arith.addf %add3A_1888, %exp3A_1890 : vector<16xf32>
      %sub3A_1892 = arith.subf %get3A_1790, %max3A_1883 : vector<16xf32>
      %exp3A_1893 = math.exp %sub3A_1892 : vector<16xf32>
      %add3A_1894 = arith.addf %add3A_1891, %exp3A_1893 : vector<16xf32>
      %sub3A_1895 = arith.subf %get3A_1794, %max3A_1883 : vector<16xf32>
      %exp3A_1896 = math.exp %sub3A_1895 : vector<16xf32>
      %add3A_1897 = arith.addf %add3A_1894, %exp3A_1896 : vector<16xf32>
      %sub3A_1898 = arith.subf %get3A_1798, %max3A_1883 : vector<16xf32>
      %exp3A_1899 = math.exp %sub3A_1898 : vector<16xf32>
      %add3A_1900 = arith.addf %add3A_1897, %exp3A_1899 : vector<16xf32>
      %sub3A_1901 = arith.subf %get3A_1802, %max3A_1883 : vector<16xf32>
      %exp3A_1902 = math.exp %sub3A_1901 : vector<16xf32>
      %add3A_1903 = arith.addf %add3A_1900, %exp3A_1902 : vector<16xf32>
      %sub3A_1904 = arith.subf %get3A_1806, %max3A_1883 : vector<16xf32>
      %exp3A_1905 = math.exp %sub3A_1904 : vector<16xf32>
      %add3A_1906 = arith.addf %add3A_1903, %exp3A_1905 : vector<16xf32>
      %sub3A_1907 = arith.subf %get3A_1810, %max3A_1883 : vector<16xf32>
      %exp3A_1908 = math.exp %sub3A_1907 : vector<16xf32>
      %add3A_1909 = arith.addf %add3A_1906, %exp3A_1908 : vector<16xf32>
      %sub3A_1910 = arith.subf %get3A_1814, %max3A_1883 : vector<16xf32>
      %exp3A_1911 = math.exp %sub3A_1910 : vector<16xf32>
      %add3A_1912 = arith.addf %add3A_1909, %exp3A_1911 : vector<16xf32>
      %sub3A_1913 = arith.subf %get3A_1818, %max3A_1883 : vector<16xf32>
      %exp3A_1914 = math.exp %sub3A_1913 : vector<16xf32>
      %add3A_1915 = arith.addf %add3A_1912, %exp3A_1914 : vector<16xf32>
      %sub3A_1916 = arith.subf %get3A_1822, %max3A_1883 : vector<16xf32>
      %exp3A_1917 = math.exp %sub3A_1916 : vector<16xf32>
      %add3A_1918 = arith.addf %add3A_1915, %exp3A_1917 : vector<16xf32>
      %sub3A_1919 = arith.subf %get3A_1826, %max3A_1883 : vector<16xf32>
      %exp3A_1920 = math.exp %sub3A_1919 : vector<16xf32>
      %jit3A_1921 = arith.constant 0.000000e+00 : f32
      %broadcast_in_dim3A_1922 = vector.broadcast %jit3A_1921 : f32 to vector<16xf32>
      %select_n3A_1923 = arith.select %ge3A_39, %exp3A_1920, %broadcast_in_dim3A_1922 : vector<16xi1>, vector<16xf32>
      %add3A_1924 = arith.addf %add3A_1918, %select_n3A_1923 : vector<16xf32>
      %xor3A_1925 = arith.constant 8 : i32
      %xor3A_1926 = vector.broadcast %xor3A_1925 : i32 to vector<16xi32>
      %xor3A_1927 = arith.xori %iota3A, %xor3A_1926 : vector<16xi32>
      %lt3A_1928 = arith.constant 0 : i32
      %lt3A_1929 = vector.broadcast %lt3A_1928 : i32 to vector<16xi32>
      %lt3A_1930 = arith.cmpi slt, %xor3A_1927, %lt3A_1929 : vector<16xi32>
      %add3A_1931 = arith.constant 16 : i32
      %add3A_1932 = vector.broadcast %add3A_1931 : i32 to vector<16xi32>
      %add3A_1933 = arith.addi %xor3A_1927, %add3A_1932 : vector<16xi32>
      %select_n3A_1934 = arith.select %lt3A_1930, %add3A_1933, %xor3A_1927 : vector<16xi1>, vector<16xi32>
      %broadcast_in_dim3A_1935 = vector.shape_cast %select_n3A_1934 : vector<16xi32> to vector<16x1xi32>
      %gather3A_1936 = vector.shape_cast %broadcast_in_dim3A_1935 : vector<16x1xi32> to vector<16xi32>
      %gather3A_1937 = tpu.dynamic_gather %add3A_1924[%gather3A_1936] in [0] : vector<16xf32>, vector<16xi32> -> vector<16xf32>
      %add3A_1938 = arith.addf %add3A_1924, %gather3A_1937 : vector<16xf32>
      %xor3A_1939 = arith.constant 4 : i32
      %xor3A_1940 = vector.broadcast %xor3A_1939 : i32 to vector<16xi32>
      %xor3A_1941 = arith.xori %iota3A, %xor3A_1940 : vector<16xi32>
      %lt3A_1942 = arith.constant 0 : i32
      %lt3A_1943 = vector.broadcast %lt3A_1942 : i32 to vector<16xi32>
      %lt3A_1944 = arith.cmpi slt, %xor3A_1941, %lt3A_1943 : vector<16xi32>
      %add3A_1945 = arith.constant 16 : i32
      %add3A_1946 = vector.broadcast %add3A_1945 : i32 to vector<16xi32>
      %add3A_1947 = arith.addi %xor3A_1941, %add3A_1946 : vector<16xi32>
      %select_n3A_1948 = arith.select %lt3A_1944, %add3A_1947, %xor3A_1941 : vector<16xi1>, vector<16xi32>
      %broadcast_in_dim3A_1949 = vector.shape_cast %select_n3A_1948 : vector<16xi32> to vector<16x1xi32>
      %gather3A_1950 = vector.shape_cast %broadcast_in_dim3A_1949 : vector<16x1xi32> to vector<16xi32>
      %gather3A_1951 = tpu.dynamic_gather %add3A_1938[%gather3A_1950] in [0] : vector<16xf32>, vector<16xi32> -> vector<16xf32>
      %add3A_1952 = arith.addf %add3A_1938, %gather3A_1951 : vector<16xf32>
      %xor3A_1953 = arith.constant 2 : i32
      %xor3A_1954 = vector.broadcast %xor3A_1953 : i32 to vector<16xi32>
      %xor3A_1955 = arith.xori %iota3A, %xor3A_1954 : vector<16xi32>
      %lt3A_1956 = arith.constant 0 : i32
      %lt3A_1957 = vector.broadcast %lt3A_1956 : i32 to vector<16xi32>
      %lt3A_1958 = arith.cmpi slt, %xor3A_1955, %lt3A_1957 : vector<16xi32>
      %add3A_1959 = arith.constant 16 : i32
      %add3A_1960 = vector.broadcast %add3A_1959 : i32 to vector<16xi32>
      %add3A_1961 = arith.addi %xor3A_1955, %add3A_1960 : vector<16xi32>
      %select_n3A_1962 = arith.select %lt3A_1958, %add3A_1961, %xor3A_1955 : vector<16xi1>, vector<16xi32>
      %broadcast_in_dim3A_1963 = vector.shape_cast %select_n3A_1962 : vector<16xi32> to vector<16x1xi32>
      %gather3A_1964 = vector.shape_cast %broadcast_in_dim3A_1963 : vector<16x1xi32> to vector<16xi32>
      %gather3A_1965 = tpu.dynamic_gather %add3A_1952[%gather3A_1964] in [0] : vector<16xf32>, vector<16xi32> -> vector<16xf32>
      %add3A_1966 = arith.addf %add3A_1952, %gather3A_1965 : vector<16xf32>
      %xor3A_1967 = arith.constant 1 : i32
      %xor3A_1968 = vector.broadcast %xor3A_1967 : i32 to vector<16xi32>
      %xor3A_1969 = arith.xori %iota3A, %xor3A_1968 : vector<16xi32>
      %lt3A_1970 = arith.constant 0 : i32
      %lt3A_1971 = vector.broadcast %lt3A_1970 : i32 to vector<16xi32>
      %lt3A_1972 = arith.cmpi slt, %xor3A_1969, %lt3A_1971 : vector<16xi32>
      %add3A_1973 = arith.constant 16 : i32
      %add3A_1974 = vector.broadcast %add3A_1973 : i32 to vector<16xi32>
      %add3A_1975 = arith.addi %xor3A_1969, %add3A_1974 : vector<16xi32>
      %select_n3A_1976 = arith.select %lt3A_1972, %add3A_1975, %xor3A_1969 : vector<16xi1>, vector<16xi32>
      %broadcast_in_dim3A_1977 = vector.shape_cast %select_n3A_1976 : vector<16xi32> to vector<16x1xi32>
      %gather3A_1978 = vector.shape_cast %broadcast_in_dim3A_1977 : vector<16x1xi32> to vector<16xi32>
      %gather3A_1979 = tpu.dynamic_gather %add3A_1966[%gather3A_1978] in [0] : vector<16xf32>, vector<16xi32> -> vector<16xf32>
      %add3A_1980 = arith.addf %add3A_1966, %gather3A_1979 : vector<16xf32>
      %eq3A_1981 = arith.constant 8 : i32
      %eq3A_1982 = vector.broadcast %eq3A_1981 : i32 to vector<16xi32>
      %eq3A_1983 = arith.cmpi eq, %iota3A, %eq3A_1982 : vector<16xi32>
      %select_n3A_1984 = arith.select %eq3A_1983, %max3A_1883, %select_n3A_1769 : vector<16xi1>, vector<16xf32>
      %select_n3A_1985 = arith.select %eq3A_1983, %add3A_1980, %select_n3A_1770 : vector<16xi1>, vector<16xf32>
      %slice3A_1986 = vector.extract_strided_slice %get3A_1779 {offsets = [0], sizes = [1], strides = [1]} : vector<16xf32> to vector<1xf32>
      %squeeze3A_1987 = vector.extract %slice3A_1986[0] : f32 from vector<1xf32>
      %broadcast_in_dim3A_1988 = vector.broadcast %squeeze3A_1987 : f32 to vector<16xf32>
      %select_n3A_1989 = arith.select %eq3A_1983, %broadcast_in_dim3A_1988, %select_n3A_1774 : vector<16xi1>, vector<16xf32>
      %add3A_1990 = arith.constant 9 : i32
      %add3A_1991 = arith.addi %mul3A_55, %add3A_1990 : i32
      %get3A_1992 = arith.index_cast %add3A_1991 : i32 to index
      %get3A_1993 = arith.constant 0 : index
      %get3A_1994 = tpu.vector_load %arg8[%get3A_1992, %get3A_1993] {strides = array<i32>} : memref<256x200xf32, #tpu.memory_space<vmem>>, vector<16xf32>,
      %get3A_1995 = arith.index_cast %add3A_1991 : i32 to index
      %get3A_1996 = arith.constant 16 : index
      %get3A_1997 = tpu.vector_load %arg8[%get3A_1995, %get3A_1996] {strides = array<i32>} : memref<256x200xf32, #tpu.memory_space<vmem>>, vector<16xf32>,
      %max3A_1998 = arith.maximumf %get3A_1994, %get3A_1997 : vector<16xf32>
      %get3A_1999 = arith.index_cast %add3A_1991 : i32 to index
      %get3A_2000 = arith.constant 32 : index
      %get3A_2001 = tpu.vector_load %arg8[%get3A_1999, %get3A_2000] {strides = array<i32>} : memref<256x200xf32, #tpu.memory_space<vmem>>, vector<16xf32>,
      %max3A_2002 = arith.maximumf %max3A_1998, %get3A_2001 : vector<16xf32>
      %get3A_2003 = arith.index_cast %add3A_1991 : i32 to index
      %get3A_2004 = arith.constant 48 : index
      %get3A_2005 = tpu.vector_load %arg8[%get3A_2003, %get3A_2004] {strides = array<i32>} : memref<256x200xf32, #tpu.memory_space<vmem>>, vector<16xf32>,
      %max3A_2006 = arith.maximumf %max3A_2002, %get3A_2005 : vector<16xf32>
      %get3A_2007 = arith.index_cast %add3A_1991 : i32 to index
      %get3A_2008 = arith.constant 64 : index
      %get3A_2009 = tpu.vector_load %arg8[%get3A_2007, %get3A_2008] {strides = array<i32>} : memref<256x200xf32, #tpu.memory_space<vmem>>, vector<16xf32>,
      %max3A_2010 = arith.maximumf %max3A_2006, %get3A_2009 : vector<16xf32>
      %get3A_2011 = arith.index_cast %add3A_1991 : i32 to index
      %get3A_2012 = arith.constant 80 : index
      %get3A_2013 = tpu.vector_load %arg8[%get3A_2011, %get3A_2012] {strides = array<i32>} : memref<256x200xf32, #tpu.memory_space<vmem>>, vector<16xf32>,
      %max3A_2014 = arith.maximumf %max3A_2010, %get3A_2013 : vector<16xf32>
      %get3A_2015 = arith.index_cast %add3A_1991 : i32 to index
      %get3A_2016 = arith.constant 96 : index
      %get3A_2017 = tpu.vector_load %arg8[%get3A_2015, %get3A_2016] {strides = array<i32>} : memref<256x200xf32, #tpu.memory_space<vmem>>, vector<16xf32>,
      %max3A_2018 = arith.maximumf %max3A_2014, %get3A_2017 : vector<16xf32>
      %get3A_2019 = arith.index_cast %add3A_1991 : i32 to index
      %get3A_2020 = arith.constant 112 : index
      %get3A_2021 = tpu.vector_load %arg8[%get3A_2019, %get3A_2020] {strides = array<i32>} : memref<256x200xf32, #tpu.memory_space<vmem>>, vector<16xf32>,
      %max3A_2022 = arith.maximumf %max3A_2018, %get3A_2021 : vector<16xf32>
      %get3A_2023 = arith.index_cast %add3A_1991 : i32 to index
      %get3A_2024 = arith.constant 128 : index
      %get3A_2025 = tpu.vector_load %arg8[%get3A_2023, %get3A_2024] {strides = array<i32>} : memref<256x200xf32, #tpu.memory_space<vmem>>, vector<16xf32>,
      %max3A_2026 = arith.maximumf %max3A_2022, %get3A_2025 : vector<16xf32>
      %get3A_2027 = arith.index_cast %add3A_1991 : i32 to index
      %get3A_2028 = arith.constant 144 : index
      %get3A_2029 = tpu.vector_load %arg8[%get3A_2027, %get3A_2028] {strides = array<i32>} : memref<256x200xf32, #tpu.memory_space<vmem>>, vector<16xf32>,
      %max3A_2030 = arith.maximumf %max3A_2026, %get3A_2029 : vector<16xf32>
      %get3A_2031 = arith.index_cast %add3A_1991 : i32 to index
      %get3A_2032 = arith.constant 160 : index
      %get3A_2033 = tpu.vector_load %arg8[%get3A_2031, %get3A_2032] {strides = array<i32>} : memref<256x200xf32, #tpu.memory_space<vmem>>, vector<16xf32>,
      %max3A_2034 = arith.maximumf %max3A_2030, %get3A_2033 : vector<16xf32>
      %get3A_2035 = arith.index_cast %add3A_1991 : i32 to index
      %get3A_2036 = arith.constant 176 : index
      %get3A_2037 = tpu.vector_load %arg8[%get3A_2035, %get3A_2036] {strides = array<i32>} : memref<256x200xf32, #tpu.memory_space<vmem>>, vector<16xf32>,
      %max3A_2038 = arith.maximumf %max3A_2034, %get3A_2037 : vector<16xf32>
      %get3A_2039 = arith.index_cast %add3A_1991 : i32 to index
      %get3A_2040 = arith.constant 184 : index
      %get3A_2041 = tpu.vector_load %arg8[%get3A_2039, %get3A_2040] {strides = array<i32>} : memref<256x200xf32, #tpu.memory_space<vmem>>, vector<16xf32>,
      %max3A_2042 = arith.maximumf %max3A_2038, %get3A_2041 : vector<16xf32>
      %xor3A_2043 = arith.constant 8 : i32
      %xor3A_2044 = vector.broadcast %xor3A_2043 : i32 to vector<16xi32>
      %xor3A_2045 = arith.xori %iota3A, %xor3A_2044 : vector<16xi32>
      %lt3A_2046 = arith.constant 0 : i32
      %lt3A_2047 = vector.broadcast %lt3A_2046 : i32 to vector<16xi32>
      %lt3A_2048 = arith.cmpi slt, %xor3A_2045, %lt3A_2047 : vector<16xi32>
      %add3A_2049 = arith.constant 16 : i32
      %add3A_2050 = vector.broadcast %add3A_2049 : i32 to vector<16xi32>
      %add3A_2051 = arith.addi %xor3A_2045, %add3A_2050 : vector<16xi32>
      %select_n3A_2052 = arith.select %lt3A_2048, %add3A_2051, %xor3A_2045 : vector<16xi1>, vector<16xi32>
      %broadcast_in_dim3A_2053 = vector.shape_cast %select_n3A_2052 : vector<16xi32> to vector<16x1xi32>
      %gather3A_2054 = vector.shape_cast %broadcast_in_dim3A_2053 : vector<16x1xi32> to vector<16xi32>
      %gather3A_2055 = tpu.dynamic_gather %max3A_2042[%gather3A_2054] in [0] : vector<16xf32>, vector<16xi32> -> vector<16xf32>
      %max3A_2056 = arith.maximumf %max3A_2042, %gather3A_2055 : vector<16xf32>
      %xor3A_2057 = arith.constant 4 : i32
      %xor3A_2058 = vector.broadcast %xor3A_2057 : i32 to vector<16xi32>
      %xor3A_2059 = arith.xori %iota3A, %xor3A_2058 : vector<16xi32>
      %lt3A_2060 = arith.constant 0 : i32
      %lt3A_2061 = vector.broadcast %lt3A_2060 : i32 to vector<16xi32>
      %lt3A_2062 = arith.cmpi slt, %xor3A_2059, %lt3A_2061 : vector<16xi32>
      %add3A_2063 = arith.constant 16 : i32
      %add3A_2064 = vector.broadcast %add3A_2063 : i32 to vector<16xi32>
      %add3A_2065 = arith.addi %xor3A_2059, %add3A_2064 : vector<16xi32>
      %select_n3A_2066 = arith.select %lt3A_2062, %add3A_2065, %xor3A_2059 : vector<16xi1>, vector<16xi32>
      %broadcast_in_dim3A_2067 = vector.shape_cast %select_n3A_2066 : vector<16xi32> to vector<16x1xi32>
      %gather3A_2068 = vector.shape_cast %broadcast_in_dim3A_2067 : vector<16x1xi32> to vector<16xi32>
      %gather3A_2069 = tpu.dynamic_gather %max3A_2056[%gather3A_2068] in [0] : vector<16xf32>, vector<16xi32> -> vector<16xf32>
      %max3A_2070 = arith.maximumf %max3A_2056, %gather3A_2069 : vector<16xf32>
      %xor3A_2071 = arith.constant 2 : i32
      %xor3A_2072 = vector.broadcast %xor3A_2071 : i32 to vector<16xi32>
      %xor3A_2073 = arith.xori %iota3A, %xor3A_2072 : vector<16xi32>
      %lt3A_2074 = arith.constant 0 : i32
      %lt3A_2075 = vector.broadcast %lt3A_2074 : i32 to vector<16xi32>
      %lt3A_2076 = arith.cmpi slt, %xor3A_2073, %lt3A_2075 : vector<16xi32>
      %add3A_2077 = arith.constant 16 : i32
      %add3A_2078 = vector.broadcast %add3A_2077 : i32 to vector<16xi32>
      %add3A_2079 = arith.addi %xor3A_2073, %add3A_2078 : vector<16xi32>
      %select_n3A_2080 = arith.select %lt3A_2076, %add3A_2079, %xor3A_2073 : vector<16xi1>, vector<16xi32>
      %broadcast_in_dim3A_2081 = vector.shape_cast %select_n3A_2080 : vector<16xi32> to vector<16x1xi32>
      %gather3A_2082 = vector.shape_cast %broadcast_in_dim3A_2081 : vector<16x1xi32> to vector<16xi32>
      %gather3A_2083 = tpu.dynamic_gather %max3A_2070[%gather3A_2082] in [0] : vector<16xf32>, vector<16xi32> -> vector<16xf32>
      %max3A_2084 = arith.maximumf %max3A_2070, %gather3A_2083 : vector<16xf32>
      %xor3A_2085 = arith.constant 1 : i32
      %xor3A_2086 = vector.broadcast %xor3A_2085 : i32 to vector<16xi32>
      %xor3A_2087 = arith.xori %iota3A, %xor3A_2086 : vector<16xi32>
      %lt3A_2088 = arith.constant 0 : i32
      %lt3A_2089 = vector.broadcast %lt3A_2088 : i32 to vector<16xi32>
      %lt3A_2090 = arith.cmpi slt, %xor3A_2087, %lt3A_2089 : vector<16xi32>
      %add3A_2091 = arith.constant 16 : i32
      %add3A_2092 = vector.broadcast %add3A_2091 : i32 to vector<16xi32>
      %add3A_2093 = arith.addi %xor3A_2087, %add3A_2092 : vector<16xi32>
      %select_n3A_2094 = arith.select %lt3A_2090, %add3A_2093, %xor3A_2087 : vector<16xi1>, vector<16xi32>
      %broadcast_in_dim3A_2095 = vector.shape_cast %select_n3A_2094 : vector<16xi32> to vector<16x1xi32>
      %gather3A_2096 = vector.shape_cast %broadcast_in_dim3A_2095 : vector<16x1xi32> to vector<16xi32>
      %gather3A_2097 = tpu.dynamic_gather %max3A_2084[%gather3A_2096] in [0] : vector<16xf32>, vector<16xi32> -> vector<16xf32>
      %max3A_2098 = arith.maximumf %max3A_2084, %gather3A_2097 : vector<16xf32>
      %sub3A_2099 = arith.subf %get3A_1994, %max3A_2098 : vector<16xf32>
      %exp3A_2100 = math.exp %sub3A_2099 : vector<16xf32>
      %sub3A_2101 = arith.subf %get3A_1997, %max3A_2098 : vector<16xf32>
      %exp3A_2102 = math.exp %sub3A_2101 : vector<16xf32>
      %add3A_2103 = arith.addf %exp3A_2100, %exp3A_2102 : vector<16xf32>
      %sub3A_2104 = arith.subf %get3A_2001, %max3A_2098 : vector<16xf32>
      %exp3A_2105 = math.exp %sub3A_2104 : vector<16xf32>
      %add3A_2106 = arith.addf %add3A_2103, %exp3A_2105 : vector<16xf32>
      %sub3A_2107 = arith.subf %get3A_2005, %max3A_2098 : vector<16xf32>
      %exp3A_2108 = math.exp %sub3A_2107 : vector<16xf32>
      %add3A_2109 = arith.addf %add3A_2106, %exp3A_2108 : vector<16xf32>
      %sub3A_2110 = arith.subf %get3A_2009, %max3A_2098 : vector<16xf32>
      %exp3A_2111 = math.exp %sub3A_2110 : vector<16xf32>
      %add3A_2112 = arith.addf %add3A_2109, %exp3A_2111 : vector<16xf32>
      %sub3A_2113 = arith.subf %get3A_2013, %max3A_2098 : vector<16xf32>
      %exp3A_2114 = math.exp %sub3A_2113 : vector<16xf32>
      %add3A_2115 = arith.addf %add3A_2112, %exp3A_2114 : vector<16xf32>
      %sub3A_2116 = arith.subf %get3A_2017, %max3A_2098 : vector<16xf32>
      %exp3A_2117 = math.exp %sub3A_2116 : vector<16xf32>
      %add3A_2118 = arith.addf %add3A_2115, %exp3A_2117 : vector<16xf32>
      %sub3A_2119 = arith.subf %get3A_2021, %max3A_2098 : vector<16xf32>
      %exp3A_2120 = math.exp %sub3A_2119 : vector<16xf32>
      %add3A_2121 = arith.addf %add3A_2118, %exp3A_2120 : vector<16xf32>
      %sub3A_2122 = arith.subf %get3A_2025, %max3A_2098 : vector<16xf32>
      %exp3A_2123 = math.exp %sub3A_2122 : vector<16xf32>
      %add3A_2124 = arith.addf %add3A_2121, %exp3A_2123 : vector<16xf32>
      %sub3A_2125 = arith.subf %get3A_2029, %max3A_2098 : vector<16xf32>
      %exp3A_2126 = math.exp %sub3A_2125 : vector<16xf32>
      %add3A_2127 = arith.addf %add3A_2124, %exp3A_2126 : vector<16xf32>
      %sub3A_2128 = arith.subf %get3A_2033, %max3A_2098 : vector<16xf32>
      %exp3A_2129 = math.exp %sub3A_2128 : vector<16xf32>
      %add3A_2130 = arith.addf %add3A_2127, %exp3A_2129 : vector<16xf32>
      %sub3A_2131 = arith.subf %get3A_2037, %max3A_2098 : vector<16xf32>
      %exp3A_2132 = math.exp %sub3A_2131 : vector<16xf32>
      %add3A_2133 = arith.addf %add3A_2130, %exp3A_2132 : vector<16xf32>
      %sub3A_2134 = arith.subf %get3A_2041, %max3A_2098 : vector<16xf32>
      %exp3A_2135 = math.exp %sub3A_2134 : vector<16xf32>
      %jit3A_2136 = arith.constant 0.000000e+00 : f32
      %broadcast_in_dim3A_2137 = vector.broadcast %jit3A_2136 : f32 to vector<16xf32>
      %select_n3A_2138 = arith.select %ge3A_39, %exp3A_2135, %broadcast_in_dim3A_2137 : vector<16xi1>, vector<16xf32>
      %add3A_2139 = arith.addf %add3A_2133, %select_n3A_2138 : vector<16xf32>
      %xor3A_2140 = arith.constant 8 : i32
      %xor3A_2141 = vector.broadcast %xor3A_2140 : i32 to vector<16xi32>
      %xor3A_2142 = arith.xori %iota3A, %xor3A_2141 : vector<16xi32>
      %lt3A_2143 = arith.constant 0 : i32
      %lt3A_2144 = vector.broadcast %lt3A_2143 : i32 to vector<16xi32>
      %lt3A_2145 = arith.cmpi slt, %xor3A_2142, %lt3A_2144 : vector<16xi32>
      %add3A_2146 = arith.constant 16 : i32
      %add3A_2147 = vector.broadcast %add3A_2146 : i32 to vector<16xi32>
      %add3A_2148 = arith.addi %xor3A_2142, %add3A_2147 : vector<16xi32>
      %select_n3A_2149 = arith.select %lt3A_2145, %add3A_2148, %xor3A_2142 : vector<16xi1>, vector<16xi32>
      %broadcast_in_dim3A_2150 = vector.shape_cast %select_n3A_2149 : vector<16xi32> to vector<16x1xi32>
      %gather3A_2151 = vector.shape_cast %broadcast_in_dim3A_2150 : vector<16x1xi32> to vector<16xi32>
      %gather3A_2152 = tpu.dynamic_gather %add3A_2139[%gather3A_2151] in [0] : vector<16xf32>, vector<16xi32> -> vector<16xf32>
      %add3A_2153 = arith.addf %add3A_2139, %gather3A_2152 : vector<16xf32>
      %xor3A_2154 = arith.constant 4 : i32
      %xor3A_2155 = vector.broadcast %xor3A_2154 : i32 to vector<16xi32>
      %xor3A_2156 = arith.xori %iota3A, %xor3A_2155 : vector<16xi32>
      %lt3A_2157 = arith.constant 0 : i32
      %lt3A_2158 = vector.broadcast %lt3A_2157 : i32 to vector<16xi32>
      %lt3A_2159 = arith.cmpi slt, %xor3A_2156, %lt3A_2158 : vector<16xi32>
      %add3A_2160 = arith.constant 16 : i32
      %add3A_2161 = vector.broadcast %add3A_2160 : i32 to vector<16xi32>
      %add3A_2162 = arith.addi %xor3A_2156, %add3A_2161 : vector<16xi32>
      %select_n3A_2163 = arith.select %lt3A_2159, %add3A_2162, %xor3A_2156 : vector<16xi1>, vector<16xi32>
      %broadcast_in_dim3A_2164 = vector.shape_cast %select_n3A_2163 : vector<16xi32> to vector<16x1xi32>
      %gather3A_2165 = vector.shape_cast %broadcast_in_dim3A_2164 : vector<16x1xi32> to vector<16xi32>
      %gather3A_2166 = tpu.dynamic_gather %add3A_2153[%gather3A_2165] in [0] : vector<16xf32>, vector<16xi32> -> vector<16xf32>
      %add3A_2167 = arith.addf %add3A_2153, %gather3A_2166 : vector<16xf32>
      %xor3A_2168 = arith.constant 2 : i32
      %xor3A_2169 = vector.broadcast %xor3A_2168 : i32 to vector<16xi32>
      %xor3A_2170 = arith.xori %iota3A, %xor3A_2169 : vector<16xi32>
      %lt3A_2171 = arith.constant 0 : i32
      %lt3A_2172 = vector.broadcast %lt3A_2171 : i32 to vector<16xi32>
      %lt3A_2173 = arith.cmpi slt, %xor3A_2170, %lt3A_2172 : vector<16xi32>
      %add3A_2174 = arith.constant 16 : i32
      %add3A_2175 = vector.broadcast %add3A_2174 : i32 to vector<16xi32>
      %add3A_2176 = arith.addi %xor3A_2170, %add3A_2175 : vector<16xi32>
      %select_n3A_2177 = arith.select %lt3A_2173, %add3A_2176, %xor3A_2170 : vector<16xi1>, vector<16xi32>
      %broadcast_in_dim3A_2178 = vector.shape_cast %select_n3A_2177 : vector<16xi32> to vector<16x1xi32>
      %gather3A_2179 = vector.shape_cast %broadcast_in_dim3A_2178 : vector<16x1xi32> to vector<16xi32>
      %gather3A_2180 = tpu.dynamic_gather %add3A_2167[%gather3A_2179] in [0] : vector<16xf32>, vector<16xi32> -> vector<16xf32>
      %add3A_2181 = arith.addf %add3A_2167, %gather3A_2180 : vector<16xf32>
      %xor3A_2182 = arith.constant 1 : i32
      %xor3A_2183 = vector.broadcast %xor3A_2182 : i32 to vector<16xi32>
      %xor3A_2184 = arith.xori %iota3A, %xor3A_2183 : vector<16xi32>
      %lt3A_2185 = arith.constant 0 : i32
      %lt3A_2186 = vector.broadcast %lt3A_2185 : i32 to vector<16xi32>
      %lt3A_2187 = arith.cmpi slt, %xor3A_2184, %lt3A_2186 : vector<16xi32>
      %add3A_2188 = arith.constant 16 : i32
      %add3A_2189 = vector.broadcast %add3A_2188 : i32 to vector<16xi32>
      %add3A_2190 = arith.addi %xor3A_2184, %add3A_2189 : vector<16xi32>
      %select_n3A_2191 = arith.select %lt3A_2187, %add3A_2190, %xor3A_2184 : vector<16xi1>, vector<16xi32>
      %broadcast_in_dim3A_2192 = vector.shape_cast %select_n3A_2191 : vector<16xi32> to vector<16x1xi32>
      %gather3A_2193 = vector.shape_cast %broadcast_in_dim3A_2192 : vector<16x1xi32> to vector<16xi32>
      %gather3A_2194 = tpu.dynamic_gather %add3A_2181[%gather3A_2193] in [0] : vector<16xf32>, vector<16xi32> -> vector<16xf32>
      %add3A_2195 = arith.addf %add3A_2181, %gather3A_2194 : vector<16xf32>
      %eq3A_2196 = arith.constant 9 : i32
      %eq3A_2197 = vector.broadcast %eq3A_2196 : i32 to vector<16xi32>
      %eq3A_2198 = arith.cmpi eq, %iota3A, %eq3A_2197 : vector<16xi32>
      %select_n3A_2199 = arith.select %eq3A_2198, %max3A_2098, %select_n3A_1984 : vector<16xi1>, vector<16xf32>
      %select_n3A_2200 = arith.select %eq3A_2198, %add3A_2195, %select_n3A_1985 : vector<16xi1>, vector<16xf32>
      %slice3A_2201 = vector.extract_strided_slice %get3A_1994 {offsets = [0], sizes = [1], strides = [1]} : vector<16xf32> to vector<1xf32>
      %squeeze3A_2202 = vector.extract %slice3A_2201[0] : f32 from vector<1xf32>
      %broadcast_in_dim3A_2203 = vector.broadcast %squeeze3A_2202 : f32 to vector<16xf32>
      %select_n3A_2204 = arith.select %eq3A_2198, %broadcast_in_dim3A_2203, %select_n3A_1989 : vector<16xi1>, vector<16xf32>
      %add3A_2205 = arith.constant 10 : i32
      %add3A_2206 = arith.addi %mul3A_55, %add3A_2205 : i32
      %get3A_2207 = arith.index_cast %add3A_2206 : i32 to index
      %get3A_2208 = arith.constant 0 : index
      %get3A_2209 = tpu.vector_load %arg8[%get3A_2207, %get3A_2208] {strides = array<i32>} : memref<256x200xf32, #tpu.memory_space<vmem>>, vector<16xf32>,
      %get3A_2210 = arith.index_cast %add3A_2206 : i32 to index
      %get3A_2211 = arith.constant 16 : index
      %get3A_2212 = tpu.vector_load %arg8[%get3A_2210, %get3A_2211] {strides = array<i32>} : memref<256x200xf32, #tpu.memory_space<vmem>>, vector<16xf32>,
      %max3A_2213 = arith.maximumf %get3A_2209, %get3A_2212 : vector<16xf32>
      %get3A_2214 = arith.index_cast %add3A_2206 : i32 to index
      %get3A_2215 = arith.constant 32 : index
      %get3A_2216 = tpu.vector_load %arg8[%get3A_2214, %get3A_2215] {strides = array<i32>} : memref<256x200xf32, #tpu.memory_space<vmem>>, vector<16xf32>,
      %max3A_2217 = arith.maximumf %max3A_2213, %get3A_2216 : vector<16xf32>
      %get3A_2218 = arith.index_cast %add3A_2206 : i32 to index
      %get3A_2219 = arith.constant 48 : index
      %get3A_2220 = tpu.vector_load %arg8[%get3A_2218, %get3A_2219] {strides = array<i32>} : memref<256x200xf32, #tpu.memory_space<vmem>>, vector<16xf32>,
      %max3A_2221 = arith.maximumf %max3A_2217, %get3A_2220 : vector<16xf32>
      %get3A_2222 = arith.index_cast %add3A_2206 : i32 to index
      %get3A_2223 = arith.constant 64 : index
      %get3A_2224 = tpu.vector_load %arg8[%get3A_2222, %get3A_2223] {strides = array<i32>} : memref<256x200xf32, #tpu.memory_space<vmem>>, vector<16xf32>,
      %max3A_2225 = arith.maximumf %max3A_2221, %get3A_2224 : vector<16xf32>
      %get3A_2226 = arith.index_cast %add3A_2206 : i32 to index
      %get3A_2227 = arith.constant 80 : index
      %get3A_2228 = tpu.vector_load %arg8[%get3A_2226, %get3A_2227] {strides = array<i32>} : memref<256x200xf32, #tpu.memory_space<vmem>>, vector<16xf32>,
      %max3A_2229 = arith.maximumf %max3A_2225, %get3A_2228 : vector<16xf32>
      %get3A_2230 = arith.index_cast %add3A_2206 : i32 to index
      %get3A_2231 = arith.constant 96 : index
      %get3A_2232 = tpu.vector_load %arg8[%get3A_2230, %get3A_2231] {strides = array<i32>} : memref<256x200xf32, #tpu.memory_space<vmem>>, vector<16xf32>,
      %max3A_2233 = arith.maximumf %max3A_2229, %get3A_2232 : vector<16xf32>
      %get3A_2234 = arith.index_cast %add3A_2206 : i32 to index
      %get3A_2235 = arith.constant 112 : index
      %get3A_2236 = tpu.vector_load %arg8[%get3A_2234, %get3A_2235] {strides = array<i32>} : memref<256x200xf32, #tpu.memory_space<vmem>>, vector<16xf32>,
      %max3A_2237 = arith.maximumf %max3A_2233, %get3A_2236 : vector<16xf32>
      %get3A_2238 = arith.index_cast %add3A_2206 : i32 to index
      %get3A_2239 = arith.constant 128 : index
      %get3A_2240 = tpu.vector_load %arg8[%get3A_2238, %get3A_2239] {strides = array<i32>} : memref<256x200xf32, #tpu.memory_space<vmem>>, vector<16xf32>,
      %max3A_2241 = arith.maximumf %max3A_2237, %get3A_2240 : vector<16xf32>
      %get3A_2242 = arith.index_cast %add3A_2206 : i32 to index
      %get3A_2243 = arith.constant 144 : index
      %get3A_2244 = tpu.vector_load %arg8[%get3A_2242, %get3A_2243] {strides = array<i32>} : memref<256x200xf32, #tpu.memory_space<vmem>>, vector<16xf32>,
      %max3A_2245 = arith.maximumf %max3A_2241, %get3A_2244 : vector<16xf32>
      %get3A_2246 = arith.index_cast %add3A_2206 : i32 to index
      %get3A_2247 = arith.constant 160 : index
      %get3A_2248 = tpu.vector_load %arg8[%get3A_2246, %get3A_2247] {strides = array<i32>} : memref<256x200xf32, #tpu.memory_space<vmem>>, vector<16xf32>,
      %max3A_2249 = arith.maximumf %max3A_2245, %get3A_2248 : vector<16xf32>
      %get3A_2250 = arith.index_cast %add3A_2206 : i32 to index
      %get3A_2251 = arith.constant 176 : index
      %get3A_2252 = tpu.vector_load %arg8[%get3A_2250, %get3A_2251] {strides = array<i32>} : memref<256x200xf32, #tpu.memory_space<vmem>>, vector<16xf32>,
      %max3A_2253 = arith.maximumf %max3A_2249, %get3A_2252 : vector<16xf32>
      %get3A_2254 = arith.index_cast %add3A_2206 : i32 to index
      %get3A_2255 = arith.constant 184 : index
      %get3A_2256 = tpu.vector_load %arg8[%get3A_2254, %get3A_2255] {strides = array<i32>} : memref<256x200xf32, #tpu.memory_space<vmem>>, vector<16xf32>,
      %max3A_2257 = arith.maximumf %max3A_2253, %get3A_2256 : vector<16xf32>
      %xor3A_2258 = arith.constant 8 : i32
      %xor3A_2259 = vector.broadcast %xor3A_2258 : i32 to vector<16xi32>
      %xor3A_2260 = arith.xori %iota3A, %xor3A_2259 : vector<16xi32>
      %lt3A_2261 = arith.constant 0 : i32
      %lt3A_2262 = vector.broadcast %lt3A_2261 : i32 to vector<16xi32>
      %lt3A_2263 = arith.cmpi slt, %xor3A_2260, %lt3A_2262 : vector<16xi32>
      %add3A_2264 = arith.constant 16 : i32
      %add3A_2265 = vector.broadcast %add3A_2264 : i32 to vector<16xi32>
      %add3A_2266 = arith.addi %xor3A_2260, %add3A_2265 : vector<16xi32>
      %select_n3A_2267 = arith.select %lt3A_2263, %add3A_2266, %xor3A_2260 : vector<16xi1>, vector<16xi32>
      %broadcast_in_dim3A_2268 = vector.shape_cast %select_n3A_2267 : vector<16xi32> to vector<16x1xi32>
      %gather3A_2269 = vector.shape_cast %broadcast_in_dim3A_2268 : vector<16x1xi32> to vector<16xi32>
      %gather3A_2270 = tpu.dynamic_gather %max3A_2257[%gather3A_2269] in [0] : vector<16xf32>, vector<16xi32> -> vector<16xf32>
      %max3A_2271 = arith.maximumf %max3A_2257, %gather3A_2270 : vector<16xf32>
      %xor3A_2272 = arith.constant 4 : i32
      %xor3A_2273 = vector.broadcast %xor3A_2272 : i32 to vector<16xi32>
      %xor3A_2274 = arith.xori %iota3A, %xor3A_2273 : vector<16xi32>
      %lt3A_2275 = arith.constant 0 : i32
      %lt3A_2276 = vector.broadcast %lt3A_2275 : i32 to vector<16xi32>
      %lt3A_2277 = arith.cmpi slt, %xor3A_2274, %lt3A_2276 : vector<16xi32>
      %add3A_2278 = arith.constant 16 : i32
      %add3A_2279 = vector.broadcast %add3A_2278 : i32 to vector<16xi32>
      %add3A_2280 = arith.addi %xor3A_2274, %add3A_2279 : vector<16xi32>
      %select_n3A_2281 = arith.select %lt3A_2277, %add3A_2280, %xor3A_2274 : vector<16xi1>, vector<16xi32>
      %broadcast_in_dim3A_2282 = vector.shape_cast %select_n3A_2281 : vector<16xi32> to vector<16x1xi32>
      %gather3A_2283 = vector.shape_cast %broadcast_in_dim3A_2282 : vector<16x1xi32> to vector<16xi32>
      %gather3A_2284 = tpu.dynamic_gather %max3A_2271[%gather3A_2283] in [0] : vector<16xf32>, vector<16xi32> -> vector<16xf32>
      %max3A_2285 = arith.maximumf %max3A_2271, %gather3A_2284 : vector<16xf32>
      %xor3A_2286 = arith.constant 2 : i32
      %xor3A_2287 = vector.broadcast %xor3A_2286 : i32 to vector<16xi32>
      %xor3A_2288 = arith.xori %iota3A, %xor3A_2287 : vector<16xi32>
      %lt3A_2289 = arith.constant 0 : i32
      %lt3A_2290 = vector.broadcast %lt3A_2289 : i32 to vector<16xi32>
      %lt3A_2291 = arith.cmpi slt, %xor3A_2288, %lt3A_2290 : vector<16xi32>
      %add3A_2292 = arith.constant 16 : i32
      %add3A_2293 = vector.broadcast %add3A_2292 : i32 to vector<16xi32>
      %add3A_2294 = arith.addi %xor3A_2288, %add3A_2293 : vector<16xi32>
      %select_n3A_2295 = arith.select %lt3A_2291, %add3A_2294, %xor3A_2288 : vector<16xi1>, vector<16xi32>
      %broadcast_in_dim3A_2296 = vector.shape_cast %select_n3A_2295 : vector<16xi32> to vector<16x1xi32>
      %gather3A_2297 = vector.shape_cast %broadcast_in_dim3A_2296 : vector<16x1xi32> to vector<16xi32>
      %gather3A_2298 = tpu.dynamic_gather %max3A_2285[%gather3A_2297] in [0] : vector<16xf32>, vector<16xi32> -> vector<16xf32>
      %max3A_2299 = arith.maximumf %max3A_2285, %gather3A_2298 : vector<16xf32>
      %xor3A_2300 = arith.constant 1 : i32
      %xor3A_2301 = vector.broadcast %xor3A_2300 : i32 to vector<16xi32>
      %xor3A_2302 = arith.xori %iota3A, %xor3A_2301 : vector<16xi32>
      %lt3A_2303 = arith.constant 0 : i32
      %lt3A_2304 = vector.broadcast %lt3A_2303 : i32 to vector<16xi32>
      %lt3A_2305 = arith.cmpi slt, %xor3A_2302, %lt3A_2304 : vector<16xi32>
      %add3A_2306 = arith.constant 16 : i32
      %add3A_2307 = vector.broadcast %add3A_2306 : i32 to vector<16xi32>
      %add3A_2308 = arith.addi %xor3A_2302, %add3A_2307 : vector<16xi32>
      %select_n3A_2309 = arith.select %lt3A_2305, %add3A_2308, %xor3A_2302 : vector<16xi1>, vector<16xi32>
      %broadcast_in_dim3A_2310 = vector.shape_cast %select_n3A_2309 : vector<16xi32> to vector<16x1xi32>
      %gather3A_2311 = vector.shape_cast %broadcast_in_dim3A_2310 : vector<16x1xi32> to vector<16xi32>
      %gather3A_2312 = tpu.dynamic_gather %max3A_2299[%gather3A_2311] in [0] : vector<16xf32>, vector<16xi32> -> vector<16xf32>
      %max3A_2313 = arith.maximumf %max3A_2299, %gather3A_2312 : vector<16xf32>
      %sub3A_2314 = arith.subf %get3A_2209, %max3A_2313 : vector<16xf32>
      %exp3A_2315 = math.exp %sub3A_2314 : vector<16xf32>
      %sub3A_2316 = arith.subf %get3A_2212, %max3A_2313 : vector<16xf32>
      %exp3A_2317 = math.exp %sub3A_2316 : vector<16xf32>
      %add3A_2318 = arith.addf %exp3A_2315, %exp3A_2317 : vector<16xf32>
      %sub3A_2319 = arith.subf %get3A_2216, %max3A_2313 : vector<16xf32>
      %exp3A_2320 = math.exp %sub3A_2319 : vector<16xf32>
      %add3A_2321 = arith.addf %add3A_2318, %exp3A_2320 : vector<16xf32>
      %sub3A_2322 = arith.subf %get3A_2220, %max3A_2313 : vector<16xf32>
      %exp3A_2323 = math.exp %sub3A_2322 : vector<16xf32>
      %add3A_2324 = arith.addf %add3A_2321, %exp3A_2323 : vector<16xf32>
      %sub3A_2325 = arith.subf %get3A_2224, %max3A_2313 : vector<16xf32>
      %exp3A_2326 = math.exp %sub3A_2325 : vector<16xf32>
      %add3A_2327 = arith.addf %add3A_2324, %exp3A_2326 : vector<16xf32>
      %sub3A_2328 = arith.subf %get3A_2228, %max3A_2313 : vector<16xf32>
      %exp3A_2329 = math.exp %sub3A_2328 : vector<16xf32>
      %add3A_2330 = arith.addf %add3A_2327, %exp3A_2329 : vector<16xf32>
      %sub3A_2331 = arith.subf %get3A_2232, %max3A_2313 : vector<16xf32>
      %exp3A_2332 = math.exp %sub3A_2331 : vector<16xf32>
      %add3A_2333 = arith.addf %add3A_2330, %exp3A_2332 : vector<16xf32>
      %sub3A_2334 = arith.subf %get3A_2236, %max3A_2313 : vector<16xf32>
      %exp3A_2335 = math.exp %sub3A_2334 : vector<16xf32>
      %add3A_2336 = arith.addf %add3A_2333, %exp3A_2335 : vector<16xf32>
      %sub3A_2337 = arith.subf %get3A_2240, %max3A_2313 : vector<16xf32>
      %exp3A_2338 = math.exp %sub3A_2337 : vector<16xf32>
      %add3A_2339 = arith.addf %add3A_2336, %exp3A_2338 : vector<16xf32>
      %sub3A_2340 = arith.subf %get3A_2244, %max3A_2313 : vector<16xf32>
      %exp3A_2341 = math.exp %sub3A_2340 : vector<16xf32>
      %add3A_2342 = arith.addf %add3A_2339, %exp3A_2341 : vector<16xf32>
      %sub3A_2343 = arith.subf %get3A_2248, %max3A_2313 : vector<16xf32>
      %exp3A_2344 = math.exp %sub3A_2343 : vector<16xf32>
      %add3A_2345 = arith.addf %add3A_2342, %exp3A_2344 : vector<16xf32>
      %sub3A_2346 = arith.subf %get3A_2252, %max3A_2313 : vector<16xf32>
      %exp3A_2347 = math.exp %sub3A_2346 : vector<16xf32>
      %add3A_2348 = arith.addf %add3A_2345, %exp3A_2347 : vector<16xf32>
      %sub3A_2349 = arith.subf %get3A_2256, %max3A_2313 : vector<16xf32>
      %exp3A_2350 = math.exp %sub3A_2349 : vector<16xf32>
      %jit3A_2351 = arith.constant 0.000000e+00 : f32
      %broadcast_in_dim3A_2352 = vector.broadcast %jit3A_2351 : f32 to vector<16xf32>
      %select_n3A_2353 = arith.select %ge3A_39, %exp3A_2350, %broadcast_in_dim3A_2352 : vector<16xi1>, vector<16xf32>
      %add3A_2354 = arith.addf %add3A_2348, %select_n3A_2353 : vector<16xf32>
      %xor3A_2355 = arith.constant 8 : i32
      %xor3A_2356 = vector.broadcast %xor3A_2355 : i32 to vector<16xi32>
      %xor3A_2357 = arith.xori %iota3A, %xor3A_2356 : vector<16xi32>
      %lt3A_2358 = arith.constant 0 : i32
      %lt3A_2359 = vector.broadcast %lt3A_2358 : i32 to vector<16xi32>
      %lt3A_2360 = arith.cmpi slt, %xor3A_2357, %lt3A_2359 : vector<16xi32>
      %add3A_2361 = arith.constant 16 : i32
      %add3A_2362 = vector.broadcast %add3A_2361 : i32 to vector<16xi32>
      %add3A_2363 = arith.addi %xor3A_2357, %add3A_2362 : vector<16xi32>
      %select_n3A_2364 = arith.select %lt3A_2360, %add3A_2363, %xor3A_2357 : vector<16xi1>, vector<16xi32>
      %broadcast_in_dim3A_2365 = vector.shape_cast %select_n3A_2364 : vector<16xi32> to vector<16x1xi32>
      %gather3A_2366 = vector.shape_cast %broadcast_in_dim3A_2365 : vector<16x1xi32> to vector<16xi32>
      %gather3A_2367 = tpu.dynamic_gather %add3A_2354[%gather3A_2366] in [0] : vector<16xf32>, vector<16xi32> -> vector<16xf32>
      %add3A_2368 = arith.addf %add3A_2354, %gather3A_2367 : vector<16xf32>
      %xor3A_2369 = arith.constant 4 : i32
      %xor3A_2370 = vector.broadcast %xor3A_2369 : i32 to vector<16xi32>
      %xor3A_2371 = arith.xori %iota3A, %xor3A_2370 : vector<16xi32>
      %lt3A_2372 = arith.constant 0 : i32
      %lt3A_2373 = vector.broadcast %lt3A_2372 : i32 to vector<16xi32>
      %lt3A_2374 = arith.cmpi slt, %xor3A_2371, %lt3A_2373 : vector<16xi32>
      %add3A_2375 = arith.constant 16 : i32
      %add3A_2376 = vector.broadcast %add3A_2375 : i32 to vector<16xi32>
      %add3A_2377 = arith.addi %xor3A_2371, %add3A_2376 : vector<16xi32>
      %select_n3A_2378 = arith.select %lt3A_2374, %add3A_2377, %xor3A_2371 : vector<16xi1>, vector<16xi32>
      %broadcast_in_dim3A_2379 = vector.shape_cast %select_n3A_2378 : vector<16xi32> to vector<16x1xi32>
      %gather3A_2380 = vector.shape_cast %broadcast_in_dim3A_2379 : vector<16x1xi32> to vector<16xi32>
      %gather3A_2381 = tpu.dynamic_gather %add3A_2368[%gather3A_2380] in [0] : vector<16xf32>, vector<16xi32> -> vector<16xf32>
      %add3A_2382 = arith.addf %add3A_2368, %gather3A_2381 : vector<16xf32>
      %xor3A_2383 = arith.constant 2 : i32
      %xor3A_2384 = vector.broadcast %xor3A_2383 : i32 to vector<16xi32>
      %xor3A_2385 = arith.xori %iota3A, %xor3A_2384 : vector<16xi32>
      %lt3A_2386 = arith.constant 0 : i32
      %lt3A_2387 = vector.broadcast %lt3A_2386 : i32 to vector<16xi32>
      %lt3A_2388 = arith.cmpi slt, %xor3A_2385, %lt3A_2387 : vector<16xi32>
      %add3A_2389 = arith.constant 16 : i32
      %add3A_2390 = vector.broadcast %add3A_2389 : i32 to vector<16xi32>
      %add3A_2391 = arith.addi %xor3A_2385, %add3A_2390 : vector<16xi32>
      %select_n3A_2392 = arith.select %lt3A_2388, %add3A_2391, %xor3A_2385 : vector<16xi1>, vector<16xi32>
      %broadcast_in_dim3A_2393 = vector.shape_cast %select_n3A_2392 : vector<16xi32> to vector<16x1xi32>
      %gather3A_2394 = vector.shape_cast %broadcast_in_dim3A_2393 : vector<16x1xi32> to vector<16xi32>
      %gather3A_2395 = tpu.dynamic_gather %add3A_2382[%gather3A_2394] in [0] : vector<16xf32>, vector<16xi32> -> vector<16xf32>
      %add3A_2396 = arith.addf %add3A_2382, %gather3A_2395 : vector<16xf32>
      %xor3A_2397 = arith.constant 1 : i32
      %xor3A_2398 = vector.broadcast %xor3A_2397 : i32 to vector<16xi32>
      %xor3A_2399 = arith.xori %iota3A, %xor3A_2398 : vector<16xi32>
      %lt3A_2400 = arith.constant 0 : i32
      %lt3A_2401 = vector.broadcast %lt3A_2400 : i32 to vector<16xi32>
      %lt3A_2402 = arith.cmpi slt, %xor3A_2399, %lt3A_2401 : vector<16xi32>
      %add3A_2403 = arith.constant 16 : i32
      %add3A_2404 = vector.broadcast %add3A_2403 : i32 to vector<16xi32>
      %add3A_2405 = arith.addi %xor3A_2399, %add3A_2404 : vector<16xi32>
      %select_n3A_2406 = arith.select %lt3A_2402, %add3A_2405, %xor3A_2399 : vector<16xi1>, vector<16xi32>
      %broadcast_in_dim3A_2407 = vector.shape_cast %select_n3A_2406 : vector<16xi32> to vector<16x1xi32>
      %gather3A_2408 = vector.shape_cast %broadcast_in_dim3A_2407 : vector<16x1xi32> to vector<16xi32>
      %gather3A_2409 = tpu.dynamic_gather %add3A_2396[%gather3A_2408] in [0] : vector<16xf32>, vector<16xi32> -> vector<16xf32>
      %add3A_2410 = arith.addf %add3A_2396, %gather3A_2409 : vector<16xf32>
      %eq3A_2411 = arith.constant 10 : i32
      %eq3A_2412 = vector.broadcast %eq3A_2411 : i32 to vector<16xi32>
      %eq3A_2413 = arith.cmpi eq, %iota3A, %eq3A_2412 : vector<16xi32>
      %select_n3A_2414 = arith.select %eq3A_2413, %max3A_2313, %select_n3A_2199 : vector<16xi1>, vector<16xf32>
      %select_n3A_2415 = arith.select %eq3A_2413, %add3A_2410, %select_n3A_2200 : vector<16xi1>, vector<16xf32>
      %slice3A_2416 = vector.extract_strided_slice %get3A_2209 {offsets = [0], sizes = [1], strides = [1]} : vector<16xf32> to vector<1xf32>
      %squeeze3A_2417 = vector.extract %slice3A_2416[0] : f32 from vector<1xf32>
      %broadcast_in_dim3A_2418 = vector.broadcast %squeeze3A_2417 : f32 to vector<16xf32>
      %select_n3A_2419 = arith.select %eq3A_2413, %broadcast_in_dim3A_2418, %select_n3A_2204 : vector<16xi1>, vector<16xf32>
      %add3A_2420 = arith.constant 11 : i32
      %add3A_2421 = arith.addi %mul3A_55, %add3A_2420 : i32
      %get3A_2422 = arith.index_cast %add3A_2421 : i32 to index
      %get3A_2423 = arith.constant 0 : index
      %get3A_2424 = tpu.vector_load %arg8[%get3A_2422, %get3A_2423] {strides = array<i32>} : memref<256x200xf32, #tpu.memory_space<vmem>>, vector<16xf32>,
      %get3A_2425 = arith.index_cast %add3A_2421 : i32 to index
      %get3A_2426 = arith.constant 16 : index
      %get3A_2427 = tpu.vector_load %arg8[%get3A_2425, %get3A_2426] {strides = array<i32>} : memref<256x200xf32, #tpu.memory_space<vmem>>, vector<16xf32>,
      %max3A_2428 = arith.maximumf %get3A_2424, %get3A_2427 : vector<16xf32>
      %get3A_2429 = arith.index_cast %add3A_2421 : i32 to index
      %get3A_2430 = arith.constant 32 : index
      %get3A_2431 = tpu.vector_load %arg8[%get3A_2429, %get3A_2430] {strides = array<i32>} : memref<256x200xf32, #tpu.memory_space<vmem>>, vector<16xf32>,
      %max3A_2432 = arith.maximumf %max3A_2428, %get3A_2431 : vector<16xf32>
      %get3A_2433 = arith.index_cast %add3A_2421 : i32 to index
      %get3A_2434 = arith.constant 48 : index
      %get3A_2435 = tpu.vector_load %arg8[%get3A_2433, %get3A_2434] {strides = array<i32>} : memref<256x200xf32, #tpu.memory_space<vmem>>, vector<16xf32>,
      %max3A_2436 = arith.maximumf %max3A_2432, %get3A_2435 : vector<16xf32>
      %get3A_2437 = arith.index_cast %add3A_2421 : i32 to index
      %get3A_2438 = arith.constant 64 : index
      %get3A_2439 = tpu.vector_load %arg8[%get3A_2437, %get3A_2438] {strides = array<i32>} : memref<256x200xf32, #tpu.memory_space<vmem>>, vector<16xf32>,
      %max3A_2440 = arith.maximumf %max3A_2436, %get3A_2439 : vector<16xf32>
      %get3A_2441 = arith.index_cast %add3A_2421 : i32 to index
      %get3A_2442 = arith.constant 80 : index
      %get3A_2443 = tpu.vector_load %arg8[%get3A_2441, %get3A_2442] {strides = array<i32>} : memref<256x200xf32, #tpu.memory_space<vmem>>, vector<16xf32>,
      %max3A_2444 = arith.maximumf %max3A_2440, %get3A_2443 : vector<16xf32>
      %get3A_2445 = arith.index_cast %add3A_2421 : i32 to index
      %get3A_2446 = arith.constant 96 : index
      %get3A_2447 = tpu.vector_load %arg8[%get3A_2445, %get3A_2446] {strides = array<i32>} : memref<256x200xf32, #tpu.memory_space<vmem>>, vector<16xf32>,
      %max3A_2448 = arith.maximumf %max3A_2444, %get3A_2447 : vector<16xf32>
      %get3A_2449 = arith.index_cast %add3A_2421 : i32 to index
      %get3A_2450 = arith.constant 112 : index
      %get3A_2451 = tpu.vector_load %arg8[%get3A_2449, %get3A_2450] {strides = array<i32>} : memref<256x200xf32, #tpu.memory_space<vmem>>, vector<16xf32>,
      %max3A_2452 = arith.maximumf %max3A_2448, %get3A_2451 : vector<16xf32>
      %get3A_2453 = arith.index_cast %add3A_2421 : i32 to index
      %get3A_2454 = arith.constant 128 : index
      %get3A_2455 = tpu.vector_load %arg8[%get3A_2453, %get3A_2454] {strides = array<i32>} : memref<256x200xf32, #tpu.memory_space<vmem>>, vector<16xf32>,
      %max3A_2456 = arith.maximumf %max3A_2452, %get3A_2455 : vector<16xf32>
      %get3A_2457 = arith.index_cast %add3A_2421 : i32 to index
      %get3A_2458 = arith.constant 144 : index
      %get3A_2459 = tpu.vector_load %arg8[%get3A_2457, %get3A_2458] {strides = array<i32>} : memref<256x200xf32, #tpu.memory_space<vmem>>, vector<16xf32>,
      %max3A_2460 = arith.maximumf %max3A_2456, %get3A_2459 : vector<16xf32>
      %get3A_2461 = arith.index_cast %add3A_2421 : i32 to index
      %get3A_2462 = arith.constant 160 : index
      %get3A_2463 = tpu.vector_load %arg8[%get3A_2461, %get3A_2462] {strides = array<i32>} : memref<256x200xf32, #tpu.memory_space<vmem>>, vector<16xf32>,
      %max3A_2464 = arith.maximumf %max3A_2460, %get3A_2463 : vector<16xf32>
      %get3A_2465 = arith.index_cast %add3A_2421 : i32 to index
      %get3A_2466 = arith.constant 176 : index
      %get3A_2467 = tpu.vector_load %arg8[%get3A_2465, %get3A_2466] {strides = array<i32>} : memref<256x200xf32, #tpu.memory_space<vmem>>, vector<16xf32>,
      %max3A_2468 = arith.maximumf %max3A_2464, %get3A_2467 : vector<16xf32>
      %get3A_2469 = arith.index_cast %add3A_2421 : i32 to index
      %get3A_2470 = arith.constant 184 : index
      %get3A_2471 = tpu.vector_load %arg8[%get3A_2469, %get3A_2470] {strides = array<i32>} : memref<256x200xf32, #tpu.memory_space<vmem>>, vector<16xf32>,
      %max3A_2472 = arith.maximumf %max3A_2468, %get3A_2471 : vector<16xf32>
      %xor3A_2473 = arith.constant 8 : i32
      %xor3A_2474 = vector.broadcast %xor3A_2473 : i32 to vector<16xi32>
      %xor3A_2475 = arith.xori %iota3A, %xor3A_2474 : vector<16xi32>
      %lt3A_2476 = arith.constant 0 : i32
      %lt3A_2477 = vector.broadcast %lt3A_2476 : i32 to vector<16xi32>
      %lt3A_2478 = arith.cmpi slt, %xor3A_2475, %lt3A_2477 : vector<16xi32>
      %add3A_2479 = arith.constant 16 : i32
      %add3A_2480 = vector.broadcast %add3A_2479 : i32 to vector<16xi32>
      %add3A_2481 = arith.addi %xor3A_2475, %add3A_2480 : vector<16xi32>
      %select_n3A_2482 = arith.select %lt3A_2478, %add3A_2481, %xor3A_2475 : vector<16xi1>, vector<16xi32>
      %broadcast_in_dim3A_2483 = vector.shape_cast %select_n3A_2482 : vector<16xi32> to vector<16x1xi32>
      %gather3A_2484 = vector.shape_cast %broadcast_in_dim3A_2483 : vector<16x1xi32> to vector<16xi32>
      %gather3A_2485 = tpu.dynamic_gather %max3A_2472[%gather3A_2484] in [0] : vector<16xf32>, vector<16xi32> -> vector<16xf32>
      %max3A_2486 = arith.maximumf %max3A_2472, %gather3A_2485 : vector<16xf32>
      %xor3A_2487 = arith.constant 4 : i32
      %xor3A_2488 = vector.broadcast %xor3A_2487 : i32 to vector<16xi32>
      %xor3A_2489 = arith.xori %iota3A, %xor3A_2488 : vector<16xi32>
      %lt3A_2490 = arith.constant 0 : i32
      %lt3A_2491 = vector.broadcast %lt3A_2490 : i32 to vector<16xi32>
      %lt3A_2492 = arith.cmpi slt, %xor3A_2489, %lt3A_2491 : vector<16xi32>
      %add3A_2493 = arith.constant 16 : i32
      %add3A_2494 = vector.broadcast %add3A_2493 : i32 to vector<16xi32>
      %add3A_2495 = arith.addi %xor3A_2489, %add3A_2494 : vector<16xi32>
      %select_n3A_2496 = arith.select %lt3A_2492, %add3A_2495, %xor3A_2489 : vector<16xi1>, vector<16xi32>
      %broadcast_in_dim3A_2497 = vector.shape_cast %select_n3A_2496 : vector<16xi32> to vector<16x1xi32>
      %gather3A_2498 = vector.shape_cast %broadcast_in_dim3A_2497 : vector<16x1xi32> to vector<16xi32>
      %gather3A_2499 = tpu.dynamic_gather %max3A_2486[%gather3A_2498] in [0] : vector<16xf32>, vector<16xi32> -> vector<16xf32>
      %max3A_2500 = arith.maximumf %max3A_2486, %gather3A_2499 : vector<16xf32>
      %xor3A_2501 = arith.constant 2 : i32
      %xor3A_2502 = vector.broadcast %xor3A_2501 : i32 to vector<16xi32>
      %xor3A_2503 = arith.xori %iota3A, %xor3A_2502 : vector<16xi32>
      %lt3A_2504 = arith.constant 0 : i32
      %lt3A_2505 = vector.broadcast %lt3A_2504 : i32 to vector<16xi32>
      %lt3A_2506 = arith.cmpi slt, %xor3A_2503, %lt3A_2505 : vector<16xi32>
      %add3A_2507 = arith.constant 16 : i32
      %add3A_2508 = vector.broadcast %add3A_2507 : i32 to vector<16xi32>
      %add3A_2509 = arith.addi %xor3A_2503, %add3A_2508 : vector<16xi32>
      %select_n3A_2510 = arith.select %lt3A_2506, %add3A_2509, %xor3A_2503 : vector<16xi1>, vector<16xi32>
      %broadcast_in_dim3A_2511 = vector.shape_cast %select_n3A_2510 : vector<16xi32> to vector<16x1xi32>
      %gather3A_2512 = vector.shape_cast %broadcast_in_dim3A_2511 : vector<16x1xi32> to vector<16xi32>
      %gather3A_2513 = tpu.dynamic_gather %max3A_2500[%gather3A_2512] in [0] : vector<16xf32>, vector<16xi32> -> vector<16xf32>
      %max3A_2514 = arith.maximumf %max3A_2500, %gather3A_2513 : vector<16xf32>
      %xor3A_2515 = arith.constant 1 : i32
      %xor3A_2516 = vector.broadcast %xor3A_2515 : i32 to vector<16xi32>
      %xor3A_2517 = arith.xori %iota3A, %xor3A_2516 : vector<16xi32>
      %lt3A_2518 = arith.constant 0 : i32
      %lt3A_2519 = vector.broadcast %lt3A_2518 : i32 to vector<16xi32>
      %lt3A_2520 = arith.cmpi slt, %xor3A_2517, %lt3A_2519 : vector<16xi32>
      %add3A_2521 = arith.constant 16 : i32
      %add3A_2522 = vector.broadcast %add3A_2521 : i32 to vector<16xi32>
      %add3A_2523 = arith.addi %xor3A_2517, %add3A_2522 : vector<16xi32>
      %select_n3A_2524 = arith.select %lt3A_2520, %add3A_2523, %xor3A_2517 : vector<16xi1>, vector<16xi32>
      %broadcast_in_dim3A_2525 = vector.shape_cast %select_n3A_2524 : vector<16xi32> to vector<16x1xi32>
      %gather3A_2526 = vector.shape_cast %broadcast_in_dim3A_2525 : vector<16x1xi32> to vector<16xi32>
      %gather3A_2527 = tpu.dynamic_gather %max3A_2514[%gather3A_2526] in [0] : vector<16xf32>, vector<16xi32> -> vector<16xf32>
      %max3A_2528 = arith.maximumf %max3A_2514, %gather3A_2527 : vector<16xf32>
      %sub3A_2529 = arith.subf %get3A_2424, %max3A_2528 : vector<16xf32>
      %exp3A_2530 = math.exp %sub3A_2529 : vector<16xf32>
      %sub3A_2531 = arith.subf %get3A_2427, %max3A_2528 : vector<16xf32>
      %exp3A_2532 = math.exp %sub3A_2531 : vector<16xf32>
      %add3A_2533 = arith.addf %exp3A_2530, %exp3A_2532 : vector<16xf32>
      %sub3A_2534 = arith.subf %get3A_2431, %max3A_2528 : vector<16xf32>
      %exp3A_2535 = math.exp %sub3A_2534 : vector<16xf32>
      %add3A_2536 = arith.addf %add3A_2533, %exp3A_2535 : vector<16xf32>
      %sub3A_2537 = arith.subf %get3A_2435, %max3A_2528 : vector<16xf32>
      %exp3A_2538 = math.exp %sub3A_2537 : vector<16xf32>
      %add3A_2539 = arith.addf %add3A_2536, %exp3A_2538 : vector<16xf32>
      %sub3A_2540 = arith.subf %get3A_2439, %max3A_2528 : vector<16xf32>
      %exp3A_2541 = math.exp %sub3A_2540 : vector<16xf32>
      %add3A_2542 = arith.addf %add3A_2539, %exp3A_2541 : vector<16xf32>
      %sub3A_2543 = arith.subf %get3A_2443, %max3A_2528 : vector<16xf32>
      %exp3A_2544 = math.exp %sub3A_2543 : vector<16xf32>
      %add3A_2545 = arith.addf %add3A_2542, %exp3A_2544 : vector<16xf32>
      %sub3A_2546 = arith.subf %get3A_2447, %max3A_2528 : vector<16xf32>
      %exp3A_2547 = math.exp %sub3A_2546 : vector<16xf32>
      %add3A_2548 = arith.addf %add3A_2545, %exp3A_2547 : vector<16xf32>
      %sub3A_2549 = arith.subf %get3A_2451, %max3A_2528 : vector<16xf32>
      %exp3A_2550 = math.exp %sub3A_2549 : vector<16xf32>
      %add3A_2551 = arith.addf %add3A_2548, %exp3A_2550 : vector<16xf32>
      %sub3A_2552 = arith.subf %get3A_2455, %max3A_2528 : vector<16xf32>
      %exp3A_2553 = math.exp %sub3A_2552 : vector<16xf32>
      %add3A_2554 = arith.addf %add3A_2551, %exp3A_2553 : vector<16xf32>
      %sub3A_2555 = arith.subf %get3A_2459, %max3A_2528 : vector<16xf32>
      %exp3A_2556 = math.exp %sub3A_2555 : vector<16xf32>
      %add3A_2557 = arith.addf %add3A_2554, %exp3A_2556 : vector<16xf32>
      %sub3A_2558 = arith.subf %get3A_2463, %max3A_2528 : vector<16xf32>
      %exp3A_2559 = math.exp %sub3A_2558 : vector<16xf32>
      %add3A_2560 = arith.addf %add3A_2557, %exp3A_2559 : vector<16xf32>
      %sub3A_2561 = arith.subf %get3A_2467, %max3A_2528 : vector<16xf32>
      %exp3A_2562 = math.exp %sub3A_2561 : vector<16xf32>
      %add3A_2563 = arith.addf %add3A_2560, %exp3A_2562 : vector<16xf32>
      %sub3A_2564 = arith.subf %get3A_2471, %max3A_2528 : vector<16xf32>
      %exp3A_2565 = math.exp %sub3A_2564 : vector<16xf32>
      %jit3A_2566 = arith.constant 0.000000e+00 : f32
      %broadcast_in_dim3A_2567 = vector.broadcast %jit3A_2566 : f32 to vector<16xf32>
      %select_n3A_2568 = arith.select %ge3A_39, %exp3A_2565, %broadcast_in_dim3A_2567 : vector<16xi1>, vector<16xf32>
      %add3A_2569 = arith.addf %add3A_2563, %select_n3A_2568 : vector<16xf32>
      %xor3A_2570 = arith.constant 8 : i32
      %xor3A_2571 = vector.broadcast %xor3A_2570 : i32 to vector<16xi32>
      %xor3A_2572 = arith.xori %iota3A, %xor3A_2571 : vector<16xi32>
      %lt3A_2573 = arith.constant 0 : i32
      %lt3A_2574 = vector.broadcast %lt3A_2573 : i32 to vector<16xi32>
      %lt3A_2575 = arith.cmpi slt, %xor3A_2572, %lt3A_2574 : vector<16xi32>
      %add3A_2576 = arith.constant 16 : i32
      %add3A_2577 = vector.broadcast %add3A_2576 : i32 to vector<16xi32>
      %add3A_2578 = arith.addi %xor3A_2572, %add3A_2577 : vector<16xi32>
      %select_n3A_2579 = arith.select %lt3A_2575, %add3A_2578, %xor3A_2572 : vector<16xi1>, vector<16xi32>
      %broadcast_in_dim3A_2580 = vector.shape_cast %select_n3A_2579 : vector<16xi32> to vector<16x1xi32>
      %gather3A_2581 = vector.shape_cast %broadcast_in_dim3A_2580 : vector<16x1xi32> to vector<16xi32>
      %gather3A_2582 = tpu.dynamic_gather %add3A_2569[%gather3A_2581] in [0] : vector<16xf32>, vector<16xi32> -> vector<16xf32>
      %add3A_2583 = arith.addf %add3A_2569, %gather3A_2582 : vector<16xf32>
      %xor3A_2584 = arith.constant 4 : i32
      %xor3A_2585 = vector.broadcast %xor3A_2584 : i32 to vector<16xi32>
      %xor3A_2586 = arith.xori %iota3A, %xor3A_2585 : vector<16xi32>
      %lt3A_2587 = arith.constant 0 : i32
      %lt3A_2588 = vector.broadcast %lt3A_2587 : i32 to vector<16xi32>
      %lt3A_2589 = arith.cmpi slt, %xor3A_2586, %lt3A_2588 : vector<16xi32>
      %add3A_2590 = arith.constant 16 : i32
      %add3A_2591 = vector.broadcast %add3A_2590 : i32 to vector<16xi32>
      %add3A_2592 = arith.addi %xor3A_2586, %add3A_2591 : vector<16xi32>
      %select_n3A_2593 = arith.select %lt3A_2589, %add3A_2592, %xor3A_2586 : vector<16xi1>, vector<16xi32>
      %broadcast_in_dim3A_2594 = vector.shape_cast %select_n3A_2593 : vector<16xi32> to vector<16x1xi32>
      %gather3A_2595 = vector.shape_cast %broadcast_in_dim3A_2594 : vector<16x1xi32> to vector<16xi32>
      %gather3A_2596 = tpu.dynamic_gather %add3A_2583[%gather3A_2595] in [0] : vector<16xf32>, vector<16xi32> -> vector<16xf32>
      %add3A_2597 = arith.addf %add3A_2583, %gather3A_2596 : vector<16xf32>
      %xor3A_2598 = arith.constant 2 : i32
      %xor3A_2599 = vector.broadcast %xor3A_2598 : i32 to vector<16xi32>
      %xor3A_2600 = arith.xori %iota3A, %xor3A_2599 : vector<16xi32>
      %lt3A_2601 = arith.constant 0 : i32
      %lt3A_2602 = vector.broadcast %lt3A_2601 : i32 to vector<16xi32>
      %lt3A_2603 = arith.cmpi slt, %xor3A_2600, %lt3A_2602 : vector<16xi32>
      %add3A_2604 = arith.constant 16 : i32
      %add3A_2605 = vector.broadcast %add3A_2604 : i32 to vector<16xi32>
      %add3A_2606 = arith.addi %xor3A_2600, %add3A_2605 : vector<16xi32>
      %select_n3A_2607 = arith.select %lt3A_2603, %add3A_2606, %xor3A_2600 : vector<16xi1>, vector<16xi32>
      %broadcast_in_dim3A_2608 = vector.shape_cast %select_n3A_2607 : vector<16xi32> to vector<16x1xi32>
      %gather3A_2609 = vector.shape_cast %broadcast_in_dim3A_2608 : vector<16x1xi32> to vector<16xi32>
      %gather3A_2610 = tpu.dynamic_gather %add3A_2597[%gather3A_2609] in [0] : vector<16xf32>, vector<16xi32> -> vector<16xf32>
      %add3A_2611 = arith.addf %add3A_2597, %gather3A_2610 : vector<16xf32>
      %xor3A_2612 = arith.constant 1 : i32
      %xor3A_2613 = vector.broadcast %xor3A_2612 : i32 to vector<16xi32>
      %xor3A_2614 = arith.xori %iota3A, %xor3A_2613 : vector<16xi32>
      %lt3A_2615 = arith.constant 0 : i32
      %lt3A_2616 = vector.broadcast %lt3A_2615 : i32 to vector<16xi32>
      %lt3A_2617 = arith.cmpi slt, %xor3A_2614, %lt3A_2616 : vector<16xi32>
      %add3A_2618 = arith.constant 16 : i32
      %add3A_2619 = vector.broadcast %add3A_2618 : i32 to vector<16xi32>
      %add3A_2620 = arith.addi %xor3A_2614, %add3A_2619 : vector<16xi32>
      %select_n3A_2621 = arith.select %lt3A_2617, %add3A_2620, %xor3A_2614 : vector<16xi1>, vector<16xi32>
      %broadcast_in_dim3A_2622 = vector.shape_cast %select_n3A_2621 : vector<16xi32> to vector<16x1xi32>
      %gather3A_2623 = vector.shape_cast %broadcast_in_dim3A_2622 : vector<16x1xi32> to vector<16xi32>
      %gather3A_2624 = tpu.dynamic_gather %add3A_2611[%gather3A_2623] in [0] : vector<16xf32>, vector<16xi32> -> vector<16xf32>
      %add3A_2625 = arith.addf %add3A_2611, %gather3A_2624 : vector<16xf32>
      %eq3A_2626 = arith.constant 11 : i32
      %eq3A_2627 = vector.broadcast %eq3A_2626 : i32 to vector<16xi32>
      %eq3A_2628 = arith.cmpi eq, %iota3A, %eq3A_2627 : vector<16xi32>
      %select_n3A_2629 = arith.select %eq3A_2628, %max3A_2528, %select_n3A_2414 : vector<16xi1>, vector<16xf32>
      %select_n3A_2630 = arith.select %eq3A_2628, %add3A_2625, %select_n3A_2415 : vector<16xi1>, vector<16xf32>
      %slice3A_2631 = vector.extract_strided_slice %get3A_2424 {offsets = [0], sizes = [1], strides = [1]} : vector<16xf32> to vector<1xf32>
      %squeeze3A_2632 = vector.extract %slice3A_2631[0] : f32 from vector<1xf32>
      %broadcast_in_dim3A_2633 = vector.broadcast %squeeze3A_2632 : f32 to vector<16xf32>
      %select_n3A_2634 = arith.select %eq3A_2628, %broadcast_in_dim3A_2633, %select_n3A_2419 : vector<16xi1>, vector<16xf32>
      %add3A_2635 = arith.constant 12 : i32
      %add3A_2636 = arith.addi %mul3A_55, %add3A_2635 : i32
      %get3A_2637 = arith.index_cast %add3A_2636 : i32 to index
      %get3A_2638 = arith.constant 0 : index
      %get3A_2639 = tpu.vector_load %arg8[%get3A_2637, %get3A_2638] {strides = array<i32>} : memref<256x200xf32, #tpu.memory_space<vmem>>, vector<16xf32>,
      %get3A_2640 = arith.index_cast %add3A_2636 : i32 to index
      %get3A_2641 = arith.constant 16 : index
      %get3A_2642 = tpu.vector_load %arg8[%get3A_2640, %get3A_2641] {strides = array<i32>} : memref<256x200xf32, #tpu.memory_space<vmem>>, vector<16xf32>,
      %max3A_2643 = arith.maximumf %get3A_2639, %get3A_2642 : vector<16xf32>
      %get3A_2644 = arith.index_cast %add3A_2636 : i32 to index
      %get3A_2645 = arith.constant 32 : index
      %get3A_2646 = tpu.vector_load %arg8[%get3A_2644, %get3A_2645] {strides = array<i32>} : memref<256x200xf32, #tpu.memory_space<vmem>>, vector<16xf32>,
      %max3A_2647 = arith.maximumf %max3A_2643, %get3A_2646 : vector<16xf32>
      %get3A_2648 = arith.index_cast %add3A_2636 : i32 to index
      %get3A_2649 = arith.constant 48 : index
      %get3A_2650 = tpu.vector_load %arg8[%get3A_2648, %get3A_2649] {strides = array<i32>} : memref<256x200xf32, #tpu.memory_space<vmem>>, vector<16xf32>,
      %max3A_2651 = arith.maximumf %max3A_2647, %get3A_2650 : vector<16xf32>
      %get3A_2652 = arith.index_cast %add3A_2636 : i32 to index
      %get3A_2653 = arith.constant 64 : index
      %get3A_2654 = tpu.vector_load %arg8[%get3A_2652, %get3A_2653] {strides = array<i32>} : memref<256x200xf32, #tpu.memory_space<vmem>>, vector<16xf32>,
      %max3A_2655 = arith.maximumf %max3A_2651, %get3A_2654 : vector<16xf32>
      %get3A_2656 = arith.index_cast %add3A_2636 : i32 to index
      %get3A_2657 = arith.constant 80 : index
      %get3A_2658 = tpu.vector_load %arg8[%get3A_2656, %get3A_2657] {strides = array<i32>} : memref<256x200xf32, #tpu.memory_space<vmem>>, vector<16xf32>,
      %max3A_2659 = arith.maximumf %max3A_2655, %get3A_2658 : vector<16xf32>
      %get3A_2660 = arith.index_cast %add3A_2636 : i32 to index
      %get3A_2661 = arith.constant 96 : index
      %get3A_2662 = tpu.vector_load %arg8[%get3A_2660, %get3A_2661] {strides = array<i32>} : memref<256x200xf32, #tpu.memory_space<vmem>>, vector<16xf32>,
      %max3A_2663 = arith.maximumf %max3A_2659, %get3A_2662 : vector<16xf32>
      %get3A_2664 = arith.index_cast %add3A_2636 : i32 to index
      %get3A_2665 = arith.constant 112 : index
      %get3A_2666 = tpu.vector_load %arg8[%get3A_2664, %get3A_2665] {strides = array<i32>} : memref<256x200xf32, #tpu.memory_space<vmem>>, vector<16xf32>,
      %max3A_2667 = arith.maximumf %max3A_2663, %get3A_2666 : vector<16xf32>
      %get3A_2668 = arith.index_cast %add3A_2636 : i32 to index
      %get3A_2669 = arith.constant 128 : index
      %get3A_2670 = tpu.vector_load %arg8[%get3A_2668, %get3A_2669] {strides = array<i32>} : memref<256x200xf32, #tpu.memory_space<vmem>>, vector<16xf32>,
      %max3A_2671 = arith.maximumf %max3A_2667, %get3A_2670 : vector<16xf32>
      %get3A_2672 = arith.index_cast %add3A_2636 : i32 to index
      %get3A_2673 = arith.constant 144 : index
      %get3A_2674 = tpu.vector_load %arg8[%get3A_2672, %get3A_2673] {strides = array<i32>} : memref<256x200xf32, #tpu.memory_space<vmem>>, vector<16xf32>,
      %max3A_2675 = arith.maximumf %max3A_2671, %get3A_2674 : vector<16xf32>
      %get3A_2676 = arith.index_cast %add3A_2636 : i32 to index
      %get3A_2677 = arith.constant 160 : index
      %get3A_2678 = tpu.vector_load %arg8[%get3A_2676, %get3A_2677] {strides = array<i32>} : memref<256x200xf32, #tpu.memory_space<vmem>>, vector<16xf32>,
      %max3A_2679 = arith.maximumf %max3A_2675, %get3A_2678 : vector<16xf32>
      %get3A_2680 = arith.index_cast %add3A_2636 : i32 to index
      %get3A_2681 = arith.constant 176 : index
      %get3A_2682 = tpu.vector_load %arg8[%get3A_2680, %get3A_2681] {strides = array<i32>} : memref<256x200xf32, #tpu.memory_space<vmem>>, vector<16xf32>,
      %max3A_2683 = arith.maximumf %max3A_2679, %get3A_2682 : vector<16xf32>
      %get3A_2684 = arith.index_cast %add3A_2636 : i32 to index
      %get3A_2685 = arith.constant 184 : index
      %get3A_2686 = tpu.vector_load %arg8[%get3A_2684, %get3A_2685] {strides = array<i32>} : memref<256x200xf32, #tpu.memory_space<vmem>>, vector<16xf32>,
      %max3A_2687 = arith.maximumf %max3A_2683, %get3A_2686 : vector<16xf32>
      %xor3A_2688 = arith.constant 8 : i32
      %xor3A_2689 = vector.broadcast %xor3A_2688 : i32 to vector<16xi32>
      %xor3A_2690 = arith.xori %iota3A, %xor3A_2689 : vector<16xi32>
      %lt3A_2691 = arith.constant 0 : i32
      %lt3A_2692 = vector.broadcast %lt3A_2691 : i32 to vector<16xi32>
      %lt3A_2693 = arith.cmpi slt, %xor3A_2690, %lt3A_2692 : vector<16xi32>
      %add3A_2694 = arith.constant 16 : i32
      %add3A_2695 = vector.broadcast %add3A_2694 : i32 to vector<16xi32>
      %add3A_2696 = arith.addi %xor3A_2690, %add3A_2695 : vector<16xi32>
      %select_n3A_2697 = arith.select %lt3A_2693, %add3A_2696, %xor3A_2690 : vector<16xi1>, vector<16xi32>
      %broadcast_in_dim3A_2698 = vector.shape_cast %select_n3A_2697 : vector<16xi32> to vector<16x1xi32>
      %gather3A_2699 = vector.shape_cast %broadcast_in_dim3A_2698 : vector<16x1xi32> to vector<16xi32>
      %gather3A_2700 = tpu.dynamic_gather %max3A_2687[%gather3A_2699] in [0] : vector<16xf32>, vector<16xi32> -> vector<16xf32>
      %max3A_2701 = arith.maximumf %max3A_2687, %gather3A_2700 : vector<16xf32>
      %xor3A_2702 = arith.constant 4 : i32
      %xor3A_2703 = vector.broadcast %xor3A_2702 : i32 to vector<16xi32>
      %xor3A_2704 = arith.xori %iota3A, %xor3A_2703 : vector<16xi32>
      %lt3A_2705 = arith.constant 0 : i32
      %lt3A_2706 = vector.broadcast %lt3A_2705 : i32 to vector<16xi32>
      %lt3A_2707 = arith.cmpi slt, %xor3A_2704, %lt3A_2706 : vector<16xi32>
      %add3A_2708 = arith.constant 16 : i32
      %add3A_2709 = vector.broadcast %add3A_2708 : i32 to vector<16xi32>
      %add3A_2710 = arith.addi %xor3A_2704, %add3A_2709 : vector<16xi32>
      %select_n3A_2711 = arith.select %lt3A_2707, %add3A_2710, %xor3A_2704 : vector<16xi1>, vector<16xi32>
      %broadcast_in_dim3A_2712 = vector.shape_cast %select_n3A_2711 : vector<16xi32> to vector<16x1xi32>
      %gather3A_2713 = vector.shape_cast %broadcast_in_dim3A_2712 : vector<16x1xi32> to vector<16xi32>
      %gather3A_2714 = tpu.dynamic_gather %max3A_2701[%gather3A_2713] in [0] : vector<16xf32>, vector<16xi32> -> vector<16xf32>
      %max3A_2715 = arith.maximumf %max3A_2701, %gather3A_2714 : vector<16xf32>
      %xor3A_2716 = arith.constant 2 : i32
      %xor3A_2717 = vector.broadcast %xor3A_2716 : i32 to vector<16xi32>
      %xor3A_2718 = arith.xori %iota3A, %xor3A_2717 : vector<16xi32>
      %lt3A_2719 = arith.constant 0 : i32
      %lt3A_2720 = vector.broadcast %lt3A_2719 : i32 to vector<16xi32>
      %lt3A_2721 = arith.cmpi slt, %xor3A_2718, %lt3A_2720 : vector<16xi32>
      %add3A_2722 = arith.constant 16 : i32
      %add3A_2723 = vector.broadcast %add3A_2722 : i32 to vector<16xi32>
      %add3A_2724 = arith.addi %xor3A_2718, %add3A_2723 : vector<16xi32>
      %select_n3A_2725 = arith.select %lt3A_2721, %add3A_2724, %xor3A_2718 : vector<16xi1>, vector<16xi32>
      %broadcast_in_dim3A_2726 = vector.shape_cast %select_n3A_2725 : vector<16xi32> to vector<16x1xi32>
      %gather3A_2727 = vector.shape_cast %broadcast_in_dim3A_2726 : vector<16x1xi32> to vector<16xi32>
      %gather3A_2728 = tpu.dynamic_gather %max3A_2715[%gather3A_2727] in [0] : vector<16xf32>, vector<16xi32> -> vector<16xf32>
      %max3A_2729 = arith.maximumf %max3A_2715, %gather3A_2728 : vector<16xf32>
      %xor3A_2730 = arith.constant 1 : i32
      %xor3A_2731 = vector.broadcast %xor3A_2730 : i32 to vector<16xi32>
      %xor3A_2732 = arith.xori %iota3A, %xor3A_2731 : vector<16xi32>
      %lt3A_2733 = arith.constant 0 : i32
      %lt3A_2734 = vector.broadcast %lt3A_2733 : i32 to vector<16xi32>
      %lt3A_2735 = arith.cmpi slt, %xor3A_2732, %lt3A_2734 : vector<16xi32>
      %add3A_2736 = arith.constant 16 : i32
      %add3A_2737 = vector.broadcast %add3A_2736 : i32 to vector<16xi32>
      %add3A_2738 = arith.addi %xor3A_2732, %add3A_2737 : vector<16xi32>
      %select_n3A_2739 = arith.select %lt3A_2735, %add3A_2738, %xor3A_2732 : vector<16xi1>, vector<16xi32>
      %broadcast_in_dim3A_2740 = vector.shape_cast %select_n3A_2739 : vector<16xi32> to vector<16x1xi32>
      %gather3A_2741 = vector.shape_cast %broadcast_in_dim3A_2740 : vector<16x1xi32> to vector<16xi32>
      %gather3A_2742 = tpu.dynamic_gather %max3A_2729[%gather3A_2741] in [0] : vector<16xf32>, vector<16xi32> -> vector<16xf32>
      %max3A_2743 = arith.maximumf %max3A_2729, %gather3A_2742 : vector<16xf32>
      %sub3A_2744 = arith.subf %get3A_2639, %max3A_2743 : vector<16xf32>
      %exp3A_2745 = math.exp %sub3A_2744 : vector<16xf32>
      %sub3A_2746 = arith.subf %get3A_2642, %max3A_2743 : vector<16xf32>
      %exp3A_2747 = math.exp %sub3A_2746 : vector<16xf32>
      %add3A_2748 = arith.addf %exp3A_2745, %exp3A_2747 : vector<16xf32>
      %sub3A_2749 = arith.subf %get3A_2646, %max3A_2743 : vector<16xf32>
      %exp3A_2750 = math.exp %sub3A_2749 : vector<16xf32>
      %add3A_2751 = arith.addf %add3A_2748, %exp3A_2750 : vector<16xf32>
      %sub3A_2752 = arith.subf %get3A_2650, %max3A_2743 : vector<16xf32>
      %exp3A_2753 = math.exp %sub3A_2752 : vector<16xf32>
      %add3A_2754 = arith.addf %add3A_2751, %exp3A_2753 : vector<16xf32>
      %sub3A_2755 = arith.subf %get3A_2654, %max3A_2743 : vector<16xf32>
      %exp3A_2756 = math.exp %sub3A_2755 : vector<16xf32>
      %add3A_2757 = arith.addf %add3A_2754, %exp3A_2756 : vector<16xf32>
      %sub3A_2758 = arith.subf %get3A_2658, %max3A_2743 : vector<16xf32>
      %exp3A_2759 = math.exp %sub3A_2758 : vector<16xf32>
      %add3A_2760 = arith.addf %add3A_2757, %exp3A_2759 : vector<16xf32>
      %sub3A_2761 = arith.subf %get3A_2662, %max3A_2743 : vector<16xf32>
      %exp3A_2762 = math.exp %sub3A_2761 : vector<16xf32>
      %add3A_2763 = arith.addf %add3A_2760, %exp3A_2762 : vector<16xf32>
      %sub3A_2764 = arith.subf %get3A_2666, %max3A_2743 : vector<16xf32>
      %exp3A_2765 = math.exp %sub3A_2764 : vector<16xf32>
      %add3A_2766 = arith.addf %add3A_2763, %exp3A_2765 : vector<16xf32>
      %sub3A_2767 = arith.subf %get3A_2670, %max3A_2743 : vector<16xf32>
      %exp3A_2768 = math.exp %sub3A_2767 : vector<16xf32>
      %add3A_2769 = arith.addf %add3A_2766, %exp3A_2768 : vector<16xf32>
      %sub3A_2770 = arith.subf %get3A_2674, %max3A_2743 : vector<16xf32>
      %exp3A_2771 = math.exp %sub3A_2770 : vector<16xf32>
      %add3A_2772 = arith.addf %add3A_2769, %exp3A_2771 : vector<16xf32>
      %sub3A_2773 = arith.subf %get3A_2678, %max3A_2743 : vector<16xf32>
      %exp3A_2774 = math.exp %sub3A_2773 : vector<16xf32>
      %add3A_2775 = arith.addf %add3A_2772, %exp3A_2774 : vector<16xf32>
      %sub3A_2776 = arith.subf %get3A_2682, %max3A_2743 : vector<16xf32>
      %exp3A_2777 = math.exp %sub3A_2776 : vector<16xf32>
      %add3A_2778 = arith.addf %add3A_2775, %exp3A_2777 : vector<16xf32>
      %sub3A_2779 = arith.subf %get3A_2686, %max3A_2743 : vector<16xf32>
      %exp3A_2780 = math.exp %sub3A_2779 : vector<16xf32>
      %jit3A_2781 = arith.constant 0.000000e+00 : f32
      %broadcast_in_dim3A_2782 = vector.broadcast %jit3A_2781 : f32 to vector<16xf32>
      %select_n3A_2783 = arith.select %ge3A_39, %exp3A_2780, %broadcast_in_dim3A_2782 : vector<16xi1>, vector<16xf32>
      %add3A_2784 = arith.addf %add3A_2778, %select_n3A_2783 : vector<16xf32>
      %xor3A_2785 = arith.constant 8 : i32
      %xor3A_2786 = vector.broadcast %xor3A_2785 : i32 to vector<16xi32>
      %xor3A_2787 = arith.xori %iota3A, %xor3A_2786 : vector<16xi32>
      %lt3A_2788 = arith.constant 0 : i32
      %lt3A_2789 = vector.broadcast %lt3A_2788 : i32 to vector<16xi32>
      %lt3A_2790 = arith.cmpi slt, %xor3A_2787, %lt3A_2789 : vector<16xi32>
      %add3A_2791 = arith.constant 16 : i32
      %add3A_2792 = vector.broadcast %add3A_2791 : i32 to vector<16xi32>
      %add3A_2793 = arith.addi %xor3A_2787, %add3A_2792 : vector<16xi32>
      %select_n3A_2794 = arith.select %lt3A_2790, %add3A_2793, %xor3A_2787 : vector<16xi1>, vector<16xi32>
      %broadcast_in_dim3A_2795 = vector.shape_cast %select_n3A_2794 : vector<16xi32> to vector<16x1xi32>
      %gather3A_2796 = vector.shape_cast %broadcast_in_dim3A_2795 : vector<16x1xi32> to vector<16xi32>
      %gather3A_2797 = tpu.dynamic_gather %add3A_2784[%gather3A_2796] in [0] : vector<16xf32>, vector<16xi32> -> vector<16xf32>
      %add3A_2798 = arith.addf %add3A_2784, %gather3A_2797 : vector<16xf32>
      %xor3A_2799 = arith.constant 4 : i32
      %xor3A_2800 = vector.broadcast %xor3A_2799 : i32 to vector<16xi32>
      %xor3A_2801 = arith.xori %iota3A, %xor3A_2800 : vector<16xi32>
      %lt3A_2802 = arith.constant 0 : i32
      %lt3A_2803 = vector.broadcast %lt3A_2802 : i32 to vector<16xi32>
      %lt3A_2804 = arith.cmpi slt, %xor3A_2801, %lt3A_2803 : vector<16xi32>
      %add3A_2805 = arith.constant 16 : i32
      %add3A_2806 = vector.broadcast %add3A_2805 : i32 to vector<16xi32>
      %add3A_2807 = arith.addi %xor3A_2801, %add3A_2806 : vector<16xi32>
      %select_n3A_2808 = arith.select %lt3A_2804, %add3A_2807, %xor3A_2801 : vector<16xi1>, vector<16xi32>
      %broadcast_in_dim3A_2809 = vector.shape_cast %select_n3A_2808 : vector<16xi32> to vector<16x1xi32>
      %gather3A_2810 = vector.shape_cast %broadcast_in_dim3A_2809 : vector<16x1xi32> to vector<16xi32>
      %gather3A_2811 = tpu.dynamic_gather %add3A_2798[%gather3A_2810] in [0] : vector<16xf32>, vector<16xi32> -> vector<16xf32>
      %add3A_2812 = arith.addf %add3A_2798, %gather3A_2811 : vector<16xf32>
      %xor3A_2813 = arith.constant 2 : i32
      %xor3A_2814 = vector.broadcast %xor3A_2813 : i32 to vector<16xi32>
      %xor3A_2815 = arith.xori %iota3A, %xor3A_2814 : vector<16xi32>
      %lt3A_2816 = arith.constant 0 : i32
      %lt3A_2817 = vector.broadcast %lt3A_2816 : i32 to vector<16xi32>
      %lt3A_2818 = arith.cmpi slt, %xor3A_2815, %lt3A_2817 : vector<16xi32>
      %add3A_2819 = arith.constant 16 : i32
      %add3A_2820 = vector.broadcast %add3A_2819 : i32 to vector<16xi32>
      %add3A_2821 = arith.addi %xor3A_2815, %add3A_2820 : vector<16xi32>
      %select_n3A_2822 = arith.select %lt3A_2818, %add3A_2821, %xor3A_2815 : vector<16xi1>, vector<16xi32>
      %broadcast_in_dim3A_2823 = vector.shape_cast %select_n3A_2822 : vector<16xi32> to vector<16x1xi32>
      %gather3A_2824 = vector.shape_cast %broadcast_in_dim3A_2823 : vector<16x1xi32> to vector<16xi32>
      %gather3A_2825 = tpu.dynamic_gather %add3A_2812[%gather3A_2824] in [0] : vector<16xf32>, vector<16xi32> -> vector<16xf32>
      %add3A_2826 = arith.addf %add3A_2812, %gather3A_2825 : vector<16xf32>
      %xor3A_2827 = arith.constant 1 : i32
      %xor3A_2828 = vector.broadcast %xor3A_2827 : i32 to vector<16xi32>
      %xor3A_2829 = arith.xori %iota3A, %xor3A_2828 : vector<16xi32>
      %lt3A_2830 = arith.constant 0 : i32
      %lt3A_2831 = vector.broadcast %lt3A_2830 : i32 to vector<16xi32>
      %lt3A_2832 = arith.cmpi slt, %xor3A_2829, %lt3A_2831 : vector<16xi32>
      %add3A_2833 = arith.constant 16 : i32
      %add3A_2834 = vector.broadcast %add3A_2833 : i32 to vector<16xi32>
      %add3A_2835 = arith.addi %xor3A_2829, %add3A_2834 : vector<16xi32>
      %select_n3A_2836 = arith.select %lt3A_2832, %add3A_2835, %xor3A_2829 : vector<16xi1>, vector<16xi32>
      %broadcast_in_dim3A_2837 = vector.shape_cast %select_n3A_2836 : vector<16xi32> to vector<16x1xi32>
      %gather3A_2838 = vector.shape_cast %broadcast_in_dim3A_2837 : vector<16x1xi32> to vector<16xi32>
      %gather3A_2839 = tpu.dynamic_gather %add3A_2826[%gather3A_2838] in [0] : vector<16xf32>, vector<16xi32> -> vector<16xf32>
      %add3A_2840 = arith.addf %add3A_2826, %gather3A_2839 : vector<16xf32>
      %eq3A_2841 = arith.constant 12 : i32
      %eq3A_2842 = vector.broadcast %eq3A_2841 : i32 to vector<16xi32>
      %eq3A_2843 = arith.cmpi eq, %iota3A, %eq3A_2842 : vector<16xi32>
      %select_n3A_2844 = arith.select %eq3A_2843, %max3A_2743, %select_n3A_2629 : vector<16xi1>, vector<16xf32>
      %select_n3A_2845 = arith.select %eq3A_2843, %add3A_2840, %select_n3A_2630 : vector<16xi1>, vector<16xf32>
      %slice3A_2846 = vector.extract_strided_slice %get3A_2639 {offsets = [0], sizes = [1], strides = [1]} : vector<16xf32> to vector<1xf32>
      %squeeze3A_2847 = vector.extract %slice3A_2846[0] : f32 from vector<1xf32>
      %broadcast_in_dim3A_2848 = vector.broadcast %squeeze3A_2847 : f32 to vector<16xf32>
      %select_n3A_2849 = arith.select %eq3A_2843, %broadcast_in_dim3A_2848, %select_n3A_2634 : vector<16xi1>, vector<16xf32>
      %add3A_2850 = arith.constant 13 : i32
      %add3A_2851 = arith.addi %mul3A_55, %add3A_2850 : i32
      %get3A_2852 = arith.index_cast %add3A_2851 : i32 to index
      %get3A_2853 = arith.constant 0 : index
      %get3A_2854 = tpu.vector_load %arg8[%get3A_2852, %get3A_2853] {strides = array<i32>} : memref<256x200xf32, #tpu.memory_space<vmem>>, vector<16xf32>,
      %get3A_2855 = arith.index_cast %add3A_2851 : i32 to index
      %get3A_2856 = arith.constant 16 : index
      %get3A_2857 = tpu.vector_load %arg8[%get3A_2855, %get3A_2856] {strides = array<i32>} : memref<256x200xf32, #tpu.memory_space<vmem>>, vector<16xf32>,
      %max3A_2858 = arith.maximumf %get3A_2854, %get3A_2857 : vector<16xf32>
      %get3A_2859 = arith.index_cast %add3A_2851 : i32 to index
      %get3A_2860 = arith.constant 32 : index
      %get3A_2861 = tpu.vector_load %arg8[%get3A_2859, %get3A_2860] {strides = array<i32>} : memref<256x200xf32, #tpu.memory_space<vmem>>, vector<16xf32>,
      %max3A_2862 = arith.maximumf %max3A_2858, %get3A_2861 : vector<16xf32>
      %get3A_2863 = arith.index_cast %add3A_2851 : i32 to index
      %get3A_2864 = arith.constant 48 : index
      %get3A_2865 = tpu.vector_load %arg8[%get3A_2863, %get3A_2864] {strides = array<i32>} : memref<256x200xf32, #tpu.memory_space<vmem>>, vector<16xf32>,
      %max3A_2866 = arith.maximumf %max3A_2862, %get3A_2865 : vector<16xf32>
      %get3A_2867 = arith.index_cast %add3A_2851 : i32 to index
      %get3A_2868 = arith.constant 64 : index
      %get3A_2869 = tpu.vector_load %arg8[%get3A_2867, %get3A_2868] {strides = array<i32>} : memref<256x200xf32, #tpu.memory_space<vmem>>, vector<16xf32>,
      %max3A_2870 = arith.maximumf %max3A_2866, %get3A_2869 : vector<16xf32>
      %get3A_2871 = arith.index_cast %add3A_2851 : i32 to index
      %get3A_2872 = arith.constant 80 : index
      %get3A_2873 = tpu.vector_load %arg8[%get3A_2871, %get3A_2872] {strides = array<i32>} : memref<256x200xf32, #tpu.memory_space<vmem>>, vector<16xf32>,
      %max3A_2874 = arith.maximumf %max3A_2870, %get3A_2873 : vector<16xf32>
      %get3A_2875 = arith.index_cast %add3A_2851 : i32 to index
      %get3A_2876 = arith.constant 96 : index
      %get3A_2877 = tpu.vector_load %arg8[%get3A_2875, %get3A_2876] {strides = array<i32>} : memref<256x200xf32, #tpu.memory_space<vmem>>, vector<16xf32>,
      %max3A_2878 = arith.maximumf %max3A_2874, %get3A_2877 : vector<16xf32>
      %get3A_2879 = arith.index_cast %add3A_2851 : i32 to index
      %get3A_2880 = arith.constant 112 : index
      %get3A_2881 = tpu.vector_load %arg8[%get3A_2879, %get3A_2880] {strides = array<i32>} : memref<256x200xf32, #tpu.memory_space<vmem>>, vector<16xf32>,
      %max3A_2882 = arith.maximumf %max3A_2878, %get3A_2881 : vector<16xf32>
      %get3A_2883 = arith.index_cast %add3A_2851 : i32 to index
      %get3A_2884 = arith.constant 128 : index
      %get3A_2885 = tpu.vector_load %arg8[%get3A_2883, %get3A_2884] {strides = array<i32>} : memref<256x200xf32, #tpu.memory_space<vmem>>, vector<16xf32>,
      %max3A_2886 = arith.maximumf %max3A_2882, %get3A_2885 : vector<16xf32>
      %get3A_2887 = arith.index_cast %add3A_2851 : i32 to index
      %get3A_2888 = arith.constant 144 : index
      %get3A_2889 = tpu.vector_load %arg8[%get3A_2887, %get3A_2888] {strides = array<i32>} : memref<256x200xf32, #tpu.memory_space<vmem>>, vector<16xf32>,
      %max3A_2890 = arith.maximumf %max3A_2886, %get3A_2889 : vector<16xf32>
      %get3A_2891 = arith.index_cast %add3A_2851 : i32 to index
      %get3A_2892 = arith.constant 160 : index
      %get3A_2893 = tpu.vector_load %arg8[%get3A_2891, %get3A_2892] {strides = array<i32>} : memref<256x200xf32, #tpu.memory_space<vmem>>, vector<16xf32>,
      %max3A_2894 = arith.maximumf %max3A_2890, %get3A_2893 : vector<16xf32>
      %get3A_2895 = arith.index_cast %add3A_2851 : i32 to index
      %get3A_2896 = arith.constant 176 : index
      %get3A_2897 = tpu.vector_load %arg8[%get3A_2895, %get3A_2896] {strides = array<i32>} : memref<256x200xf32, #tpu.memory_space<vmem>>, vector<16xf32>,
      %max3A_2898 = arith.maximumf %max3A_2894, %get3A_2897 : vector<16xf32>
      %get3A_2899 = arith.index_cast %add3A_2851 : i32 to index
      %get3A_2900 = arith.constant 184 : index
      %get3A_2901 = tpu.vector_load %arg8[%get3A_2899, %get3A_2900] {strides = array<i32>} : memref<256x200xf32, #tpu.memory_space<vmem>>, vector<16xf32>,
      %max3A_2902 = arith.maximumf %max3A_2898, %get3A_2901 : vector<16xf32>
      %xor3A_2903 = arith.constant 8 : i32
      %xor3A_2904 = vector.broadcast %xor3A_2903 : i32 to vector<16xi32>
      %xor3A_2905 = arith.xori %iota3A, %xor3A_2904 : vector<16xi32>
      %lt3A_2906 = arith.constant 0 : i32
      %lt3A_2907 = vector.broadcast %lt3A_2906 : i32 to vector<16xi32>
      %lt3A_2908 = arith.cmpi slt, %xor3A_2905, %lt3A_2907 : vector<16xi32>
      %add3A_2909 = arith.constant 16 : i32
      %add3A_2910 = vector.broadcast %add3A_2909 : i32 to vector<16xi32>
      %add3A_2911 = arith.addi %xor3A_2905, %add3A_2910 : vector<16xi32>
      %select_n3A_2912 = arith.select %lt3A_2908, %add3A_2911, %xor3A_2905 : vector<16xi1>, vector<16xi32>
      %broadcast_in_dim3A_2913 = vector.shape_cast %select_n3A_2912 : vector<16xi32> to vector<16x1xi32>
      %gather3A_2914 = vector.shape_cast %broadcast_in_dim3A_2913 : vector<16x1xi32> to vector<16xi32>
      %gather3A_2915 = tpu.dynamic_gather %max3A_2902[%gather3A_2914] in [0] : vector<16xf32>, vector<16xi32> -> vector<16xf32>
      %max3A_2916 = arith.maximumf %max3A_2902, %gather3A_2915 : vector<16xf32>
      %xor3A_2917 = arith.constant 4 : i32
      %xor3A_2918 = vector.broadcast %xor3A_2917 : i32 to vector<16xi32>
      %xor3A_2919 = arith.xori %iota3A, %xor3A_2918 : vector<16xi32>
      %lt3A_2920 = arith.constant 0 : i32
      %lt3A_2921 = vector.broadcast %lt3A_2920 : i32 to vector<16xi32>
      %lt3A_2922 = arith.cmpi slt, %xor3A_2919, %lt3A_2921 : vector<16xi32>
      %add3A_2923 = arith.constant 16 : i32
      %add3A_2924 = vector.broadcast %add3A_2923 : i32 to vector<16xi32>
      %add3A_2925 = arith.addi %xor3A_2919, %add3A_2924 : vector<16xi32>
      %select_n3A_2926 = arith.select %lt3A_2922, %add3A_2925, %xor3A_2919 : vector<16xi1>, vector<16xi32>
      %broadcast_in_dim3A_2927 = vector.shape_cast %select_n3A_2926 : vector<16xi32> to vector<16x1xi32>
      %gather3A_2928 = vector.shape_cast %broadcast_in_dim3A_2927 : vector<16x1xi32> to vector<16xi32>
      %gather3A_2929 = tpu.dynamic_gather %max3A_2916[%gather3A_2928] in [0] : vector<16xf32>, vector<16xi32> -> vector<16xf32>
      %max3A_2930 = arith.maximumf %max3A_2916, %gather3A_2929 : vector<16xf32>
      %xor3A_2931 = arith.constant 2 : i32
      %xor3A_2932 = vector.broadcast %xor3A_2931 : i32 to vector<16xi32>
      %xor3A_2933 = arith.xori %iota3A, %xor3A_2932 : vector<16xi32>
      %lt3A_2934 = arith.constant 0 : i32
      %lt3A_2935 = vector.broadcast %lt3A_2934 : i32 to vector<16xi32>
      %lt3A_2936 = arith.cmpi slt, %xor3A_2933, %lt3A_2935 : vector<16xi32>
      %add3A_2937 = arith.constant 16 : i32
      %add3A_2938 = vector.broadcast %add3A_2937 : i32 to vector<16xi32>
      %add3A_2939 = arith.addi %xor3A_2933, %add3A_2938 : vector<16xi32>
      %select_n3A_2940 = arith.select %lt3A_2936, %add3A_2939, %xor3A_2933 : vector<16xi1>, vector<16xi32>
      %broadcast_in_dim3A_2941 = vector.shape_cast %select_n3A_2940 : vector<16xi32> to vector<16x1xi32>
      %gather3A_2942 = vector.shape_cast %broadcast_in_dim3A_2941 : vector<16x1xi32> to vector<16xi32>
      %gather3A_2943 = tpu.dynamic_gather %max3A_2930[%gather3A_2942] in [0] : vector<16xf32>, vector<16xi32> -> vector<16xf32>
      %max3A_2944 = arith.maximumf %max3A_2930, %gather3A_2943 : vector<16xf32>
      %xor3A_2945 = arith.constant 1 : i32
      %xor3A_2946 = vector.broadcast %xor3A_2945 : i32 to vector<16xi32>
      %xor3A_2947 = arith.xori %iota3A, %xor3A_2946 : vector<16xi32>
      %lt3A_2948 = arith.constant 0 : i32
      %lt3A_2949 = vector.broadcast %lt3A_2948 : i32 to vector<16xi32>
      %lt3A_2950 = arith.cmpi slt, %xor3A_2947, %lt3A_2949 : vector<16xi32>
      %add3A_2951 = arith.constant 16 : i32
      %add3A_2952 = vector.broadcast %add3A_2951 : i32 to vector<16xi32>
      %add3A_2953 = arith.addi %xor3A_2947, %add3A_2952 : vector<16xi32>
      %select_n3A_2954 = arith.select %lt3A_2950, %add3A_2953, %xor3A_2947 : vector<16xi1>, vector<16xi32>
      %broadcast_in_dim3A_2955 = vector.shape_cast %select_n3A_2954 : vector<16xi32> to vector<16x1xi32>
      %gather3A_2956 = vector.shape_cast %broadcast_in_dim3A_2955 : vector<16x1xi32> to vector<16xi32>
      %gather3A_2957 = tpu.dynamic_gather %max3A_2944[%gather3A_2956] in [0] : vector<16xf32>, vector<16xi32> -> vector<16xf32>
      %max3A_2958 = arith.maximumf %max3A_2944, %gather3A_2957 : vector<16xf32>
      %sub3A_2959 = arith.subf %get3A_2854, %max3A_2958 : vector<16xf32>
      %exp3A_2960 = math.exp %sub3A_2959 : vector<16xf32>
      %sub3A_2961 = arith.subf %get3A_2857, %max3A_2958 : vector<16xf32>
      %exp3A_2962 = math.exp %sub3A_2961 : vector<16xf32>
      %add3A_2963 = arith.addf %exp3A_2960, %exp3A_2962 : vector<16xf32>
      %sub3A_2964 = arith.subf %get3A_2861, %max3A_2958 : vector<16xf32>
      %exp3A_2965 = math.exp %sub3A_2964 : vector<16xf32>
      %add3A_2966 = arith.addf %add3A_2963, %exp3A_2965 : vector<16xf32>
      %sub3A_2967 = arith.subf %get3A_2865, %max3A_2958 : vector<16xf32>
      %exp3A_2968 = math.exp %sub3A_2967 : vector<16xf32>
      %add3A_2969 = arith.addf %add3A_2966, %exp3A_2968 : vector<16xf32>
      %sub3A_2970 = arith.subf %get3A_2869, %max3A_2958 : vector<16xf32>
      %exp3A_2971 = math.exp %sub3A_2970 : vector<16xf32>
      %add3A_2972 = arith.addf %add3A_2969, %exp3A_2971 : vector<16xf32>
      %sub3A_2973 = arith.subf %get3A_2873, %max3A_2958 : vector<16xf32>
      %exp3A_2974 = math.exp %sub3A_2973 : vector<16xf32>
      %add3A_2975 = arith.addf %add3A_2972, %exp3A_2974 : vector<16xf32>
      %sub3A_2976 = arith.subf %get3A_2877, %max3A_2958 : vector<16xf32>
      %exp3A_2977 = math.exp %sub3A_2976 : vector<16xf32>
      %add3A_2978 = arith.addf %add3A_2975, %exp3A_2977 : vector<16xf32>
      %sub3A_2979 = arith.subf %get3A_2881, %max3A_2958 : vector<16xf32>
      %exp3A_2980 = math.exp %sub3A_2979 : vector<16xf32>
      %add3A_2981 = arith.addf %add3A_2978, %exp3A_2980 : vector<16xf32>
      %sub3A_2982 = arith.subf %get3A_2885, %max3A_2958 : vector<16xf32>
      %exp3A_2983 = math.exp %sub3A_2982 : vector<16xf32>
      %add3A_2984 = arith.addf %add3A_2981, %exp3A_2983 : vector<16xf32>
      %sub3A_2985 = arith.subf %get3A_2889, %max3A_2958 : vector<16xf32>
      %exp3A_2986 = math.exp %sub3A_2985 : vector<16xf32>
      %add3A_2987 = arith.addf %add3A_2984, %exp3A_2986 : vector<16xf32>
      %sub3A_2988 = arith.subf %get3A_2893, %max3A_2958 : vector<16xf32>
      %exp3A_2989 = math.exp %sub3A_2988 : vector<16xf32>
      %add3A_2990 = arith.addf %add3A_2987, %exp3A_2989 : vector<16xf32>
      %sub3A_2991 = arith.subf %get3A_2897, %max3A_2958 : vector<16xf32>
      %exp3A_2992 = math.exp %sub3A_2991 : vector<16xf32>
      %add3A_2993 = arith.addf %add3A_2990, %exp3A_2992 : vector<16xf32>
      %sub3A_2994 = arith.subf %get3A_2901, %max3A_2958 : vector<16xf32>
      %exp3A_2995 = math.exp %sub3A_2994 : vector<16xf32>
      %jit3A_2996 = arith.constant 0.000000e+00 : f32
      %broadcast_in_dim3A_2997 = vector.broadcast %jit3A_2996 : f32 to vector<16xf32>
      %select_n3A_2998 = arith.select %ge3A_39, %exp3A_2995, %broadcast_in_dim3A_2997 : vector<16xi1>, vector<16xf32>
      %add3A_2999 = arith.addf %add3A_2993, %select_n3A_2998 : vector<16xf32>
      %xor3A_3000 = arith.constant 8 : i32
      %xor3A_3001 = vector.broadcast %xor3A_3000 : i32 to vector<16xi32>
      %xor3A_3002 = arith.xori %iota3A, %xor3A_3001 : vector<16xi32>
      %lt3A_3003 = arith.constant 0 : i32
      %lt3A_3004 = vector.broadcast %lt3A_3003 : i32 to vector<16xi32>
      %lt3A_3005 = arith.cmpi slt, %xor3A_3002, %lt3A_3004 : vector<16xi32>
      %add3A_3006 = arith.constant 16 : i32
      %add3A_3007 = vector.broadcast %add3A_3006 : i32 to vector<16xi32>
      %add3A_3008 = arith.addi %xor3A_3002, %add3A_3007 : vector<16xi32>
      %select_n3A_3009 = arith.select %lt3A_3005, %add3A_3008, %xor3A_3002 : vector<16xi1>, vector<16xi32>
      %broadcast_in_dim3A_3010 = vector.shape_cast %select_n3A_3009 : vector<16xi32> to vector<16x1xi32>
      %gather3A_3011 = vector.shape_cast %broadcast_in_dim3A_3010 : vector<16x1xi32> to vector<16xi32>
      %gather3A_3012 = tpu.dynamic_gather %add3A_2999[%gather3A_3011] in [0] : vector<16xf32>, vector<16xi32> -> vector<16xf32>
      %add3A_3013 = arith.addf %add3A_2999, %gather3A_3012 : vector<16xf32>
      %xor3A_3014 = arith.constant 4 : i32
      %xor3A_3015 = vector.broadcast %xor3A_3014 : i32 to vector<16xi32>
      %xor3A_3016 = arith.xori %iota3A, %xor3A_3015 : vector<16xi32>
      %lt3A_3017 = arith.constant 0 : i32
      %lt3A_3018 = vector.broadcast %lt3A_3017 : i32 to vector<16xi32>
      %lt3A_3019 = arith.cmpi slt, %xor3A_3016, %lt3A_3018 : vector<16xi32>
      %add3A_3020 = arith.constant 16 : i32
      %add3A_3021 = vector.broadcast %add3A_3020 : i32 to vector<16xi32>
      %add3A_3022 = arith.addi %xor3A_3016, %add3A_3021 : vector<16xi32>
      %select_n3A_3023 = arith.select %lt3A_3019, %add3A_3022, %xor3A_3016 : vector<16xi1>, vector<16xi32>
      %broadcast_in_dim3A_3024 = vector.shape_cast %select_n3A_3023 : vector<16xi32> to vector<16x1xi32>
      %gather3A_3025 = vector.shape_cast %broadcast_in_dim3A_3024 : vector<16x1xi32> to vector<16xi32>
      %gather3A_3026 = tpu.dynamic_gather %add3A_3013[%gather3A_3025] in [0] : vector<16xf32>, vector<16xi32> -> vector<16xf32>
      %add3A_3027 = arith.addf %add3A_3013, %gather3A_3026 : vector<16xf32>
      %xor3A_3028 = arith.constant 2 : i32
      %xor3A_3029 = vector.broadcast %xor3A_3028 : i32 to vector<16xi32>
      %xor3A_3030 = arith.xori %iota3A, %xor3A_3029 : vector<16xi32>
      %lt3A_3031 = arith.constant 0 : i32
      %lt3A_3032 = vector.broadcast %lt3A_3031 : i32 to vector<16xi32>
      %lt3A_3033 = arith.cmpi slt, %xor3A_3030, %lt3A_3032 : vector<16xi32>
      %add3A_3034 = arith.constant 16 : i32
      %add3A_3035 = vector.broadcast %add3A_3034 : i32 to vector<16xi32>
      %add3A_3036 = arith.addi %xor3A_3030, %add3A_3035 : vector<16xi32>
      %select_n3A_3037 = arith.select %lt3A_3033, %add3A_3036, %xor3A_3030 : vector<16xi1>, vector<16xi32>
      %broadcast_in_dim3A_3038 = vector.shape_cast %select_n3A_3037 : vector<16xi32> to vector<16x1xi32>
      %gather3A_3039 = vector.shape_cast %broadcast_in_dim3A_3038 : vector<16x1xi32> to vector<16xi32>
      %gather3A_3040 = tpu.dynamic_gather %add3A_3027[%gather3A_3039] in [0] : vector<16xf32>, vector<16xi32> -> vector<16xf32>
      %add3A_3041 = arith.addf %add3A_3027, %gather3A_3040 : vector<16xf32>
      %xor3A_3042 = arith.constant 1 : i32
      %xor3A_3043 = vector.broadcast %xor3A_3042 : i32 to vector<16xi32>
      %xor3A_3044 = arith.xori %iota3A, %xor3A_3043 : vector<16xi32>
      %lt3A_3045 = arith.constant 0 : i32
      %lt3A_3046 = vector.broadcast %lt3A_3045 : i32 to vector<16xi32>
      %lt3A_3047 = arith.cmpi slt, %xor3A_3044, %lt3A_3046 : vector<16xi32>
      %add3A_3048 = arith.constant 16 : i32
      %add3A_3049 = vector.broadcast %add3A_3048 : i32 to vector<16xi32>
      %add3A_3050 = arith.addi %xor3A_3044, %add3A_3049 : vector<16xi32>
      %select_n3A_3051 = arith.select %lt3A_3047, %add3A_3050, %xor3A_3044 : vector<16xi1>, vector<16xi32>
      %broadcast_in_dim3A_3052 = vector.shape_cast %select_n3A_3051 : vector<16xi32> to vector<16x1xi32>
      %gather3A_3053 = vector.shape_cast %broadcast_in_dim3A_3052 : vector<16x1xi32> to vector<16xi32>
      %gather3A_3054 = tpu.dynamic_gather %add3A_3041[%gather3A_3053] in [0] : vector<16xf32>, vector<16xi32> -> vector<16xf32>
      %add3A_3055 = arith.addf %add3A_3041, %gather3A_3054 : vector<16xf32>
      %eq3A_3056 = arith.constant 13 : i32
      %eq3A_3057 = vector.broadcast %eq3A_3056 : i32 to vector<16xi32>
      %eq3A_3058 = arith.cmpi eq, %iota3A, %eq3A_3057 : vector<16xi32>
      %select_n3A_3059 = arith.select %eq3A_3058, %max3A_2958, %select_n3A_2844 : vector<16xi1>, vector<16xf32>
      %select_n3A_3060 = arith.select %eq3A_3058, %add3A_3055, %select_n3A_2845 : vector<16xi1>, vector<16xf32>
      %slice3A_3061 = vector.extract_strided_slice %get3A_2854 {offsets = [0], sizes = [1], strides = [1]} : vector<16xf32> to vector<1xf32>
      %squeeze3A_3062 = vector.extract %slice3A_3061[0] : f32 from vector<1xf32>
      %broadcast_in_dim3A_3063 = vector.broadcast %squeeze3A_3062 : f32 to vector<16xf32>
      %select_n3A_3064 = arith.select %eq3A_3058, %broadcast_in_dim3A_3063, %select_n3A_2849 : vector<16xi1>, vector<16xf32>
      %add3A_3065 = arith.constant 14 : i32
      %add3A_3066 = arith.addi %mul3A_55, %add3A_3065 : i32
      %get3A_3067 = arith.index_cast %add3A_3066 : i32 to index
      %get3A_3068 = arith.constant 0 : index
      %get3A_3069 = tpu.vector_load %arg8[%get3A_3067, %get3A_3068] {strides = array<i32>} : memref<256x200xf32, #tpu.memory_space<vmem>>, vector<16xf32>,
      %get3A_3070 = arith.index_cast %add3A_3066 : i32 to index
      %get3A_3071 = arith.constant 16 : index
      %get3A_3072 = tpu.vector_load %arg8[%get3A_3070, %get3A_3071] {strides = array<i32>} : memref<256x200xf32, #tpu.memory_space<vmem>>, vector<16xf32>,
      %max3A_3073 = arith.maximumf %get3A_3069, %get3A_3072 : vector<16xf32>
      %get3A_3074 = arith.index_cast %add3A_3066 : i32 to index
      %get3A_3075 = arith.constant 32 : index
      %get3A_3076 = tpu.vector_load %arg8[%get3A_3074, %get3A_3075] {strides = array<i32>} : memref<256x200xf32, #tpu.memory_space<vmem>>, vector<16xf32>,
      %max3A_3077 = arith.maximumf %max3A_3073, %get3A_3076 : vector<16xf32>
      %get3A_3078 = arith.index_cast %add3A_3066 : i32 to index
      %get3A_3079 = arith.constant 48 : index
      %get3A_3080 = tpu.vector_load %arg8[%get3A_3078, %get3A_3079] {strides = array<i32>} : memref<256x200xf32, #tpu.memory_space<vmem>>, vector<16xf32>,
      %max3A_3081 = arith.maximumf %max3A_3077, %get3A_3080 : vector<16xf32>
      %get3A_3082 = arith.index_cast %add3A_3066 : i32 to index
      %get3A_3083 = arith.constant 64 : index
      %get3A_3084 = tpu.vector_load %arg8[%get3A_3082, %get3A_3083] {strides = array<i32>} : memref<256x200xf32, #tpu.memory_space<vmem>>, vector<16xf32>,
      %max3A_3085 = arith.maximumf %max3A_3081, %get3A_3084 : vector<16xf32>
      %get3A_3086 = arith.index_cast %add3A_3066 : i32 to index
      %get3A_3087 = arith.constant 80 : index
      %get3A_3088 = tpu.vector_load %arg8[%get3A_3086, %get3A_3087] {strides = array<i32>} : memref<256x200xf32, #tpu.memory_space<vmem>>, vector<16xf32>,
      %max3A_3089 = arith.maximumf %max3A_3085, %get3A_3088 : vector<16xf32>
      %get3A_3090 = arith.index_cast %add3A_3066 : i32 to index
      %get3A_3091 = arith.constant 96 : index
      %get3A_3092 = tpu.vector_load %arg8[%get3A_3090, %get3A_3091] {strides = array<i32>} : memref<256x200xf32, #tpu.memory_space<vmem>>, vector<16xf32>,
      %max3A_3093 = arith.maximumf %max3A_3089, %get3A_3092 : vector<16xf32>
      %get3A_3094 = arith.index_cast %add3A_3066 : i32 to index
      %get3A_3095 = arith.constant 112 : index
      %get3A_3096 = tpu.vector_load %arg8[%get3A_3094, %get3A_3095] {strides = array<i32>} : memref<256x200xf32, #tpu.memory_space<vmem>>, vector<16xf32>,
      %max3A_3097 = arith.maximumf %max3A_3093, %get3A_3096 : vector<16xf32>
      %get3A_3098 = arith.index_cast %add3A_3066 : i32 to index
      %get3A_3099 = arith.constant 128 : index
      %get3A_3100 = tpu.vector_load %arg8[%get3A_3098, %get3A_3099] {strides = array<i32>} : memref<256x200xf32, #tpu.memory_space<vmem>>, vector<16xf32>,
      %max3A_3101 = arith.maximumf %max3A_3097, %get3A_3100 : vector<16xf32>
      %get3A_3102 = arith.index_cast %add3A_3066 : i32 to index
      %get3A_3103 = arith.constant 144 : index
      %get3A_3104 = tpu.vector_load %arg8[%get3A_3102, %get3A_3103] {strides = array<i32>} : memref<256x200xf32, #tpu.memory_space<vmem>>, vector<16xf32>,
      %max3A_3105 = arith.maximumf %max3A_3101, %get3A_3104 : vector<16xf32>
      %get3A_3106 = arith.index_cast %add3A_3066 : i32 to index
      %get3A_3107 = arith.constant 160 : index
      %get3A_3108 = tpu.vector_load %arg8[%get3A_3106, %get3A_3107] {strides = array<i32>} : memref<256x200xf32, #tpu.memory_space<vmem>>, vector<16xf32>,
      %max3A_3109 = arith.maximumf %max3A_3105, %get3A_3108 : vector<16xf32>
      %get3A_3110 = arith.index_cast %add3A_3066 : i32 to index
      %get3A_3111 = arith.constant 176 : index
      %get3A_3112 = tpu.vector_load %arg8[%get3A_3110, %get3A_3111] {strides = array<i32>} : memref<256x200xf32, #tpu.memory_space<vmem>>, vector<16xf32>,
      %max3A_3113 = arith.maximumf %max3A_3109, %get3A_3112 : vector<16xf32>
      %get3A_3114 = arith.index_cast %add3A_3066 : i32 to index
      %get3A_3115 = arith.constant 184 : index
      %get3A_3116 = tpu.vector_load %arg8[%get3A_3114, %get3A_3115] {strides = array<i32>} : memref<256x200xf32, #tpu.memory_space<vmem>>, vector<16xf32>,
      %max3A_3117 = arith.maximumf %max3A_3113, %get3A_3116 : vector<16xf32>
      %xor3A_3118 = arith.constant 8 : i32
      %xor3A_3119 = vector.broadcast %xor3A_3118 : i32 to vector<16xi32>
      %xor3A_3120 = arith.xori %iota3A, %xor3A_3119 : vector<16xi32>
      %lt3A_3121 = arith.constant 0 : i32
      %lt3A_3122 = vector.broadcast %lt3A_3121 : i32 to vector<16xi32>
      %lt3A_3123 = arith.cmpi slt, %xor3A_3120, %lt3A_3122 : vector<16xi32>
      %add3A_3124 = arith.constant 16 : i32
      %add3A_3125 = vector.broadcast %add3A_3124 : i32 to vector<16xi32>
      %add3A_3126 = arith.addi %xor3A_3120, %add3A_3125 : vector<16xi32>
      %select_n3A_3127 = arith.select %lt3A_3123, %add3A_3126, %xor3A_3120 : vector<16xi1>, vector<16xi32>
      %broadcast_in_dim3A_3128 = vector.shape_cast %select_n3A_3127 : vector<16xi32> to vector<16x1xi32>
      %gather3A_3129 = vector.shape_cast %broadcast_in_dim3A_3128 : vector<16x1xi32> to vector<16xi32>
      %gather3A_3130 = tpu.dynamic_gather %max3A_3117[%gather3A_3129] in [0] : vector<16xf32>, vector<16xi32> -> vector<16xf32>
      %max3A_3131 = arith.maximumf %max3A_3117, %gather3A_3130 : vector<16xf32>
      %xor3A_3132 = arith.constant 4 : i32
      %xor3A_3133 = vector.broadcast %xor3A_3132 : i32 to vector<16xi32>
      %xor3A_3134 = arith.xori %iota3A, %xor3A_3133 : vector<16xi32>
      %lt3A_3135 = arith.constant 0 : i32
      %lt3A_3136 = vector.broadcast %lt3A_3135 : i32 to vector<16xi32>
      %lt3A_3137 = arith.cmpi slt, %xor3A_3134, %lt3A_3136 : vector<16xi32>
      %add3A_3138 = arith.constant 16 : i32
      %add3A_3139 = vector.broadcast %add3A_3138 : i32 to vector<16xi32>
      %add3A_3140 = arith.addi %xor3A_3134, %add3A_3139 : vector<16xi32>
      %select_n3A_3141 = arith.select %lt3A_3137, %add3A_3140, %xor3A_3134 : vector<16xi1>, vector<16xi32>
      %broadcast_in_dim3A_3142 = vector.shape_cast %select_n3A_3141 : vector<16xi32> to vector<16x1xi32>
      %gather3A_3143 = vector.shape_cast %broadcast_in_dim3A_3142 : vector<16x1xi32> to vector<16xi32>
      %gather3A_3144 = tpu.dynamic_gather %max3A_3131[%gather3A_3143] in [0] : vector<16xf32>, vector<16xi32> -> vector<16xf32>
      %max3A_3145 = arith.maximumf %max3A_3131, %gather3A_3144 : vector<16xf32>
      %xor3A_3146 = arith.constant 2 : i32
      %xor3A_3147 = vector.broadcast %xor3A_3146 : i32 to vector<16xi32>
      %xor3A_3148 = arith.xori %iota3A, %xor3A_3147 : vector<16xi32>
      %lt3A_3149 = arith.constant 0 : i32
      %lt3A_3150 = vector.broadcast %lt3A_3149 : i32 to vector<16xi32>
      %lt3A_3151 = arith.cmpi slt, %xor3A_3148, %lt3A_3150 : vector<16xi32>
      %add3A_3152 = arith.constant 16 : i32
      %add3A_3153 = vector.broadcast %add3A_3152 : i32 to vector<16xi32>
      %add3A_3154 = arith.addi %xor3A_3148, %add3A_3153 : vector<16xi32>
      %select_n3A_3155 = arith.select %lt3A_3151, %add3A_3154, %xor3A_3148 : vector<16xi1>, vector<16xi32>
      %broadcast_in_dim3A_3156 = vector.shape_cast %select_n3A_3155 : vector<16xi32> to vector<16x1xi32>
      %gather3A_3157 = vector.shape_cast %broadcast_in_dim3A_3156 : vector<16x1xi32> to vector<16xi32>
      %gather3A_3158 = tpu.dynamic_gather %max3A_3145[%gather3A_3157] in [0] : vector<16xf32>, vector<16xi32> -> vector<16xf32>
      %max3A_3159 = arith.maximumf %max3A_3145, %gather3A_3158 : vector<16xf32>
      %xor3A_3160 = arith.constant 1 : i32
      %xor3A_3161 = vector.broadcast %xor3A_3160 : i32 to vector<16xi32>
      %xor3A_3162 = arith.xori %iota3A, %xor3A_3161 : vector<16xi32>
      %lt3A_3163 = arith.constant 0 : i32
      %lt3A_3164 = vector.broadcast %lt3A_3163 : i32 to vector<16xi32>
      %lt3A_3165 = arith.cmpi slt, %xor3A_3162, %lt3A_3164 : vector<16xi32>
      %add3A_3166 = arith.constant 16 : i32
      %add3A_3167 = vector.broadcast %add3A_3166 : i32 to vector<16xi32>
      %add3A_3168 = arith.addi %xor3A_3162, %add3A_3167 : vector<16xi32>
      %select_n3A_3169 = arith.select %lt3A_3165, %add3A_3168, %xor3A_3162 : vector<16xi1>, vector<16xi32>
      %broadcast_in_dim3A_3170 = vector.shape_cast %select_n3A_3169 : vector<16xi32> to vector<16x1xi32>
      %gather3A_3171 = vector.shape_cast %broadcast_in_dim3A_3170 : vector<16x1xi32> to vector<16xi32>
      %gather3A_3172 = tpu.dynamic_gather %max3A_3159[%gather3A_3171] in [0] : vector<16xf32>, vector<16xi32> -> vector<16xf32>
      %max3A_3173 = arith.maximumf %max3A_3159, %gather3A_3172 : vector<16xf32>
      %sub3A_3174 = arith.subf %get3A_3069, %max3A_3173 : vector<16xf32>
      %exp3A_3175 = math.exp %sub3A_3174 : vector<16xf32>
      %sub3A_3176 = arith.subf %get3A_3072, %max3A_3173 : vector<16xf32>
      %exp3A_3177 = math.exp %sub3A_3176 : vector<16xf32>
      %add3A_3178 = arith.addf %exp3A_3175, %exp3A_3177 : vector<16xf32>
      %sub3A_3179 = arith.subf %get3A_3076, %max3A_3173 : vector<16xf32>
      %exp3A_3180 = math.exp %sub3A_3179 : vector<16xf32>
      %add3A_3181 = arith.addf %add3A_3178, %exp3A_3180 : vector<16xf32>
      %sub3A_3182 = arith.subf %get3A_3080, %max3A_3173 : vector<16xf32>
      %exp3A_3183 = math.exp %sub3A_3182 : vector<16xf32>
      %add3A_3184 = arith.addf %add3A_3181, %exp3A_3183 : vector<16xf32>
      %sub3A_3185 = arith.subf %get3A_3084, %max3A_3173 : vector<16xf32>
      %exp3A_3186 = math.exp %sub3A_3185 : vector<16xf32>
      %add3A_3187 = arith.addf %add3A_3184, %exp3A_3186 : vector<16xf32>
      %sub3A_3188 = arith.subf %get3A_3088, %max3A_3173 : vector<16xf32>
      %exp3A_3189 = math.exp %sub3A_3188 : vector<16xf32>
      %add3A_3190 = arith.addf %add3A_3187, %exp3A_3189 : vector<16xf32>
      %sub3A_3191 = arith.subf %get3A_3092, %max3A_3173 : vector<16xf32>
      %exp3A_3192 = math.exp %sub3A_3191 : vector<16xf32>
      %add3A_3193 = arith.addf %add3A_3190, %exp3A_3192 : vector<16xf32>
      %sub3A_3194 = arith.subf %get3A_3096, %max3A_3173 : vector<16xf32>
      %exp3A_3195 = math.exp %sub3A_3194 : vector<16xf32>
      %add3A_3196 = arith.addf %add3A_3193, %exp3A_3195 : vector<16xf32>
      %sub3A_3197 = arith.subf %get3A_3100, %max3A_3173 : vector<16xf32>
      %exp3A_3198 = math.exp %sub3A_3197 : vector<16xf32>
      %add3A_3199 = arith.addf %add3A_3196, %exp3A_3198 : vector<16xf32>
      %sub3A_3200 = arith.subf %get3A_3104, %max3A_3173 : vector<16xf32>
      %exp3A_3201 = math.exp %sub3A_3200 : vector<16xf32>
      %add3A_3202 = arith.addf %add3A_3199, %exp3A_3201 : vector<16xf32>
      %sub3A_3203 = arith.subf %get3A_3108, %max3A_3173 : vector<16xf32>
      %exp3A_3204 = math.exp %sub3A_3203 : vector<16xf32>
      %add3A_3205 = arith.addf %add3A_3202, %exp3A_3204 : vector<16xf32>
      %sub3A_3206 = arith.subf %get3A_3112, %max3A_3173 : vector<16xf32>
      %exp3A_3207 = math.exp %sub3A_3206 : vector<16xf32>
      %add3A_3208 = arith.addf %add3A_3205, %exp3A_3207 : vector<16xf32>
      %sub3A_3209 = arith.subf %get3A_3116, %max3A_3173 : vector<16xf32>
      %exp3A_3210 = math.exp %sub3A_3209 : vector<16xf32>
      %jit3A_3211 = arith.constant 0.000000e+00 : f32
      %broadcast_in_dim3A_3212 = vector.broadcast %jit3A_3211 : f32 to vector<16xf32>
      %select_n3A_3213 = arith.select %ge3A_39, %exp3A_3210, %broadcast_in_dim3A_3212 : vector<16xi1>, vector<16xf32>
      %add3A_3214 = arith.addf %add3A_3208, %select_n3A_3213 : vector<16xf32>
      %xor3A_3215 = arith.constant 8 : i32
      %xor3A_3216 = vector.broadcast %xor3A_3215 : i32 to vector<16xi32>
      %xor3A_3217 = arith.xori %iota3A, %xor3A_3216 : vector<16xi32>
      %lt3A_3218 = arith.constant 0 : i32
      %lt3A_3219 = vector.broadcast %lt3A_3218 : i32 to vector<16xi32>
      %lt3A_3220 = arith.cmpi slt, %xor3A_3217, %lt3A_3219 : vector<16xi32>
      %add3A_3221 = arith.constant 16 : i32
      %add3A_3222 = vector.broadcast %add3A_3221 : i32 to vector<16xi32>
      %add3A_3223 = arith.addi %xor3A_3217, %add3A_3222 : vector<16xi32>
      %select_n3A_3224 = arith.select %lt3A_3220, %add3A_3223, %xor3A_3217 : vector<16xi1>, vector<16xi32>
      %broadcast_in_dim3A_3225 = vector.shape_cast %select_n3A_3224 : vector<16xi32> to vector<16x1xi32>
      %gather3A_3226 = vector.shape_cast %broadcast_in_dim3A_3225 : vector<16x1xi32> to vector<16xi32>
      %gather3A_3227 = tpu.dynamic_gather %add3A_3214[%gather3A_3226] in [0] : vector<16xf32>, vector<16xi32> -> vector<16xf32>
      %add3A_3228 = arith.addf %add3A_3214, %gather3A_3227 : vector<16xf32>
      %xor3A_3229 = arith.constant 4 : i32
      %xor3A_3230 = vector.broadcast %xor3A_3229 : i32 to vector<16xi32>
      %xor3A_3231 = arith.xori %iota3A, %xor3A_3230 : vector<16xi32>
      %lt3A_3232 = arith.constant 0 : i32
      %lt3A_3233 = vector.broadcast %lt3A_3232 : i32 to vector<16xi32>
      %lt3A_3234 = arith.cmpi slt, %xor3A_3231, %lt3A_3233 : vector<16xi32>
      %add3A_3235 = arith.constant 16 : i32
      %add3A_3236 = vector.broadcast %add3A_3235 : i32 to vector<16xi32>
      %add3A_3237 = arith.addi %xor3A_3231, %add3A_3236 : vector<16xi32>
      %select_n3A_3238 = arith.select %lt3A_3234, %add3A_3237, %xor3A_3231 : vector<16xi1>, vector<16xi32>
      %broadcast_in_dim3A_3239 = vector.shape_cast %select_n3A_3238 : vector<16xi32> to vector<16x1xi32>
      %gather3A_3240 = vector.shape_cast %broadcast_in_dim3A_3239 : vector<16x1xi32> to vector<16xi32>
      %gather3A_3241 = tpu.dynamic_gather %add3A_3228[%gather3A_3240] in [0] : vector<16xf32>, vector<16xi32> -> vector<16xf32>
      %add3A_3242 = arith.addf %add3A_3228, %gather3A_3241 : vector<16xf32>
      %xor3A_3243 = arith.constant 2 : i32
      %xor3A_3244 = vector.broadcast %xor3A_3243 : i32 to vector<16xi32>
      %xor3A_3245 = arith.xori %iota3A, %xor3A_3244 : vector<16xi32>
      %lt3A_3246 = arith.constant 0 : i32
      %lt3A_3247 = vector.broadcast %lt3A_3246 : i32 to vector<16xi32>
      %lt3A_3248 = arith.cmpi slt, %xor3A_3245, %lt3A_3247 : vector<16xi32>
      %add3A_3249 = arith.constant 16 : i32
      %add3A_3250 = vector.broadcast %add3A_3249 : i32 to vector<16xi32>
      %add3A_3251 = arith.addi %xor3A_3245, %add3A_3250 : vector<16xi32>
      %select_n3A_3252 = arith.select %lt3A_3248, %add3A_3251, %xor3A_3245 : vector<16xi1>, vector<16xi32>
      %broadcast_in_dim3A_3253 = vector.shape_cast %select_n3A_3252 : vector<16xi32> to vector<16x1xi32>
      %gather3A_3254 = vector.shape_cast %broadcast_in_dim3A_3253 : vector<16x1xi32> to vector<16xi32>
      %gather3A_3255 = tpu.dynamic_gather %add3A_3242[%gather3A_3254] in [0] : vector<16xf32>, vector<16xi32> -> vector<16xf32>
      %add3A_3256 = arith.addf %add3A_3242, %gather3A_3255 : vector<16xf32>
      %xor3A_3257 = arith.constant 1 : i32
      %xor3A_3258 = vector.broadcast %xor3A_3257 : i32 to vector<16xi32>
      %xor3A_3259 = arith.xori %iota3A, %xor3A_3258 : vector<16xi32>
      %lt3A_3260 = arith.constant 0 : i32
      %lt3A_3261 = vector.broadcast %lt3A_3260 : i32 to vector<16xi32>
      %lt3A_3262 = arith.cmpi slt, %xor3A_3259, %lt3A_3261 : vector<16xi32>
      %add3A_3263 = arith.constant 16 : i32
      %add3A_3264 = vector.broadcast %add3A_3263 : i32 to vector<16xi32>
      %add3A_3265 = arith.addi %xor3A_3259, %add3A_3264 : vector<16xi32>
      %select_n3A_3266 = arith.select %lt3A_3262, %add3A_3265, %xor3A_3259 : vector<16xi1>, vector<16xi32>
      %broadcast_in_dim3A_3267 = vector.shape_cast %select_n3A_3266 : vector<16xi32> to vector<16x1xi32>
      %gather3A_3268 = vector.shape_cast %broadcast_in_dim3A_3267 : vector<16x1xi32> to vector<16xi32>
      %gather3A_3269 = tpu.dynamic_gather %add3A_3256[%gather3A_3268] in [0] : vector<16xf32>, vector<16xi32> -> vector<16xf32>
      %add3A_3270 = arith.addf %add3A_3256, %gather3A_3269 : vector<16xf32>
      %eq3A_3271 = arith.constant 14 : i32
      %eq3A_3272 = vector.broadcast %eq3A_3271 : i32 to vector<16xi32>
      %eq3A_3273 = arith.cmpi eq, %iota3A, %eq3A_3272 : vector<16xi32>
      %select_n3A_3274 = arith.select %eq3A_3273, %max3A_3173, %select_n3A_3059 : vector<16xi1>, vector<16xf32>
      %select_n3A_3275 = arith.select %eq3A_3273, %add3A_3270, %select_n3A_3060 : vector<16xi1>, vector<16xf32>
      %slice3A_3276 = vector.extract_strided_slice %get3A_3069 {offsets = [0], sizes = [1], strides = [1]} : vector<16xf32> to vector<1xf32>
      %squeeze3A_3277 = vector.extract %slice3A_3276[0] : f32 from vector<1xf32>
      %broadcast_in_dim3A_3278 = vector.broadcast %squeeze3A_3277 : f32 to vector<16xf32>
      %select_n3A_3279 = arith.select %eq3A_3273, %broadcast_in_dim3A_3278, %select_n3A_3064 : vector<16xi1>, vector<16xf32>
      %add3A_3280 = arith.constant 15 : i32
      %add3A_3281 = arith.addi %mul3A_55, %add3A_3280 : i32
      %get3A_3282 = arith.index_cast %add3A_3281 : i32 to index
      %get3A_3283 = arith.constant 0 : index
      %get3A_3284 = tpu.vector_load %arg8[%get3A_3282, %get3A_3283] {strides = array<i32>} : memref<256x200xf32, #tpu.memory_space<vmem>>, vector<16xf32>,
      %get3A_3285 = arith.index_cast %add3A_3281 : i32 to index
      %get3A_3286 = arith.constant 16 : index
      %get3A_3287 = tpu.vector_load %arg8[%get3A_3285, %get3A_3286] {strides = array<i32>} : memref<256x200xf32, #tpu.memory_space<vmem>>, vector<16xf32>,
      %max3A_3288 = arith.maximumf %get3A_3284, %get3A_3287 : vector<16xf32>
      %get3A_3289 = arith.index_cast %add3A_3281 : i32 to index
      %get3A_3290 = arith.constant 32 : index
      %get3A_3291 = tpu.vector_load %arg8[%get3A_3289, %get3A_3290] {strides = array<i32>} : memref<256x200xf32, #tpu.memory_space<vmem>>, vector<16xf32>,
      %max3A_3292 = arith.maximumf %max3A_3288, %get3A_3291 : vector<16xf32>
      %get3A_3293 = arith.index_cast %add3A_3281 : i32 to index
      %get3A_3294 = arith.constant 48 : index
      %get3A_3295 = tpu.vector_load %arg8[%get3A_3293, %get3A_3294] {strides = array<i32>} : memref<256x200xf32, #tpu.memory_space<vmem>>, vector<16xf32>,
      %max3A_3296 = arith.maximumf %max3A_3292, %get3A_3295 : vector<16xf32>
      %get3A_3297 = arith.index_cast %add3A_3281 : i32 to index
      %get3A_3298 = arith.constant 64 : index
      %get3A_3299 = tpu.vector_load %arg8[%get3A_3297, %get3A_3298] {strides = array<i32>} : memref<256x200xf32, #tpu.memory_space<vmem>>, vector<16xf32>,
      %max3A_3300 = arith.maximumf %max3A_3296, %get3A_3299 : vector<16xf32>
      %get3A_3301 = arith.index_cast %add3A_3281 : i32 to index
      %get3A_3302 = arith.constant 80 : index
      %get3A_3303 = tpu.vector_load %arg8[%get3A_3301, %get3A_3302] {strides = array<i32>} : memref<256x200xf32, #tpu.memory_space<vmem>>, vector<16xf32>,
      %max3A_3304 = arith.maximumf %max3A_3300, %get3A_3303 : vector<16xf32>
      %get3A_3305 = arith.index_cast %add3A_3281 : i32 to index
      %get3A_3306 = arith.constant 96 : index
      %get3A_3307 = tpu.vector_load %arg8[%get3A_3305, %get3A_3306] {strides = array<i32>} : memref<256x200xf32, #tpu.memory_space<vmem>>, vector<16xf32>,
      %max3A_3308 = arith.maximumf %max3A_3304, %get3A_3307 : vector<16xf32>
      %get3A_3309 = arith.index_cast %add3A_3281 : i32 to index
      %get3A_3310 = arith.constant 112 : index
      %get3A_3311 = tpu.vector_load %arg8[%get3A_3309, %get3A_3310] {strides = array<i32>} : memref<256x200xf32, #tpu.memory_space<vmem>>, vector<16xf32>,
      %max3A_3312 = arith.maximumf %max3A_3308, %get3A_3311 : vector<16xf32>
      %get3A_3313 = arith.index_cast %add3A_3281 : i32 to index
      %get3A_3314 = arith.constant 128 : index
      %get3A_3315 = tpu.vector_load %arg8[%get3A_3313, %get3A_3314] {strides = array<i32>} : memref<256x200xf32, #tpu.memory_space<vmem>>, vector<16xf32>,
      %max3A_3316 = arith.maximumf %max3A_3312, %get3A_3315 : vector<16xf32>
      %get3A_3317 = arith.index_cast %add3A_3281 : i32 to index
      %get3A_3318 = arith.constant 144 : index
      %get3A_3319 = tpu.vector_load %arg8[%get3A_3317, %get3A_3318] {strides = array<i32>} : memref<256x200xf32, #tpu.memory_space<vmem>>, vector<16xf32>,
      %max3A_3320 = arith.maximumf %max3A_3316, %get3A_3319 : vector<16xf32>
      %get3A_3321 = arith.index_cast %add3A_3281 : i32 to index
      %get3A_3322 = arith.constant 160 : index
      %get3A_3323 = tpu.vector_load %arg8[%get3A_3321, %get3A_3322] {strides = array<i32>} : memref<256x200xf32, #tpu.memory_space<vmem>>, vector<16xf32>,
      %max3A_3324 = arith.maximumf %max3A_3320, %get3A_3323 : vector<16xf32>
      %get3A_3325 = arith.index_cast %add3A_3281 : i32 to index
      %get3A_3326 = arith.constant 176 : index
      %get3A_3327 = tpu.vector_load %arg8[%get3A_3325, %get3A_3326] {strides = array<i32>} : memref<256x200xf32, #tpu.memory_space<vmem>>, vector<16xf32>,
      %max3A_3328 = arith.maximumf %max3A_3324, %get3A_3327 : vector<16xf32>
      %get3A_3329 = arith.index_cast %add3A_3281 : i32 to index
      %get3A_3330 = arith.constant 184 : index
      %get3A_3331 = tpu.vector_load %arg8[%get3A_3329, %get3A_3330] {strides = array<i32>} : memref<256x200xf32, #tpu.memory_space<vmem>>, vector<16xf32>,
      %max3A_3332 = arith.maximumf %max3A_3328, %get3A_3331 : vector<16xf32>
      %xor3A_3333 = arith.constant 8 : i32
      %xor3A_3334 = vector.broadcast %xor3A_3333 : i32 to vector<16xi32>
      %xor3A_3335 = arith.xori %iota3A, %xor3A_3334 : vector<16xi32>
      %lt3A_3336 = arith.constant 0 : i32
      %lt3A_3337 = vector.broadcast %lt3A_3336 : i32 to vector<16xi32>
      %lt3A_3338 = arith.cmpi slt, %xor3A_3335, %lt3A_3337 : vector<16xi32>
      %add3A_3339 = arith.constant 16 : i32
      %add3A_3340 = vector.broadcast %add3A_3339 : i32 to vector<16xi32>
      %add3A_3341 = arith.addi %xor3A_3335, %add3A_3340 : vector<16xi32>
      %select_n3A_3342 = arith.select %lt3A_3338, %add3A_3341, %xor3A_3335 : vector<16xi1>, vector<16xi32>
      %broadcast_in_dim3A_3343 = vector.shape_cast %select_n3A_3342 : vector<16xi32> to vector<16x1xi32>
      %gather3A_3344 = vector.shape_cast %broadcast_in_dim3A_3343 : vector<16x1xi32> to vector<16xi32>
      %gather3A_3345 = tpu.dynamic_gather %max3A_3332[%gather3A_3344] in [0] : vector<16xf32>, vector<16xi32> -> vector<16xf32>
      %max3A_3346 = arith.maximumf %max3A_3332, %gather3A_3345 : vector<16xf32>
      %xor3A_3347 = arith.constant 4 : i32
      %xor3A_3348 = vector.broadcast %xor3A_3347 : i32 to vector<16xi32>
      %xor3A_3349 = arith.xori %iota3A, %xor3A_3348 : vector<16xi32>
      %lt3A_3350 = arith.constant 0 : i32
      %lt3A_3351 = vector.broadcast %lt3A_3350 : i32 to vector<16xi32>
      %lt3A_3352 = arith.cmpi slt, %xor3A_3349, %lt3A_3351 : vector<16xi32>
      %add3A_3353 = arith.constant 16 : i32
      %add3A_3354 = vector.broadcast %add3A_3353 : i32 to vector<16xi32>
      %add3A_3355 = arith.addi %xor3A_3349, %add3A_3354 : vector<16xi32>
      %select_n3A_3356 = arith.select %lt3A_3352, %add3A_3355, %xor3A_3349 : vector<16xi1>, vector<16xi32>
      %broadcast_in_dim3A_3357 = vector.shape_cast %select_n3A_3356 : vector<16xi32> to vector<16x1xi32>
      %gather3A_3358 = vector.shape_cast %broadcast_in_dim3A_3357 : vector<16x1xi32> to vector<16xi32>
      %gather3A_3359 = tpu.dynamic_gather %max3A_3346[%gather3A_3358] in [0] : vector<16xf32>, vector<16xi32> -> vector<16xf32>
      %max3A_3360 = arith.maximumf %max3A_3346, %gather3A_3359 : vector<16xf32>
      %xor3A_3361 = arith.constant 2 : i32
      %xor3A_3362 = vector.broadcast %xor3A_3361 : i32 to vector<16xi32>
      %xor3A_3363 = arith.xori %iota3A, %xor3A_3362 : vector<16xi32>
      %lt3A_3364 = arith.constant 0 : i32
      %lt3A_3365 = vector.broadcast %lt3A_3364 : i32 to vector<16xi32>
      %lt3A_3366 = arith.cmpi slt, %xor3A_3363, %lt3A_3365 : vector<16xi32>
      %add3A_3367 = arith.constant 16 : i32
      %add3A_3368 = vector.broadcast %add3A_3367 : i32 to vector<16xi32>
      %add3A_3369 = arith.addi %xor3A_3363, %add3A_3368 : vector<16xi32>
      %select_n3A_3370 = arith.select %lt3A_3366, %add3A_3369, %xor3A_3363 : vector<16xi1>, vector<16xi32>
      %broadcast_in_dim3A_3371 = vector.shape_cast %select_n3A_3370 : vector<16xi32> to vector<16x1xi32>
      %gather3A_3372 = vector.shape_cast %broadcast_in_dim3A_3371 : vector<16x1xi32> to vector<16xi32>
      %gather3A_3373 = tpu.dynamic_gather %max3A_3360[%gather3A_3372] in [0] : vector<16xf32>, vector<16xi32> -> vector<16xf32>
      %max3A_3374 = arith.maximumf %max3A_3360, %gather3A_3373 : vector<16xf32>
      %xor3A_3375 = arith.constant 1 : i32
      %xor3A_3376 = vector.broadcast %xor3A_3375 : i32 to vector<16xi32>
      %xor3A_3377 = arith.xori %iota3A, %xor3A_3376 : vector<16xi32>
      %lt3A_3378 = arith.constant 0 : i32
      %lt3A_3379 = vector.broadcast %lt3A_3378 : i32 to vector<16xi32>
      %lt3A_3380 = arith.cmpi slt, %xor3A_3377, %lt3A_3379 : vector<16xi32>
      %add3A_3381 = arith.constant 16 : i32
      %add3A_3382 = vector.broadcast %add3A_3381 : i32 to vector<16xi32>
      %add3A_3383 = arith.addi %xor3A_3377, %add3A_3382 : vector<16xi32>
      %select_n3A_3384 = arith.select %lt3A_3380, %add3A_3383, %xor3A_3377 : vector<16xi1>, vector<16xi32>
      %broadcast_in_dim3A_3385 = vector.shape_cast %select_n3A_3384 : vector<16xi32> to vector<16x1xi32>
      %gather3A_3386 = vector.shape_cast %broadcast_in_dim3A_3385 : vector<16x1xi32> to vector<16xi32>
      %gather3A_3387 = tpu.dynamic_gather %max3A_3374[%gather3A_3386] in [0] : vector<16xf32>, vector<16xi32> -> vector<16xf32>
      %max3A_3388 = arith.maximumf %max3A_3374, %gather3A_3387 : vector<16xf32>
      %sub3A_3389 = arith.subf %get3A_3284, %max3A_3388 : vector<16xf32>
      %exp3A_3390 = math.exp %sub3A_3389 : vector<16xf32>
      %sub3A_3391 = arith.subf %get3A_3287, %max3A_3388 : vector<16xf32>
      %exp3A_3392 = math.exp %sub3A_3391 : vector<16xf32>
      %add3A_3393 = arith.addf %exp3A_3390, %exp3A_3392 : vector<16xf32>
      %sub3A_3394 = arith.subf %get3A_3291, %max3A_3388 : vector<16xf32>
      %exp3A_3395 = math.exp %sub3A_3394 : vector<16xf32>
      %add3A_3396 = arith.addf %add3A_3393, %exp3A_3395 : vector<16xf32>
      %sub3A_3397 = arith.subf %get3A_3295, %max3A_3388 : vector<16xf32>
      %exp3A_3398 = math.exp %sub3A_3397 : vector<16xf32>
      %add3A_3399 = arith.addf %add3A_3396, %exp3A_3398 : vector<16xf32>
      %sub3A_3400 = arith.subf %get3A_3299, %max3A_3388 : vector<16xf32>
      %exp3A_3401 = math.exp %sub3A_3400 : vector<16xf32>
      %add3A_3402 = arith.addf %add3A_3399, %exp3A_3401 : vector<16xf32>
      %sub3A_3403 = arith.subf %get3A_3303, %max3A_3388 : vector<16xf32>
      %exp3A_3404 = math.exp %sub3A_3403 : vector<16xf32>
      %add3A_3405 = arith.addf %add3A_3402, %exp3A_3404 : vector<16xf32>
      %sub3A_3406 = arith.subf %get3A_3307, %max3A_3388 : vector<16xf32>
      %exp3A_3407 = math.exp %sub3A_3406 : vector<16xf32>
      %add3A_3408 = arith.addf %add3A_3405, %exp3A_3407 : vector<16xf32>
      %sub3A_3409 = arith.subf %get3A_3311, %max3A_3388 : vector<16xf32>
      %exp3A_3410 = math.exp %sub3A_3409 : vector<16xf32>
      %add3A_3411 = arith.addf %add3A_3408, %exp3A_3410 : vector<16xf32>
      %sub3A_3412 = arith.subf %get3A_3315, %max3A_3388 : vector<16xf32>
      %exp3A_3413 = math.exp %sub3A_3412 : vector<16xf32>
      %add3A_3414 = arith.addf %add3A_3411, %exp3A_3413 : vector<16xf32>
      %sub3A_3415 = arith.subf %get3A_3319, %max3A_3388 : vector<16xf32>
      %exp3A_3416 = math.exp %sub3A_3415 : vector<16xf32>
      %add3A_3417 = arith.addf %add3A_3414, %exp3A_3416 : vector<16xf32>
      %sub3A_3418 = arith.subf %get3A_3323, %max3A_3388 : vector<16xf32>
      %exp3A_3419 = math.exp %sub3A_3418 : vector<16xf32>
      %add3A_3420 = arith.addf %add3A_3417, %exp3A_3419 : vector<16xf32>
      %sub3A_3421 = arith.subf %get3A_3327, %max3A_3388 : vector<16xf32>
      %exp3A_3422 = math.exp %sub3A_3421 : vector<16xf32>
      %add3A_3423 = arith.addf %add3A_3420, %exp3A_3422 : vector<16xf32>
      %sub3A_3424 = arith.subf %get3A_3331, %max3A_3388 : vector<16xf32>
      %exp3A_3425 = math.exp %sub3A_3424 : vector<16xf32>
      %jit3A_3426 = arith.constant 0.000000e+00 : f32
      %broadcast_in_dim3A_3427 = vector.broadcast %jit3A_3426 : f32 to vector<16xf32>
      %select_n3A_3428 = arith.select %ge3A_39, %exp3A_3425, %broadcast_in_dim3A_3427 : vector<16xi1>, vector<16xf32>
      %add3A_3429 = arith.addf %add3A_3423, %select_n3A_3428 : vector<16xf32>
      %xor3A_3430 = arith.constant 8 : i32
      %xor3A_3431 = vector.broadcast %xor3A_3430 : i32 to vector<16xi32>
      %xor3A_3432 = arith.xori %iota3A, %xor3A_3431 : vector<16xi32>
      %lt3A_3433 = arith.constant 0 : i32
      %lt3A_3434 = vector.broadcast %lt3A_3433 : i32 to vector<16xi32>
      %lt3A_3435 = arith.cmpi slt, %xor3A_3432, %lt3A_3434 : vector<16xi32>
      %add3A_3436 = arith.constant 16 : i32
      %add3A_3437 = vector.broadcast %add3A_3436 : i32 to vector<16xi32>
      %add3A_3438 = arith.addi %xor3A_3432, %add3A_3437 : vector<16xi32>
      %select_n3A_3439 = arith.select %lt3A_3435, %add3A_3438, %xor3A_3432 : vector<16xi1>, vector<16xi32>
      %broadcast_in_dim3A_3440 = vector.shape_cast %select_n3A_3439 : vector<16xi32> to vector<16x1xi32>
      %gather3A_3441 = vector.shape_cast %broadcast_in_dim3A_3440 : vector<16x1xi32> to vector<16xi32>
      %gather3A_3442 = tpu.dynamic_gather %add3A_3429[%gather3A_3441] in [0] : vector<16xf32>, vector<16xi32> -> vector<16xf32>
      %add3A_3443 = arith.addf %add3A_3429, %gather3A_3442 : vector<16xf32>
      %xor3A_3444 = arith.constant 4 : i32
      %xor3A_3445 = vector.broadcast %xor3A_3444 : i32 to vector<16xi32>
      %xor3A_3446 = arith.xori %iota3A, %xor3A_3445 : vector<16xi32>
      %lt3A_3447 = arith.constant 0 : i32
      %lt3A_3448 = vector.broadcast %lt3A_3447 : i32 to vector<16xi32>
      %lt3A_3449 = arith.cmpi slt, %xor3A_3446, %lt3A_3448 : vector<16xi32>
      %add3A_3450 = arith.constant 16 : i32
      %add3A_3451 = vector.broadcast %add3A_3450 : i32 to vector<16xi32>
      %add3A_3452 = arith.addi %xor3A_3446, %add3A_3451 : vector<16xi32>
      %select_n3A_3453 = arith.select %lt3A_3449, %add3A_3452, %xor3A_3446 : vector<16xi1>, vector<16xi32>
      %broadcast_in_dim3A_3454 = vector.shape_cast %select_n3A_3453 : vector<16xi32> to vector<16x1xi32>
      %gather3A_3455 = vector.shape_cast %broadcast_in_dim3A_3454 : vector<16x1xi32> to vector<16xi32>
      %gather3A_3456 = tpu.dynamic_gather %add3A_3443[%gather3A_3455] in [0] : vector<16xf32>, vector<16xi32> -> vector<16xf32>
      %add3A_3457 = arith.addf %add3A_3443, %gather3A_3456 : vector<16xf32>
      %xor3A_3458 = arith.constant 2 : i32
      %xor3A_3459 = vector.broadcast %xor3A_3458 : i32 to vector<16xi32>
      %xor3A_3460 = arith.xori %iota3A, %xor3A_3459 : vector<16xi32>
      %lt3A_3461 = arith.constant 0 : i32
      %lt3A_3462 = vector.broadcast %lt3A_3461 : i32 to vector<16xi32>
      %lt3A_3463 = arith.cmpi slt, %xor3A_3460, %lt3A_3462 : vector<16xi32>
      %add3A_3464 = arith.constant 16 : i32
      %add3A_3465 = vector.broadcast %add3A_3464 : i32 to vector<16xi32>
      %add3A_3466 = arith.addi %xor3A_3460, %add3A_3465 : vector<16xi32>
      %select_n3A_3467 = arith.select %lt3A_3463, %add3A_3466, %xor3A_3460 : vector<16xi1>, vector<16xi32>
      %broadcast_in_dim3A_3468 = vector.shape_cast %select_n3A_3467 : vector<16xi32> to vector<16x1xi32>
      %gather3A_3469 = vector.shape_cast %broadcast_in_dim3A_3468 : vector<16x1xi32> to vector<16xi32>
      %gather3A_3470 = tpu.dynamic_gather %add3A_3457[%gather3A_3469] in [0] : vector<16xf32>, vector<16xi32> -> vector<16xf32>
      %add3A_3471 = arith.addf %add3A_3457, %gather3A_3470 : vector<16xf32>
      %xor3A_3472 = arith.constant 1 : i32
      %xor3A_3473 = vector.broadcast %xor3A_3472 : i32 to vector<16xi32>
      %xor3A_3474 = arith.xori %iota3A, %xor3A_3473 : vector<16xi32>
      %lt3A_3475 = arith.constant 0 : i32
      %lt3A_3476 = vector.broadcast %lt3A_3475 : i32 to vector<16xi32>
      %lt3A_3477 = arith.cmpi slt, %xor3A_3474, %lt3A_3476 : vector<16xi32>
      %add3A_3478 = arith.constant 16 : i32
      %add3A_3479 = vector.broadcast %add3A_3478 : i32 to vector<16xi32>
      %add3A_3480 = arith.addi %xor3A_3474, %add3A_3479 : vector<16xi32>
      %select_n3A_3481 = arith.select %lt3A_3477, %add3A_3480, %xor3A_3474 : vector<16xi1>, vector<16xi32>
      %broadcast_in_dim3A_3482 = vector.shape_cast %select_n3A_3481 : vector<16xi32> to vector<16x1xi32>
      %gather3A_3483 = vector.shape_cast %broadcast_in_dim3A_3482 : vector<16x1xi32> to vector<16xi32>
      %gather3A_3484 = tpu.dynamic_gather %add3A_3471[%gather3A_3483] in [0] : vector<16xf32>, vector<16xi32> -> vector<16xf32>
      %add3A_3485 = arith.addf %add3A_3471, %gather3A_3484 : vector<16xf32>
      %eq3A_3486 = arith.constant 15 : i32
      %eq3A_3487 = vector.broadcast %eq3A_3486 : i32 to vector<16xi32>
      %eq3A_3488 = arith.cmpi eq, %iota3A, %eq3A_3487 : vector<16xi32>
      %select_n3A_3489 = arith.select %eq3A_3488, %max3A_3388, %select_n3A_3274 : vector<16xi1>, vector<16xf32>
      %select_n3A_3490 = arith.select %eq3A_3488, %add3A_3485, %select_n3A_3275 : vector<16xi1>, vector<16xf32>
      %slice3A_3491 = vector.extract_strided_slice %get3A_3284 {offsets = [0], sizes = [1], strides = [1]} : vector<16xf32> to vector<1xf32>
      %squeeze3A_3492 = vector.extract %slice3A_3491[0] : f32 from vector<1xf32>
      %broadcast_in_dim3A_3493 = vector.broadcast %squeeze3A_3492 : f32 to vector<16xf32>
      %select_n3A_3494 = arith.select %eq3A_3488, %broadcast_in_dim3A_3493, %select_n3A_3279 : vector<16xi1>, vector<16xf32>
      %swap3A = arith.index_cast %mul3A_55 : i32 to index
      %swap3A_3495 = tpu.vector_load %arg10[%swap3A] {strides = array<i32>} : memref<256xf32, #tpu.memory_space<vmem>>, vector<16xf32>,
      tpu.vector_store %arg10[%swap3A], %select_n3A_3489 {strides = array<i32>} : memref<256xf32, #tpu.memory_space<vmem>>, vector<16xf32>,
      %swap3A_3496 = arith.index_cast %mul3A_55 : i32 to index
      %swap3A_3497 = tpu.vector_load %arg11[%swap3A_3496] {strides = array<i32>} : memref<256xf32, #tpu.memory_space<vmem>>, vector<16xf32>,
      tpu.vector_store %arg11[%swap3A_3496], %select_n3A_3490 {strides = array<i32>} : memref<256xf32, #tpu.memory_space<vmem>>, vector<16xf32>,
      %swap3A_3498 = arith.index_cast %mul3A_55 : i32 to index
      %swap3A_3499 = tpu.vector_load %arg12[%swap3A_3498] {strides = array<i32>} : memref<256xf32, #tpu.memory_space<vmem>>, vector<16xf32>,
      tpu.vector_store %arg12[%swap3A_3498], %select_n3A_3494 {strides = array<i32>} : memref<256xf32, #tpu.memory_space<vmem>>, vector<16xf32>,
      %broadcast_in_dim3A_3500 = vector.broadcast %mul3A_55 : i32 to vector<16xi32>
      %add3A_3501 = arith.addi %broadcast_in_dim3A_3500, %iota3A : vector<16xi32>
      %slice3A_3502 = vector.extract_strided_slice %get3A_34 {offsets = [0], sizes = [1], strides = [1]} : vector<16xi32> to vector<1xi32>
      %squeeze3A_3503 = vector.extract %slice3A_3502[0] : i32 from vector<1xi32>
      %broadcast_in_dim3A_3504 = vector.broadcast %squeeze3A_3503 : i32 to vector<16xi32>
      %gather3A_3505 = tpu.vector_load_idx %arg8[%add3A_3501, %broadcast_in_dim3A_3504] : memref<256x200xf32, #tpu.memory_space<vmem>>[vector<16xi32>, vector<16xi32>], vector<16xf32>,
      %swap3A_3506 = arith.constant 0 : i32
      %swap3A_3507 = arith.index_cast %swap3A_3506 : i32 to index
      %swap3A_3508 = arith.index_cast %mul3A_55 : i32 to index
      %swap3A_3509 = tpu.vector_load %arg13[%swap3A_3507, %swap3A_3508] {strides = array<i32>} : memref<32x256xf32, #tpu.memory_space<vmem>>, vector<16xf32>,
      tpu.vector_store %arg13[%swap3A_3507, %swap3A_3508], %gather3A_3505 {strides = array<i32>} : memref<32x256xf32, #tpu.memory_space<vmem>>, vector<16xf32>,
      %slice3A_3510 = vector.extract_strided_slice %get3A_34 {offsets = [1], sizes = [1], strides = [1]} : vector<16xi32> to vector<1xi32>
      %squeeze3A_3511 = vector.extract %slice3A_3510[0] : i32 from vector<1xi32>
      %broadcast_in_dim3A_3512 = vector.broadcast %squeeze3A_3511 : i32 to vector<16xi32>
      %gather3A_3513 = tpu.vector_load_idx %arg8[%add3A_3501, %broadcast_in_dim3A_3512] : memref<256x200xf32, #tpu.memory_space<vmem>>[vector<16xi32>, vector<16xi32>], vector<16xf32>,
      %swap3A_3514 = arith.constant 1 : i32
      %swap3A_3515 = arith.index_cast %swap3A_3514 : i32 to index
      %swap3A_3516 = arith.index_cast %mul3A_55 : i32 to index
      %swap3A_3517 = tpu.vector_load %arg13[%swap3A_3515, %swap3A_3516] {strides = array<i32>} : memref<32x256xf32, #tpu.memory_space<vmem>>, vector<16xf32>,
      tpu.vector_store %arg13[%swap3A_3515, %swap3A_3516], %gather3A_3513 {strides = array<i32>} : memref<32x256xf32, #tpu.memory_space<vmem>>, vector<16xf32>,
      %slice3A_3518 = vector.extract_strided_slice %get3A_34 {offsets = [2], sizes = [1], strides = [1]} : vector<16xi32> to vector<1xi32>
      %squeeze3A_3519 = vector.extract %slice3A_3518[0] : i32 from vector<1xi32>
      %broadcast_in_dim3A_3520 = vector.broadcast %squeeze3A_3519 : i32 to vector<16xi32>
      %gather3A_3521 = tpu.vector_load_idx %arg8[%add3A_3501, %broadcast_in_dim3A_3520] : memref<256x200xf32, #tpu.memory_space<vmem>>[vector<16xi32>, vector<16xi32>], vector<16xf32>,
      %swap3A_3522 = arith.constant 2 : i32
      %swap3A_3523 = arith.index_cast %swap3A_3522 : i32 to index
      %swap3A_3524 = arith.index_cast %mul3A_55 : i32 to index
      %swap3A_3525 = tpu.vector_load %arg13[%swap3A_3523, %swap3A_3524] {strides = array<i32>} : memref<32x256xf32, #tpu.memory_space<vmem>>, vector<16xf32>,
      tpu.vector_store %arg13[%swap3A_3523, %swap3A_3524], %gather3A_3521 {strides = array<i32>} : memref<32x256xf32, #tpu.memory_space<vmem>>, vector<16xf32>,
      %slice3A_3526 = vector.extract_strided_slice %get3A_34 {offsets = [3], sizes = [1], strides = [1]} : vector<16xi32> to vector<1xi32>
      %squeeze3A_3527 = vector.extract %slice3A_3526[0] : i32 from vector<1xi32>
      %broadcast_in_dim3A_3528 = vector.broadcast %squeeze3A_3527 : i32 to vector<16xi32>
      %gather3A_3529 = tpu.vector_load_idx %arg8[%add3A_3501, %broadcast_in_dim3A_3528] : memref<256x200xf32, #tpu.memory_space<vmem>>[vector<16xi32>, vector<16xi32>], vector<16xf32>,
      %swap3A_3530 = arith.constant 3 : i32
      %swap3A_3531 = arith.index_cast %swap3A_3530 : i32 to index
      %swap3A_3532 = arith.index_cast %mul3A_55 : i32 to index
      %swap3A_3533 = tpu.vector_load %arg13[%swap3A_3531, %swap3A_3532] {strides = array<i32>} : memref<32x256xf32, #tpu.memory_space<vmem>>, vector<16xf32>,
      tpu.vector_store %arg13[%swap3A_3531, %swap3A_3532], %gather3A_3529 {strides = array<i32>} : memref<32x256xf32, #tpu.memory_space<vmem>>, vector<16xf32>,
      %slice3A_3534 = vector.extract_strided_slice %get3A_34 {offsets = [4], sizes = [1], strides = [1]} : vector<16xi32> to vector<1xi32>
      %squeeze3A_3535 = vector.extract %slice3A_3534[0] : i32 from vector<1xi32>
      %broadcast_in_dim3A_3536 = vector.broadcast %squeeze3A_3535 : i32 to vector<16xi32>
      %gather3A_3537 = tpu.vector_load_idx %arg8[%add3A_3501, %broadcast_in_dim3A_3536] : memref<256x200xf32, #tpu.memory_space<vmem>>[vector<16xi32>, vector<16xi32>], vector<16xf32>,
      %swap3A_3538 = arith.constant 4 : i32
      %swap3A_3539 = arith.index_cast %swap3A_3538 : i32 to index
      %swap3A_3540 = arith.index_cast %mul3A_55 : i32 to index
      %swap3A_3541 = tpu.vector_load %arg13[%swap3A_3539, %swap3A_3540] {strides = array<i32>} : memref<32x256xf32, #tpu.memory_space<vmem>>, vector<16xf32>,
      tpu.vector_store %arg13[%swap3A_3539, %swap3A_3540], %gather3A_3537 {strides = array<i32>} : memref<32x256xf32, #tpu.memory_space<vmem>>, vector<16xf32>,
      %slice3A_3542 = vector.extract_strided_slice %get3A_34 {offsets = [5], sizes = [1], strides = [1]} : vector<16xi32> to vector<1xi32>
      %squeeze3A_3543 = vector.extract %slice3A_3542[0] : i32 from vector<1xi32>
      %broadcast_in_dim3A_3544 = vector.broadcast %squeeze3A_3543 : i32 to vector<16xi32>
      %gather3A_3545 = tpu.vector_load_idx %arg8[%add3A_3501, %broadcast_in_dim3A_3544] : memref<256x200xf32, #tpu.memory_space<vmem>>[vector<16xi32>, vector<16xi32>], vector<16xf32>,
      %swap3A_3546 = arith.constant 5 : i32
      %swap3A_3547 = arith.index_cast %swap3A_3546 : i32 to index
      %swap3A_3548 = arith.index_cast %mul3A_55 : i32 to index
      %swap3A_3549 = tpu.vector_load %arg13[%swap3A_3547, %swap3A_3548] {strides = array<i32>} : memref<32x256xf32, #tpu.memory_space<vmem>>, vector<16xf32>,
      tpu.vector_store %arg13[%swap3A_3547, %swap3A_3548], %gather3A_3545 {strides = array<i32>} : memref<32x256xf32, #tpu.memory_space<vmem>>, vector<16xf32>,
      %slice3A_3550 = vector.extract_strided_slice %get3A_34 {offsets = [6], sizes = [1], strides = [1]} : vector<16xi32> to vector<1xi32>
      %squeeze3A_3551 = vector.extract %slice3A_3550[0] : i32 from vector<1xi32>
      %broadcast_in_dim3A_3552 = vector.broadcast %squeeze3A_3551 : i32 to vector<16xi32>
      %gather3A_3553 = tpu.vector_load_idx %arg8[%add3A_3501, %broadcast_in_dim3A_3552] : memref<256x200xf32, #tpu.memory_space<vmem>>[vector<16xi32>, vector<16xi32>], vector<16xf32>,
      %swap3A_3554 = arith.constant 6 : i32
      %swap3A_3555 = arith.index_cast %swap3A_3554 : i32 to index
      %swap3A_3556 = arith.index_cast %mul3A_55 : i32 to index
      %swap3A_3557 = tpu.vector_load %arg13[%swap3A_3555, %swap3A_3556] {strides = array<i32>} : memref<32x256xf32, #tpu.memory_space<vmem>>, vector<16xf32>,
      tpu.vector_store %arg13[%swap3A_3555, %swap3A_3556], %gather3A_3553 {strides = array<i32>} : memref<32x256xf32, #tpu.memory_space<vmem>>, vector<16xf32>,
      %slice3A_3558 = vector.extract_strided_slice %get3A_34 {offsets = [7], sizes = [1], strides = [1]} : vector<16xi32> to vector<1xi32>
      %squeeze3A_3559 = vector.extract %slice3A_3558[0] : i32 from vector<1xi32>
      %broadcast_in_dim3A_3560 = vector.broadcast %squeeze3A_3559 : i32 to vector<16xi32>
      %gather3A_3561 = tpu.vector_load_idx %arg8[%add3A_3501, %broadcast_in_dim3A_3560] : memref<256x200xf32, #tpu.memory_space<vmem>>[vector<16xi32>, vector<16xi32>], vector<16xf32>,
      %swap3A_3562 = arith.constant 7 : i32
      %swap3A_3563 = arith.index_cast %swap3A_3562 : i32 to index
      %swap3A_3564 = arith.index_cast %mul3A_55 : i32 to index
      %swap3A_3565 = tpu.vector_load %arg13[%swap3A_3563, %swap3A_3564] {strides = array<i32>} : memref<32x256xf32, #tpu.memory_space<vmem>>, vector<16xf32>,
      tpu.vector_store %arg13[%swap3A_3563, %swap3A_3564], %gather3A_3561 {strides = array<i32>} : memref<32x256xf32, #tpu.memory_space<vmem>>, vector<16xf32>,
      %slice3A_3566 = vector.extract_strided_slice %get3A_34 {offsets = [8], sizes = [1], strides = [1]} : vector<16xi32> to vector<1xi32>
      %squeeze3A_3567 = vector.extract %slice3A_3566[0] : i32 from vector<1xi32>
      %broadcast_in_dim3A_3568 = vector.broadcast %squeeze3A_3567 : i32 to vector<16xi32>
      %gather3A_3569 = tpu.vector_load_idx %arg8[%add3A_3501, %broadcast_in_dim3A_3568] : memref<256x200xf32, #tpu.memory_space<vmem>>[vector<16xi32>, vector<16xi32>], vector<16xf32>,
      %swap3A_3570 = arith.constant 8 : i32
      %swap3A_3571 = arith.index_cast %swap3A_3570 : i32 to index
      %swap3A_3572 = arith.index_cast %mul3A_55 : i32 to index
      %swap3A_3573 = tpu.vector_load %arg13[%swap3A_3571, %swap3A_3572] {strides = array<i32>} : memref<32x256xf32, #tpu.memory_space<vmem>>, vector<16xf32>,
      tpu.vector_store %arg13[%swap3A_3571, %swap3A_3572], %gather3A_3569 {strides = array<i32>} : memref<32x256xf32, #tpu.memory_space<vmem>>, vector<16xf32>,
      %slice3A_3574 = vector.extract_strided_slice %get3A_34 {offsets = [9], sizes = [1], strides = [1]} : vector<16xi32> to vector<1xi32>
      %squeeze3A_3575 = vector.extract %slice3A_3574[0] : i32 from vector<1xi32>
      %broadcast_in_dim3A_3576 = vector.broadcast %squeeze3A_3575 : i32 to vector<16xi32>
      %gather3A_3577 = tpu.vector_load_idx %arg8[%add3A_3501, %broadcast_in_dim3A_3576] : memref<256x200xf32, #tpu.memory_space<vmem>>[vector<16xi32>, vector<16xi32>], vector<16xf32>,
      %swap3A_3578 = arith.constant 9 : i32
      %swap3A_3579 = arith.index_cast %swap3A_3578 : i32 to index
      %swap3A_3580 = arith.index_cast %mul3A_55 : i32 to index
      %swap3A_3581 = tpu.vector_load %arg13[%swap3A_3579, %swap3A_3580] {strides = array<i32>} : memref<32x256xf32, #tpu.memory_space<vmem>>, vector<16xf32>,
      tpu.vector_store %arg13[%swap3A_3579, %swap3A_3580], %gather3A_3577 {strides = array<i32>} : memref<32x256xf32, #tpu.memory_space<vmem>>, vector<16xf32>,
      %slice3A_3582 = vector.extract_strided_slice %get3A_34 {offsets = [10], sizes = [1], strides = [1]} : vector<16xi32> to vector<1xi32>
      %squeeze3A_3583 = vector.extract %slice3A_3582[0] : i32 from vector<1xi32>
      %broadcast_in_dim3A_3584 = vector.broadcast %squeeze3A_3583 : i32 to vector<16xi32>
      %gather3A_3585 = tpu.vector_load_idx %arg8[%add3A_3501, %broadcast_in_dim3A_3584] : memref<256x200xf32, #tpu.memory_space<vmem>>[vector<16xi32>, vector<16xi32>], vector<16xf32>,
      %swap3A_3586 = arith.constant 10 : i32
      %swap3A_3587 = arith.index_cast %swap3A_3586 : i32 to index
      %swap3A_3588 = arith.index_cast %mul3A_55 : i32 to index
      %swap3A_3589 = tpu.vector_load %arg13[%swap3A_3587, %swap3A_3588] {strides = array<i32>} : memref<32x256xf32, #tpu.memory_space<vmem>>, vector<16xf32>,
      tpu.vector_store %arg13[%swap3A_3587, %swap3A_3588], %gather3A_3585 {strides = array<i32>} : memref<32x256xf32, #tpu.memory_space<vmem>>, vector<16xf32>,
      %slice3A_3590 = vector.extract_strided_slice %get3A_34 {offsets = [11], sizes = [1], strides = [1]} : vector<16xi32> to vector<1xi32>
      %squeeze3A_3591 = vector.extract %slice3A_3590[0] : i32 from vector<1xi32>
      %broadcast_in_dim3A_3592 = vector.broadcast %squeeze3A_3591 : i32 to vector<16xi32>
      %gather3A_3593 = tpu.vector_load_idx %arg8[%add3A_3501, %broadcast_in_dim3A_3592] : memref<256x200xf32, #tpu.memory_space<vmem>>[vector<16xi32>, vector<16xi32>], vector<16xf32>,
      %swap3A_3594 = arith.constant 11 : i32
      %swap3A_3595 = arith.index_cast %swap3A_3594 : i32 to index
      %swap3A_3596 = arith.index_cast %mul3A_55 : i32 to index
      %swap3A_3597 = tpu.vector_load %arg13[%swap3A_3595, %swap3A_3596] {strides = array<i32>} : memref<32x256xf32, #tpu.memory_space<vmem>>, vector<16xf32>,
      tpu.vector_store %arg13[%swap3A_3595, %swap3A_3596], %gather3A_3593 {strides = array<i32>} : memref<32x256xf32, #tpu.memory_space<vmem>>, vector<16xf32>,
      %slice3A_3598 = vector.extract_strided_slice %get3A_34 {offsets = [12], sizes = [1], strides = [1]} : vector<16xi32> to vector<1xi32>
      %squeeze3A_3599 = vector.extract %slice3A_3598[0] : i32 from vector<1xi32>
      %broadcast_in_dim3A_3600 = vector.broadcast %squeeze3A_3599 : i32 to vector<16xi32>
      %gather3A_3601 = tpu.vector_load_idx %arg8[%add3A_3501, %broadcast_in_dim3A_3600] : memref<256x200xf32, #tpu.memory_space<vmem>>[vector<16xi32>, vector<16xi32>], vector<16xf32>,
      %swap3A_3602 = arith.constant 12 : i32
      %swap3A_3603 = arith.index_cast %swap3A_3602 : i32 to index
      %swap3A_3604 = arith.index_cast %mul3A_55 : i32 to index
      %swap3A_3605 = tpu.vector_load %arg13[%swap3A_3603, %swap3A_3604] {strides = array<i32>} : memref<32x256xf32, #tpu.memory_space<vmem>>, vector<16xf32>,
      tpu.vector_store %arg13[%swap3A_3603, %swap3A_3604], %gather3A_3601 {strides = array<i32>} : memref<32x256xf32, #tpu.memory_space<vmem>>, vector<16xf32>,
      %slice3A_3606 = vector.extract_strided_slice %get3A_34 {offsets = [13], sizes = [1], strides = [1]} : vector<16xi32> to vector<1xi32>
      %squeeze3A_3607 = vector.extract %slice3A_3606[0] : i32 from vector<1xi32>
      %broadcast_in_dim3A_3608 = vector.broadcast %squeeze3A_3607 : i32 to vector<16xi32>
      %gather3A_3609 = tpu.vector_load_idx %arg8[%add3A_3501, %broadcast_in_dim3A_3608] : memref<256x200xf32, #tpu.memory_space<vmem>>[vector<16xi32>, vector<16xi32>], vector<16xf32>,
      %swap3A_3610 = arith.constant 13 : i32
      %swap3A_3611 = arith.index_cast %swap3A_3610 : i32 to index
      %swap3A_3612 = arith.index_cast %mul3A_55 : i32 to index
      %swap3A_3613 = tpu.vector_load %arg13[%swap3A_3611, %swap3A_3612] {strides = array<i32>} : memref<32x256xf32, #tpu.memory_space<vmem>>, vector<16xf32>,
      tpu.vector_store %arg13[%swap3A_3611, %swap3A_3612], %gather3A_3609 {strides = array<i32>} : memref<32x256xf32, #tpu.memory_space<vmem>>, vector<16xf32>,
      %slice3A_3614 = vector.extract_strided_slice %get3A_34 {offsets = [14], sizes = [1], strides = [1]} : vector<16xi32> to vector<1xi32>
      %squeeze3A_3615 = vector.extract %slice3A_3614[0] : i32 from vector<1xi32>
      %broadcast_in_dim3A_3616 = vector.broadcast %squeeze3A_3615 : i32 to vector<16xi32>
      %gather3A_3617 = tpu.vector_load_idx %arg8[%add3A_3501, %broadcast_in_dim3A_3616] : memref<256x200xf32, #tpu.memory_space<vmem>>[vector<16xi32>, vector<16xi32>], vector<16xf32>,
      %swap3A_3618 = arith.constant 14 : i32
      %swap3A_3619 = arith.index_cast %swap3A_3618 : i32 to index
      %swap3A_3620 = arith.index_cast %mul3A_55 : i32 to index
      %swap3A_3621 = tpu.vector_load %arg13[%swap3A_3619, %swap3A_3620] {strides = array<i32>} : memref<32x256xf32, #tpu.memory_space<vmem>>, vector<16xf32>,
      tpu.vector_store %arg13[%swap3A_3619, %swap3A_3620], %gather3A_3617 {strides = array<i32>} : memref<32x256xf32, #tpu.memory_space<vmem>>, vector<16xf32>,
      %slice3A_3622 = vector.extract_strided_slice %get3A_34 {offsets = [15], sizes = [1], strides = [1]} : vector<16xi32> to vector<1xi32>
      %squeeze3A_3623 = vector.extract %slice3A_3622[0] : i32 from vector<1xi32>
      %broadcast_in_dim3A_3624 = vector.broadcast %squeeze3A_3623 : i32 to vector<16xi32>
      %gather3A_3625 = tpu.vector_load_idx %arg8[%add3A_3501, %broadcast_in_dim3A_3624] : memref<256x200xf32, #tpu.memory_space<vmem>>[vector<16xi32>, vector<16xi32>], vector<16xf32>,
      %swap3A_3626 = arith.constant 15 : i32
      %swap3A_3627 = arith.index_cast %swap3A_3626 : i32 to index
      %swap3A_3628 = arith.index_cast %mul3A_55 : i32 to index
      %swap3A_3629 = tpu.vector_load %arg13[%swap3A_3627, %swap3A_3628] {strides = array<i32>} : memref<32x256xf32, #tpu.memory_space<vmem>>, vector<16xf32>,
      tpu.vector_store %arg13[%swap3A_3627, %swap3A_3628], %gather3A_3625 {strides = array<i32>} : memref<32x256xf32, #tpu.memory_space<vmem>>, vector<16xf32>,
      %slice3A_3630 = vector.extract_strided_slice %get3A_37 {offsets = [0], sizes = [1], strides = [1]} : vector<16xi32> to vector<1xi32>
      %squeeze3A_3631 = vector.extract %slice3A_3630[0] : i32 from vector<1xi32>
      %broadcast_in_dim3A_3632 = vector.broadcast %squeeze3A_3631 : i32 to vector<16xi32>
      %gather3A_3633 = tpu.vector_load_idx %arg8[%add3A_3501, %broadcast_in_dim3A_3632] : memref<256x200xf32, #tpu.memory_space<vmem>>[vector<16xi32>, vector<16xi32>], vector<16xf32>,
      %swap3A_3634 = arith.constant 16 : i32
      %swap3A_3635 = arith.index_cast %swap3A_3634 : i32 to index
      %swap3A_3636 = arith.index_cast %mul3A_55 : i32 to index
      %swap3A_3637 = tpu.vector_load %arg13[%swap3A_3635, %swap3A_3636] {strides = array<i32>} : memref<32x256xf32, #tpu.memory_space<vmem>>, vector<16xf32>,
      tpu.vector_store %arg13[%swap3A_3635, %swap3A_3636], %gather3A_3633 {strides = array<i32>} : memref<32x256xf32, #tpu.memory_space<vmem>>, vector<16xf32>,
      %slice3A_3638 = vector.extract_strided_slice %get3A_37 {offsets = [1], sizes = [1], strides = [1]} : vector<16xi32> to vector<1xi32>
      %squeeze3A_3639 = vector.extract %slice3A_3638[0] : i32 from vector<1xi32>
      %broadcast_in_dim3A_3640 = vector.broadcast %squeeze3A_3639 : i32 to vector<16xi32>
      %gather3A_3641 = tpu.vector_load_idx %arg8[%add3A_3501, %broadcast_in_dim3A_3640] : memref<256x200xf32, #tpu.memory_space<vmem>>[vector<16xi32>, vector<16xi32>], vector<16xf32>,
      %swap3A_3642 = arith.constant 17 : i32
      %swap3A_3643 = arith.index_cast %swap3A_3642 : i32 to index
      %swap3A_3644 = arith.index_cast %mul3A_55 : i32 to index
      %swap3A_3645 = tpu.vector_load %arg13[%swap3A_3643, %swap3A_3644] {strides = array<i32>} : memref<32x256xf32, #tpu.memory_space<vmem>>, vector<16xf32>,
      tpu.vector_store %arg13[%swap3A_3643, %swap3A_3644], %gather3A_3641 {strides = array<i32>} : memref<32x256xf32, #tpu.memory_space<vmem>>, vector<16xf32>,
      %slice3A_3646 = vector.extract_strided_slice %get3A_37 {offsets = [2], sizes = [1], strides = [1]} : vector<16xi32> to vector<1xi32>
      %squeeze3A_3647 = vector.extract %slice3A_3646[0] : i32 from vector<1xi32>
      %broadcast_in_dim3A_3648 = vector.broadcast %squeeze3A_3647 : i32 to vector<16xi32>
      %gather3A_3649 = tpu.vector_load_idx %arg8[%add3A_3501, %broadcast_in_dim3A_3648] : memref<256x200xf32, #tpu.memory_space<vmem>>[vector<16xi32>, vector<16xi32>], vector<16xf32>,
      %swap3A_3650 = arith.constant 18 : i32
      %swap3A_3651 = arith.index_cast %swap3A_3650 : i32 to index
      %swap3A_3652 = arith.index_cast %mul3A_55 : i32 to index
      %swap3A_3653 = tpu.vector_load %arg13[%swap3A_3651, %swap3A_3652] {strides = array<i32>} : memref<32x256xf32, #tpu.memory_space<vmem>>, vector<16xf32>,
      tpu.vector_store %arg13[%swap3A_3651, %swap3A_3652], %gather3A_3649 {strides = array<i32>} : memref<32x256xf32, #tpu.memory_space<vmem>>, vector<16xf32>,
      %slice3A_3654 = vector.extract_strided_slice %get3A_37 {offsets = [3], sizes = [1], strides = [1]} : vector<16xi32> to vector<1xi32>
      %squeeze3A_3655 = vector.extract %slice3A_3654[0] : i32 from vector<1xi32>
      %broadcast_in_dim3A_3656 = vector.broadcast %squeeze3A_3655 : i32 to vector<16xi32>
      %gather3A_3657 = tpu.vector_load_idx %arg8[%add3A_3501, %broadcast_in_dim3A_3656] : memref<256x200xf32, #tpu.memory_space<vmem>>[vector<16xi32>, vector<16xi32>], vector<16xf32>,
      %swap3A_3658 = arith.constant 19 : i32
      %swap3A_3659 = arith.index_cast %swap3A_3658 : i32 to index
      %swap3A_3660 = arith.index_cast %mul3A_55 : i32 to index
      %swap3A_3661 = tpu.vector_load %arg13[%swap3A_3659, %swap3A_3660] {strides = array<i32>} : memref<32x256xf32, #tpu.memory_space<vmem>>, vector<16xf32>,
      tpu.vector_store %arg13[%swap3A_3659, %swap3A_3660], %gather3A_3657 {strides = array<i32>} : memref<32x256xf32, #tpu.memory_space<vmem>>, vector<16xf32>,
      %slice3A_3662 = vector.extract_strided_slice %get3A_37 {offsets = [4], sizes = [1], strides = [1]} : vector<16xi32> to vector<1xi32>
      %squeeze3A_3663 = vector.extract %slice3A_3662[0] : i32 from vector<1xi32>
      %broadcast_in_dim3A_3664 = vector.broadcast %squeeze3A_3663 : i32 to vector<16xi32>
      %gather3A_3665 = tpu.vector_load_idx %arg8[%add3A_3501, %broadcast_in_dim3A_3664] : memref<256x200xf32, #tpu.memory_space<vmem>>[vector<16xi32>, vector<16xi32>], vector<16xf32>,
      %swap3A_3666 = arith.constant 20 : i32
      %swap3A_3667 = arith.index_cast %swap3A_3666 : i32 to index
      %swap3A_3668 = arith.index_cast %mul3A_55 : i32 to index
      %swap3A_3669 = tpu.vector_load %arg13[%swap3A_3667, %swap3A_3668] {strides = array<i32>} : memref<32x256xf32, #tpu.memory_space<vmem>>, vector<16xf32>,
      tpu.vector_store %arg13[%swap3A_3667, %swap3A_3668], %gather3A_3665 {strides = array<i32>} : memref<32x256xf32, #tpu.memory_space<vmem>>, vector<16xf32>,
      %slice3A_3670 = vector.extract_strided_slice %get3A_37 {offsets = [5], sizes = [1], strides = [1]} : vector<16xi32> to vector<1xi32>
      %squeeze3A_3671 = vector.extract %slice3A_3670[0] : i32 from vector<1xi32>
      %broadcast_in_dim3A_3672 = vector.broadcast %squeeze3A_3671 : i32 to vector<16xi32>
      %gather3A_3673 = tpu.vector_load_idx %arg8[%add3A_3501, %broadcast_in_dim3A_3672] : memref<256x200xf32, #tpu.memory_space<vmem>>[vector<16xi32>, vector<16xi32>], vector<16xf32>,
      %swap3A_3674 = arith.constant 21 : i32
      %swap3A_3675 = arith.index_cast %swap3A_3674 : i32 to index
      %swap3A_3676 = arith.index_cast %mul3A_55 : i32 to index
      %swap3A_3677 = tpu.vector_load %arg13[%swap3A_3675, %swap3A_3676] {strides = array<i32>} : memref<32x256xf32, #tpu.memory_space<vmem>>, vector<16xf32>,
      tpu.vector_store %arg13[%swap3A_3675, %swap3A_3676], %gather3A_3673 {strides = array<i32>} : memref<32x256xf32, #tpu.memory_space<vmem>>, vector<16xf32>,
      %slice3A_3678 = vector.extract_strided_slice %get3A_37 {offsets = [6], sizes = [1], strides = [1]} : vector<16xi32> to vector<1xi32>
      %squeeze3A_3679 = vector.extract %slice3A_3678[0] : i32 from vector<1xi32>
      %broadcast_in_dim3A_3680 = vector.broadcast %squeeze3A_3679 : i32 to vector<16xi32>
      %gather3A_3681 = tpu.vector_load_idx %arg8[%add3A_3501, %broadcast_in_dim3A_3680] : memref<256x200xf32, #tpu.memory_space<vmem>>[vector<16xi32>, vector<16xi32>], vector<16xf32>,
      %swap3A_3682 = arith.constant 22 : i32
      %swap3A_3683 = arith.index_cast %swap3A_3682 : i32 to index
      %swap3A_3684 = arith.index_cast %mul3A_55 : i32 to index
      %swap3A_3685 = tpu.vector_load %arg13[%swap3A_3683, %swap3A_3684] {strides = array<i32>} : memref<32x256xf32, #tpu.memory_space<vmem>>, vector<16xf32>,
      tpu.vector_store %arg13[%swap3A_3683, %swap3A_3684], %gather3A_3681 {strides = array<i32>} : memref<32x256xf32, #tpu.memory_space<vmem>>, vector<16xf32>,
      %slice3A_3686 = vector.extract_strided_slice %get3A_37 {offsets = [7], sizes = [1], strides = [1]} : vector<16xi32> to vector<1xi32>
      %squeeze3A_3687 = vector.extract %slice3A_3686[0] : i32 from vector<1xi32>
      %broadcast_in_dim3A_3688 = vector.broadcast %squeeze3A_3687 : i32 to vector<16xi32>
      %gather3A_3689 = tpu.vector_load_idx %arg8[%add3A_3501, %broadcast_in_dim3A_3688] : memref<256x200xf32, #tpu.memory_space<vmem>>[vector<16xi32>, vector<16xi32>], vector<16xf32>,
      %swap3A_3690 = arith.constant 23 : i32
      %swap3A_3691 = arith.index_cast %swap3A_3690 : i32 to index
      %swap3A_3692 = arith.index_cast %mul3A_55 : i32 to index
      %swap3A_3693 = tpu.vector_load %arg13[%swap3A_3691, %swap3A_3692] {strides = array<i32>} : memref<32x256xf32, #tpu.memory_space<vmem>>, vector<16xf32>,
      tpu.vector_store %arg13[%swap3A_3691, %swap3A_3692], %gather3A_3689 {strides = array<i32>} : memref<32x256xf32, #tpu.memory_space<vmem>>, vector<16xf32>,
      %slice3A_3694 = vector.extract_strided_slice %get3A_37 {offsets = [8], sizes = [1], strides = [1]} : vector<16xi32> to vector<1xi32>
      %squeeze3A_3695 = vector.extract %slice3A_3694[0] : i32 from vector<1xi32>
      %broadcast_in_dim3A_3696 = vector.broadcast %squeeze3A_3695 : i32 to vector<16xi32>
      %gather3A_3697 = tpu.vector_load_idx %arg8[%add3A_3501, %broadcast_in_dim3A_3696] : memref<256x200xf32, #tpu.memory_space<vmem>>[vector<16xi32>, vector<16xi32>], vector<16xf32>,
      %swap3A_3698 = arith.constant 24 : i32
      %swap3A_3699 = arith.index_cast %swap3A_3698 : i32 to index
      %swap3A_3700 = arith.index_cast %mul3A_55 : i32 to index
      %swap3A_3701 = tpu.vector_load %arg13[%swap3A_3699, %swap3A_3700] {strides = array<i32>} : memref<32x256xf32, #tpu.memory_space<vmem>>, vector<16xf32>,
      tpu.vector_store %arg13[%swap3A_3699, %swap3A_3700], %gather3A_3697 {strides = array<i32>} : memref<32x256xf32, #tpu.memory_space<vmem>>, vector<16xf32>,
      %slice3A_3702 = vector.extract_strided_slice %get3A_37 {offsets = [9], sizes = [1], strides = [1]} : vector<16xi32> to vector<1xi32>
      %squeeze3A_3703 = vector.extract %slice3A_3702[0] : i32 from vector<1xi32>
      %broadcast_in_dim3A_3704 = vector.broadcast %squeeze3A_3703 : i32 to vector<16xi32>
      %gather3A_3705 = tpu.vector_load_idx %arg8[%add3A_3501, %broadcast_in_dim3A_3704] : memref<256x200xf32, #tpu.memory_space<vmem>>[vector<16xi32>, vector<16xi32>], vector<16xf32>,
      %swap3A_3706 = arith.constant 25 : i32
      %swap3A_3707 = arith.index_cast %swap3A_3706 : i32 to index
      %swap3A_3708 = arith.index_cast %mul3A_55 : i32 to index
      %swap3A_3709 = tpu.vector_load %arg13[%swap3A_3707, %swap3A_3708] {strides = array<i32>} : memref<32x256xf32, #tpu.memory_space<vmem>>, vector<16xf32>,
      tpu.vector_store %arg13[%swap3A_3707, %swap3A_3708], %gather3A_3705 {strides = array<i32>} : memref<32x256xf32, #tpu.memory_space<vmem>>, vector<16xf32>,
      %slice3A_3710 = vector.extract_strided_slice %get3A_37 {offsets = [10], sizes = [1], strides = [1]} : vector<16xi32> to vector<1xi32>
      %squeeze3A_3711 = vector.extract %slice3A_3710[0] : i32 from vector<1xi32>
      %broadcast_in_dim3A_3712 = vector.broadcast %squeeze3A_3711 : i32 to vector<16xi32>
      %gather3A_3713 = tpu.vector_load_idx %arg8[%add3A_3501, %broadcast_in_dim3A_3712] : memref<256x200xf32, #tpu.memory_space<vmem>>[vector<16xi32>, vector<16xi32>], vector<16xf32>,
      %swap3A_3714 = arith.constant 26 : i32
      %swap3A_3715 = arith.index_cast %swap3A_3714 : i32 to index
      %swap3A_3716 = arith.index_cast %mul3A_55 : i32 to index
      %swap3A_3717 = tpu.vector_load %arg13[%swap3A_3715, %swap3A_3716] {strides = array<i32>} : memref<32x256xf32, #tpu.memory_space<vmem>>, vector<16xf32>,
      tpu.vector_store %arg13[%swap3A_3715, %swap3A_3716], %gather3A_3713 {strides = array<i32>} : memref<32x256xf32, #tpu.memory_space<vmem>>, vector<16xf32>,
      %slice3A_3718 = vector.extract_strided_slice %get3A_37 {offsets = [11], sizes = [1], strides = [1]} : vector<16xi32> to vector<1xi32>
      %squeeze3A_3719 = vector.extract %slice3A_3718[0] : i32 from vector<1xi32>
      %broadcast_in_dim3A_3720 = vector.broadcast %squeeze3A_3719 : i32 to vector<16xi32>
      %gather3A_3721 = tpu.vector_load_idx %arg8[%add3A_3501, %broadcast_in_dim3A_3720] : memref<256x200xf32, #tpu.memory_space<vmem>>[vector<16xi32>, vector<16xi32>], vector<16xf32>,
      %swap3A_3722 = arith.constant 27 : i32
      %swap3A_3723 = arith.index_cast %swap3A_3722 : i32 to index
      %swap3A_3724 = arith.index_cast %mul3A_55 : i32 to index
      %swap3A_3725 = tpu.vector_load %arg13[%swap3A_3723, %swap3A_3724] {strides = array<i32>} : memref<32x256xf32, #tpu.memory_space<vmem>>, vector<16xf32>,
      tpu.vector_store %arg13[%swap3A_3723, %swap3A_3724], %gather3A_3721 {strides = array<i32>} : memref<32x256xf32, #tpu.memory_space<vmem>>, vector<16xf32>,
      %slice3A_3726 = vector.extract_strided_slice %get3A_37 {offsets = [12], sizes = [1], strides = [1]} : vector<16xi32> to vector<1xi32>
      %squeeze3A_3727 = vector.extract %slice3A_3726[0] : i32 from vector<1xi32>
      %broadcast_in_dim3A_3728 = vector.broadcast %squeeze3A_3727 : i32 to vector<16xi32>
      %gather3A_3729 = tpu.vector_load_idx %arg8[%add3A_3501, %broadcast_in_dim3A_3728] : memref<256x200xf32, #tpu.memory_space<vmem>>[vector<16xi32>, vector<16xi32>], vector<16xf32>,
      %swap3A_3730 = arith.constant 28 : i32
      %swap3A_3731 = arith.index_cast %swap3A_3730 : i32 to index
      %swap3A_3732 = arith.index_cast %mul3A_55 : i32 to index
      %swap3A_3733 = tpu.vector_load %arg13[%swap3A_3731, %swap3A_3732] {strides = array<i32>} : memref<32x256xf32, #tpu.memory_space<vmem>>, vector<16xf32>,
      tpu.vector_store %arg13[%swap3A_3731, %swap3A_3732], %gather3A_3729 {strides = array<i32>} : memref<32x256xf32, #tpu.memory_space<vmem>>, vector<16xf32>,
      %slice3A_3734 = vector.extract_strided_slice %get3A_37 {offsets = [13], sizes = [1], strides = [1]} : vector<16xi32> to vector<1xi32>
      %squeeze3A_3735 = vector.extract %slice3A_3734[0] : i32 from vector<1xi32>
      %broadcast_in_dim3A_3736 = vector.broadcast %squeeze3A_3735 : i32 to vector<16xi32>
      %gather3A_3737 = tpu.vector_load_idx %arg8[%add3A_3501, %broadcast_in_dim3A_3736] : memref<256x200xf32, #tpu.memory_space<vmem>>[vector<16xi32>, vector<16xi32>], vector<16xf32>,
      %swap3A_3738 = arith.constant 29 : i32
      %swap3A_3739 = arith.index_cast %swap3A_3738 : i32 to index
      %swap3A_3740 = arith.index_cast %mul3A_55 : i32 to index
      %swap3A_3741 = tpu.vector_load %arg13[%swap3A_3739, %swap3A_3740] {strides = array<i32>} : memref<32x256xf32, #tpu.memory_space<vmem>>, vector<16xf32>,
      tpu.vector_store %arg13[%swap3A_3739, %swap3A_3740], %gather3A_3737 {strides = array<i32>} : memref<32x256xf32, #tpu.memory_space<vmem>>, vector<16xf32>,
      %slice3A_3742 = vector.extract_strided_slice %get3A_37 {offsets = [14], sizes = [1], strides = [1]} : vector<16xi32> to vector<1xi32>
      %squeeze3A_3743 = vector.extract %slice3A_3742[0] : i32 from vector<1xi32>
      %broadcast_in_dim3A_3744 = vector.broadcast %squeeze3A_3743 : i32 to vector<16xi32>
      %gather3A_3745 = tpu.vector_load_idx %arg8[%add3A_3501, %broadcast_in_dim3A_3744] : memref<256x200xf32, #tpu.memory_space<vmem>>[vector<16xi32>, vector<16xi32>], vector<16xf32>,
      %swap3A_3746 = arith.constant 30 : i32
      %swap3A_3747 = arith.index_cast %swap3A_3746 : i32 to index
      %swap3A_3748 = arith.index_cast %mul3A_55 : i32 to index
      %swap3A_3749 = tpu.vector_load %arg13[%swap3A_3747, %swap3A_3748] {strides = array<i32>} : memref<32x256xf32, #tpu.memory_space<vmem>>, vector<16xf32>,
      tpu.vector_store %arg13[%swap3A_3747, %swap3A_3748], %gather3A_3745 {strides = array<i32>} : memref<32x256xf32, #tpu.memory_space<vmem>>, vector<16xf32>,
      %slice3A_3750 = vector.extract_strided_slice %get3A_37 {offsets = [15], sizes = [1], strides = [1]} : vector<16xi32> to vector<1xi32>
      %squeeze3A_3751 = vector.extract %slice3A_3750[0] : i32 from vector<1xi32>
      %broadcast_in_dim3A_3752 = vector.broadcast %squeeze3A_3751 : i32 to vector<16xi32>
      %gather3A_3753 = tpu.vector_load_idx %arg8[%add3A_3501, %broadcast_in_dim3A_3752] : memref<256x200xf32, #tpu.memory_space<vmem>>[vector<16xi32>, vector<16xi32>], vector<16xf32>,
      %swap3A_3754 = arith.constant 31 : i32
      %swap3A_3755 = arith.index_cast %swap3A_3754 : i32 to index
      %swap3A_3756 = arith.index_cast %mul3A_55 : i32 to index
      %swap3A_3757 = tpu.vector_load %arg13[%swap3A_3755, %swap3A_3756] {strides = array<i32>} : memref<32x256xf32, #tpu.memory_space<vmem>>, vector<16xf32>,
      tpu.vector_store %arg13[%swap3A_3755, %swap3A_3756], %gather3A_3753 {strides = array<i32>} : memref<32x256xf32, #tpu.memory_space<vmem>>, vector<16xf32>,
    }
    %scan3A_44 = arith.constant 16 : i32
    %mul3A_45 = arith.constant 256 : i32
    %mul3A_46 = arith.muli %select_n3A_30, %mul3A_45 : i32
    %run_scoped3A = arith.constant 0 : i32
    "tpu.region"() ({
      %run_scoped3A_53 = tpu.sem_alloc : memref<!tpu.dma_semaphore, #tpu.memory_space<semaphore_mem>>
      %dma_start3A = tpu.memref_slice %arg4[%select_n3A, %run_scoped3A, %mul3A_46] : memref<8x1x1024xf32, #tpu.memory_space<hbm>> -> memref<1x1x256xf32, #tpu.memory_space<hbm>>
      %dma_start3A_54 = tpu.memref_squeeze %dma_start3A : memref<1x1x256xf32, #tpu.memory_space<hbm>> -> memref<256xf32, #tpu.memory_space<hbm>>
      %dma_start3A_55 = tpu.memref_slice %arg4[%select_n3A, %run_scoped3A, %mul3A_46] : memref<8x1x1024xf32, #tpu.memory_space<hbm>> -> memref<1x1x256xf32, #tpu.memory_space<hbm>>
      %dma_start3A_56 = tpu.memref_squeeze %dma_start3A_55 : memref<1x1x256xf32, #tpu.memory_space<hbm>> -> memref<256xf32, #tpu.memory_space<hbm>>
      tpu.enqueue_dma source(%arg10 : memref<256xf32, #tpu.memory_space<vmem>>) target(%dma_start3A_56 : memref<256xf32, #tpu.memory_space<hbm>>) target_semaphore(%run_scoped3A_53 : memref<!tpu.dma_semaphore, #tpu.memory_space<semaphore_mem>>)
      %dma_wait3A = tpu.memref_slice %arg4[%select_n3A, %run_scoped3A, %mul3A_46] : memref<8x1x1024xf32, #tpu.memory_space<hbm>> -> memref<1x1x256xf32, #tpu.memory_space<hbm>>
      %dma_wait3A_57 = tpu.memref_squeeze %dma_wait3A : memref<1x1x256xf32, #tpu.memory_space<hbm>> -> memref<256xf32, #tpu.memory_space<hbm>>
      %dma_wait3A_58 = tpu.memref_slice %arg4[%select_n3A, %run_scoped3A, %mul3A_46] : memref<8x1x1024xf32, #tpu.memory_space<hbm>> -> memref<1x1x256xf32, #tpu.memory_space<hbm>>
      %dma_wait3A_59 = tpu.memref_squeeze %dma_wait3A_58 : memref<1x1x256xf32, #tpu.memory_space<hbm>> -> memref<256xf32, #tpu.memory_space<hbm>>
      tpu.wait_dma2 semaphore(%run_scoped3A_53 : memref<!tpu.dma_semaphore, #tpu.memory_space<semaphore_mem>>) src(%arg10 : memref<256xf32, #tpu.memory_space<vmem>>) dst(%dma_wait3A_59 : memref<256xf32, #tpu.memory_space<hbm>>)
      tpu.yield
    }) : () -> ()
    %mul3A_47 = arith.constant 256 : i32
    %mul3A_48 = arith.muli %select_n3A_30, %mul3A_47 : i32
    %run_scoped3A_49 = arith.constant 0 : i32
    "tpu.region"() ({
      %run_scoped3A_53 = tpu.sem_alloc : memref<!tpu.dma_semaphore, #tpu.memory_space<semaphore_mem>>
      %dma_start3A = tpu.memref_slice %arg5[%select_n3A, %run_scoped3A_49, %mul3A_48] : memref<8x1x1024xf32, #tpu.memory_space<hbm>> -> memref<1x1x256xf32, #tpu.memory_space<hbm>>
      %dma_start3A_54 = tpu.memref_squeeze %dma_start3A : memref<1x1x256xf32, #tpu.memory_space<hbm>> -> memref<256xf32, #tpu.memory_space<hbm>>
      %dma_start3A_55 = tpu.memref_slice %arg5[%select_n3A, %run_scoped3A_49, %mul3A_48] : memref<8x1x1024xf32, #tpu.memory_space<hbm>> -> memref<1x1x256xf32, #tpu.memory_space<hbm>>
      %dma_start3A_56 = tpu.memref_squeeze %dma_start3A_55 : memref<1x1x256xf32, #tpu.memory_space<hbm>> -> memref<256xf32, #tpu.memory_space<hbm>>
      tpu.enqueue_dma source(%arg11 : memref<256xf32, #tpu.memory_space<vmem>>) target(%dma_start3A_56 : memref<256xf32, #tpu.memory_space<hbm>>) target_semaphore(%run_scoped3A_53 : memref<!tpu.dma_semaphore, #tpu.memory_space<semaphore_mem>>)
      %dma_wait3A = tpu.memref_slice %arg5[%select_n3A, %run_scoped3A_49, %mul3A_48] : memref<8x1x1024xf32, #tpu.memory_space<hbm>> -> memref<1x1x256xf32, #tpu.memory_space<hbm>>
      %dma_wait3A_57 = tpu.memref_squeeze %dma_wait3A : memref<1x1x256xf32, #tpu.memory_space<hbm>> -> memref<256xf32, #tpu.memory_space<hbm>>
      %dma_wait3A_58 = tpu.memref_slice %arg5[%select_n3A, %run_scoped3A_49, %mul3A_48] : memref<8x1x1024xf32, #tpu.memory_space<hbm>> -> memref<1x1x256xf32, #tpu.memory_space<hbm>>
      %dma_wait3A_59 = tpu.memref_squeeze %dma_wait3A_58 : memref<1x1x256xf32, #tpu.memory_space<hbm>> -> memref<256xf32, #tpu.memory_space<hbm>>
      tpu.wait_dma2 semaphore(%run_scoped3A_53 : memref<!tpu.dma_semaphore, #tpu.memory_space<semaphore_mem>>) src(%arg11 : memref<256xf32, #tpu.memory_space<vmem>>) dst(%dma_wait3A_59 : memref<256xf32, #tpu.memory_space<hbm>>)
      tpu.yield
    }) : () -> ()
    %mul3A_50 = arith.constant 256 : i32
    %mul3A_51 = arith.muli %select_n3A_30, %mul3A_50 : i32
    %run_scoped3A_52 = arith.constant 0 : i32
    "tpu.region"() ({
      %run_scoped3A_53 = tpu.sem_alloc : memref<!tpu.dma_semaphore, #tpu.memory_space<semaphore_mem>>
      %dma_start3A = tpu.memref_slice %arg6[%select_n3A, %run_scoped3A_52, %mul3A_51] : memref<8x1x1024xf32, #tpu.memory_space<hbm>> -> memref<1x1x256xf32, #tpu.memory_space<hbm>>
      %dma_start3A_54 = tpu.memref_squeeze %dma_start3A : memref<1x1x256xf32, #tpu.memory_space<hbm>> -> memref<256xf32, #tpu.memory_space<hbm>>
      %dma_start3A_55 = tpu.memref_slice %arg6[%select_n3A, %run_scoped3A_52, %mul3A_51] : memref<8x1x1024xf32, #tpu.memory_space<hbm>> -> memref<1x1x256xf32, #tpu.memory_space<hbm>>
      %dma_start3A_56 = tpu.memref_squeeze %dma_start3A_55 : memref<1x1x256xf32, #tpu.memory_space<hbm>> -> memref<256xf32, #tpu.memory_space<hbm>>
      tpu.enqueue_dma source(%arg12 : memref<256xf32, #tpu.memory_space<vmem>>) target(%dma_start3A_56 : memref<256xf32, #tpu.memory_space<hbm>>) target_semaphore(%run_scoped3A_53 : memref<!tpu.dma_semaphore, #tpu.memory_space<semaphore_mem>>)
      %dma_wait3A = tpu.memref_slice %arg6[%select_n3A, %run_scoped3A_52, %mul3A_51] : memref<8x1x1024xf32, #tpu.memory_space<hbm>> -> memref<1x1x256xf32, #tpu.memory_space<hbm>>
      %dma_wait3A_57 = tpu.memref_squeeze %dma_wait3A : memref<1x1x256xf32, #tpu.memory_space<hbm>> -> memref<256xf32, #tpu.memory_space<hbm>>
      %dma_wait3A_58 = tpu.memref_slice %arg6[%select_n3A, %run_scoped3A_52, %mul3A_51] : memref<8x1x1024xf32, #tpu.memory_space<hbm>> -> memref<1x1x256xf32, #tpu.memory_space<hbm>>
      %dma_wait3A_59 = tpu.memref_squeeze %dma_wait3A_58 : memref<1x1x256xf32, #tpu.memory_space<hbm>> -> memref<256xf32, #tpu.memory_space<hbm>>
      tpu.wait_dma2 semaphore(%run_scoped3A_53 : memref<!tpu.dma_semaphore, #tpu.memory_space<semaphore_mem>>) src(%arg12 : memref<256xf32, #tpu.memory_space<vmem>>) dst(%dma_wait3A_59 : memref<256xf32, #tpu.memory_space<hbm>>)
      tpu.yield
    }) : () -> ()
    "tpu.region"() ({
      %run_scoped3A_53 = tpu.sem_alloc : memref<!tpu.dma_semaphore, #tpu.memory_space<semaphore_mem>>
      %dma_start3A = arith.constant 0 : i32
      %dma_start3A_54 = arith.constant 0 : i32
      %dma_start3A_55 = tpu.memref_slice %arg7[%select_n3A, %select_n3A_30, %dma_start3A, %dma_start3A_54] : memref<8x4x32x256xf32, #tpu.memory_space<hbm>> -> memref<1x1x32x256xf32, #tpu.memory_space<hbm>>
      %dma_start3A_56 = tpu.memref_squeeze %dma_start3A_55 : memref<1x1x32x256xf32, #tpu.memory_space<hbm>> -> memref<32x256xf32, #tpu.memory_space<hbm>>
      %dma_start3A_57 = arith.constant 0 : i32
      %dma_start3A_58 = arith.constant 0 : i32
      %dma_start3A_59 = tpu.memref_slice %arg7[%select_n3A, %select_n3A_30, %dma_start3A_57, %dma_start3A_58] : memref<8x4x32x256xf32, #tpu.memory_space<hbm>> -> memref<1x1x32x256xf32, #tpu.memory_space<hbm>>
      %dma_start3A_60 = tpu.memref_squeeze %dma_start3A_59 : memref<1x1x32x256xf32, #tpu.memory_space<hbm>> -> memref<32x256xf32, #tpu.memory_space<hbm>>
      tpu.enqueue_dma source(%arg13 : memref<32x256xf32, #tpu.memory_space<vmem>>) target(%dma_start3A_60 : memref<32x256xf32, #tpu.memory_space<hbm>>) target_semaphore(%run_scoped3A_53 : memref<!tpu.dma_semaphore, #tpu.memory_space<semaphore_mem>>)
      %dma_wait3A = arith.constant 0 : i32
      %dma_wait3A_61 = arith.constant 0 : i32
      %dma_wait3A_62 = tpu.memref_slice %arg7[%select_n3A, %select_n3A_30, %dma_wait3A, %dma_wait3A_61] : memref<8x4x32x256xf32, #tpu.memory_space<hbm>> -> memref<1x1x32x256xf32, #tpu.memory_space<hbm>>
      %dma_wait3A_63 = tpu.memref_squeeze %dma_wait3A_62 : memref<1x1x32x256xf32, #tpu.memory_space<hbm>> -> memref<32x256xf32, #tpu.memory_space<hbm>>
      %dma_wait3A_64 = arith.constant 0 : i32
      %dma_wait3A_65 = arith.constant 0 : i32
      %dma_wait3A_66 = tpu.memref_slice %arg7[%select_n3A, %select_n3A_30, %dma_wait3A_64, %dma_wait3A_65] : memref<8x4x32x256xf32, #tpu.memory_space<hbm>> -> memref<1x1x32x256xf32, #tpu.memory_space<hbm>>
      %dma_wait3A_67 = tpu.memref_squeeze %dma_wait3A_66 : memref<1x1x32x256xf32, #tpu.memory_space<hbm>> -> memref<32x256xf32, #tpu.memory_space<hbm>>
      tpu.wait_dma2 semaphore(%run_scoped3A_53 : memref<!tpu.dma_semaphore, #tpu.memory_space<semaphore_mem>>) src(%arg13 : memref<32x256xf32, #tpu.memory_space<vmem>>) dst(%dma_wait3A_67 : memref<32x256xf32, #tpu.memory_space<hbm>>)
      tpu.yield
    }) : () -> ()
    return
  }
}

module attributes {stable_mosaic.version = 14 : i64} {
  func.func @_body(%arg0: i32, %arg1: memref<24x1000xf32, #tpu.memory_space<vmem>>, %arg2: memref<1x32x3xf32, #tpu.memory_space<vmem>>, %arg3: memref<32x32xbf16, #tpu.memory_space<vmem>>, %arg4: memref<1x1x1024xf32, #tpu.memory_space<vmem>>, %arg5: memref<1x1x1024xf32, #tpu.memory_space<vmem>>, %arg6: memref<1x1x1024xf32, #tpu.memory_space<vmem>>, %arg7: memref<1x4x32x256xf32, #tpu.memory_space<vmem>>, %arg8: memref<56x4032xbf16, #tpu.memory_space<vmem>>, %arg9: memref<1x1xf32, #tpu.memory_space<smem>>, %arg10: memref<8xf32, #tpu.memory_space<smem>>) attributes {dimension_semantics = [#tpu.dimension_semantics<arbitrary>], iteration_bounds = array<i64: 8>, scalar_prefetch = 0 : i64, scratch_operands = 1 : i64, tpu.core_type = #tpu.core_type<tc>, window_params = [{pipeline_mode = #tpu.pipeline_mode<synchronous>, transform_indices = @transform_0, window_bounds = array<i64: 24, 1000>}, {transform_indices = @transform_1, window_bounds = array<i64: 1, 32, 3>}, {pipeline_mode = #tpu.pipeline_mode<synchronous>, transform_indices = @transform_2, window_bounds = array<i64: 32, 32>}, {transform_indices = @transform_3, window_bounds = array<i64: 1, 1, 1024>}, {transform_indices = @transform_4, window_bounds = array<i64: 1, 1, 1024>}, {transform_indices = @transform_5, window_bounds = array<i64: 1, 1, 1024>}, {transform_indices = @transform_6, window_bounds = array<i64: 1, 4, 32, 256>}, {pipeline_mode = #tpu.pipeline_mode<synchronous>, transform_indices = @transform_7, window_bounds = array<i64: 56, 4032>}, {transform_indices = @transform_8, window_bounds = array<i64: 1, 1>}]} {
    %eq3A = arith.constant 0 : i32
    %eq3A_0 = arith.cmpi eq, %arg0, %eq3A : i32
    %convert_element_type3A = arith.extui %eq3A_0 : i1 to i32
    %cond3A = arith.constant 0 : i32
    %cond3A_1 = arith.cmpi ne, %convert_element_type3A, %cond3A : i32
    scf.if %cond3A_1 {
      %get3A_342 = arith.constant 0 : index
      %get3A_343 = arith.constant 0 : index
      %get3A_344 = vector.load %arg8[%get3A_342, %get3A_343] : memref<56x4032xbf16, #tpu.memory_space<vmem>>, vector<8x4032xbf16>
      %convert_element_type3A_345 = arith.extf %get3A_344 : vector<8x4032xbf16> to vector<8x4032xf32>
      %get3A_346 = arith.constant 8 : index
      %get3A_347 = arith.constant 0 : index
      %get3A_348 = vector.load %arg8[%get3A_346, %get3A_347] : memref<56x4032xbf16, #tpu.memory_space<vmem>>, vector<8x4032xbf16>
      %convert_element_type3A_349 = arith.extf %get3A_348 : vector<8x4032xbf16> to vector<8x4032xf32>
      %get3A_350 = arith.constant 16 : index
      %get3A_351 = arith.constant 0 : index
      %get3A_352 = vector.load %arg8[%get3A_350, %get3A_351] : memref<56x4032xbf16, #tpu.memory_space<vmem>>, vector<8x4032xbf16>
      %convert_element_type3A_353 = arith.extf %get3A_352 : vector<8x4032xbf16> to vector<8x4032xf32>
      %gt3A_354 = arith.constant 5.000000e-01 : f32
      %gt3A_355 = vector.broadcast %gt3A_354 : f32 to vector<8x4032xf32>
      %gt3A_356 = arith.cmpf ogt, %convert_element_type3A_349, %gt3A_355 : vector<8x4032xf32>
      %convert_element_type3A_357 = arith.extui %gt3A_356 : vector<8x4032xi1> to vector<8x4032xi32>
      %convert_element_type3A_358 = arith.sitofp %convert_element_type3A_357 : vector<8x4032xi32> to vector<8x4032xf32>
      %abs3A = math.absf %convert_element_type3A_345 : vector<8x4032xf32>
      %neg3A = arith.constant 0.000000e+00 : f32
      %neg3A_359 = vector.broadcast %neg3A : f32 to vector<8x4032xf32>
      %neg3A_360 = arith.subf %neg3A_359, %abs3A : vector<8x4032xf32>
      %exp3A = math.exp %neg3A_360 : vector<8x4032xf32>
      %log1p3A = math.log1p %exp3A : vector<8x4032xf32>
      %min3A_361 = arith.constant 0.000000e+00 : f32
      %min3A_362 = vector.broadcast %min3A_361 : f32 to vector<8x4032xf32>
      %min3A_363 = arith.minimumf %convert_element_type3A_345, %min3A_362 : vector<8x4032xf32>
      %sub3A_364 = arith.subf %min3A_363, %log1p3A : vector<8x4032xf32>
      %neg3A_365 = arith.constant 0.000000e+00 : f32
      %neg3A_366 = vector.broadcast %neg3A_365 : f32 to vector<8x4032xf32>
      %neg3A_367 = arith.subf %neg3A_366, %convert_element_type3A_345 : vector<8x4032xf32>
      %min3A_368 = arith.constant 0.000000e+00 : f32
      %min3A_369 = vector.broadcast %min3A_368 : f32 to vector<8x4032xf32>
      %min3A_370 = arith.minimumf %neg3A_367, %min3A_369 : vector<8x4032xf32>
      %sub3A_371 = arith.subf %min3A_370, %log1p3A : vector<8x4032xf32>
      %mul3A_372 = arith.mulf %convert_element_type3A_358, %sub3A_364 : vector<8x4032xf32>
      %sub3A_373 = arith.constant 1.000000e+00 : f32
      %sub3A_374 = vector.broadcast %sub3A_373 : f32 to vector<8x4032xf32>
      %sub3A_375 = arith.subf %sub3A_374, %convert_element_type3A_358 : vector<8x4032xf32>
      %mul3A_376 = arith.mulf %sub3A_375, %sub3A_371 : vector<8x4032xf32>
      %add3A_377 = arith.addf %mul3A_372, %mul3A_376 : vector<8x4032xf32>
      %neg3A_378 = arith.constant 0.000000e+00 : f32
      %neg3A_379 = vector.broadcast %neg3A_378 : f32 to vector<8x4032xf32>
      %neg3A_380 = arith.subf %neg3A_379, %add3A_377 : vector<8x4032xf32>
      %neg3A_381 = arith.constant 0.000000e+00 : f32
      %neg3A_382 = vector.broadcast %neg3A_381 : f32 to vector<8x4032xf32>
      %neg3A_383 = arith.subf %neg3A_382, %convert_element_type3A_345 : vector<8x4032xf32>
      %exp3A_384 = math.exp %neg3A_383 : vector<8x4032xf32>
      %add3A_385 = arith.constant 1.000000e+00 : f32
      %add3A_386 = vector.broadcast %add3A_385 : f32 to vector<8x4032xf32>
      %add3A_387 = arith.addf %add3A_386, %exp3A_384 : vector<8x4032xf32>
      %div3A_388 = arith.constant 1.000000e+00 : f32
      %div3A_389 = vector.broadcast %div3A_388 : f32 to vector<8x4032xf32>
      %div3A_390 = arith.divf %div3A_389, %add3A_387 : vector<8x4032xf32>
      %mul3A_391 = arith.mulf %div3A_390, %convert_element_type3A_358 : vector<8x4032xf32>
      %sub3A_392 = arith.constant 1.000000e+00 : f32
      %sub3A_393 = vector.broadcast %sub3A_392 : f32 to vector<8x4032xf32>
      %sub3A_394 = arith.subf %sub3A_393, %div3A_390 : vector<8x4032xf32>
      %sub3A_395 = arith.constant 1.000000e+00 : f32
      %sub3A_396 = vector.broadcast %sub3A_395 : f32 to vector<8x4032xf32>
      %sub3A_397 = arith.subf %sub3A_396, %convert_element_type3A_358 : vector<8x4032xf32>
      %mul3A_398 = arith.mulf %sub3A_394, %sub3A_397 : vector<8x4032xf32>
      %add3A_399 = arith.addf %mul3A_391, %mul3A_398 : vector<8x4032xf32>
      %sub3A_400 = arith.constant 1.000000e+00 : f32
      %sub3A_401 = vector.broadcast %sub3A_400 : f32 to vector<8x4032xf32>
      %sub3A_402 = arith.subf %sub3A_401, %add3A_399 : vector<8x4032xf32>
      %mul3A_403 = arith.constant 2.500000e-01 : f32
      %mul3A_404 = vector.broadcast %mul3A_403 : f32 to vector<8x4032xf32>
      %mul3A_405 = arith.mulf %mul3A_404, %convert_element_type3A_358 : vector<8x4032xf32>
      %sub3A_406 = arith.constant 1.000000e+00 : f32
      %sub3A_407 = vector.broadcast %sub3A_406 : f32 to vector<8x4032xf32>
      %sub3A_408 = arith.subf %sub3A_407, %convert_element_type3A_358 : vector<8x4032xf32>
      %mul3A_409 = arith.constant 7.500000e-01 : f32
      %mul3A_410 = vector.broadcast %mul3A_409 : f32 to vector<8x4032xf32>
      %mul3A_411 = arith.mulf %mul3A_410, %sub3A_408 : vector<8x4032xf32>
      %add3A_412 = arith.addf %mul3A_405, %mul3A_411 : vector<8x4032xf32>
      %mul3A_413 = arith.mulf %add3A_412, %neg3A_380 : vector<8x4032xf32>
      %mul3A_414 = arith.mulf %mul3A_413, %sub3A_402 : vector<8x4032xf32>
      %mul3A_415 = arith.mulf %mul3A_414, %sub3A_402 : vector<8x4032xf32>
      %mul3A_416 = arith.mulf %mul3A_415, %convert_element_type3A_353 : vector<8x4032xf32>
      %reduce_sum3A_417 = vector.shape_cast %mul3A_416 : vector<8x4032xf32> to vector<1x8x4032xf32>
      %reduce_sum3A_418 = arith.constant dense<0.000000e+00> : vector<1xf32>
      %reduce_sum3A_419 = vector.multi_reduction <add>, %reduce_sum3A_417, %reduce_sum3A_418 [1, 2] : vector<1x8x4032xf32> to vector<1xf32>
      %reduce_sum3A_420 = vector.shape_cast %reduce_sum3A_419 : vector<1xf32> to vector<1x1x1xf32>
      %reduce_sum3A_421 = vector.extract %reduce_sum3A_420[0, 0, 0] : f32 from vector<1x1x1xf32>
      %swap3A_422 = arith.constant 2 : index
      %swap3A_423 = memref.load %arg10[%swap3A_422] : memref<8xf32, #tpu.memory_space<smem>>
      memref.store %reduce_sum3A_421, %arg10[%swap3A_422] : memref<8xf32, #tpu.memory_space<smem>>
      %mul3A_424 = arith.mulf %convert_element_type3A_358, %convert_element_type3A_353 : vector<8x4032xf32>
      %reduce_sum3A_425 = vector.shape_cast %mul3A_424 : vector<8x4032xf32> to vector<1x8x4032xf32>
      %reduce_sum3A_426 = arith.constant dense<0.000000e+00> : vector<1xf32>
      %reduce_sum3A_427 = vector.multi_reduction <add>, %reduce_sum3A_425, %reduce_sum3A_426 [1, 2] : vector<1x8x4032xf32> to vector<1xf32>
      %reduce_sum3A_428 = vector.shape_cast %reduce_sum3A_427 : vector<1xf32> to vector<1x1x1xf32>
      %reduce_sum3A_429 = vector.extract %reduce_sum3A_428[0, 0, 0] : f32 from vector<1x1x1xf32>
      %swap3A_430 = arith.constant 4 : index
      %swap3A_431 = memref.load %arg10[%swap3A_430] : memref<8xf32, #tpu.memory_space<smem>>
      memref.store %reduce_sum3A_429, %arg10[%swap3A_430] : memref<8xf32, #tpu.memory_space<smem>>
      %get3A_432 = arith.constant 24 : index
      %get3A_433 = arith.constant 0 : index
      %get3A_434 = vector.load %arg8[%get3A_432, %get3A_433] : memref<56x4032xbf16, #tpu.memory_space<vmem>>, vector<8x4032xbf16>
      %convert_element_type3A_435 = arith.extf %get3A_434 : vector<8x4032xbf16> to vector<8x4032xf32>
      %get3A_436 = arith.constant 32 : index
      %get3A_437 = arith.constant 0 : index
      %get3A_438 = vector.load %arg8[%get3A_436, %get3A_437] : memref<56x4032xbf16, #tpu.memory_space<vmem>>, vector<8x4032xbf16>
      %convert_element_type3A_439 = arith.extf %get3A_438 : vector<8x4032xbf16> to vector<8x4032xf32>
      %get3A_440 = arith.constant 40 : index
      %get3A_441 = arith.constant 0 : index
      %get3A_442 = vector.load %arg8[%get3A_440, %get3A_441] : memref<56x4032xbf16, #tpu.memory_space<vmem>>, vector<8x4032xbf16>
      %convert_element_type3A_443 = arith.extf %get3A_442 : vector<8x4032xbf16> to vector<8x4032xf32>
      %get3A_444 = arith.constant 48 : index
      %get3A_445 = arith.constant 0 : index
      %get3A_446 = vector.load %arg8[%get3A_444, %get3A_445] : memref<56x4032xbf16, #tpu.memory_space<vmem>>, vector<8x4032xbf16>
      %convert_element_type3A_447 = arith.extf %get3A_446 : vector<8x4032xbf16> to vector<8x4032xf32>
      %min3A_448 = arith.minimumf %convert_element_type3A_439, %convert_element_type3A_447 : vector<8x4032xf32>
      %min3A_449 = arith.minimumf %convert_element_type3A_435, %convert_element_type3A_443 : vector<8x4032xf32>
      %add3A_450 = arith.addf %min3A_448, %min3A_449 : vector<8x4032xf32>
      %add3A_451 = arith.addf %convert_element_type3A_435, %convert_element_type3A_439 : vector<8x4032xf32>
      %add3A_452 = arith.addf %convert_element_type3A_443, %convert_element_type3A_447 : vector<8x4032xf32>
      %add3A_453 = arith.addf %add3A_451, %add3A_452 : vector<8x4032xf32>
      %sub3A_454 = arith.subf %add3A_453, %add3A_450 : vector<8x4032xf32>
      %max3A_455 = arith.constant 9.99999993E-9 : f32
      %max3A_456 = vector.broadcast %max3A_455 : f32 to vector<8x4032xf32>
      %max3A_457 = arith.maximumf %sub3A_454, %max3A_456 : vector<8x4032xf32>
      %div3A_458 = arith.divf %add3A_450, %max3A_457 : vector<8x4032xf32>
      %max3A_459 = arith.maximumf %convert_element_type3A_435, %convert_element_type3A_443 : vector<8x4032xf32>
      %max3A_460 = arith.maximumf %convert_element_type3A_439, %convert_element_type3A_447 : vector<8x4032xf32>
      %add3A_461 = arith.addf %max3A_459, %max3A_460 : vector<8x4032xf32>
      %sub3A_462 = arith.subf %convert_element_type3A_439, %convert_element_type3A_435 : vector<8x4032xf32>
      %sub3A_463 = arith.subf %sub3A_462, %convert_element_type3A_447 : vector<8x4032xf32>
      %add3A_464 = arith.addf %sub3A_463, %convert_element_type3A_443 : vector<8x4032xf32>
      %mul3A_465 = arith.constant 5.000000e-01 : f32
      %mul3A_466 = vector.broadcast %mul3A_465 : f32 to vector<8x4032xf32>
      %mul3A_467 = arith.mulf %mul3A_466, %add3A_464 : vector<8x4032xf32>
      %max3A_468 = arith.constant 9.99999993E-9 : f32
      %max3A_469 = vector.broadcast %max3A_468 : f32 to vector<8x4032xf32>
      %max3A_470 = arith.maximumf %add3A_461, %max3A_469 : vector<8x4032xf32>
      %div3A_471 = arith.divf %mul3A_467, %max3A_470 : vector<8x4032xf32>
      %sub3A_472 = arith.constant 1.000000e+00 : f32
      %sub3A_473 = vector.broadcast %sub3A_472 : f32 to vector<8x4032xf32>
      %sub3A_474 = arith.subf %sub3A_473, %div3A_458 : vector<8x4032xf32>
      %mul3A_475 = arith.mulf %div3A_471, %div3A_471 : vector<8x4032xf32>
      %add3A_476 = arith.addf %sub3A_474, %mul3A_475 : vector<8x4032xf32>
      %mul3A_477 = arith.mulf %add3A_476, %mul3A_424 : vector<8x4032xf32>
      %reduce_sum3A_478 = vector.shape_cast %mul3A_477 : vector<8x4032xf32> to vector<1x8x4032xf32>
      %reduce_sum3A_479 = arith.constant dense<0.000000e+00> : vector<1xf32>
      %reduce_sum3A_480 = vector.multi_reduction <add>, %reduce_sum3A_478, %reduce_sum3A_479 [1, 2] : vector<1x8x4032xf32> to vector<1xf32>
      %reduce_sum3A_481 = vector.shape_cast %reduce_sum3A_480 : vector<1xf32> to vector<1x1x1xf32>
      %reduce_sum3A_482 = vector.extract %reduce_sum3A_481[0, 0, 0] : f32 from vector<1x1x1xf32>
      %swap3A_483 = arith.constant 3 : index
      %swap3A_484 = memref.load %arg10[%swap3A_483] : memref<8xf32, #tpu.memory_space<smem>>
      memref.store %reduce_sum3A_482, %arg10[%swap3A_483] : memref<8xf32, #tpu.memory_space<smem>>
      %swap3A_485 = arith.constant 0.000000e+00 : f32
      %swap3A_486 = arith.constant 0 : index
      %swap3A_487 = memref.load %arg10[%swap3A_486] : memref<8xf32, #tpu.memory_space<smem>>
      memref.store %swap3A_485, %arg10[%swap3A_486] : memref<8xf32, #tpu.memory_space<smem>>
      %swap3A_488 = arith.constant 0.000000e+00 : f32
      %swap3A_489 = arith.constant 1 : index
      %swap3A_490 = memref.load %arg10[%swap3A_489] : memref<8xf32, #tpu.memory_space<smem>>
      memref.store %swap3A_488, %arg10[%swap3A_489] : memref<8xf32, #tpu.memory_space<smem>>
    } else {
    }
    %get3A = arith.index_cast %arg0 : i32 to index
    %get3A_2 = arith.constant 0 : index
    %get3A_3 = vector.load %arg1[%get3A, %get3A_2] : memref<24x1000xf32, #tpu.memory_space<vmem>>, vector<1x1000xf32>
    %add3A = arith.constant 8 : i32
    %add3A_4 = arith.addi %arg0, %add3A : i32
    %get3A_5 = arith.index_cast %add3A_4 : i32 to index
    %get3A_6 = arith.constant 0 : index
    %get3A_7 = vector.load %arg1[%get3A_5, %get3A_6] : memref<24x1000xf32, #tpu.memory_space<vmem>>, vector<1x1000xf32>
    %add3A_8 = arith.constant 16 : i32
    %add3A_9 = arith.addi %arg0, %add3A_8 : i32
    %get3A_10 = arith.index_cast %add3A_9 : i32 to index
    %get3A_11 = arith.constant 0 : index
    %get3A_12 = vector.load %arg1[%get3A_10, %get3A_11] : memref<24x1000xf32, #tpu.memory_space<vmem>>, vector<1x1000xf32>
    %get3A_13 = arith.constant 0 : index
    %get3A_14 = arith.constant 0 : index
    %get3A_15 = arith.constant 0 : index
    %get3A_16 = vector.load %arg2[%get3A_13, %get3A_14, %get3A_15] : memref<1x32x3xf32, #tpu.memory_space<vmem>>, vector<1x32x3xf32>
    %get3A_17 = vector.shape_cast %get3A_16 : vector<1x32x3xf32> to vector<32x3xf32>
    %slice3A = vector.extract_strided_slice %get3A_17 {offsets = [0, 0], sizes = [32, 1], strides = [1, 1]} : vector<32x3xf32> to vector<32x1xf32>
    %slice3A_18 = vector.extract_strided_slice %get3A_17 {offsets = [0, 1], sizes = [32, 1], strides = [1, 1]} : vector<32x3xf32> to vector<32x1xf32>
    %min3A = vector.broadcast %slice3A : vector<32x1xf32> to vector<32x1000xf32>
    %min3A_19 = vector.broadcast %get3A_3 : vector<1x1000xf32> to vector<32x1000xf32>
    %min3A_20 = arith.minimumf %min3A, %min3A_19 : vector<32x1000xf32>
    %max3A = vector.broadcast %slice3A : vector<32x1xf32> to vector<32x1000xf32>
    %max3A_21 = vector.broadcast %get3A_3 : vector<1x1000xf32> to vector<32x1000xf32>
    %max3A_22 = arith.maximumf %max3A, %max3A_21 : vector<32x1000xf32>
    %min3A_23 = vector.broadcast %slice3A_18 : vector<32x1xf32> to vector<32x1000xf32>
    %min3A_24 = vector.broadcast %get3A_7 : vector<1x1000xf32> to vector<32x1000xf32>
    %min3A_25 = arith.minimumf %min3A_23, %min3A_24 : vector<32x1000xf32>
    %max3A_26 = vector.broadcast %slice3A_18 : vector<32x1xf32> to vector<32x1000xf32>
    %max3A_27 = vector.broadcast %get3A_7 : vector<1x1000xf32> to vector<32x1000xf32>
    %max3A_28 = arith.maximumf %max3A_26, %max3A_27 : vector<32x1000xf32>
    %sub3A = arith.subf %min3A_25, %max3A_22 : vector<32x1000xf32>
    %sub3A_29 = arith.subf %max3A_28, %min3A_20 : vector<32x1000xf32>
    %div3A = arith.divf %sub3A, %sub3A_29 : vector<32x1000xf32>
    %reduce_max3A = arith.constant dense<0xFF800000> : vector<1000xf32>
    %reduce_max3A_30 = vector.multi_reduction <maximumf>, %div3A, %reduce_max3A [0] : vector<32x1000xf32> to vector<1000xf32>
    %broadcast_in_dim3A = vector.shape_cast %reduce_max3A_30 : vector<1000xf32> to vector<1x1000xf32>
    %ge3A = vector.broadcast %broadcast_in_dim3A : vector<1x1000xf32> to vector<32x1000xf32>
    %ge3A_31 = arith.cmpf oge, %div3A, %ge3A : vector<32x1000xf32>
    %convert_element_type3A_32 = arith.extui %ge3A_31 : vector<32x1000xi1> to vector<32x1000xi32>
    %convert_element_type3A_33 = arith.sitofp %convert_element_type3A_32 : vector<32x1000xi32> to vector<32x1000xf32>
    %convert_element_type3A_34 = arith.truncf %convert_element_type3A_33 : vector<32x1000xf32> to vector<32x1000xbf16>
    %get3A_35 = arith.constant 0 : index
    %get3A_36 = arith.constant 0 : index
    %get3A_37 = vector.load %arg3[%get3A_35, %get3A_36] : memref<32x32xbf16, #tpu.memory_space<vmem>>, vector<32x32xbf16>
    %dot_general3A = arith.constant dense<0.000000e+00> : vector<32x1000xf32>
    %dot_general3A_38 = tpu.matmul %get3A_37, %convert_element_type3A_34, %dot_general3A {dimension_numbers = #tpu.dot_dimension_numbers<[1], [0], [0], [1], [0, 0, 1, 1], [], []>, transpose_lhs_hint = false} : vector<32x32xbf16>, vector<32x1000xbf16>, vector<32x1000xf32> -> vector<32x1000xf32>
    %gt3A = arith.constant 0.699999988 : f32
    %gt3A_39 = vector.broadcast %gt3A : f32 to vector<1x1000xf32>
    %gt3A_40 = arith.cmpf ogt, %broadcast_in_dim3A, %gt3A_39 : vector<1x1000xf32>
    %convert_element_type3A_41 = arith.extui %gt3A_40 : vector<1x1000xi1> to vector<1x1000xi32>
    %convert_element_type3A_42 = arith.sitofp %convert_element_type3A_41 : vector<1x1000xi32> to vector<1x1000xf32>
    %reduce_sum3A = vector.shape_cast %convert_element_type3A_42 : vector<1x1000xf32> to vector<1x1x1000xf32>
    %reduce_sum3A_43 = arith.constant dense<0.000000e+00> : vector<1xf32>
    %reduce_sum3A_44 = vector.multi_reduction <add>, %reduce_sum3A, %reduce_sum3A_43 [1, 2] : vector<1x1x1000xf32> to vector<1xf32>
    %reduce_sum3A_45 = vector.shape_cast %reduce_sum3A_44 : vector<1xf32> to vector<1x1x1xf32>
    %reduce_sum3A_46 = vector.extract %reduce_sum3A_45[0, 0, 0] : f32 from vector<1x1x1xf32>
    %lt3A = arith.constant 1.500000e+00 : f32
    %lt3A_47 = vector.broadcast %lt3A : f32 to vector<32x1000xf32>
    %lt3A_48 = arith.cmpf olt, %dot_general3A_38, %lt3A_47 : vector<32x1000xf32>
    %and3A = arith.andi %ge3A_31, %lt3A_48 : vector<32x1000xi1>
    %jit3A = arith.constant 0.000000e+00 : f32
    %broadcast_in_dim3A_49 = vector.shape_cast %convert_element_type3A_42 : vector<1x1000xf32> to vector<1x1000xf32>
    %broadcast_in_dim3A_50 = vector.broadcast %broadcast_in_dim3A_49 : vector<1x1000xf32> to vector<32x1000xf32>
    %broadcast_in_dim3A_51 = vector.broadcast %jit3A : f32 to vector<32x1000xf32>
    %select_n3A = arith.select %and3A, %broadcast_in_dim3A_50, %broadcast_in_dim3A_51 : vector<32x1000xi1>, vector<32x1000xf32>
    %lt3A_52 = arith.constant 0.00999999977 : f32
    %lt3A_53 = vector.broadcast %lt3A_52 : f32 to vector<1x1000xf32>
    %lt3A_54 = arith.cmpf olt, %broadcast_in_dim3A, %lt3A_53 : vector<1x1000xf32>
    %gt3A_55 = arith.constant 0.000000e+00 : f32
    %gt3A_56 = vector.broadcast %gt3A_55 : f32 to vector<1x1000xf32>
    %gt3A_57 = arith.cmpf ogt, %get3A_12, %gt3A_56 : vector<1x1000xf32>
    %and3A_58 = arith.andi %lt3A_54, %gt3A_57 : vector<1x1000xi1>
    %jit3A_59 = arith.constant 1.000000e+00 : f32
    %jit3A_60 = arith.constant 0.000000e+00 : f32
    %broadcast_in_dim3A_61 = vector.broadcast %jit3A_59 : f32 to vector<1x1000xf32>
    %broadcast_in_dim3A_62 = vector.broadcast %jit3A_60 : f32 to vector<1x1000xf32>
    %select_n3A_63 = arith.select %and3A_58, %broadcast_in_dim3A_61, %broadcast_in_dim3A_62 : vector<1x1000xi1>, vector<1x1000xf32>
    %broadcast_in_dim3A_64 = arith.constant 0.000000e+00 : f32
    %broadcast_in_dim3A_65 = vector.broadcast %broadcast_in_dim3A_64 : f32 to vector<1x1xf32>
    %slice3A_66 = vector.extract_strided_slice %select_n3A_63 {offsets = [0, 0], sizes = [1, 999], strides = [1, 1]} : vector<1x1000xf32> to vector<1x999xf32>
    %concatenate3A = tpu.concatenate %broadcast_in_dim3A_65, %slice3A_66 in 1 : vector<1x1xf32>, vector<1x999xf32> -> vector<1x1000xf32>
    %add3A_67 = arith.addf %select_n3A_63, %concatenate3A : vector<1x1000xf32>
    %broadcast_in_dim3A_68 = arith.constant 0.000000e+00 : f32
    %broadcast_in_dim3A_69 = vector.broadcast %broadcast_in_dim3A_68 : f32 to vector<1x2xf32>
    %slice3A_70 = vector.extract_strided_slice %add3A_67 {offsets = [0, 0], sizes = [1, 998], strides = [1, 1]} : vector<1x1000xf32> to vector<1x998xf32>
    %concatenate3A_71 = tpu.concatenate %broadcast_in_dim3A_69, %slice3A_70 in 1 : vector<1x2xf32>, vector<1x998xf32> -> vector<1x1000xf32>
    %add3A_72 = arith.addf %add3A_67, %concatenate3A_71 : vector<1x1000xf32>
    %broadcast_in_dim3A_73 = arith.constant 0.000000e+00 : f32
    %broadcast_in_dim3A_74 = vector.broadcast %broadcast_in_dim3A_73 : f32 to vector<1x4xf32>
    %slice3A_75 = vector.extract_strided_slice %add3A_72 {offsets = [0, 0], sizes = [1, 996], strides = [1, 1]} : vector<1x1000xf32> to vector<1x996xf32>
    %concatenate3A_76 = tpu.concatenate %broadcast_in_dim3A_74, %slice3A_75 in 1 : vector<1x4xf32>, vector<1x996xf32> -> vector<1x1000xf32>
    %add3A_77 = arith.addf %add3A_72, %concatenate3A_76 : vector<1x1000xf32>
    %broadcast_in_dim3A_78 = arith.constant 0.000000e+00 : f32
    %broadcast_in_dim3A_79 = vector.broadcast %broadcast_in_dim3A_78 : f32 to vector<1x8xf32>
    %slice3A_80 = vector.extract_strided_slice %add3A_77 {offsets = [0, 0], sizes = [1, 992], strides = [1, 1]} : vector<1x1000xf32> to vector<1x992xf32>
    %concatenate3A_81 = tpu.concatenate %broadcast_in_dim3A_79, %slice3A_80 in 1 : vector<1x8xf32>, vector<1x992xf32> -> vector<1x1000xf32>
    %add3A_82 = arith.addf %add3A_77, %concatenate3A_81 : vector<1x1000xf32>
    %broadcast_in_dim3A_83 = arith.constant 0.000000e+00 : f32
    %broadcast_in_dim3A_84 = vector.broadcast %broadcast_in_dim3A_83 : f32 to vector<1x16xf32>
    %slice3A_85 = vector.extract_strided_slice %add3A_82 {offsets = [0, 0], sizes = [1, 984], strides = [1, 1]} : vector<1x1000xf32> to vector<1x984xf32>
    %concatenate3A_86 = tpu.concatenate %broadcast_in_dim3A_84, %slice3A_85 in 1 : vector<1x16xf32>, vector<1x984xf32> -> vector<1x1000xf32>
    %add3A_87 = arith.addf %add3A_82, %concatenate3A_86 : vector<1x1000xf32>
    %broadcast_in_dim3A_88 = arith.constant 0.000000e+00 : f32
    %broadcast_in_dim3A_89 = vector.broadcast %broadcast_in_dim3A_88 : f32 to vector<1x32xf32>
    %slice3A_90 = vector.extract_strided_slice %add3A_87 {offsets = [0, 0], sizes = [1, 968], strides = [1, 1]} : vector<1x1000xf32> to vector<1x968xf32>
    %concatenate3A_91 = tpu.concatenate %broadcast_in_dim3A_89, %slice3A_90 in 1 : vector<1x32xf32>, vector<1x968xf32> -> vector<1x1000xf32>
    %add3A_92 = arith.addf %add3A_87, %concatenate3A_91 : vector<1x1000xf32>
    %broadcast_in_dim3A_93 = arith.constant 0.000000e+00 : f32
    %broadcast_in_dim3A_94 = vector.broadcast %broadcast_in_dim3A_93 : f32 to vector<1x64xf32>
    %slice3A_95 = vector.extract_strided_slice %add3A_92 {offsets = [0, 0], sizes = [1, 936], strides = [1, 1]} : vector<1x1000xf32> to vector<1x936xf32>
    %concatenate3A_96 = tpu.concatenate %broadcast_in_dim3A_94, %slice3A_95 in 1 : vector<1x64xf32>, vector<1x936xf32> -> vector<1x1000xf32>
    %add3A_97 = arith.addf %add3A_92, %concatenate3A_96 : vector<1x1000xf32>
    %broadcast_in_dim3A_98 = arith.constant 0.000000e+00 : f32
    %broadcast_in_dim3A_99 = vector.broadcast %broadcast_in_dim3A_98 : f32 to vector<1x128xf32>
    %slice3A_100 = vector.extract_strided_slice %add3A_97 {offsets = [0, 0], sizes = [1, 872], strides = [1, 1]} : vector<1x1000xf32> to vector<1x872xf32>
    %concatenate3A_101 = tpu.concatenate %broadcast_in_dim3A_99, %slice3A_100 in 1 : vector<1x128xf32>, vector<1x872xf32> -> vector<1x1000xf32>
    %add3A_102 = arith.addf %add3A_97, %concatenate3A_101 : vector<1x1000xf32>
    %broadcast_in_dim3A_103 = arith.constant 0.000000e+00 : f32
    %broadcast_in_dim3A_104 = vector.broadcast %broadcast_in_dim3A_103 : f32 to vector<1x256xf32>
    %slice3A_105 = vector.extract_strided_slice %add3A_102 {offsets = [0, 0], sizes = [1, 744], strides = [1, 1]} : vector<1x1000xf32> to vector<1x744xf32>
    %concatenate3A_106 = tpu.concatenate %broadcast_in_dim3A_104, %slice3A_105 in 1 : vector<1x256xf32>, vector<1x744xf32> -> vector<1x1000xf32>
    %add3A_107 = arith.addf %add3A_102, %concatenate3A_106 : vector<1x1000xf32>
    %broadcast_in_dim3A_108 = arith.constant 0.000000e+00 : f32
    %broadcast_in_dim3A_109 = vector.broadcast %broadcast_in_dim3A_108 : f32 to vector<1x512xf32>
    %slice3A_110 = vector.extract_strided_slice %add3A_107 {offsets = [0, 0], sizes = [1, 488], strides = [1, 1]} : vector<1x1000xf32> to vector<1x488xf32>
    %concatenate3A_111 = tpu.concatenate %broadcast_in_dim3A_109, %slice3A_110 in 1 : vector<1x512xf32>, vector<1x488xf32> -> vector<1x1000xf32>
    %add3A_112 = arith.addf %add3A_107, %concatenate3A_111 : vector<1x1000xf32>
    %add3A_113 = arith.constant 5.000000e-01 : f32
    %add3A_114 = arith.addf %reduce_sum3A_46, %add3A_113 : f32
    %lt3A_115 = vector.broadcast %add3A_114 : f32 to vector<1x1000xf32>
    %lt3A_116 = arith.cmpf olt, %add3A_112, %lt3A_115 : vector<1x1000xf32>
    %convert_element_type3A_117 = arith.extui %lt3A_116 : vector<1x1000xi1> to vector<1x1000xi32>
    %convert_element_type3A_118 = arith.sitofp %convert_element_type3A_117 : vector<1x1000xi32> to vector<1x1000xf32>
    %mul3A = arith.mulf %select_n3A_63, %convert_element_type3A_118 : vector<1x1000xf32>
    %max3A_119 = arith.maximumf %convert_element_type3A_42, %mul3A : vector<1x1000xf32>
    %get3A_120 = arith.constant 0 : index
    %get3A_121 = arith.constant 0 : index
    %get3A_122 = arith.constant 0 : index
    %get3A_123 = vector.load %arg4[%get3A_120, %get3A_121, %get3A_122] : memref<1x1x1024xf32, #tpu.memory_space<vmem>>, vector<1x1x1024xf32>
    %get3A_124 = vector.shape_cast %get3A_123 : vector<1x1x1024xf32> to vector<1x1024xf32>
    %slice3A_125 = vector.extract_strided_slice %get3A_124 {offsets = [0, 0], sizes = [1, 248], strides = [1, 1]} : vector<1x1024xf32> to vector<1x248xf32>
    %get3A_126 = arith.constant 0 : index
    %get3A_127 = arith.constant 0 : index
    %get3A_128 = arith.constant 0 : index
    %get3A_129 = vector.load %arg5[%get3A_126, %get3A_127, %get3A_128] : memref<1x1x1024xf32, #tpu.memory_space<vmem>>, vector<1x1x1024xf32>
    %get3A_130 = vector.shape_cast %get3A_129 : vector<1x1x1024xf32> to vector<1x1024xf32>
    %slice3A_131 = vector.extract_strided_slice %get3A_130 {offsets = [0, 0], sizes = [1, 248], strides = [1, 1]} : vector<1x1024xf32> to vector<1x248xf32>
    %get3A_132 = arith.constant 0 : index
    %get3A_133 = arith.constant 0 : index
    %get3A_134 = arith.constant 0 : index
    %get3A_135 = vector.load %arg6[%get3A_132, %get3A_133, %get3A_134] : memref<1x1x1024xf32, #tpu.memory_space<vmem>>, vector<1x1x1024xf32>
    %get3A_136 = vector.shape_cast %get3A_135 : vector<1x1x1024xf32> to vector<1x1024xf32>
    %slice3A_137 = vector.extract_strided_slice %get3A_136 {offsets = [0, 0], sizes = [1, 248], strides = [1, 1]} : vector<1x1024xf32> to vector<1x248xf32>
    %log3A = math.log %slice3A_131 : vector<1x248xf32>
    %add3A_138 = arith.addf %slice3A_125, %log3A : vector<1x248xf32>
    %slice3A_139 = vector.extract_strided_slice %max3A_119 {offsets = [0, 0], sizes = [1, 248], strides = [1, 1]} : vector<1x1000xf32> to vector<1x248xf32>
    %slice3A_140 = vector.extract_strided_slice %mul3A {offsets = [0, 0], sizes = [1, 248], strides = [1, 1]} : vector<1x1000xf32> to vector<1x248xf32>
    %slice3A_141 = vector.extract_strided_slice %select_n3A {offsets = [0, 0], sizes = [32, 248], strides = [1, 1]} : vector<32x1000xf32> to vector<32x248xf32>
    %get3A_142 = arith.constant 0 : index
    %get3A_143 = arith.constant 0 : index
    %get3A_144 = arith.constant 0 : index
    %get3A_145 = arith.constant 0 : index
    %get3A_146 = vector.load %arg7[%get3A_142, %get3A_143, %get3A_144, %get3A_145] : memref<1x4x32x256xf32, #tpu.memory_space<vmem>>, vector<1x1x32x256xf32>
    %get3A_147 = vector.shape_cast %get3A_146 : vector<1x1x32x256xf32> to vector<32x256xf32>
    %slice3A_148 = vector.extract_strided_slice %get3A_147 {offsets = [0, 0], sizes = [32, 248], strides = [1, 1]} : vector<32x256xf32> to vector<32x248xf32>
    %mul3A_149 = arith.mulf %slice3A_139, %add3A_138 : vector<1x248xf32>
    %reduce_sum3A_150 = vector.shape_cast %mul3A_149 : vector<1x248xf32> to vector<1x1x248xf32>
    %reduce_sum3A_151 = arith.constant dense<0.000000e+00> : vector<1xf32>
    %reduce_sum3A_152 = vector.multi_reduction <add>, %reduce_sum3A_150, %reduce_sum3A_151 [1, 2] : vector<1x1x248xf32> to vector<1xf32>
    %reduce_sum3A_153 = vector.shape_cast %reduce_sum3A_152 : vector<1xf32> to vector<1x1x1xf32>
    %reduce_sum3A_154 = vector.extract %reduce_sum3A_153[0, 0, 0] : f32 from vector<1x1x1xf32>
    %mul3A_155 = arith.mulf %slice3A_140, %slice3A_137 : vector<1x248xf32>
    %reduce_sum3A_156 = vector.shape_cast %mul3A_155 : vector<1x248xf32> to vector<1x1x248xf32>
    %reduce_sum3A_157 = arith.constant dense<0.000000e+00> : vector<1xf32>
    %reduce_sum3A_158 = vector.multi_reduction <add>, %reduce_sum3A_156, %reduce_sum3A_157 [1, 2] : vector<1x1x248xf32> to vector<1xf32>
    %reduce_sum3A_159 = vector.shape_cast %reduce_sum3A_158 : vector<1xf32> to vector<1x1x1xf32>
    %reduce_sum3A_160 = vector.extract %reduce_sum3A_159[0, 0, 0] : f32 from vector<1x1x1xf32>
    %sub3A_161 = arith.subf %reduce_sum3A_154, %reduce_sum3A_160 : f32
    %mul3A_162 = arith.mulf %slice3A_141, %slice3A_148 : vector<32x248xf32>
    %reduce_sum3A_163 = vector.shape_cast %mul3A_162 : vector<32x248xf32> to vector<1x32x248xf32>
    %reduce_sum3A_164 = arith.constant dense<0.000000e+00> : vector<1xf32>
    %reduce_sum3A_165 = vector.multi_reduction <add>, %reduce_sum3A_163, %reduce_sum3A_164 [1, 2] : vector<1x32x248xf32> to vector<1xf32>
    %reduce_sum3A_166 = vector.shape_cast %reduce_sum3A_165 : vector<1xf32> to vector<1x1x1xf32>
    %reduce_sum3A_167 = vector.extract %reduce_sum3A_166[0, 0, 0] : f32 from vector<1x1x1xf32>
    %sub3A_168 = arith.subf %sub3A_161, %reduce_sum3A_167 : f32
    %add3A_169 = arith.constant 0.000000e+00 : f32
    %add3A_170 = arith.addf %add3A_169, %sub3A_168 : f32
    %get3A_171 = arith.constant 0 : index
    %get3A_172 = arith.constant 0 : index
    %get3A_173 = arith.constant 0 : index
    %get3A_174 = vector.load %arg4[%get3A_171, %get3A_172, %get3A_173] : memref<1x1x1024xf32, #tpu.memory_space<vmem>>, vector<1x1x1024xf32>
    %get3A_175 = vector.shape_cast %get3A_174 : vector<1x1x1024xf32> to vector<1x1024xf32>
    %slice3A_176 = vector.extract_strided_slice %get3A_175 {offsets = [0, 256], sizes = [1, 248], strides = [1, 1]} : vector<1x1024xf32> to vector<1x248xf32>
    %get3A_177 = arith.constant 0 : index
    %get3A_178 = arith.constant 0 : index
    %get3A_179 = arith.constant 0 : index
    %get3A_180 = vector.load %arg5[%get3A_177, %get3A_178, %get3A_179] : memref<1x1x1024xf32, #tpu.memory_space<vmem>>, vector<1x1x1024xf32>
    %get3A_181 = vector.shape_cast %get3A_180 : vector<1x1x1024xf32> to vector<1x1024xf32>
    %slice3A_182 = vector.extract_strided_slice %get3A_181 {offsets = [0, 256], sizes = [1, 248], strides = [1, 1]} : vector<1x1024xf32> to vector<1x248xf32>
    %get3A_183 = arith.constant 0 : index
    %get3A_184 = arith.constant 0 : index
    %get3A_185 = arith.constant 0 : index
    %get3A_186 = vector.load %arg6[%get3A_183, %get3A_184, %get3A_185] : memref<1x1x1024xf32, #tpu.memory_space<vmem>>, vector<1x1x1024xf32>
    %get3A_187 = vector.shape_cast %get3A_186 : vector<1x1x1024xf32> to vector<1x1024xf32>
    %slice3A_188 = vector.extract_strided_slice %get3A_187 {offsets = [0, 256], sizes = [1, 248], strides = [1, 1]} : vector<1x1024xf32> to vector<1x248xf32>
    %log3A_189 = math.log %slice3A_182 : vector<1x248xf32>
    %add3A_190 = arith.addf %slice3A_176, %log3A_189 : vector<1x248xf32>
    %slice3A_191 = vector.extract_strided_slice %max3A_119 {offsets = [0, 248], sizes = [1, 248], strides = [1, 1]} : vector<1x1000xf32> to vector<1x248xf32>
    %slice3A_192 = vector.extract_strided_slice %mul3A {offsets = [0, 248], sizes = [1, 248], strides = [1, 1]} : vector<1x1000xf32> to vector<1x248xf32>
    %slice3A_193 = vector.extract_strided_slice %select_n3A {offsets = [0, 248], sizes = [32, 248], strides = [1, 1]} : vector<32x1000xf32> to vector<32x248xf32>
    %get3A_194 = arith.constant 0 : index
    %get3A_195 = arith.constant 1 : index
    %get3A_196 = arith.constant 0 : index
    %get3A_197 = arith.constant 0 : index
    %get3A_198 = vector.load %arg7[%get3A_194, %get3A_195, %get3A_196, %get3A_197] : memref<1x4x32x256xf32, #tpu.memory_space<vmem>>, vector<1x1x32x256xf32>
    %get3A_199 = vector.shape_cast %get3A_198 : vector<1x1x32x256xf32> to vector<32x256xf32>
    %slice3A_200 = vector.extract_strided_slice %get3A_199 {offsets = [0, 0], sizes = [32, 248], strides = [1, 1]} : vector<32x256xf32> to vector<32x248xf32>
    %mul3A_201 = arith.mulf %slice3A_191, %add3A_190 : vector<1x248xf32>
    %reduce_sum3A_202 = vector.shape_cast %mul3A_201 : vector<1x248xf32> to vector<1x1x248xf32>
    %reduce_sum3A_203 = arith.constant dense<0.000000e+00> : vector<1xf32>
    %reduce_sum3A_204 = vector.multi_reduction <add>, %reduce_sum3A_202, %reduce_sum3A_203 [1, 2] : vector<1x1x248xf32> to vector<1xf32>
    %reduce_sum3A_205 = vector.shape_cast %reduce_sum3A_204 : vector<1xf32> to vector<1x1x1xf32>
    %reduce_sum3A_206 = vector.extract %reduce_sum3A_205[0, 0, 0] : f32 from vector<1x1x1xf32>
    %mul3A_207 = arith.mulf %slice3A_192, %slice3A_188 : vector<1x248xf32>
    %reduce_sum3A_208 = vector.shape_cast %mul3A_207 : vector<1x248xf32> to vector<1x1x248xf32>
    %reduce_sum3A_209 = arith.constant dense<0.000000e+00> : vector<1xf32>
    %reduce_sum3A_210 = vector.multi_reduction <add>, %reduce_sum3A_208, %reduce_sum3A_209 [1, 2] : vector<1x1x248xf32> to vector<1xf32>
    %reduce_sum3A_211 = vector.shape_cast %reduce_sum3A_210 : vector<1xf32> to vector<1x1x1xf32>
    %reduce_sum3A_212 = vector.extract %reduce_sum3A_211[0, 0, 0] : f32 from vector<1x1x1xf32>
    %sub3A_213 = arith.subf %reduce_sum3A_206, %reduce_sum3A_212 : f32
    %mul3A_214 = arith.mulf %slice3A_193, %slice3A_200 : vector<32x248xf32>
    %reduce_sum3A_215 = vector.shape_cast %mul3A_214 : vector<32x248xf32> to vector<1x32x248xf32>
    %reduce_sum3A_216 = arith.constant dense<0.000000e+00> : vector<1xf32>
    %reduce_sum3A_217 = vector.multi_reduction <add>, %reduce_sum3A_215, %reduce_sum3A_216 [1, 2] : vector<1x32x248xf32> to vector<1xf32>
    %reduce_sum3A_218 = vector.shape_cast %reduce_sum3A_217 : vector<1xf32> to vector<1x1x1xf32>
    %reduce_sum3A_219 = vector.extract %reduce_sum3A_218[0, 0, 0] : f32 from vector<1x1x1xf32>
    %sub3A_220 = arith.subf %sub3A_213, %reduce_sum3A_219 : f32
    %add3A_221 = arith.addf %add3A_170, %sub3A_220 : f32
    %get3A_222 = arith.constant 0 : index
    %get3A_223 = arith.constant 0 : index
    %get3A_224 = arith.constant 0 : index
    %get3A_225 = vector.load %arg4[%get3A_222, %get3A_223, %get3A_224] : memref<1x1x1024xf32, #tpu.memory_space<vmem>>, vector<1x1x1024xf32>
    %get3A_226 = vector.shape_cast %get3A_225 : vector<1x1x1024xf32> to vector<1x1024xf32>
    %slice3A_227 = vector.extract_strided_slice %get3A_226 {offsets = [0, 512], sizes = [1, 248], strides = [1, 1]} : vector<1x1024xf32> to vector<1x248xf32>
    %get3A_228 = arith.constant 0 : index
    %get3A_229 = arith.constant 0 : index
    %get3A_230 = arith.constant 0 : index
    %get3A_231 = vector.load %arg5[%get3A_228, %get3A_229, %get3A_230] : memref<1x1x1024xf32, #tpu.memory_space<vmem>>, vector<1x1x1024xf32>
    %get3A_232 = vector.shape_cast %get3A_231 : vector<1x1x1024xf32> to vector<1x1024xf32>
    %slice3A_233 = vector.extract_strided_slice %get3A_232 {offsets = [0, 512], sizes = [1, 248], strides = [1, 1]} : vector<1x1024xf32> to vector<1x248xf32>
    %get3A_234 = arith.constant 0 : index
    %get3A_235 = arith.constant 0 : index
    %get3A_236 = arith.constant 0 : index
    %get3A_237 = vector.load %arg6[%get3A_234, %get3A_235, %get3A_236] : memref<1x1x1024xf32, #tpu.memory_space<vmem>>, vector<1x1x1024xf32>
    %get3A_238 = vector.shape_cast %get3A_237 : vector<1x1x1024xf32> to vector<1x1024xf32>
    %slice3A_239 = vector.extract_strided_slice %get3A_238 {offsets = [0, 512], sizes = [1, 248], strides = [1, 1]} : vector<1x1024xf32> to vector<1x248xf32>
    %log3A_240 = math.log %slice3A_233 : vector<1x248xf32>
    %add3A_241 = arith.addf %slice3A_227, %log3A_240 : vector<1x248xf32>
    %slice3A_242 = vector.extract_strided_slice %max3A_119 {offsets = [0, 496], sizes = [1, 248], strides = [1, 1]} : vector<1x1000xf32> to vector<1x248xf32>
    %slice3A_243 = vector.extract_strided_slice %mul3A {offsets = [0, 496], sizes = [1, 248], strides = [1, 1]} : vector<1x1000xf32> to vector<1x248xf32>
    %slice3A_244 = vector.extract_strided_slice %select_n3A {offsets = [0, 496], sizes = [32, 248], strides = [1, 1]} : vector<32x1000xf32> to vector<32x248xf32>
    %get3A_245 = arith.constant 0 : index
    %get3A_246 = arith.constant 2 : index
    %get3A_247 = arith.constant 0 : index
    %get3A_248 = arith.constant 0 : index
    %get3A_249 = vector.load %arg7[%get3A_245, %get3A_246, %get3A_247, %get3A_248] : memref<1x4x32x256xf32, #tpu.memory_space<vmem>>, vector<1x1x32x256xf32>
    %get3A_250 = vector.shape_cast %get3A_249 : vector<1x1x32x256xf32> to vector<32x256xf32>
    %slice3A_251 = vector.extract_strided_slice %get3A_250 {offsets = [0, 0], sizes = [32, 248], strides = [1, 1]} : vector<32x256xf32> to vector<32x248xf32>
    %mul3A_252 = arith.mulf %slice3A_242, %add3A_241 : vector<1x248xf32>
    %reduce_sum3A_253 = vector.shape_cast %mul3A_252 : vector<1x248xf32> to vector<1x1x248xf32>
    %reduce_sum3A_254 = arith.constant dense<0.000000e+00> : vector<1xf32>
    %reduce_sum3A_255 = vector.multi_reduction <add>, %reduce_sum3A_253, %reduce_sum3A_254 [1, 2] : vector<1x1x248xf32> to vector<1xf32>
    %reduce_sum3A_256 = vector.shape_cast %reduce_sum3A_255 : vector<1xf32> to vector<1x1x1xf32>
    %reduce_sum3A_257 = vector.extract %reduce_sum3A_256[0, 0, 0] : f32 from vector<1x1x1xf32>
    %mul3A_258 = arith.mulf %slice3A_243, %slice3A_239 : vector<1x248xf32>
    %reduce_sum3A_259 = vector.shape_cast %mul3A_258 : vector<1x248xf32> to vector<1x1x248xf32>
    %reduce_sum3A_260 = arith.constant dense<0.000000e+00> : vector<1xf32>
    %reduce_sum3A_261 = vector.multi_reduction <add>, %reduce_sum3A_259, %reduce_sum3A_260 [1, 2] : vector<1x1x248xf32> to vector<1xf32>
    %reduce_sum3A_262 = vector.shape_cast %reduce_sum3A_261 : vector<1xf32> to vector<1x1x1xf32>
    %reduce_sum3A_263 = vector.extract %reduce_sum3A_262[0, 0, 0] : f32 from vector<1x1x1xf32>
    %sub3A_264 = arith.subf %reduce_sum3A_257, %reduce_sum3A_263 : f32
    %mul3A_265 = arith.mulf %slice3A_244, %slice3A_251 : vector<32x248xf32>
    %reduce_sum3A_266 = vector.shape_cast %mul3A_265 : vector<32x248xf32> to vector<1x32x248xf32>
    %reduce_sum3A_267 = arith.constant dense<0.000000e+00> : vector<1xf32>
    %reduce_sum3A_268 = vector.multi_reduction <add>, %reduce_sum3A_266, %reduce_sum3A_267 [1, 2] : vector<1x32x248xf32> to vector<1xf32>
    %reduce_sum3A_269 = vector.shape_cast %reduce_sum3A_268 : vector<1xf32> to vector<1x1x1xf32>
    %reduce_sum3A_270 = vector.extract %reduce_sum3A_269[0, 0, 0] : f32 from vector<1x1x1xf32>
    %sub3A_271 = arith.subf %sub3A_264, %reduce_sum3A_270 : f32
    %add3A_272 = arith.addf %add3A_221, %sub3A_271 : f32
    %get3A_273 = arith.constant 0 : index
    %get3A_274 = arith.constant 0 : index
    %get3A_275 = arith.constant 0 : index
    %get3A_276 = vector.load %arg4[%get3A_273, %get3A_274, %get3A_275] : memref<1x1x1024xf32, #tpu.memory_space<vmem>>, vector<1x1x1024xf32>
    %get3A_277 = vector.shape_cast %get3A_276 : vector<1x1x1024xf32> to vector<1x1024xf32>
    %slice3A_278 = vector.extract_strided_slice %get3A_277 {offsets = [0, 768], sizes = [1, 256], strides = [1, 1]} : vector<1x1024xf32> to vector<1x256xf32>
    %get3A_279 = arith.constant 0 : index
    %get3A_280 = arith.constant 0 : index
    %get3A_281 = arith.constant 0 : index
    %get3A_282 = vector.load %arg5[%get3A_279, %get3A_280, %get3A_281] : memref<1x1x1024xf32, #tpu.memory_space<vmem>>, vector<1x1x1024xf32>
    %get3A_283 = vector.shape_cast %get3A_282 : vector<1x1x1024xf32> to vector<1x1024xf32>
    %slice3A_284 = vector.extract_strided_slice %get3A_283 {offsets = [0, 768], sizes = [1, 256], strides = [1, 1]} : vector<1x1024xf32> to vector<1x256xf32>
    %get3A_285 = arith.constant 0 : index
    %get3A_286 = arith.constant 0 : index
    %get3A_287 = arith.constant 0 : index
    %get3A_288 = vector.load %arg6[%get3A_285, %get3A_286, %get3A_287] : memref<1x1x1024xf32, #tpu.memory_space<vmem>>, vector<1x1x1024xf32>
    %get3A_289 = vector.shape_cast %get3A_288 : vector<1x1x1024xf32> to vector<1x1024xf32>
    %slice3A_290 = vector.extract_strided_slice %get3A_289 {offsets = [0, 768], sizes = [1, 256], strides = [1, 1]} : vector<1x1024xf32> to vector<1x256xf32>
    %log3A_291 = math.log %slice3A_284 : vector<1x256xf32>
    %add3A_292 = arith.addf %slice3A_278, %log3A_291 : vector<1x256xf32>
    %slice3A_293 = vector.extract_strided_slice %max3A_119 {offsets = [0, 744], sizes = [1, 256], strides = [1, 1]} : vector<1x1000xf32> to vector<1x256xf32>
    %slice3A_294 = vector.extract_strided_slice %mul3A {offsets = [0, 744], sizes = [1, 256], strides = [1, 1]} : vector<1x1000xf32> to vector<1x256xf32>
    %slice3A_295 = vector.extract_strided_slice %select_n3A {offsets = [0, 744], sizes = [32, 256], strides = [1, 1]} : vector<32x1000xf32> to vector<32x256xf32>
    %get3A_296 = arith.constant 0 : index
    %get3A_297 = arith.constant 3 : index
    %get3A_298 = arith.constant 0 : index
    %get3A_299 = arith.constant 0 : index
    %get3A_300 = vector.load %arg7[%get3A_296, %get3A_297, %get3A_298, %get3A_299] : memref<1x4x32x256xf32, #tpu.memory_space<vmem>>, vector<1x1x32x256xf32>
    %get3A_301 = vector.shape_cast %get3A_300 : vector<1x1x32x256xf32> to vector<32x256xf32>
    %mul3A_302 = arith.mulf %slice3A_293, %add3A_292 : vector<1x256xf32>
    %reduce_sum3A_303 = vector.shape_cast %mul3A_302 : vector<1x256xf32> to vector<1x1x256xf32>
    %reduce_sum3A_304 = arith.constant dense<0.000000e+00> : vector<1xf32>
    %reduce_sum3A_305 = vector.multi_reduction <add>, %reduce_sum3A_303, %reduce_sum3A_304 [1, 2] : vector<1x1x256xf32> to vector<1xf32>
    %reduce_sum3A_306 = vector.shape_cast %reduce_sum3A_305 : vector<1xf32> to vector<1x1x1xf32>
    %reduce_sum3A_307 = vector.extract %reduce_sum3A_306[0, 0, 0] : f32 from vector<1x1x1xf32>
    %mul3A_308 = arith.mulf %slice3A_294, %slice3A_290 : vector<1x256xf32>
    %reduce_sum3A_309 = vector.shape_cast %mul3A_308 : vector<1x256xf32> to vector<1x1x256xf32>
    %reduce_sum3A_310 = arith.constant dense<0.000000e+00> : vector<1xf32>
    %reduce_sum3A_311 = vector.multi_reduction <add>, %reduce_sum3A_309, %reduce_sum3A_310 [1, 2] : vector<1x1x256xf32> to vector<1xf32>
    %reduce_sum3A_312 = vector.shape_cast %reduce_sum3A_311 : vector<1xf32> to vector<1x1x1xf32>
    %reduce_sum3A_313 = vector.extract %reduce_sum3A_312[0, 0, 0] : f32 from vector<1x1x1xf32>
    %sub3A_314 = arith.subf %reduce_sum3A_307, %reduce_sum3A_313 : f32
    %mul3A_315 = arith.mulf %slice3A_295, %get3A_301 : vector<32x256xf32>
    %reduce_sum3A_316 = vector.shape_cast %mul3A_315 : vector<32x256xf32> to vector<1x32x256xf32>
    %reduce_sum3A_317 = arith.constant dense<0.000000e+00> : vector<1xf32>
    %reduce_sum3A_318 = vector.multi_reduction <add>, %reduce_sum3A_316, %reduce_sum3A_317 [1, 2] : vector<1x32x256xf32> to vector<1xf32>
    %reduce_sum3A_319 = vector.shape_cast %reduce_sum3A_318 : vector<1xf32> to vector<1x1x1xf32>
    %reduce_sum3A_320 = vector.extract %reduce_sum3A_319[0, 0, 0] : f32 from vector<1x1x1xf32>
    %sub3A_321 = arith.subf %sub3A_314, %reduce_sum3A_320 : f32
    %add3A_322 = arith.addf %add3A_272, %sub3A_321 : f32
    %get3A_323 = arith.constant 0 : index
    %get3A_324 = memref.load %arg10[%get3A_323] : memref<8xf32, #tpu.memory_space<smem>>
    %add3A_325 = arith.addf %get3A_324, %add3A_322 : f32
    %swap3A = arith.constant 0 : index
    %swap3A_326 = memref.load %arg10[%swap3A] : memref<8xf32, #tpu.memory_space<smem>>
    memref.store %add3A_325, %arg10[%swap3A] : memref<8xf32, #tpu.memory_space<smem>>
    %get3A_327 = arith.constant 1 : index
    %get3A_328 = memref.load %arg10[%get3A_327] : memref<8xf32, #tpu.memory_space<smem>>
    %reduce_sum3A_329 = vector.shape_cast %max3A_119 : vector<1x1000xf32> to vector<1x1x1000xf32>
    %reduce_sum3A_330 = arith.constant dense<0.000000e+00> : vector<1xf32>
    %reduce_sum3A_331 = vector.multi_reduction <add>, %reduce_sum3A_329, %reduce_sum3A_330 [1, 2] : vector<1x1x1000xf32> to vector<1xf32>
    %reduce_sum3A_332 = vector.shape_cast %reduce_sum3A_331 : vector<1xf32> to vector<1x1x1xf32>
    %reduce_sum3A_333 = vector.extract %reduce_sum3A_332[0, 0, 0] : f32 from vector<1x1x1xf32>
    %add3A_334 = arith.addf %get3A_328, %reduce_sum3A_333 : f32
    %swap3A_335 = arith.constant 1 : index
    %swap3A_336 = memref.load %arg10[%swap3A_335] : memref<8xf32, #tpu.memory_space<smem>>
    memref.store %add3A_334, %arg10[%swap3A_335] : memref<8xf32, #tpu.memory_space<smem>>
    %eq3A_337 = arith.constant 7 : i32
    %eq3A_338 = arith.cmpi eq, %arg0, %eq3A_337 : i32
    %convert_element_type3A_339 = arith.extui %eq3A_338 : i1 to i32
    %cond3A_340 = arith.constant 0 : i32
    %cond3A_341 = arith.cmpi ne, %convert_element_type3A_339, %cond3A_340 : i32
    scf.if %cond3A_341 {
      %get3A_342 = arith.constant 4 : index
      %get3A_343 = memref.load %arg10[%get3A_342] : memref<8xf32, #tpu.memory_space<smem>>
      %max3A_344 = arith.constant 1.000000e+00 : f32
      %max3A_345 = arith.maximumf %get3A_343, %max3A_344 : f32
      %mul3A_346 = arith.constant 1.000000e-01 : f32
      %mul3A_347 = arith.mulf %mul3A_346, %max3A_345 : f32
      %add3A_348 = arith.constant 9.000000e+01 : f32
      %add3A_349 = arith.addf %add3A_348, %mul3A_347 : f32
      %get3A_350 = arith.constant 2 : index
      %get3A_351 = memref.load %arg10[%get3A_350] : memref<8xf32, #tpu.memory_space<smem>>
      %get3A_352 = arith.constant 3 : index
      %get3A_353 = memref.load %arg10[%get3A_352] : memref<8xf32, #tpu.memory_space<smem>>
      %add3A_354 = arith.addf %get3A_351, %get3A_353 : f32
      %div3A_355 = arith.divf %add3A_354, %add3A_349 : f32
      %get3A_356 = arith.constant 0 : index
      %get3A_357 = memref.load %arg10[%get3A_356] : memref<8xf32, #tpu.memory_space<smem>>
      %get3A_358 = arith.constant 1 : index
      %get3A_359 = memref.load %arg10[%get3A_358] : memref<8xf32, #tpu.memory_space<smem>>
      %div3A_360 = arith.divf %get3A_357, %get3A_359 : f32
      %add3A_361 = arith.addf %div3A_355, %div3A_360 : f32
      %swap3A_362 = arith.constant 0 : index
      %swap3A_363 = arith.constant 0 : index
      %swap3A_364 = memref.load %arg9[%swap3A_362, %swap3A_363] : memref<1x1xf32, #tpu.memory_space<smem>>
      memref.store %add3A_361, %arg9[%swap3A_362, %swap3A_363] : memref<1x1xf32, #tpu.memory_space<smem>>
    } else {
    }
    return
  }
  func.func @transform_0(%arg0: i32) -> (i32, i32) {
    %c0_i32 = arith.constant 0 : i32
    %c0_i32_0 = arith.constant 0 : i32
    %c0_i32_1 = arith.constant 0 : i32
    return %c0_i32, %c0_i32_0 : i32, i32
  }
  func.func @transform_1(%arg0: i32) -> (i32, i32, i32) {
    %c0_i32 = arith.constant 0 : i32
    %c0_i32_0 = arith.constant 0 : i32
    %c0_i32_1 = arith.constant 0 : i32
    return %arg0, %c0_i32, %c0_i32_0 : i32, i32, i32
  }
  func.func @transform_2(%arg0: i32) -> (i32, i32) {
    %c0_i32 = arith.constant 0 : i32
    %c0_i32_0 = arith.constant 0 : i32
    %c0_i32_1 = arith.constant 0 : i32
    return %c0_i32, %c0_i32_0 : i32, i32
  }
  func.func @transform_3(%arg0: i32) -> (i32, i32, i32) {
    %c0_i32 = arith.constant 0 : i32
    %c0_i32_0 = arith.constant 0 : i32
    %c0_i32_1 = arith.constant 0 : i32
    return %arg0, %c0_i32, %c0_i32_0 : i32, i32, i32
  }
  func.func @transform_4(%arg0: i32) -> (i32, i32, i32) {
    %c0_i32 = arith.constant 0 : i32
    %c0_i32_0 = arith.constant 0 : i32
    %c0_i32_1 = arith.constant 0 : i32
    return %arg0, %c0_i32, %c0_i32_0 : i32, i32, i32
  }
  func.func @transform_5(%arg0: i32) -> (i32, i32, i32) {
    %c0_i32 = arith.constant 0 : i32
    %c0_i32_0 = arith.constant 0 : i32
    %c0_i32_1 = arith.constant 0 : i32
    return %arg0, %c0_i32, %c0_i32_0 : i32, i32, i32
  }
  func.func @transform_6(%arg0: i32) -> (i32, i32, i32, i32) {
    %c0_i32 = arith.constant 0 : i32
    %c0_i32_0 = arith.constant 0 : i32
    %c0_i32_1 = arith.constant 0 : i32
    %c0_i32_2 = arith.constant 0 : i32
    return %arg0, %c0_i32, %c0_i32_0, %c0_i32_1 : i32, i32, i32, i32
  }
  func.func @transform_7(%arg0: i32) -> (i32, i32) {
    %c0_i32 = arith.constant 0 : i32
    %c0_i32_0 = arith.constant 0 : i32
    %c0_i32_1 = arith.constant 0 : i32
    return %c0_i32, %c0_i32_0 : i32, i32
  }
  func.func @transform_8(%arg0: i32) -> (i32, i32) {
    %c0_i32 = arith.constant 0 : i32
    %c0_i32_0 = arith.constant 0 : i32
    %c0_i32_1 = arith.constant 0 : i32
    return %c0_i32, %c0_i32_0 : i32, i32
  }
}

</mosaic_0001>

<sc_bundles>
// kernel: kernel.4.cloned.1.call-start
scs
__scs_entry_jumppad:
0x0: {  	(pc) =	sbr.rel $0x88, $3  }
0x1: {  	(tag) =	ssettag $0x0;
	lr =	simm.s32 $0x1  }
0x2: {  	[smem:$0x3F97] =	sst lr;
	_ =	strace $0xD0000000  }
0x3: {  	_ = 	snop  }
0x4: {  	_ = 	snop  }
0x5: {  	_ = 	snop  }
0x6: {  	_ = 	snop  }
0x7: {  	_ = 	snop  }
__scs_overlays_trampoline_lowered:
0x8: {  	[smem:$0x3FA6] =	sst s0  }
0x9: {  	[smem:$0x3FA7] =	sst s1  }
0xa: {  	[smem:$0x3FA8] =	sst s2  }
0xb: {  	[smem:$0x3FA9] =	sst s3  }
0xc: {  	[smem:$0x3FAA] =	sst s4  }
0xd: {  	[smem:$0x3FAB] =	sst s5  }
0xe: {  	[smem:$0x3FAC] =	sst s6  }
0xf: {  	[smem:$0x3FAD] =	sst s7  }
0x10: {  	[smem:$0x3FAE] =	sst s8  }
0x11: {  	[smem:$0x3FAF] =	sst s9;
	s0 =	simm.s32 @!p0 $0x0  }
0x12: {  	s1 =	sld [smem:$0x3F95];
	s0 =	simm.s32 @p0 $0x1  }
0x13: {  	[smem:$0x3FB0] =	sst s0;
	s0 =	simm.s32 @!p1 $0x0  }
0x14: {  	s2 =	sld [smem:$0x3F94];
	s0 =	simm.s32 @p1 $0x1  }
0x15: {  	[smem:$0x3FB1] =	sst s0;
	s0 =	simm.s32 @!p2 $0x0  }
0x16: {  	s3 =	sld [smem:$0x3FDB];
	s0 =	simm.s32 @p2 $0x1  }
0x17: {  	s4 =	simm.s32 $0x1BF5;
	[smem:$0x3FB3] =	sst s0  }
0x18: {  	s0 =	sld [smem:$0x3F96];
	_ =	swait.ge [sflag:s4], $0x0  }
0x19: {  	s7 =	sld [smem:$0x3F97]  }
0x1a: {  	s8 =	sadd.s32 $0xFFFFE003, lr  }
0x1b: {  	s9 =	sadd.s32 $0xFFFFFEF7, lr;
	s5 =	simm.s32 $0xFFFFFFFF;
	p2 =	slt.u32 s8, $0xFFFFF086  }
0x1c: {  	p1 =	slt.u32 s9, $0xF7A;
	s5 =	simm.s32 @!p2 $0x0  }
0x1d: {  	s5 =	simm.s32 @p1 $0x1;
	p0 =	seq.s32 s7, s2  }
0x1e: {  	s7 =	smul.u32 @!p0 $0xF7A, s2;
	p2 =	seq.s32 @!p0 s5, $0x0  }
0x1f: {  	s9 =	smul.u32 $0xF7A, s1;
	s8 =	simm.s32 @!p0 $0x1BF5;
	p2 =	por !p2, p0  }
0x20: {  	[sflag:s8] =	ssyncset.s32 @!p0 $0xFFFFF086;
	s6 =	sadd.s32 @!p0 s3, s7;
	s7 =	simm.s32 @!p0 $0x108  }
0x21: {  	s3 =	sadd.s32 s3, s9;
	s6 =	sadd.s32 @!p0 $0x88, s6;
	s7 =	simm.s32 @p2 $0x1082  }
0x22: {  	[simem:s7], [sflag:s8] =	dma.local @!p0 [hbm:s6], $0xF7A  }
0x23: {  	s9 =	sor.u32 $0xD0000000, s2;
	s6 =	simm.s32 $0x108;
	_ =	swait.ge @!p0 [sflag:s8], $0x0  }
0x24: {  	s3 =	sadd.s32 $0x88, s3;
	s6 =	simm.s32 @!p1 $0x1082;
	[sflag:s4] =	ssyncset.s32 $0xFFFFF086  }
0x25: {  	[simem:s6], [sflag:s4] =	dma.local [hbm:s3], $0xF7A  }
0x26: {  	[smem:$0x3F97] =	sst s1;
	(tag) =	ssettag s2;
	_ =	strace s9  }
0x27: {  	s1 =	sld [smem:$0x3FA7]  }
0x28: {  	s2 =	sld [smem:$0x3FA8]  }
0x29: {  	s4 =	sld [smem:$0x3FAA]  }
0x2a: {  	p0 =	seq.s32 s5, $0x0;
	s5 =	sld [smem:$0x3FAB]  }
0x2b: {  	s6 =	sld [smem:$0x3FAC]  }
0x2c: {  	s7 =	sld [smem:$0x3FAD]  }
0x2d: {  	s3 =	simm.s32 $0x108;
	s8 =	sld [smem:$0x3FAE]  }
0x2e: {  	s3 =	simm.s32 @!p0 $0x1082;
	s9 =	sld [smem:$0x3FAF]  }
0x2f: {  	lr =	sadd.s32 s0, s3;
	s0 =	sld [smem:$0x3FA6]  }
0x30: {  	s3 =	sld [smem:$0x3FA9]  }
0x31: {  	[smem:$0x3FB2] =	sst s10  }
0x32: {  	s10 =	sld [smem:$0x3FB0];
	_ =	sdelay $0x3  }
0x33: {  	p0 =	seq.s32 s10, $0x1;
	s10 =	sld [smem:$0x3FB2];
	_ =	sdelay $0x3  }
0x34: {  	[smem:$0x3FB2] =	sst s10  }
0x35: {  	s10 =	sld [smem:$0x3FB1];
	_ =	sdelay $0x3  }
0x36: {  	p1 =	seq.s32 s10, $0x1;
	s10 =	sld [smem:$0x3FB2];
	_ =	sdelay $0x3  }
0x37: {  	[smem:$0x3FB2] =	sst s10  }
0x38: {  	s10 =	sld [smem:$0x3FB3]  }
0x39: {  	_ = 	snop;
	(pc) =	sbr.ind lr, $3  }
0x3a: {  	_ = 	snop  }
0x3b: {  	_ = 	snop  }
0x3c: {  	p2 =	seq.s32 s10, $0x1;
	s10 =	sld [smem:$0x3FB2]  }
0x3d: {  	_ =	shalt  }
0x3e: {  	_ =	shalt  }
0x3f: {  	_ =	shalt  }
0x40: {  	_ =	shalt  }
0x41: {  	_ =	shalt  }
0x42: {  	_ =	shalt  }
0x43: {  	_ =	shalt  }
0x44: {  	_ =	shalt  }
0x45: {  	_ =	shalt  }
0x46: {  	_ =	shalt  }
0x47: {  	_ =	shalt  }
0x48: {  	_ =	shalt  }
0x49: {  	_ =	shalt  }
0x4a: {  	_ =	shalt  }
0x4b: {  	_ =	shalt  }
0x4c: {  	_ =	shalt  }
0x4d: {  	_ =	shalt  }
0x4e: {  	_ =	shalt  }
0x4f: {  	_ =	shalt  }
0x50: {  	_ =	shalt  }
0x51: {  	_ =	shalt  }
0x52: {  	_ =	shalt  }
0x53: {  	_ =	shalt  }
0x54: {  	_ =	shalt  }
0x55: {  	_ =	shalt  }
0x56: {  	_ =	shalt  }
0x57: {  	_ =	shalt  }
0x58: {  	_ =	shalt  }
0x59: {  	_ =	shalt  }
0x5a: {  	_ =	shalt  }
0x5b: {  	_ =	shalt  }
0x5c: {  	_ =	shalt  }
0x5d: {  	_ =	shalt  }
0x5e: {  	_ =	shalt  }
0x5f: {  	_ =	shalt  }
0x60: {  	_ =	shalt  }
0x61: {  	_ =	shalt  }
0x62: {  	_ =	shalt  }
0x63: {  	_ =	shalt  }
0x64: {  	_ =	shalt  }
0x65: {  	_ =	shalt  }
0x66: {  	_ =	shalt  }
0x67: {  	_ =	shalt  }
0x68: {  	_ =	shalt  }
0x69: {  	_ =	shalt  }
0x6a: {  	_ =	shalt  }
0x6b: {  	_ =	shalt  }
0x6c: {  	_ =	shalt  }
0x6d: {  	_ =	shalt  }
0x6e: {  	_ =	shalt  }
0x6f: {  	_ =	shalt  }
0x70: {  	_ =	shalt  }
0x71: {  	_ =	shalt  }
0x72: {  	_ =	shalt  }
0x73: {  	_ =	shalt  }
0x74: {  	_ =	shalt  }
0x75: {  	_ =	shalt  }
0x76: {  	_ =	shalt  }
0x77: {  	_ =	shalt  }
0x78: {  	_ =	shalt  }
0x79: {  	_ =	shalt  }
0x7a: {  	_ =	shalt  }
0x7b: {  	_ =	shalt  }
0x7c: {  	_ =	shalt  }
0x7d: {  	_ =	shalt  }
0x7e: {  	_ =	shalt  }
0x7f: {  	_ =	shalt  }
0x80: {  	_ =	shalt  }
0x81: {  	_ =	shalt  }
0x82: {  	_ =	shalt  }
0x83: {  	_ =	shalt  }
0x84: {  	_ =	shalt  }
0x85: {  	_ =	shalt  }
0x86: {  	_ =	shalt  }
0x87: {  	_ =	shalt  }
.Lfunc_end0:
.L_simem_size_0:
called_computation_lowered:
.L_overlay_start_0:
0x88: {  	s2 =	sld [smem:$0x3FD9]  }
0x89: {  	s3 =	sld [smem:$0x3FFE];
	_ =	sdelay $0x1  }
0x8a: {  	s1 =	srdreg.scid  }
0x8b: {  	s0 =	sand.u32 $0x1, s1  }
0x8c: {  	s17 =	sshll.u32 s0, $0xA;
	s2 =	sadd.s32 s3, s2  }
0x8d: {  	s2 =	sadd.s32 s2, s17  }
0x8e: {  	[smem:$0x3FBE] =	sst s2  }
0x8f: {  	_ = 	snop  }
0x90: {  	s2 =	sld [smem:$0x3FC0];
	(tm) =	ssettm $0x1  }
0x91: {  	s18 =	sld [smem:$0x3FFB];
	_ =	sdelay $0x3  }
0x92: {  	_ =	strace s18  }
0x93: {  	s3 =	sld [smem:$0x3FFC];
	_ =	sdelay $0x3  }
0x94: {  	_ =	strace s3  }
0x95: {  	s3 =	sld [smem:$0x3FFD];
	_ =	sdelay $0x3  }
0x96: {  	_ =	strace s3  }
0x97: {  	_ =	strace $0x8FFFFFFF  }
0x98: {  	s19 =	sld [smem:$0x3FDB];
	_ =	sdelay $0x1  }
0x99: {  	s4 =	simm.s32 $_scs_section_size  }
0x9a: {  	s5 =	simm.s32 $_size__tile_overlayer_lowered;
	s6 =	simm.s32 $_tile_overlayer_lowered  }
0x9b: {  	s22 =	simm.s32 $0x1BFF;
	s21 =	sshll.u32 s6, $0x1;
	s3 =	sadd.s32 s4, s19  }
0x9c: {  	s7 =	simm.s32 $0x0;
	s20 =	sshll.u32 s5, $0x1;
	s5 =	sadd.s32 s21, s3  }
0x9d: {  	[timem:s7], [sflag:s22] =	dma.local [hbm:s5], s20  }
0x9e: {  	_ =	swait.ge [sflag:s22], s20  }
0x9f: {  	s4 =	ssub.s32 $0x0, s20;
	[sflag:s22] =	ssyncset.done $0x0  }
0xa0: {  	[sflag:s22] =	ssyncadd.s32 s4;
	_ =	sdelay $0x1  }
0xa1: {  	s23 =	simm.s32 $0x1B8B  }
0xa2: {  	_ =	swait.ge [sflag:s23], $0x1  }
0xa3: {  	[sflag:s23] =	ssyncset.done $0x0  }
0xa4: {  	s25 =	simm.s32 $0x1B8E;
	s24 =	sld [smem:$0x3FFE];
	[sflag:s23] =	ssyncadd.s32 $0xFFFFFFFF  }
0xa5: {  	s26 =	simm.s32 $execute0_lowered;
	[smem:$0x3FD2] =	sst s25  }
0xa6: {  	s5 =	sshll.u32 s26, $0x1;
	_ =	strace $0x80000046;
	[dreg:$0x1] =	wrdreg $0xFFFFFFFF  }
0xa7: {  	s28 =	simm.s32 $_size_execute0_lowered;
	s3 =	sadd.s32 s3, s5;
	[dreg:$0x0] =	wrdreg $0x0  }
0xa8: {  	s5 =	sshll.u32 s28, $0x1;
	[dreg:$0x2] =	wrdreg s3  }
0xa9: {  	[dreg:$0x3] =	wrdreg s5  }
0xaa: {  	[dreg:$0x4] =	wrdreg $0xC0  }
0xab: {  	_ =	task [dreg:s7], $0x5FFFF  }
0xac: {  	[dreg:$0x1] =	wrdreg $0xFFFFFFFF  }
0xad: {  	[dreg:$0x0] =	wrdreg $0x60  }
0xae: {  	[dreg:$0x2] =	wrdreg s24  }
0xaf: {  	[dreg:$0x3] =	wrdreg s2  }
0xb0: {  	[dreg:$0x4] =	wrdreg $0x9  }
0xb1: {  	_ =	task.clear_ibuf [dreg:s7], $0x5FFFF;
	_ =	strace $0x90000046  }
0xb2: {  	s29 =	simm.s32 $0x9;
	_ =	strace $0x80000048  }
0xb3: {  	_ =	swait.ge [sflag:s29], $0x1  }
0xb4: {  	[sflag:s29] =	ssyncadd.s32 $0xFFFFFFFF  }
0xb5: {  	_ =	strace $0x90000048  }
0xb6: {  	_ =	sfence  }
0xb7: {  	s30 =	sld [smem:$0x0];
	_ =	sdelay $0x2  }
0xb8: {  	s31 =	sshll.u32 s1, $0xD;
	s1 =	sshrl.u32 s1, $0x2  }
0xb9: {  	s3 =	sand.u32 $0x4000, s31;
	s1 =	sadd.s32 s1, s30  }
0xba: {  	s0 =	sor.u32 s3, s0;
	s1 =	sshll.u32 s1, $0x11  }
0xbb: {  	s0 =	sor.u32 s1, s0  }
0xbc: {  	s0 =	sadd.s32 $0x8F2B, s0  }
0xbd: {  	[sflag:s0] =	ssyncadd.remote.s32 $0x1  }
0xbe: {  	_ =	sfence.sel $0xFFFF  }
0xbf: {  	[dreg:$0x0] =	wrdreg $0xFFFFFFFF;
	(pc) =	sbr.abs _section_cstart, $3  }
0xc0: {  	[dreg:$0x1] =	wrdreg $0xFFFFFFFF  }
0xc1: {  	_ =	task.clear_ibuf [dreg:s7], $0x2FFFF;
	_ =	strace $0x9FFFFFFF  }
0xc2: {  	(tm) =	ssettm $0x7FFFFFFF  }
0xc3: {  	_ =	shalt  }
tec
execute0_lowered:
.L_overlay_start_1:
0x0: {  	(tag) =	ssettag $0x1  }
0x1: {  	v0 =	vimm.s32 $0xBA98FEDC;
	v1 =	vimm.s32 $0x32107654;
	v2 =	vimm.s32 $0x76543210  }
0x2: {  	v3 =	vimm.s32 $0xFEDCBA98;
	v4 =	vimm.s32 $0xDCFE98BA;
	v5 =	vimm.s32 $0xEFCDAB89  }
0x3: {  	s0 =	stileid.u32;
	v6 =	vimm.s32 $0x67452301;
	vm0 =	vmmov $0xff;
	vm1 =	vmmov $0x1  }
0x4: {  	s1 =	srdreg.scid;
	s8 =	rddreg [dreg:$0x0];
	vm2 =	vcmask $0x704;
	v0 =	vunpack.c.l.s4.s8 v0;
	v1 =	vunpack.c.l.s4.s8 v1  }
0x5: {  	s3 =	simm.s32 $0x0;
	vm3 =	vmmov $0x3;
	vm4 =	vmmov $0x7;
	vm5 =	vmmov $0xf;
	s13 =	simm.s32 $0x10400;
	s14 =	simm.s32 $0x10500  }
0x6: {  	vm6 =	vmmov $0x1f;
	s15 =	simm.s32 $0x10600;
	s16 =	simm.s32 $0x10700;
	s2 =	sshll.u32 s0, $0x1;
	v0 =	vunpack.c.0.s8.s32 v0;
	v1 =	vunpack.c.0.s8.s32 v1  }
0x7: {  	vm7 =	vmmov $0x3f;
	vm8 =	vmmov $0x7f;
	vm9 =	vmmov $0x1ff;
	s5 =	sand.u32 $0x1, s1;
	s6 =	sshrl.u32 s0, $0x1;
	s29 =	sand.u32 $0x2, s2  }
0x8: {  	s1 =	rddreg [dreg:$0x2];
	s4 =	smul.u32 $0x3E800, s6;
	s7 =	sor.u32 s5, s29;
	v0 =	vcombine.low v1, v0;
	v1 =	vunpack.c.l.s4.s8 v4;
	v4 =	vimm.s32 $0x54761032  }
0x9: {  	vm10 =	vmmov $0x3ff;
	vm11 =	vmmov $0x7ff;
	s17 =	simm.s32 $0x0;
	[smem:$0x7FF] =	sst s3;
	s9 =	smul.u32 $0xF800, s7;
	v4 =	vunpack.c.l.s4.s8 v4  }
0xa: {  	vm12 =	vmmov $0xfff;
	v3 =	vunpack.c.l.s4.s8 v3;
	v5 =	vunpack.c.l.s4.s8 v5;
	s2 =	rddreg [dreg:$0x1];
	_ =	strace $0x80000047;
	s5 =	ssub.s32 $0x2, s5  }
0xb: {  	v6 =	vunpack.c.l.s4.s8 v6;
	s10 =	sshll.u32 s7, $0x5;
	s11 =	sshrl.u32 s5, $0x1;
	s4 =	sadd.s32 s4, s9;
	v1 =	vunpack.c.0.s8.s32 v1;
	v4 =	vunpack.c.0.s8.s32 v4  }
0xc: {  	v2 =	vunpack.c.l.s4.s8 v2;
	v3 =	vunpack.c.0.s8.s32 v3;
	v5 =	vunpack.c.0.s8.s32 v5;
	s31 =	sshll.u32 s7, $0xA;
	s11 =	ssub.s32 s5, s11;
	s4 =	sshrl.u32 s4, $0x3  }
0xd: {  	v6 =	vunpack.c.0.s8.s32 v6;
	s30 =	sadd.s32 s4, s8;
	s4 =	sshll.u32 s6, $0x7;
	s6 =	sshll.u32 s6, $0xC;
	v1 =	vcombine.low v4, v1;
	v4 =	vlaneseq.u32  }
0xe: {  	vm13 =	vmmov $0x1fff;
	v2 =	vunpack.c.0.s8.s32 v2;
	s10 =	sor.u32 s4, s10;
	s12 =	sadd.s32 s6, s8;
	s5 =	sadd.s32 $0x2600, s30;
	v4 =	vand.u32 $0x7, v4  }
0xf: {  	v5 =	vcombine.low v6, v5;
	v3 =	vand.u32 $0xF, v3;
	s10 =	sadd.s32 s10, s8;
	s9 =	sadd.s32 s31, s12;
	s12 =	simm.s32 $0x10000;
	v4 =	vmul.u32 $0x80, v4  }
0x10: {  	vm14 =	vmmov $0x3fff;
	vm15 =	vmmov $0x7fff;
	v39 =	vcombine.low v3, v2;
	s6 =	sadd.s32 $0x48E00, s10;
	s7 =	sadd.s32 $0x49200, s10;
	s8 =	sadd.s32 $0x49600, s10  }
0x11: {  	v3 =	vand.u32 $0xF, v0;
	v5 =	vand.u32 $0xF, v5;
	s9 =	sadd.s32 $0x40E00, s9;
	s10 =	smax.u32 s11, $0x1;
	s11 =	simm.s32 $0x1;
	[tilespmem:$0x1FFF0] =	vst v4;
	v4 =	vand.u32 $0xF, v1  }
.LBB2_1:
0x12: {  	[tilespmem:s3], [sflag:$0x1] =	stream.linear.gather [hbm4b:s5+s3], $0x10000, $0x38;
	[tilespmem:$0x12700] =	vst v63  }
0x13: {  	_ =	swait.ge [sflag:s11], $0x10000  }
0x14: {  	[sflag:s11] =	ssyncset.done $0x0  }
0x15: {  	[sflag:s11] =	ssyncadd.s32 $0xFFFF0000  }
0x16: {  	[tilespmem:s12], [sflag:$0x1] =	stream.linear.gather [hbm4b:s2+s3], $0x400, $0x38;
	[tilespmem:$0x12700] =	vst v63  }
0x17: {  	_ =	swait.ge [sflag:s11], $0x400  }
0x18: {  	[sflag:s11] =	ssyncset.done $0x0  }
0x19: {  	[sflag:s11] =	ssyncadd.s32 $0xFFFFFC00  }
0x1a: {  	v0 =	vld [tilespmem:s4+$0x10000];
	_ =	sdelay $0x4  }
0x1b: {  	v2 =	vld [tilespmem:$0x1FFF0];
	v1 =	vbroadcast v0, $0x0  }
0x1c: {  	v6 =	vbroadcast v0, $0x1  }
0x1d: {  	v7 =	vshll.u32 v1, $0x3  }
0x1e: {  	v1 =	vand.u32 $0x7F, v1;
	v8 =	vshll.u32 v6, $0x3;
	v7 =	vand.u32 $0xFFFFFC00, v7  }
0x1f: {  	v6 =	vand.u32 $0x7F, v6;
	v8 =	vand.u32 $0xFFFFFC00, v8;
	v1 =	vor.u32 v1, v7  }
0x20: {  	v9 =	vbroadcast v0, $0x2;
	v6 =	vor.u32 v6, v8;
	v1 =	vor.u32 v2, v1  }
0x21: {  	v7 =	vbroadcast v0, $0x3;
	[tilespmem:$0x1FDF0] =	vst v1;
	v1 =	vor.u32 v2, v6  }
0x22: {  	[tilespmem:$0x1FE00] =	vst v1;
	v1 =	vshll.u32 v9, $0x3  }
0x23: {  	v6 =	vand.u32 $0x7F, v9;
	v27 =	vshll.u32 v7, $0x3;
	v1 =	vand.u32 $0xFFFFFC00, v1  }
0x24: {  	v7 =	vand.u32 $0x7F, v7;
	v8 =	vand.u32 $0xFFFFFC00, v27;
	v1 =	vor.u32 v6, v1  }
0x25: {  	v28 =	vbroadcast v0, $0x4;
	v6 =	vor.u32 v7, v8;
	v1 =	vor.u32 v2, v1  }
0x26: {  	v7 =	vbroadcast v0, $0x5;
	[tilespmem:$0x1FE10] =	vst v1;
	v1 =	vor.u32 v2, v6  }
0x27: {  	[tilespmem:$0x1FE20] =	vst v1;
	v1 =	vshll.u32 v28, $0x3  }
0x28: {  	v6 =	vand.u32 $0x7F, v28;
	v29 =	vshll.u32 v7, $0x3;
	v1 =	vand.u32 $0xFFFFFC00, v1  }
0x29: {  	v7 =	vand.u32 $0x7F, v7;
	v8 =	vand.u32 $0xFFFFFC00, v29;
	v1 =	vor.u32 v6, v1  }
0x2a: {  	v30 =	vbroadcast v0, $0x6;
	v6 =	vor.u32 v7, v8;
	v1 =	vor.u32 v2, v1  }
0x2b: {  	v7 =	vbroadcast v0, $0x7;
	[tilespmem:$0x1FE30] =	vst v1;
	v1 =	vor.u32 v2, v6  }
0x2c: {  	[tilespmem:$0x1FE40] =	vst v1;
	v1 =	vshll.u32 v30, $0x3  }
0x2d: {  	v6 =	vand.u32 $0x7F, v30;
	v31 =	vshll.u32 v7, $0x3;
	v1 =	vand.u32 $0xFFFFFC00, v1  }
0x2e: {  	v7 =	vand.u32 $0x7F, v7;
	v8 =	vand.u32 $0xFFFFFC00, v31;
	v1 =	vor.u32 v6, v1  }
0x2f: {  	v32 =	vbroadcast v0, $0x8;
	v6 =	vor.u32 v7, v8;
	v1 =	vor.u32 v2, v1  }
0x30: {  	v7 =	vbroadcast v0, $0x9;
	[tilespmem:$0x1FE50] =	vst v1;
	v1 =	vor.u32 v2, v6  }
0x31: {  	[tilespmem:$0x1FE60] =	vst v1;
	v1 =	vshll.u32 v32, $0x3  }
0x32: {  	v6 =	vand.u32 $0x7F, v32;
	v33 =	vshll.u32 v7, $0x3;
	v1 =	vand.u32 $0xFFFFFC00, v1  }
0x33: {  	v7 =	vand.u32 $0x7F, v7;
	v8 =	vand.u32 $0xFFFFFC00, v33;
	v1 =	vor.u32 v6, v1  }
0x34: {  	v34 =	vbroadcast v0, $0xA;
	v6 =	vor.u32 v7, v8;
	v1 =	vor.u32 v2, v1  }
0x35: {  	v7 =	vbroadcast v0, $0xB;
	[tilespmem:$0x1FE70] =	vst v1;
	v1 =	vor.u32 v2, v6  }
0x36: {  	v36 =	vbroadcast v0, $0xC;
	[tilespmem:$0x1FE80] =	vst v1;
	v1 =	vshll.u32 v34, $0x3  }
0x37: {  	v6 =	vand.u32 $0x7F, v34;
	v35 =	vshll.u32 v7, $0x3;
	v1 =	vand.u32 $0xFFFFFC00, v1  }
0x38: {  	v7 =	vand.u32 $0x7F, v7;
	v8 =	vand.u32 $0xFFFFFC00, v35;
	v1 =	vor.u32 v6, v1  }
0x39: {  	v6 =	vor.u32 v7, v8;
	v7 =	vbroadcast v0, $0xD;
	v1 =	vor.u32 v2, v1  }
0x3a: {  	v10 =	vbroadcast v0, $0xE;
	v0 =	vbroadcast v0, $0xF;
	[tilespmem:$0x1FE90] =	vst v1;
	v1 =	vor.u32 v2, v6;
	v6 =	vld [tilespmem:s4+$0x10010]  }
0x3b: {  	v37 =	vand.u32 $0x7F, v36;
	v38 =	vshll.u32 v7, $0x3  }
0x3c: {  	v7 =	vand.u32 $0x7F, v7;
	v40 =	vshll.u32 v0, $0x3;
	v0 =	vand.u32 $0x7F, v0  }
0x3d: {  	[tilespmem:$0x1FEA0] =	vst v1;
	v1 =	vshll.u32 v36, $0x3;
	v9 =	vand.u32 $0xFFFFFC00, v38;
	v8 =	vand.u32 $0xFFFFFC00, v40  }
0x3e: {  	v1 =	vand.u32 $0xFFFFFC00, v1;
	v7 =	vor.u32 v7, v9;
	v0 =	vor.u32 v0, v8  }
0x3f: {  	v1 =	vor.u32 v37, v1;
	v0 =	vor.u32 v2, v0;
	v41 =	vbroadcast v6, $0x0  }
0x40: {  	v1 =	vor.u32 v2, v1;
	v43 =	vbroadcast v6, $0x2;
	v45 =	vbroadcast v6, $0x4  }
0x41: {  	[tilespmem:$0x1FEB0] =	vst v1;
	v1 =	vor.u32 v2, v7;
	v47 =	vbroadcast v6, $0x6;
	v49 =	vbroadcast v6, $0x7  }
0x42: {  	v7 =	vand.u32 $0x7F, v10;
	v50 =	vbroadcast v6, $0x9;
	v52 =	vbroadcast v6, $0xA  }
0x43: {  	v55 =	vbroadcast v6, $0xB;
	v11 =	vbroadcast v6, $0xC;
	[tilespmem:$0x1FEC0] =	vst v1;
	v1 =	vshll.u32 v10, $0x3  }
0x44: {  	v13 =	vbroadcast v6, $0xD;
	v60 =	vbroadcast v6, $0xE;
	v1 =	vand.u32 $0xFFFFFC00, v1  }
0x45: {  	[tilespmem:$0x1FEE0] =	vst v0;
	v0 =	vshll.u32 v41, $0x3;
	v48 =	vand.u32 $0x7F, v47;
	v51 =	vshll.u32 v50, $0x3  }
0x46: {  	v54 =	vshll.u32 v52, $0x3;
	v10 =	vand.u32 $0x7F, v52;
	v56 =	vand.u32 $0x7F, v55  }
0x47: {  	v9 =	vshll.u32 v55, $0x3;
	v1 =	vor.u32 v7, v1;
	v7 =	vbroadcast v6, $0x1  }
0x48: {  	v12 =	vshll.u32 v11, $0x3;
	v57 =	vand.u32 $0x7F, v11;
	v1 =	vor.u32 v2, v1  }
0x49: {  	v0 =	vand.u32 $0xFFFFFC00, v0;
	[tilespmem:$0x1FED0] =	vst v1;
	v1 =	vand.u32 $0x7F, v41;
	v42 =	vshll.u32 v7, $0x3  }
0x4a: {  	v7 =	vand.u32 $0x7F, v7;
	v8 =	vand.u32 $0xFFFFFC00, v42;
	v0 =	vor.u32 v1, v0  }
0x4b: {  	v59 =	vshll.u32 v13, $0x3;
	v1 =	vor.u32 v7, v8;
	v0 =	vor.u32 v2, v0  }
0x4c: {  	v61 =	vshll.u32 v60, $0x3;
	v7 =	vbroadcast v6, $0x3;
	[tilespmem:$0x1FEF0] =	vst v0;
	v0 =	vor.u32 v2, v1  }
0x4d: {  	v53 =	vand.u32 $0xFFFFFC00, v51;
	v9 =	vand.u32 $0xFFFFFC00, v9;
	[tilespmem:$0x1FF00] =	vst v0;
	v0 =	vshll.u32 v43, $0x3  }
0x4e: {  	v1 =	vand.u32 $0x7F, v43;
	v44 =	vshll.u32 v7, $0x3;
	v0 =	vand.u32 $0xFFFFFC00, v0  }
0x4f: {  	v7 =	vand.u32 $0x7F, v7;
	v8 =	vand.u32 $0xFFFFFC00, v44;
	v0 =	vor.u32 v1, v0  }
0x50: {  	v1 =	vor.u32 v7, v8;
	v7 =	vbroadcast v6, $0x5;
	v0 =	vor.u32 v2, v0  }
0x51: {  	v58 =	vand.u32 $0xFFFFFC00, v12;
	[tilespmem:$0x1FF10] =	vst v0;
	v0 =	vor.u32 v2, v1;
	v1 =	vshll.u32 v45, $0x3  }
0x52: {  	v46 =	vshll.u32 v7, $0x3;
	[tilespmem:$0x1FF20] =	vst v0;
	v0 =	vand.u32 $0x7F, v45;
	v1 =	vand.u32 $0xFFFFFC00, v1  }
0x53: {  	v7 =	vand.u32 $0x7F, v7;
	v8 =	vand.u32 $0xFFFFFC00, v46;
	v0 =	vor.u32 v0, v1  }
0x54: {  	v1 =	vor.u32 v7, v8;
	v7 =	vshll.u32 v47, $0x3;
	v0 =	vor.u32 v2, v0  }
0x55: {  	v11 =	vand.u32 $0xFFFFFC00, v59;
	v7 =	vand.u32 $0xFFFFFC00, v7;
	[tilespmem:$0x1FF30] =	vst v0;
	v0 =	vor.u32 v2, v1  }
0x56: {  	v9 =	vor.u32 v56, v9;
	v8 =	vand.u32 $0xFFFFFC00, v54;
	[tilespmem:$0x1FF40] =	vst v0;
	v0 =	vor.u32 v48, v7  }
0x57: {  	v62 =	vor.u32 v2, v9;
	v8 =	vor.u32 v10, v8;
	v0 =	vor.u32 v2, v0  }
0x58: {  	v10 =	vor.u32 v57, v58;
	v1 =	vbroadcast v6, $0x8;
	[tilespmem:$0x1FF50] =	vst v0;
	v0 =	vshll.u32 v49, $0x3  }
0x59: {  	v6 =	vbroadcast v6, $0xF;
	v7 =	vand.u32 $0x7F, v49;
	v0 =	vand.u32 $0xFFFFFC00, v0  }
0x5a: {  	v0 =	vor.u32 v7, v0;
	v7 =	vand.u32 $0x7F, v1;
	v1 =	vshll.u32 v1, $0x3  }
0x5b: {  	[tilespmem:$0x1FFA0] =	vst v62;
	v8 =	vor.u32 v2, v8;
	v63 =	vor.u32 v2, v10;
	v1 =	vand.u32 $0xFFFFFC00, v1  }
0x5c: {  	[tilespmem:$0x1FF90] =	vst v8;
	v0 =	vor.u32 v2, v0;
	v1 =	vor.u32 v7, v1;
	v7 =	vand.u32 $0x7F, v50  }
0x5d: {  	[tilespmem:$0x1FF60] =	vst v0;
	v0 =	vand.u32 $0x7F, v13;
	v7 =	vor.u32 v7, v53;
	v1 =	vor.u32 v2, v1  }
0x5e: {  	v0 =	vor.u32 v0, v11;
	v11 =	vand.u32 $0xFFFFFC00, v61;
	[tilespmem:$0x1FF70] =	vst v1;
	v7 =	vor.u32 v2, v7  }
0x5f: {  	v1 =	vand.u32 $0x7F, v60;
	v0 =	vor.u32 v2, v0;
	[tilespmem:$0x1FF80] =	vst v7;
	v7 =	vshll.u32 v6, $0x3  }
0x60: {  	[tilespmem:$0x1FFB0] =	vst v63;
	v1 =	vor.u32 v1, v11;
	v6 =	vand.u32 $0x7F, v6;
	v7 =	vand.u32 $0xFFFFFC00, v7  }
0x61: {  	[tilespmem:$0x1FFC0] =	vst v0;
	v0 =	vor.u32 v2, v1;
	v6 =	vor.u32 v6, v7  }
0x62: {  	[tilespmem:$0x1FFD0] =	vst v0;
	v0 =	vor.u32 v2, v6  }
0x63: {  	s18 =	simm.s32 $0x0;
	[tilespmem:$0x1FFE0] =	vst v0  }
.LBB2_2:
0x64: {  	s19 =	sshll.u32 s18, $0xC  }
0x65: {  	s19 =	sand.u32 $0x3FFFF000, s19  }
0x66: {  	v38 =	vld [tilespmem:s19+$0x0]  }
0x67: {  	v0 =	vld [tilespmem:s19+$0x10]  }
0x68: {  	v1 =	vld [tilespmem:s19+$0x20]  }
0x69: {  	v6 =	vld [tilespmem:s19+$0x30]  }
0x6a: {  	v7 =	vld [tilespmem:s19+$0x40]  }
0x6b: {  	v10 =	vld [tilespmem:s19+$0x50]  }
0x6c: {  	v11 =	vld [tilespmem:s19+$0x60];
	v8 =	vmax.f32 v38, v0  }
0x6d: {  	v12 =	vld [tilespmem:s19+$0x70];
	v8 =	vmax.f32 v8, v1  }
0x6e: {  	v13 =	vld [tilespmem:s19+$0x400];
	v8 =	vmax.f32 v8, v6  }
0x6f: {  	v15 =	vld [tilespmem:s19+$0x410];
	v8 =	vmax.f32 v8, v7  }
0x70: {  	v16 =	vld [tilespmem:s19+$0x420];
	v8 =	vmax.f32 v8, v10  }
0x71: {  	v17 =	vld [tilespmem:s19+$0x430];
	v8 =	vmax.f32 v8, v11  }
0x72: {  	v18 =	vld [tilespmem:s19+$0x438];
	v8 =	vmax.f32 v8, v12  }
0x73: {  	v8 =	vmax.f32 v8, v13  }
0x74: {  	v8 =	vmax.f32 v8, v15  }
0x75: {  	v8 =	vmax.f32 v8, v16  }
0x76: {  	v8 =	vmax.f32 v8, v17  }
0x77: {  	v8 =	vmax.f32 v8, v18  }
0x78: {  	v9 =	vperm.xlane v8, v39;
	_ =	sdelay $0x1  }
0x79: {  	v8 =	vmax.f32 v8, v9  }
0x7a: {  	v9 =	vperm.xlane v8, v3  }
0x7b: {  	v40 =	vld [tilespmem:s19+$0x80]  }
0x7c: {  	v19 =	vld [tilespmem:s19+$0x90];
	v8 =	vmax.f32 v8, v9  }
0x7d: {  	v20 =	vld [tilespmem:s19+$0xA0];
	v9 =	vperm.xlane v8, v4  }
0x7e: {  	v24 =	vld [tilespmem:s19+$0xB0]  }
0x7f: {  	v25 =	vld [tilespmem:s19+$0xC0];
	v8 =	vmax.f32 v8, v9  }
0x80: {  	v26 =	vld [tilespmem:s19+$0xD0];
	v9 =	vperm.xlane v8, v5  }
0x81: {  	v27 =	vld [tilespmem:s19+$0xE0];
	v14 =	vmax.f32 v40, v19  }
0x82: {  	v28 =	vld [tilespmem:s19+$0xF0];
	v55 =	vmax.f32 v14, v20;
	v42 =	vmax.f32 v8, v9  }
0x83: {  	v29 =	vld [tilespmem:s19+$0x480];
	v8 =	vmax.f32 v55, v24;
	v9 =	vsub.f32 v38, v42  }
0x84: {  	v41 =	vld [tilespmem:s19+$0x490];
	v0 =	vsub.f32 v0, v42;
	v8 =	vmax.f32 v8, v25  }
0x85: {  	v45 =	vld [tilespmem:s19+$0x4A0];
	v8 =	vmax.f32 v8, v26;
	v9 =	vmul.f32 $1.442695020e+00, v9  }
0x86: {  	v1 =	vsub.f32 v1, v42;
	v0 =	vmul.f32 $1.442695020e+00, v0;
	v56 =	vmax.f32 v8, v27;
	v8 =	vld [tilespmem:s19+$0x4B0]  }
0x87: {  	v6 =	vsub.f32 v6, v42;
	v14 =	vmax.f32 v56, v28;
	(erf) = vpow2.f32 v9;
	v9 =	vld [tilespmem:s19+$0x4B8]  }
0x88: {  	(erf) = vpow2.f32 v0;
	v0 =	vmul.f32 $1.442695020e+00, v1;
	v1 =	vmax.f32 v14, v29  }
0x89: {  	v7 =	vsub.f32 v7, v42;
	v6 =	vmul.f32 $1.442695020e+00, v6;
	v1 =	vmax.f32 v1, v41  }
0x8a: {  	(erf) = vpow2.f32 v0;
	v0 =	vsub.f32 v10, v42;
	v1 =	vmax.f32 v1, v45  }
0x8b: {  	(erf) = vpow2.f32 v6;
	v6 =	vmul.f32 $1.442695020e+00, v7;
	v1 =	vmax.f32 v1, v8  }
0x8c: {  	v7 =	vsub.f32 v11, v42;
	v0 =	vmul.f32 $1.442695020e+00, v0;
	v1 =	vmax.f32 v1, v9  }
0x8d: {  	v43 =	vld [tilespmem:s19+$0x100];
	(erf) = vpow2.f32 v6;
	v6 =	vsub.f32 v12, v42;
	v57 =	vperm.xlane v1, v39  }
0x8e: {  	v22 =	vld [tilespmem:s19+$0x130];
	(erf) = vpow2.f32 v0;
	v0 =	vmul.f32 $1.442695020e+00, v7  }
0x8f: {  	v23 =	vld [tilespmem:s19+$0x140];
	v59 =	vsub.f32 v17, v42;
	v6 =	vmul.f32 $1.442695020e+00, v6;
	v1 =	vmax.f32 v1, v57  }
0x90: {  	v10 =	vld [tilespmem:s19+$0x110];
	v7 =	vsub.f32 v13, v42;
	(erf) = vpow2.f32 v0;
	v0 =	vperm.xlane v1, v3  }
0x91: {  	v62 =	vsub.f32 v18, v42;
	v61 =	vmul.f32 $1.442695020e+00, v59;
	v14 =	vld [tilespmem:s19+$0x120];
	(erf) = vpow2.f32 v6  }
0x92: {  	v21 =	vld [tilespmem:s19+$0x150];
	v6 =	vmul.f32 $1.442695020e+00, v7;
	v7 =	vsub.f32 v15, v42;
	v0 =	vmax.f32 v1, v0  }
0x93: {  	v2 =	vld [tilespmem:s19+$0x180];
	v58 =	vsub.f32 v16, v42;
	v63 =	vmul.f32 $1.442695020e+00, v62;
	v1 =	vperm.xlane v0, v4  }
0x94: {  	v18 =	vld [tilespmem:s19+$0x190];
	(erf) = vpow2.f32 v6;
	v6 =	vmul.f32 $1.442695020e+00, v7  }
0x95: {  	v11 =	vld [tilespmem:s19+$0x160];
	v32 =	vpop (erf);
	v7 =	vmul.f32 $1.442695020e+00, v58;
	v0 =	vmax.f32 v0, v1;
	v1 =	vmax.f32 v43, v10  }
0x96: {  	v34 =	vpop (erf);
	(erf) = vpow2.f32 v6;
	v6 =	vld [tilespmem:s19+$0x170];
	v60 =	vperm.xlane v0, v5;
	v1 =	vmax.f32 v1, v14  }
0x97: {  	v12 =	vld [tilespmem:s19+$0x500];
	v59 =	vadd.f32 v34, v32;
	(erf) = vpow2.f32 v7;
	v1 =	vmax.f32 v1, v22  }
0x98: {  	v7 =	vld [tilespmem:s19+$0x510];
	(erf) = vpow2.f32 v61;
	v46 =	vmax.f32 v0, v60;
	v0 =	vmax.f32 v1, v23  }
0x99: {  	v34 =	vmax.f32 v2, v18;
	(erf) = vpow2.f32 v63;
	v1 =	vmax.f32 v0, v21;
	v0 =	vld [tilespmem:s19+$0x520]  }
0x9a: {  	v13 =	vsub.f32 v40, v46;
	v30 =	vsub.f32 v19, v46;
	v31 =	vmax.f32 v1, v11;
	v1 =	vld [tilespmem:s19+$0x530]  }
0x9b: {  	v44 =	vld [tilespmem:s19+$0x538];
	v33 =	vsub.f32 v20, v46;
	v50 =	vsub.f32 v24, v46;
	v17 =	vmax.f32 v31, v6  }
0x9c: {  	v51 =	vsub.f32 v25, v46;
	v52 =	vsub.f32 v26, v46;
	v36 =	vmax.f32 v17, v12  }
0x9d: {  	v53 =	vsub.f32 v27, v46;
	v57 =	vsub.f32 v28, v46;
	v16 =	vmax.f32 v36, v7  }
0x9e: {  	v61 =	vsub.f32 v41, v46;
	v13 =	vmul.f32 $1.442695020e+00, v13;
	v16 =	vmax.f32 v16, v0  }
0x9f: {  	v35 =	vmul.f32 $1.442695020e+00, v30;
	v47 =	vmul.f32 $1.442695020e+00, v33;
	v16 =	vmax.f32 v16, v1  }
0xa0: {  	v15 =	vmul.f32 $1.442695020e+00, v50;
	v55 =	vmul.f32 $1.442695020e+00, v52;
	v16 =	vmax.f32 v16, v44  }
0xa1: {  	v60 =	vsub.f32 v29, v46;
	v56 =	vmul.f32 $1.442695020e+00, v53;
	v54 =	vperm.xlane v16, v39  }
0xa2: {  	v37 =	vpop (erf);
	v62 =	vsub.f32 v45, v46;
	v31 =	vmul.f32 $1.442695020e+00, v61;
	(erf) = vpow2.f32 v13  }
0xa3: {  	v49 =	vpop (erf);
	v13 =	vmul.f32 $1.442695020e+00, v51;
	(erf) = vpow2.f32 v35;
	v16 =	vmax.f32 v16, v54  }
0xa4: {  	v24 =	vpop (erf);
	v25 =	vadd.f32 v59, v37;
	(erf) = vpow2.f32 v47;
	v58 =	vperm.xlane v16, v3  }
0xa5: {  	v8 =	vsub.f32 v8, v46;
	v27 =	vpop (erf);
	v32 =	vmul.f32 $1.442695020e+00, v62;
	(erf) = vpow2.f32 v15  }
0xa6: {  	v20 =	vld [tilespmem:s19+$0x1A0];
	v48 =	vpop (erf);
	v15 =	vmul.f32 $1.442695020e+00, v57;
	(erf) = vpow2.f32 v13;
	v16 =	vmax.f32 v16, v58  }
0xa7: {  	v9 =	vsub.f32 v9, v46;
	v17 =	vld [tilespmem:s19+$0x1B0];
	v47 =	vpop (erf);
	(erf) = vpow2.f32 v55;
	v63 =	vperm.xlane v16, v4  }
0xa8: {  	v19 =	vld [tilespmem:s19+$0x1C0];
	v25 =	vadd.f32 v25, v49;
	v51 =	vpop (erf);
	v13 =	vmul.f32 $1.442695020e+00, v60;
	(erf) = vpow2.f32 v56  }
0xa9: {  	v36 =	vmul.f32 $1.442695020e+00, v8;
	v53 =	vpop (erf);
	(erf) = vpow2.f32 v15;
	v15 =	vld [tilespmem:s19+$0x1D0];
	v33 =	vmax.f32 v16, v63  }
0xaa: {  	v24 =	vadd.f32 v25, v24;
	v52 =	vpop (erf);
	(erf) = vpow2.f32 v13;
	v16 =	vld [tilespmem:s19+$0x1E0];
	v28 =	vperm.xlane v33, v5  }
0xab: {  	v35 =	vmax.f32 v34, v20;
	v57 =	vmul.f32 $1.442695020e+00, v9;
	v50 =	vpop (erf);
	v13 =	vld [tilespmem:s19+$0x1F0];
	(erf) = vpow2.f32 v31  }
0xac: {  	v45 =	vld [tilespmem:s19+$0x580];
	v41 =	vmax.f32 v35, v17;
	v55 =	vpop (erf);
	(erf) = vpow2.f32 v32;
	v49 =	vmax.f32 v33, v28  }
0xad: {  	v8 =	vld [tilespmem:s19+$0x590];
	v58 =	vmax.f32 v41, v19;
	v30 =	vpop (erf);
	(erf) = vpow2.f32 v36;
	v10 =	vsub.f32 v10, v49  }
0xae: {  	v9 =	vld [tilespmem:s19+$0x5A0];
	v60 =	vmax.f32 v58, v15;
	(erf) = vpow2.f32 v57;
	v37 =	vsub.f32 v43, v49  }
0xaf: {  	v62 =	vsub.f32 v14, v49;
	v29 =	vmax.f32 v60, v16;
	v61 =	vmul.f32 $1.442695020e+00, v10;
	v10 =	vld [tilespmem:s19+$0x5B0]  }
0xb0: {  	v14 =	vld [tilespmem:s19+$0x5B8];
	v22 =	vsub.f32 v22, v49;
	v59 =	vmul.f32 $1.442695020e+00, v37;
	v29 =	vmax.f32 v29, v13  }
0xb1: {  	v31 =	vpop (erf);
	v23 =	vsub.f32 v23, v49;
	v21 =	vsub.f32 v21, v49;
	v63 =	vmax.f32 v29, v45  }
0xb2: {  	v32 =	vpop (erf);
	v28 =	vmul.f32 $1.442695020e+00, v62;
	(erf) = vpow2.f32 v59;
	v26 =	vmax.f32 v63, v8  }
0xb3: {  	v22 =	vmul.f32 $1.442695020e+00, v22;
	(erf) = vpow2.f32 v61;
	v26 =	vmax.f32 v26, v9  }
0xb4: {  	v23 =	vmul.f32 $1.442695020e+00, v23;
	v29 =	vpop (erf);
	(erf) = vpow2.f32 v28;
	v26 =	vmax.f32 v26, v10  }
0xb5: {  	v21 =	vmul.f32 $1.442695020e+00, v21;
	v58 =	vpop (erf);
	(erf) = vpow2.f32 v22;
	v33 =	vmax.f32 v26, v14  }
0xb6: {  	v41 =	vld [tilespmem:s19+$0x200];
	v30 =	vadd.f32 v31, v30;
	v57 =	vpop (erf);
	(erf) = vpow2.f32 v23;
	v34 =	vperm.xlane v33, v39  }
0xb7: {  	v11 =	vsub.f32 v11, v49;
	v6 =	vsub.f32 v6, v49;
	v56 =	vpop (erf);
	(erf) = vpow2.f32 v21;
	v21 =	vld [tilespmem:s19+$0x210]  }
0xb8: {  	v12 =	vsub.f32 v12, v49;
	v7 =	vsub.f32 v7, v49;
	v23 =	vld [tilespmem:s19+$0x220];
	v22 =	vmax.f32 v33, v34  }
0xb9: {  	v0 =	vsub.f32 v0, v49;
	v11 =	vmul.f32 $1.442695020e+00, v11;
	v28 =	vld [tilespmem:s19+$0x230];
	v36 =	vperm.xlane v22, v3  }
0xba: {  	v35 =	vmul.f32 $1.442695020e+00, v6;
	v6 =	vadd.f32 v24, v27;
	v37 =	vmul.f32 $1.442695020e+00, v12;
	v24 =	vld [tilespmem:s19+$0x240];
	v60 =	vpop (erf)  }
0xbb: {  	v7 =	vmul.f32 $1.442695020e+00, v7;
	v61 =	vpop (erf);
	(erf) = vpow2.f32 v11;
	v54 =	vmax.f32 v22, v36;
	v22 =	vld [tilespmem:s19+$0x250]  }
0xbc: {  	v26 =	vld [tilespmem:s19+$0x260];
	v59 =	vpop (erf);
	(erf) = vpow2.f32 v35;
	v34 =	vmax.f32 v41, v21;
	v33 =	vperm.xlane v54, v4  }
0xbd: {  	v1 =	vsub.f32 v1, v49;
	v27 =	vld [tilespmem:s19+$0x270];
	(erf) = vpow2.f32 v37;
	v25 =	vmax.f32 v34, v23  }
0xbe: {  	v62 =	vpop (erf);
	(erf) = vpow2.f32 v7;
	v35 =	vmax.f32 v25, v28;
	v25 =	vld [tilespmem:s19+$0x600];
	v11 =	vmax.f32 v54, v33  }
0xbf: {  	v34 =	vmul.f32 $1.442695020e+00, v1;
	v12 =	vmax.f32 v35, v24;
	v33 =	vld [tilespmem:s19+$0x610];
	v7 =	vperm.xlane v11, v5  }
0xc0: {  	v36 =	vsub.f32 v44, v49;
	v54 =	vmul.f32 $1.442695020e+00, v0;
	v35 =	vld [tilespmem:s19+$0x620];
	v1 =	vmax.f32 v12, v22  }
0xc1: {  	v30 =	vadd.f32 v30, v32;
	v0 =	vpop (erf);
	v44 =	vmax.f32 v11, v7;
	v7 =	vmax.f32 v1, v26;
	v1 =	vld [tilespmem:s19+$0x630]  }
0xc2: {  	v63 =	vpop (erf);
	(erf) = vpow2.f32 v54;
	v54 =	vld [tilespmem:s19+$0x638];
	v12 =	vmul.f32 $1.442695020e+00, v36;
	v7 =	vmax.f32 v7, v27  }
0xc3: {  	(erf) = vpow2.f32 v34;
	v34 =	vpop (erf);
	v11 =	vsub.f32 v2, v44;
	v7 =	vmax.f32 v7, v25  }
0xc4: {  	v18 =	vsub.f32 v18, v44;
	v36 =	vpop (erf);
	(erf) = vpow2.f32 v12;
	v7 =	vmax.f32 v7, v33  }
0xc5: {  	v12 =	vsub.f32 v20, v44;
	v11 =	vmul.f32 $1.442695020e+00, v11;
	v7 =	vmax.f32 v7, v35  }
0xc6: {  	v17 =	vsub.f32 v17, v44;
	v37 =	vmul.f32 $1.442695020e+00, v18;
	v7 =	vmax.f32 v7, v1  }
0xc7: {  	v12 =	vmul.f32 $1.442695020e+00, v12;
	(erf) = vpow2.f32 v11;
	v7 =	vmax.f32 v7, v54  }
0xc8: {  	v29 =	vadd.f32 v30, v29;
	v18 =	vpop (erf);
	(erf) = vpow2.f32 v37;
	v37 =	vperm.xlane v7, v39  }
0xc9: {  	v15 =	vsub.f32 v15, v44;
	v11 =	vsub.f32 v19, v44  }
0xca: {  	v31 =	vmul.f32 $1.442695020e+00, v17;
	v20 =	vpop (erf);
	(erf) = vpow2.f32 v12;
	v7 =	vmax.f32 v7, v37  }
0xcb: {  	v13 =	vsub.f32 v13, v44;
	v17 =	vpop (erf);
	v11 =	vmul.f32 $1.442695020e+00, v11;
	v37 =	vperm.xlane v7, v3  }
0xcc: {  	v8 =	vsub.f32 v8, v44;
	v12 =	vsub.f32 v16, v44;
	v19 =	vpop (erf);
	(erf) = vpow2.f32 v31  }
0xcd: {  	v32 =	vmul.f32 $1.442695020e+00, v15;
	(erf) = vpow2.f32 v11;
	v15 =	vpop (erf);
	v7 =	vmax.f32 v7, v37  }
0xce: {  	v12 =	vmul.f32 $1.442695020e+00, v12;
	v11 =	vsub.f32 v45, v44;
	v16 =	vpop (erf);
	v37 =	vperm.xlane v7, v4  }
0xcf: {  	v10 =	vsub.f32 v10, v44;
	v45 =	vmul.f32 $1.442695020e+00, v13;
	(erf) = vpow2.f32 v32;
	v30 =	vpop (erf)  }
0xd0: {  	(erf) = vpow2.f32 v12;
	v11 =	vmul.f32 $1.442695020e+00, v11;
	v13 =	vpop (erf);
	v7 =	vmax.f32 v7, v37  }
0xd1: {  	(erf) = vpow2.f32 v45;
	v31 =	vpop (erf);
	v37 =	vsub.f32 v9, v44;
	v45 =	vperm.xlane v7, v5  }
0xd2: {  	v6 =	vadd.f32 v6, v48;
	v14 =	vsub.f32 v14, v44;
	v8 =	vmul.f32 $1.442695020e+00, v8;
	v12 =	vpop (erf)  }
0xd3: {  	(erf) = vpow2.f32 v11;
	v9 =	vpop (erf);
	v37 =	vmul.f32 $1.442695020e+00, v37;
	v45 =	vmax.f32 v7, v45  }
0xd4: {  	v32 =	vpop (erf);
	(erf) = vpow2.f32 v8;
	v7 =	vmul.f32 $1.442695020e+00, v10;
	v8 =	vsub.f32 v41, v45  }
0xd5: {  	v11 =	vmul.f32 $1.442695020e+00, v14;
	v10 =	vpop (erf);
	(erf) = vpow2.f32 v37;
	v37 =	vsub.f32 v21, v45  }
0xd6: {  	v21 =	vpop (erf);
	(erf) = vpow2.f32 v7;
	v7 =	vmul.f32 $1.442695020e+00, v8;
	v8 =	vsub.f32 v23, v45  }
0xd7: {  	v23 =	vpop (erf);
	(erf) = vpow2.f32 v11;
	v11 =	vmul.f32 $1.442695020e+00, v37;
	v37 =	vsub.f32 v28, v45  }
0xd8: {  	v28 =	vpop (erf);
	(erf) = vpow2.f32 v7;
	v7 =	vmul.f32 $1.442695020e+00, v8;
	v8 =	vsub.f32 v24, v45  }
0xd9: {  	v24 =	vpop (erf);
	(erf) = vpow2.f32 v11;
	v11 =	vmul.f32 $1.442695020e+00, v37;
	v37 =	vsub.f32 v22, v45  }
0xda: {  	v22 =	vpop (erf);
	(erf) = vpow2.f32 v7;
	v7 =	vmul.f32 $1.442695020e+00, v8;
	v8 =	vsub.f32 v26, v45  }
0xdb: {  	v26 =	vpop (erf);
	(erf) = vpow2.f32 v11;
	v11 =	vmul.f32 $1.442695020e+00, v37;
	v37 =	vsub.f32 v27, v45  }
0xdc: {  	v27 =	vpop (erf);
	(erf) = vpow2.f32 v7;
	v7 =	vmul.f32 $1.442695020e+00, v8;
	v8 =	vsub.f32 v25, v45  }
0xdd: {  	v25 =	vpop (erf);
	(erf) = vpow2.f32 v11;
	v11 =	vmul.f32 $1.442695020e+00, v37;
	v37 =	vsub.f32 v33, v45  }
0xde: {  	v33 =	vpop (erf);
	(erf) = vpow2.f32 v7;
	v7 =	vmul.f32 $1.442695020e+00, v8;
	v8 =	vsub.f32 v35, v45  }
0xdf: {  	v48 =	vadd.f32 v29, v58;
	v35 =	vpop (erf);
	(erf) = vpow2.f32 v11;
	v37 =	vmul.f32 $1.442695020e+00, v37  }
0xe0: {  	v29 =	vpop (erf);
	(erf) = vpow2.f32 v7;
	v7 =	vmul.f32 $1.442695020e+00, v8  }
0xe1: {  	v6 =	vadd.f32 v6, v47;
	v58 =	vadd.f32 v48, v57;
	v47 =	vpop (erf);
	(erf) = vpow2.f32 v37  }
0xe2: {  	v14 =	vpop (erf);
	(erf) = vpow2.f32 v7;
	v7 =	vadd.f32 v36, v34  }
0xe3: {  	v6 =	vadd.f32 v6, v51;
	v8 =	vadd.f32 v58, v56  }
0xe4: {  	v7 =	vadd.f32 v7, v18  }
0xe5: {  	v6 =	vadd.f32 v6, v53;
	v8 =	vadd.f32 v8, v60  }
0xe6: {  	v7 =	vadd.f32 v7, v20  }
0xe7: {  	v6 =	vadd.f32 v6, v52;
	v8 =	vadd.f32 v8, v61  }
0xe8: {  	v1 =	vsub.f32 v1, v45;
	v34 =	vpop (erf);
	v7 =	vadd.f32 v7, v17  }
0xe9: {  	v6 =	vadd.f32 v6, v50;
	v36 =	vpop (erf);
	v60 =	vadd.f32 v8, v59  }
0xea: {  	v1 =	vmul.f32 $1.442695020e+00, v1;
	v61 =	vsel vm0, $0x0, v55;
	v18 =	vpop (erf);
	v19 =	vadd.f32 v7, v19  }
0xeb: {  	v6 =	vadd.f32 v6, v61;
	v51 =	vpop (erf);
	v11 =	vadd.f32 v60, v62  }
0xec: {  	v48 =	vld [tilespmem:s19+$0x280];
	v10 =	vadd.f32 v10, v32;
	v20 =	vpop (erf);
	(erf) = vpow2.f32 v1;
	v1 =	vadd.f32 v19, v15  }
0xed: {  	v32 =	vperm.xlane v6, v39;
	v0 =	vadd.f32 v11, v0;
	v19 =	vld [tilespmem:s19+$0x290]  }
0xee: {  	v10 =	vadd.f32 v10, v21;
	v21 =	vld [tilespmem:s19+$0x2A0];
	v37 =	vsel vm0, $0x0, v63;
	v1 =	vadd.f32 v1, v16  }
0xef: {  	v6 =	vadd.f32 v6, v32;
	v32 =	vld [tilespmem:s19+$0x2B0];
	v0 =	vadd.f32 v0, v37  }
0xf0: {  	v10 =	vadd.f32 v10, v23;
	v23 =	vld [tilespmem:s19+$0x2C0];
	v1 =	vadd.f32 v1, v30  }
0xf1: {  	v42 =	vsel vm1, v42, v46;
	v53 =	vperm.xlane v0, v39;
	v30 =	vld [tilespmem:s19+$0x2D0]  }
0xf2: {  	v10 =	vadd.f32 v10, v28;
	v28 =	vld [tilespmem:s19+$0x2E0];
	v55 =	vmax.f32 v48, v19;
	v1 =	vadd.f32 v1, v13  }
0xf3: {  	v9 =	vsel vm0, $0x0, v9;
	v15 =	vld [tilespmem:s19+$0x2F0];
	v56 =	vadd.f32 v0, v53;
	v0 =	vmax.f32 v55, v21  }
0xf4: {  	v10 =	vadd.f32 v10, v24;
	v11 =	vld [tilespmem:s19+$0x680];
	v0 =	vmax.f32 v0, v32;
	v1 =	vadd.f32 v1, v31  }
0xf5: {  	v50 =	vperm.xlane v6, v3;
	v58 =	vperm.xlane v56, v3;
	v13 =	vld [tilespmem:s19+$0x690];
	v0 =	vmax.f32 v0, v23  }
0xf6: {  	v10 =	vadd.f32 v10, v22;
	v12 =	vadd.f32 v1, v12;
	v1 =	vmax.f32 v0, v30;
	v0 =	vld [tilespmem:s19+$0x6A0]  }
0xf7: {  	v6 =	vadd.f32 v6, v50;
	v16 =	vadd.f32 v56, v58;
	v59 =	vmax.f32 v1, v28;
	v1 =	vld [tilespmem:s19+$0x6B0]  }
0xf8: {  	v14 =	vadd.f32 v14, v47;
	v60 =	vadd.f32 v10, v26;
	v10 =	vld [tilespmem:s19+$0x6B8];
	v22 =	vmax.f32 v59, v15  }
0xf9: {  	v57 =	vperm.xlane v6, v4;
	v61 =	vperm.xlane v16, v4;
	v22 =	vmax.f32 v22, v11  }
0xfa: {  	v9 =	vadd.f32 v12, v9;
	v12 =	vadd.f32 v60, v27;
	v22 =	vmax.f32 v22, v13  }
0xfb: {  	v14 =	vadd.f32 v14, v34;
	v6 =	vadd.f32 v6, v57;
	v22 =	vmax.f32 v22, v0  }
0xfc: {  	v16 =	vadd.f32 v16, v61;
	v12 =	vadd.f32 v12, v25;
	v22 =	vmax.f32 v22, v1  }
0xfd: {  	v63 =	vperm.xlane v6, v5;
	v62 =	vperm.xlane v9, v39;
	v22 =	vmax.f32 v22, v10  }
0xfe: {  	v24 =	vperm.xlane v16, v5;
	v12 =	vadd.f32 v12, v33;
	v33 =	vperm.xlane v22, v39  }
0xff: {  	v14 =	vadd.f32 v14, v36;
	v53 =	vbroadcast v40, $0x0;
	v9 =	vadd.f32 v9, v62  }
0x100: {  	v6 =	vadd.f32 v6, v63;
	v16 =	vadd.f32 v16, v24;
	v22 =	vmax.f32 v22, v33  }
0x101: {  	v31 =	vperm.xlane v9, v3;
	v12 =	vadd.f32 v12, v35;
	v37 =	vperm.xlane v22, v3  }
0x102: {  	v35 =	vsel vm0, $0x0, v29;
	v29 =	vsel vm1, v6, v16;
	v6 =	vadd.f32 v14, v18  }
0x103: {  	v47 =	vld [tilespmem:s19+$0x300];
	v59 =	vsub.f32 v54, v45;
	v9 =	vadd.f32 v9, v31;
	v22 =	vmax.f32 v22, v37  }
0x104: {  	v25 =	vld [tilespmem:s19+$0x310];
	v12 =	vadd.f32 v12, v35;
	v6 =	vadd.f32 v6, v51;
	v56 =	vperm.xlane v22, v4  }
0x105: {  	v40 =	vsel vm3, v42, v49;
	v61 =	vmul.f32 $1.442695020e+00, v59;
	v50 =	vperm.xlane v9, v4  }
0x106: {  	v55 =	vperm.xlane v12, v39;
	v6 =	vadd.f32 v6, v20;
	v58 =	vmax.f32 v22, v56  }
0x107: {  	v52 =	vpop (erf);
	v24 =	vsel vm2, v53, v38;
	v9 =	vadd.f32 v9, v50;
	v22 =	vperm.xlane v58, v5  }
0x108: {  	v26 =	vld [tilespmem:s19+$0x320];
	(erf) = vpow2.f32 v61;
	v12 =	vadd.f32 v12, v55;
	v6 =	vadd.f32 v6, v52  }
0x109: {  	v17 =	vpop (erf);
	v34 =	vmax.f32 v47, v25;
	v57 =	vperm.xlane v9, v5;
	v42 =	vmax.f32 v58, v22  }
0x10a: {  	v18 =	vld [tilespmem:s19+$0x330];
	v60 =	vperm.xlane v12, v3;
	v17 =	vadd.f32 v6, v17;
	v62 =	vsub.f32 v48, v42  }
0x10b: {  	v8 =	vpop (erf);
	v31 =	vld [tilespmem:s19+$0x340];
	v20 =	vbroadcast v43, $0x0;
	v27 =	vadd.f32 v9, v57;
	v63 =	vsub.f32 v19, v42  }
0x10c: {  	v16 =	vld [tilespmem:s19+$0x350];
	v17 =	vadd.f32 v17, v8;
	v22 =	vadd.f32 v12, v60;
	v9 =	vmul.f32 $1.442695020e+00, v62  }
0x10d: {  	v14 =	vld [tilespmem:s19+$0x360];
	v33 =	vsub.f32 v21, v42;
	v21 =	vmax.f32 v34, v26;
	v6 =	vmul.f32 $1.442695020e+00, v63  }
0x10e: {  	v7 =	vpop (erf);
	v12 =	vld [tilespmem:s19+$0x370];
	v32 =	vsub.f32 v32, v42;
	v23 =	vsub.f32 v23, v42;
	(erf) = vpow2.f32 v9  }
0x10f: {  	v7 =	vadd.f32 v17, v7;
	v21 =	vmax.f32 v21, v18;
	v9 =	vld [tilespmem:s19+$0x700];
	(erf) = vpow2.f32 v6  }
0x110: {  	v51 =	vsub.f32 v30, v42;
	v19 =	vmul.f32 $1.442695020e+00, v33;
	v21 =	vmax.f32 v21, v31;
	v6 =	vld [tilespmem:s19+$0x710]  }
0x111: {  	v8 =	vld [tilespmem:s19+$0x720];
	v53 =	vsub.f32 v28, v42;
	v15 =	vsub.f32 v15, v42;
	v35 =	vmax.f32 v21, v16  }
0x112: {  	v49 =	vld [tilespmem:s19+$0x730];
	v59 =	vsub.f32 v11, v42;
	(erf) = vpow2.f32 v19;
	v19 =	vmax.f32 v35, v14  }
0x113: {  	v43 =	vld [tilespmem:s19+$0x738];
	v13 =	vsub.f32 v13, v42;
	v36 =	vmul.f32 $1.442695020e+00, v32;
	v38 =	vmax.f32 v19, v12  }
0x114: {  	v11 =	vsel vm3, v29, v27;
	v0 =	vsub.f32 v0, v42;
	v17 =	vmax.f32 v38, v9  }
0x115: {  	v46 =	vpop (erf);
	v50 =	vmul.f32 $1.442695020e+00, v23;
	(erf) = vpow2.f32 v36;
	v17 =	vmax.f32 v17, v6  }
0x116: {  	v52 =	vpop (erf);
	v1 =	vsub.f32 v1, v42;
	v37 =	vperm.xlane v22, v4;
	v17 =	vmax.f32 v17, v8  }
0x117: {  	v19 =	vmul.f32 $1.442695020e+00, v51;
	(erf) = vpow2.f32 v50;
	v17 =	vmax.f32 v17, v49;
	v54 =	vpop (erf)  }
0x118: {  	v7 =	vadd.f32 v7, v46;
	v21 =	vmul.f32 $1.442695020e+00, v53;
	v17 =	vmax.f32 v17, v43;
	v55 =	vpop (erf)  }
0x119: {  	v23 =	vsel vm0, $0x0, v52;
	v56 =	vperm.xlane v17, v39;
	(erf) = vpow2.f32 v19  }
0x11a: {  	v15 =	vmul.f32 $1.442695020e+00, v15;
	v63 =	vmul.f32 $1.442695020e+00, v59;
	v7 =	vadd.f32 v7, v23  }
0x11b: {  	v23 =	vadd.f32 v55, v54;
	(erf) = vpow2.f32 v21;
	v17 =	vmax.f32 v17, v56  }
0x11c: {  	v10 =	vsub.f32 v10, v42;
	v13 =	vmul.f32 $1.442695020e+00, v13;
	v58 =	vpop (erf);
	v61 =	vperm.xlane v17, v3  }
0x11d: {  	v0 =	vmul.f32 $1.442695020e+00, v0;
	v60 =	vadd.f32 v23, v58;
	(erf) = vpow2.f32 v15  }
0x11e: {  	v33 =	vadd.f32 v22, v37;
	v57 =	vperm.xlane v7, v39;
	v62 =	vpop (erf);
	v17 =	vmax.f32 v17, v61  }
0x11f: {  	(erf) = vpow2.f32 v63;
	v19 =	vadd.f32 v60, v62;
	v28 =	vperm.xlane v17, v4  }
0x120: {  	v1 =	vmul.f32 $1.442695020e+00, v1;
	v51 =	vperm.xlane v33, v5;
	v7 =	vadd.f32 v7, v57;
	v27 =	vpop (erf)  }
0x121: {  	(erf) = vpow2.f32 v13;
	v19 =	vadd.f32 v19, v27;
	v29 =	vmax.f32 v17, v28  }
0x122: {  	v37 =	vperm.xlane v7, v3;
	v35 =	vperm.xlane v29, v5;
	v34 =	vpop (erf)  }
0x123: {  	(erf) = vpow2.f32 v0;
	v0 =	vmul.f32 $1.442695020e+00, v10;
	v17 =	vadd.f32 v19, v34  }
0x124: {  	v22 =	vadd.f32 v7, v37;
	(erf) = vpow2.f32 v1;
	v36 =	vpop (erf);
	v46 =	vmax.f32 v29, v35  }
0x125: {  	(erf) = vpow2.f32 v0;
	v0 =	vsub.f32 v47, v46;
	v1 =	vadd.f32 v17, v36  }
0x126: {  	v55 =	vperm.xlane v22, v4;
	v21 =	vld [tilespmem:s19+$0x390];
	v19 =	vsel vm3, v24, v20;
	v38 =	vpop (erf);
	v50 =	vsub.f32 v25, v46  }
0x127: {  	v29 =	vld [tilespmem:s19+$0x380];
	v20 =	vadd.f32 v33, v51;
	v0 =	vmul.f32 $1.442695020e+00, v0;
	v1 =	vadd.f32 v1, v38  }
0x128: {  	v23 =	vld [tilespmem:s19+$0x3A0];
	v53 =	vsub.f32 v26, v46;
	v56 =	vsub.f32 v31, v46;
	v7 =	vpop (erf);
	v52 =	vmul.f32 $1.442695020e+00, v50  }
0x129: {  	v17 =	vld [tilespmem:s19+$0x3B0];
	(erf) = vpow2.f32 v0;
	v0 =	vsub.f32 v18, v46;
	v1 =	vadd.f32 v1, v7  }
0x12a: {  	v16 =	vsub.f32 v16, v46;
	v54 =	vmul.f32 $1.442695020e+00, v53;
	v18 =	vld [tilespmem:s19+$0x3C0];
	v7 =	vpop (erf);
	(erf) = vpow2.f32 v52  }
0x12b: {  	v15 =	vld [tilespmem:s19+$0x3D0];
	v14 =	vsub.f32 v14, v46;
	v0 =	vmul.f32 $1.442695020e+00, v0;
	v1 =	vadd.f32 v1, v7  }
0x12c: {  	v13 =	vld [tilespmem:s19+$0x3E0];
	v12 =	vsub.f32 v12, v46;
	v57 =	vmax.f32 v29, v21;
	(erf) = vpow2.f32 v54;
	v7 =	vpop (erf)  }
0x12d: {  	v51 =	vld [tilespmem:s19+$0x3F0];
	(erf) = vpow2.f32 v0;
	v0 =	vmax.f32 v57, v23;
	v1 =	vadd.f32 v1, v7  }
0x12e: {  	v10 =	vld [tilespmem:s19+$0x780];
	v9 =	vsub.f32 v9, v46;
	v59 =	vmul.f32 $1.442695020e+00, v56;
	v7 =	vpop (erf);
	v0 =	vmax.f32 v0, v17  }
0x12f: {  	v6 =	vsub.f32 v6, v46;
	v0 =	vmax.f32 v0, v18;
	v60 =	vadd.f32 v1, v7;
	v7 =	vld [tilespmem:s19+$0x790]  }
0x130: {  	v16 =	vmul.f32 $1.442695020e+00, v16;
	(erf) = vpow2.f32 v59;
	v0 =	vmax.f32 v0, v15;
	v1 =	vld [tilespmem:s19+$0x7A0]  }
0x131: {  	v8 =	vsub.f32 v8, v46;
	v50 =	vld [tilespmem:s19+$0x7B0];
	v14 =	vmul.f32 $1.442695020e+00, v14;
	v58 =	vpop (erf);
	v0 =	vmax.f32 v0, v13  }
0x132: {  	v12 =	vmul.f32 $1.442695020e+00, v12;
	(erf) = vpow2.f32 v16;
	v61 =	vpop (erf);
	v62 =	vmax.f32 v0, v51;
	v0 =	vld [tilespmem:s19+$0x7B8]  }
0x133: {  	v9 =	vmul.f32 $1.442695020e+00, v9;
	v6 =	vmul.f32 $1.442695020e+00, v6;
	v63 =	vpop (erf);
	v16 =	vmax.f32 v62, v10  }
0x134: {  	(erf) = vpow2.f32 v14;
	v26 =	vadd.f32 v63, v61;
	v16 =	vmax.f32 v16, v7  }
0x135: {  	v8 =	vmul.f32 $1.442695020e+00, v8;
	v25 =	vsel vm0, $0x0, v58;
	v32 =	vpop (erf);
	v33 =	vmax.f32 v16, v1  }
0x136: {  	(erf) = vpow2.f32 v12;
	v34 =	vadd.f32 v26, v32;
	v35 =	vmax.f32 v33, v50  }
0x137: {  	v38 =	vsel vm4, v40, v44;
	v25 =	vadd.f32 v60, v25;
	v36 =	vpop (erf);
	v12 =	vmax.f32 v35, v0  }
0x138: {  	(erf) = vpow2.f32 v9;
	v14 =	vadd.f32 v34, v36;
	v37 =	vperm.xlane v12, v39  }
0x139: {  	(erf) = vpow2.f32 v6;
	v6 =	vsub.f32 v49, v46;
	v27 =	vperm.xlane v25, v39;
	v40 =	vpop (erf)  }
0x13a: {  	v53 =	vsub.f32 v43, v46;
	v44 =	vadd.f32 v14, v40;
	v12 =	vmax.f32 v12, v37  }
0x13b: {  	v6 =	vmul.f32 $1.442695020e+00, v6;
	v25 =	vadd.f32 v25, v27;
	v52 =	vpop (erf);
	v16 =	vperm.xlane v12, v3  }
0x13c: {  	v54 =	vadd.f32 v22, v55;
	(erf) = vpow2.f32 v8;
	v9 =	vadd.f32 v44, v52  }
0x13d: {  	(erf) = vpow2.f32 v6;
	v55 =	vperm.xlane v25, v3;
	v56 =	vpop (erf);
	v12 =	vmax.f32 v12, v16  }
0x13e: {  	v6 =	vmul.f32 $1.442695020e+00, v53;
	v9 =	vadd.f32 v9, v56;
	v57 =	vperm.xlane v12, v4  }
0x13f: {  	v58 =	vperm.xlane v54, v5;
	v59 =	vpop (erf);
	v16 =	vadd.f32 v25, v55  }
0x140: {  	(erf) = vpow2.f32 v6;
	v9 =	vadd.f32 v9, v59;
	v12 =	vmax.f32 v12, v57  }
0x141: {  	v62 =	vpop (erf);
	v61 =	vperm.xlane v16, v4;
	v6 =	vperm.xlane v12, v5  }
0x142: {  	v11 =	vsel vm4, v11, v20;
	v20 =	vsel vm5, v38, v45;
	v9 =	vadd.f32 v9, v62  }
0x143: {  	v8 =	vadd.f32 v54, v58;
	v25 =	vpop (erf);
	v63 =	vadd.f32 v16, v61;
	v40 =	vmax.f32 v12, v6  }
0x144: {  	v60 =	vbroadcast v2, $0x0;
	v9 =	vadd.f32 v9, v25;
	v27 =	vsub.f32 v29, v40  }
0x145: {  	v8 =	vsel vm5, v11, v8;
	v28 =	vsub.f32 v21, v40;
	v34 =	vsub.f32 v23, v40  }
0x146: {  	v44 =	vld [tilespmem:s19+$0x800];
	v6 =	vsel vm4, v19, v60;
	v17 =	vsub.f32 v17, v40;
	v18 =	vsub.f32 v18, v40  }
0x147: {  	v32 =	vperm.xlane v63, v5;
	v21 =	vld [tilespmem:s19+$0x810];
	v15 =	vsub.f32 v15, v40;
	v13 =	vsub.f32 v13, v40  }
0x148: {  	[tilespmem:$0x1FDE0] =	vst v29;
	v19 =	vld [tilespmem:s19+$0x820];
	v29 =	vbroadcast v41, $0x0;
	v57 =	vsub.f32 v51, v40;
	v10 =	vsub.f32 v10, v40  }
0x149: {  	v30 =	vpop (erf);
	v16 =	vld [tilespmem:s19+$0x830];
	v7 =	vsub.f32 v7, v40;
	v1 =	vsub.f32 v1, v40;
	v31 =	vmul.f32 $1.442695020e+00, v27  }
0x14a: {  	v14 =	vld [tilespmem:s19+$0x840];
	v9 =	vadd.f32 v9, v30;
	v33 =	vmul.f32 $1.442695020e+00, v28;
	v36 =	vmul.f32 $1.442695020e+00, v34  }
0x14b: {  	v12 =	vld [tilespmem:s19+$0x850];
	v26 =	vsel vm5, v6, v29;
	v17 =	vmul.f32 $1.442695020e+00, v17;
	(erf) = vpow2.f32 v31  }
0x14c: {  	v53 =	vld [tilespmem:s19+$0x860];
	v6 =	vpop (erf);
	v15 =	vmul.f32 $1.442695020e+00, v15;
	(erf) = vpow2.f32 v33;
	v37 =	vmax.f32 v44, v21  }
0x14d: {  	v11 =	vld [tilespmem:s19+$0x870];
	v13 =	vmul.f32 $1.442695020e+00, v13;
	v6 =	vadd.f32 v9, v6;
	v35 =	vpop (erf);
	v38 =	vmax.f32 v37, v19  }
0x14e: {  	v52 =	vld [tilespmem:s19+$0xC00];
	v9 =	vsel vm0, $0x0, v35;
	(erf) = vpow2.f32 v36;
	v41 =	vmax.f32 v38, v16  }
0x14f: {  	v49 =	vld [tilespmem:s19+$0xC10];
	v43 =	vadd.f32 v6, v9;
	v6 =	vmul.f32 $1.442695020e+00, v18;
	v45 =	vmax.f32 v41, v14  }
0x150: {  	v61 =	vmul.f32 $1.442695020e+00, v57;
	v9 =	vld [tilespmem:s19+$0xC20];
	(erf) = vpow2.f32 v17;
	v54 =	vmax.f32 v45, v12  }
0x151: {  	v10 =	vmul.f32 $1.442695020e+00, v10;
	(erf) = vpow2.f32 v6;
	v45 =	vld [tilespmem:s19+$0xC30];
	v6 =	vmax.f32 v54, v53  }
0x152: {  	v7 =	vmul.f32 $1.442695020e+00, v7;
	(erf) = vpow2.f32 v15;
	v17 =	vmax.f32 v6, v11;
	v6 =	vld [tilespmem:s19+$0xC38]  }
0x153: {  	v1 =	vmul.f32 $1.442695020e+00, v1;
	(erf) = vpow2.f32 v13;
	v17 =	vmax.f32 v17, v52  }
0x154: {  	v35 =	vsub.f32 v50, v40;
	(erf) = vpow2.f32 v61;
	v56 =	vpop (erf);
	v59 =	vmax.f32 v17, v49  }
0x155: {  	v55 =	vperm.xlane v43, v39;
	(erf) = vpow2.f32 v10;
	v58 =	vpop (erf);
	v15 =	vmax.f32 v59, v9  }
0x156: {  	(erf) = vpow2.f32 v7;
	v60 =	vadd.f32 v58, v56;
	v62 =	vmax.f32 v15, v45  }
0x157: {  	v18 =	vadd.f32 v43, v55;
	(erf) = vpow2.f32 v1;
	v28 =	vpop (erf);
	v13 =	vmax.f32 v62, v6  }
0x158: {  	v1 =	vsub.f32 v0, v40;
	v17 =	vadd.f32 v60, v28;
	v29 =	vperm.xlane v13, v39  }
0x159: {  	v23 =	vadd.f32 v63, v32;
	v38 =	vmul.f32 $1.442695020e+00, v35;
	v63 =	vperm.xlane v18, v3;
	v30 =	vpop (erf)  }
0x15a: {  	v41 =	vld [tilespmem:s19+$0x880];
	v1 =	vmul.f32 $1.442695020e+00, v1;
	v15 =	vadd.f32 v17, v30;
	v31 =	vmax.f32 v13, v29  }
0x15b: {  	(erf) = vpow2.f32 v38;
	v32 =	vpop (erf);
	v17 =	vld [tilespmem:s19+$0x890];
	v33 =	vperm.xlane v31, v3  }
0x15c: {  	v27 =	vld [tilespmem:s19+$0x8A0];
	(erf) = vpow2.f32 v1;
	v13 =	vadd.f32 v15, v32  }
0x15d: {  	v18 =	vadd.f32 v18, v63;
	v0 =	vld [tilespmem:s19+$0x8B0];
	v36 =	vpop (erf);
	v7 =	vmax.f32 v31, v33  }
0x15e: {  	v20 =	vsel vm6, v20, v42;
	v15 =	vld [tilespmem:s19+$0x8C0];
	v37 =	vadd.f32 v13, v36;
	v42 =	vperm.xlane v7, v4  }
0x15f: {  	v2 =	vsel vm7, v20, v46;
	v34 =	vbroadcast v48, $0x0;
	v43 =	vperm.xlane v18, v4;
	v54 =	vpop (erf)  }
0x160: {  	v55 =	vpop (erf);
	v13 =	vld [tilespmem:s19+$0x8D0];
	v1 =	vmax.f32 v41, v17;
	v10 =	vadd.f32 v37, v54;
	v7 =	vmax.f32 v7, v42  }
0x161: {  	v23 =	vsel vm6, v8, v23;
	v58 =	vpop (erf);
	v1 =	vmax.f32 v1, v27;
	v56 =	vperm.xlane v7, v5  }
0x162: {  	v18 =	vadd.f32 v18, v43;
	v60 =	vpop (erf);
	v59 =	vmax.f32 v1, v0;
	v57 =	vadd.f32 v10, v55  }
0x163: {  	v51 =	vsel vm6, v26, v34;
	v61 =	vpop (erf);
	v10 =	vld [tilespmem:s19+$0x8E0];
	v24 =	vmax.f32 v59, v15;
	v43 =	vmax.f32 v7, v56  }
0x164: {  	v8 =	vld [tilespmem:s19+$0x8F0];
	v63 =	vpop (erf);
	v7 =	vperm.xlane v18, v5;
	v25 =	vsub.f32 v44, v43;
	v22 =	vadd.f32 v57, v58  }
0x165: {  	v1 =	vld [tilespmem:s19+$0xC80];
	v28 =	vpop (erf);
	v24 =	vmax.f32 v24, v13;
	v21 =	vsub.f32 v21, v43;
	v19 =	vsub.f32 v19, v43  }
0x166: {  	v30 =	vsel vm0, $0x0, v28;
	v16 =	vsub.f32 v16, v43;
	v18 =	vadd.f32 v18, v7;
	v7 =	vld [tilespmem:s19+$0xC90]  }
0x167: {  	v48 =	vld [tilespmem:s19+$0xCA0];
	v14 =	vsub.f32 v14, v43;
	v12 =	vsub.f32 v12, v43;
	v25 =	vmul.f32 $1.442695020e+00, v25  }
0x168: {  	v56 =	vld [tilespmem:s19+$0xCB0];
	v33 =	vsub.f32 v53, v43;
	v21 =	vmul.f32 $1.442695020e+00, v21;
	v24 =	vmax.f32 v24, v10  }
0x169: {  	v57 =	vld [tilespmem:s19+$0xCB8];
	v11 =	vsub.f32 v11, v43;
	(erf) = vpow2.f32 v25;
	v62 =	vmax.f32 v24, v8  }
0x16a: {  	v42 =	vsub.f32 v52, v43;
	(erf) = vpow2.f32 v21;
	v21 =	vmax.f32 v62, v1  }
0x16b: {  	v52 =	vsub.f32 v49, v43;
	v19 =	vmul.f32 $1.442695020e+00, v19;
	v21 =	vmax.f32 v21, v7  }
0x16c: {  	v22 =	vadd.f32 v22, v60;
	v16 =	vmul.f32 $1.442695020e+00, v16;
	v29 =	vmax.f32 v21, v48  }
0x16d: {  	v14 =	vmul.f32 $1.442695020e+00, v14;
	(erf) = vpow2.f32 v19;
	v19 =	vmax.f32 v29, v56  }
0x16e: {  	v12 =	vmul.f32 $1.442695020e+00, v12;
	v22 =	vadd.f32 v22, v61;
	v31 =	vmax.f32 v19, v57  }
0x16f: {  	v9 =	vsub.f32 v9, v43;
	v37 =	vmul.f32 $1.442695020e+00, v33;
	v19 =	vperm.xlane v31, v39  }
0x170: {  	v11 =	vmul.f32 $1.442695020e+00, v11;
	v54 =	vmul.f32 $1.442695020e+00, v52;
	v26 =	vadd.f32 v22, v63  }
0x171: {  	v58 =	vmul.f32 $1.442695020e+00, v9;
	(erf) = vpow2.f32 v16;
	v35 =	vmax.f32 v31, v19  }
0x172: {  	v20 =	vadd.f32 v26, v30;
	(erf) = vpow2.f32 v14;
	v38 =	vperm.xlane v35, v3  }
0x173: {  	v6 =	vsub.f32 v6, v43;
	(erf) = vpow2.f32 v12;
	v12 =	vmul.f32 $1.442695020e+00, v42  }
0x174: {  	v42 =	vld [tilespmem:s19+$0x900];
	v32 =	vperm.xlane v20, v39;
	(erf) = vpow2.f32 v37;
	v14 =	vmax.f32 v35, v38  }
0x175: {  	v60 =	vsub.f32 v45, v43;
	(erf) = vpow2.f32 v11;
	v11 =	vld [tilespmem:s19+$0x910];
	v53 =	vperm.xlane v14, v4  }
0x176: {  	v6 =	vmul.f32 $1.442695020e+00, v6;
	v52 =	vbroadcast v47, $0x0;
	v46 =	vsel vm7, v23, v18;
	v21 =	vld [tilespmem:s19+$0x920];
	v34 =	vpop (erf)  }
0x177: {  	v61 =	vmul.f32 $1.442695020e+00, v60;
	v18 =	vadd.f32 v20, v32;
	v36 =	vpop (erf);
	v14 =	vmax.f32 v14, v53  }
0x178: {  	v16 =	vadd.f32 v36, v34;
	v50 =	vpop (erf);
	(erf) = vpow2.f32 v12;
	v12 =	vld [tilespmem:s19+$0x930];
	v59 =	vperm.xlane v14, v5  }
0x179: {  	v9 =	vld [tilespmem:s19+$0x940];
	v47 =	vperm.xlane v18, v3;
	(erf) = vpow2.f32 v54  }
0x17a: {  	v63 =	vmax.f32 v42, v11;
	v16 =	vadd.f32 v16, v50;
	v45 =	vmax.f32 v14, v59;
	v59 =	vld [tilespmem:s19+$0x950]  }
0x17b: {  	v55 =	vpop (erf);
	(erf) = vpow2.f32 v58;
	v58 =	vld [tilespmem:s19+$0x960];
	v20 =	vmax.f32 v63, v21;
	v62 =	vsub.f32 v41, v45  }
0x17c: {  	(erf) = vpow2.f32 v61;
	v16 =	vadd.f32 v16, v55;
	v55 =	vld [tilespmem:s19+$0x970];
	v17 =	vsub.f32 v17, v45  }
0x17d: {  	v26 =	vpop (erf);
	v53 =	vld [tilespmem:s19+$0xD00];
	(erf) = vpow2.f32 v6;
	v24 =	vmax.f32 v20, v12;
	v23 =	vmul.f32 $1.442695020e+00, v62  }
0x17e: {  	v54 =	vld [tilespmem:s19+$0xD10];
	v25 =	vmax.f32 v24, v9;
	v16 =	vadd.f32 v16, v26;
	v6 =	vmul.f32 $1.442695020e+00, v17  }
0x17f: {  	v49 =	vld [tilespmem:s19+$0xD20];
	v27 =	vsub.f32 v27, v45;
	(erf) = vpow2.f32 v23;
	v17 =	vmax.f32 v25, v59  }
0x180: {  	v50 =	vld [tilespmem:s19+$0xD30];
	v29 =	vsub.f32 v0, v45;
	(erf) = vpow2.f32 v6;
	v6 =	vmax.f32 v17, v58  }
0x181: {  	v0 =	vld [tilespmem:s19+$0xD38];
	v15 =	vsub.f32 v15, v45;
	v13 =	vsub.f32 v13, v45;
	v6 =	vmax.f32 v6, v55  }
0x182: {  	v28 =	vpop (erf);
	v10 =	vsub.f32 v10, v45;
	v14 =	vmul.f32 $1.442695020e+00, v27;
	v6 =	vmax.f32 v6, v53  }
0x183: {  	v30 =	vpop (erf);
	v8 =	vsub.f32 v8, v45;
	v1 =	vsub.f32 v1, v45;
	v6 =	vmax.f32 v6, v54  }
0x184: {  	v31 =	vpop (erf);
	v32 =	vmul.f32 $1.442695020e+00, v29;
	(erf) = vpow2.f32 v14;
	v6 =	vmax.f32 v6, v49  }
0x185: {  	v16 =	vadd.f32 v16, v28;
	v33 =	vpop (erf);
	v15 =	vmul.f32 $1.442695020e+00, v15;
	v6 =	vmax.f32 v6, v50  }
0x186: {  	v13 =	vmul.f32 $1.442695020e+00, v13;
	v34 =	vpop (erf);
	(erf) = vpow2.f32 v32;
	v6 =	vmax.f32 v6, v0  }
0x187: {  	v62 =	vmul.f32 $1.442695020e+00, v10;
	v16 =	vadd.f32 v16, v30;
	v36 =	vpop (erf);
	v38 =	vperm.xlane v6, v39  }
0x188: {  	v7 =	vsub.f32 v7, v45;
	v8 =	vmul.f32 $1.442695020e+00, v8;
	v37 =	vpop (erf);
	(erf) = vpow2.f32 v15  }
0x189: {  	v1 =	vmul.f32 $1.442695020e+00, v1;
	v35 =	vadd.f32 v16, v31;
	v60 =	vpop (erf);
	v6 =	vmax.f32 v6, v38  }
0x18a: {  	v10 =	vadd.f32 v18, v47;
	v61 =	vpop (erf);
	(erf) = vpow2.f32 v13;
	v20 =	vperm.xlane v6, v3  }
0x18b: {  	v7 =	vmul.f32 $1.442695020e+00, v7;
	v29 =	vsub.f32 v57, v45;
	v14 =	vadd.f32 v35, v33;
	v63 =	vpop (erf)  }
0x18c: {  	(erf) = vpow2.f32 v62;
	v18 =	vadd.f32 v63, v61;
	v6 =	vmax.f32 v6, v20  }
0x18d: {  	v17 =	vperm.xlane v10, v4;
	v14 =	vadd.f32 v14, v34;
	v22 =	vpop (erf);
	v23 =	vperm.xlane v6, v4  }
0x18e: {  	v33 =	vsel vm0, $0x0, v60;
	(erf) = vpow2.f32 v8;
	v13 =	vadd.f32 v18, v22  }
0x18f: {  	v14 =	vadd.f32 v14, v36;
	v24 =	vpop (erf);
	(erf) = vpow2.f32 v1;
	v6 =	vmax.f32 v6, v23  }
0x190: {  	v1 =	vsub.f32 v48, v45;
	v25 =	vadd.f32 v13, v24;
	v27 =	vperm.xlane v6, v5  }
0x191: {  	v31 =	vadd.f32 v14, v37;
	v26 =	vpop (erf);
	(erf) = vpow2.f32 v7;
	v7 =	vsub.f32 v56, v45  }
0x192: {  	v47 =	vld [tilespmem:s19+$0x980];
	v1 =	vmul.f32 $1.442695020e+00, v1;
	v8 =	vadd.f32 v25, v26;
	v48 =	vmax.f32 v6, v27  }
0x193: {  	v15 =	vld [tilespmem:s19+$0x990];
	v7 =	vmul.f32 $1.442695020e+00, v7;
	v13 =	vadd.f32 v31, v33;
	v28 =	vpop (erf);
	v30 =	vsub.f32 v42, v48  }
0x194: {  	(erf) = vpow2.f32 v1;
	v1 =	vmul.f32 $1.442695020e+00, v29;
	v6 =	vadd.f32 v8, v28  }
0x195: {  	v16 =	vld [tilespmem:s19+$0x9A0];
	(erf) = vpow2.f32 v7;
	v32 =	vpop (erf);
	v11 =	vsub.f32 v11, v48;
	v7 =	vmul.f32 $1.442695020e+00, v30  }
0x196: {  	v36 =	vperm.xlane v13, v39;
	(erf) = vpow2.f32 v1;
	v6 =	vadd.f32 v6, v32  }
0x197: {  	v18 =	vld [tilespmem:s19+$0x9B0];
	v34 =	vpop (erf);
	v1 =	vmul.f32 $1.442695020e+00, v11;
	(erf) = vpow2.f32 v7;
	v7 =	vsub.f32 v21, v48  }
0x198: {  	v37 =	vmax.f32 v47, v15;
	v13 =	vadd.f32 v13, v36;
	v11 =	vld [tilespmem:s19+$0x9C0];
	v6 =	vadd.f32 v6, v34  }
0x199: {  	v12 =	vsub.f32 v12, v48;
	v35 =	vpop (erf);
	(erf) = vpow2.f32 v1;
	v1 =	vld [tilespmem:s19+$0x9D0];
	v7 =	vmul.f32 $1.442695020e+00, v7  }
0x19a: {  	v14 =	vld [tilespmem:s19+$0x9E0];
	v8 =	vmax.f32 v37, v16;
	v56 =	vsub.f32 v9, v48;
	v6 =	vadd.f32 v6, v35  }
0x19b: {  	v57 =	vld [tilespmem:s19+$0x9F0];
	v28 =	vsub.f32 v59, v48;
	v38 =	vpop (erf);
	(erf) = vpow2.f32 v7;
	v7 =	vmul.f32 $1.442695020e+00, v12  }
0x19c: {  	v60 =	vmax.f32 v8, v18;
	v8 =	vld [tilespmem:s19+$0xD80];
	v33 =	vsub.f32 v58, v48;
	v6 =	vadd.f32 v6, v38  }
0x19d: {  	v9 =	vld [tilespmem:s19+$0xD90];
	v36 =	vsub.f32 v55, v48;
	v61 =	vpop (erf);
	(erf) = vpow2.f32 v7;
	v7 =	vmax.f32 v60, v11  }
0x19e: {  	v53 =	vsub.f32 v53, v48;
	v19 =	vadd.f32 v6, v61;
	v6 =	vld [tilespmem:s19+$0xDA0];
	v7 =	vmax.f32 v7, v1  }
0x19f: {  	v0 =	vsub.f32 v0, v48;
	v12 =	vmul.f32 $1.442695020e+00, v56;
	v29 =	vmax.f32 v7, v14;
	v7 =	vld [tilespmem:s19+$0xDB0]  }
0x1a0: {  	v59 =	vsub.f32 v54, v48;
	v23 =	vmul.f32 $1.442695020e+00, v28;
	v56 =	vld [tilespmem:s19+$0xDB8];
	v31 =	vmax.f32 v29, v57  }
0x1a1: {  	v0 =	vmul.f32 $1.442695020e+00, v0;
	(erf) = vpow2.f32 v12;
	v12 =	vmax.f32 v31, v8  }
0x1a2: {  	v34 =	vmul.f32 $1.442695020e+00, v33;
	v21 =	vperm.xlane v13, v3;
	v62 =	vpop (erf);
	v12 =	vmax.f32 v12, v9  }
0x1a3: {  	v63 =	vpop (erf);
	v38 =	vmul.f32 $1.442695020e+00, v36;
	v19 =	vadd.f32 v19, v62;
	v12 =	vmax.f32 v12, v6  }
0x1a4: {  	v22 =	vsel vm0, $0x0, v63;
	(erf) = vpow2.f32 v23;
	v30 =	vpop (erf);
	v12 =	vmax.f32 v12, v7  }
0x1a5: {  	v60 =	vmul.f32 $1.442695020e+00, v53;
	v19 =	vadd.f32 v19, v22;
	v32 =	vpop (erf);
	v12 =	vmax.f32 v12, v56  }
0x1a6: {  	(erf) = vpow2.f32 v34;
	v20 =	vadd.f32 v32, v30;
	v55 =	vperm.xlane v12, v39  }
0x1a7: {  	v62 =	vsub.f32 v49, v48;
	v22 =	vmul.f32 $1.442695020e+00, v59;
	(erf) = vpow2.f32 v38;
	v35 =	vpop (erf)  }
0x1a8: {  	v58 =	vperm.xlane v19, v39;
	v20 =	vadd.f32 v20, v35;
	v12 =	vmax.f32 v12, v55  }
0x1a9: {  	v63 =	vsub.f32 v50, v48;
	(erf) = vpow2.f32 v60;
	v37 =	vpop (erf);
	v25 =	vperm.xlane v12, v3  }
0x1aa: {  	v23 =	vmul.f32 $1.442695020e+00, v62;
	(erf) = vpow2.f32 v22;
	v20 =	vadd.f32 v20, v37  }
0x1ab: {  	v22 =	vmul.f32 $1.442695020e+00, v63;
	v19 =	vadd.f32 v19, v58;
	v61 =	vpop (erf);
	v12 =	vmax.f32 v12, v25  }
0x1ac: {  	(erf) = vpow2.f32 v23;
	v20 =	vadd.f32 v20, v61;
	v25 =	vperm.xlane v12, v4  }
0x1ad: {  	v13 =	vadd.f32 v13, v21;
	v21 =	vld [tilespmem:s19+$0xA10];
	(erf) = vpow2.f32 v22;
	v26 =	vperm.xlane v19, v3;
	v28 =	vpop (erf)  }
0x1ae: {  	v49 =	vld [tilespmem:s19+$0xA00];
	(erf) = vpow2.f32 v0;
	v20 =	vadd.f32 v20, v28;
	v12 =	vmax.f32 v12, v25  }
0x1af: {  	v0 =	vperm.xlane v13, v4;
	v19 =	vadd.f32 v19, v26;
	v29 =	vpop (erf);
	v30 =	vperm.xlane v12, v5  }
0x1b0: {  	v23 =	vadd.f32 v10, v17;
	v17 =	vld [tilespmem:s19+$0xA20];
	v31 =	vadd.f32 v20, v29  }
0x1b1: {  	v22 =	vadd.f32 v13, v0;
	v32 =	vpop (erf);
	v0 =	vperm.xlane v19, v4;
	v50 =	vmax.f32 v12, v30  }
0x1b2: {  	v10 =	vadd.f32 v31, v32;
	v12 =	vsub.f32 v47, v50  }
0x1b3: {  	v37 =	vmax.f32 v49, v21;
	v33 =	vpop (erf);
	v15 =	vsub.f32 v15, v50  }
0x1b4: {  	v10 =	vadd.f32 v10, v33;
	v34 =	vsub.f32 v16, v50;
	v16 =	vld [tilespmem:s19+$0xA30];
	v12 =	vmul.f32 $1.442695020e+00, v12  }
0x1b5: {  	v13 =	vld [tilespmem:s19+$0xA40];
	v24 =	vmax.f32 v37, v17;
	v19 =	vadd.f32 v19, v0;
	v0 =	vpop (erf);
	v15 =	vmul.f32 $1.442695020e+00, v15  }
0x1b6: {  	v53 =	vld [tilespmem:s19+$0xA50];
	v20 =	vperm.xlane v23, v5;
	v36 =	vpop (erf);
	v0 =	vadd.f32 v10, v0;
	(erf) = vpow2.f32 v12  }
0x1b7: {  	v25 =	vperm.xlane v22, v5;
	v38 =	vpop (erf);
	v18 =	vsub.f32 v18, v50;
	(erf) = vpow2.f32 v15;
	v15 =	vld [tilespmem:s19+$0xA60]  }
0x1b8: {  	v54 =	vpop (erf);
	v55 =	vsub.f32 v11, v50;
	v10 =	vld [tilespmem:s19+$0xA70];
	v35 =	vmul.f32 $1.442695020e+00, v34;
	v0 =	vadd.f32 v0, v36  }
0x1b9: {  	v11 =	vld [tilespmem:s19+$0xE00];
	v26 =	vsel vm0, $0x0, v54;
	v18 =	vmul.f32 $1.442695020e+00, v18;
	v24 =	vmax.f32 v24, v16  }
0x1ba: {  	v12 =	vld [tilespmem:s19+$0xE10];
	v0 =	vadd.f32 v0, v38;
	(erf) = vpow2.f32 v35;
	v24 =	vmax.f32 v24, v13  }
0x1bb: {  	v60 =	vld [tilespmem:s19+$0xE20];
	v59 =	vsub.f32 v1, v50;
	v58 =	vmul.f32 $1.442695020e+00, v55;
	v24 =	vmax.f32 v24, v53  }
0x1bc: {  	(erf) = vpow2.f32 v18;
	v26 =	vadd.f32 v0, v26;
	v0 =	vld [tilespmem:s19+$0xE30];
	v1 =	vmax.f32 v24, v15  }
0x1bd: {  	v14 =	vsub.f32 v14, v50;
	v8 =	vsub.f32 v8, v50;
	v61 =	vmax.f32 v1, v10;
	v1 =	vld [tilespmem:s19+$0xE38]  }
0x1be: {  	v27 =	vmul.f32 $1.442695020e+00, v59;
	(erf) = vpow2.f32 v58;
	v18 =	vmax.f32 v61, v11  }
0x1bf: {  	v9 =	vsub.f32 v9, v50;
	v34 =	vsub.f32 v57, v50;
	v18 =	vmax.f32 v18, v12  }
0x1c0: {  	v14 =	vmul.f32 $1.442695020e+00, v14;
	(erf) = vpow2.f32 v27;
	v63 =	vpop (erf);
	v18 =	vmax.f32 v18, v60  }
0x1c1: {  	v6 =	vsub.f32 v6, v50;
	v27 =	vmul.f32 $1.442695020e+00, v34;
	v33 =	vpop (erf);
	v35 =	vmax.f32 v18, v0  }
0x1c2: {  	(erf) = vpow2.f32 v14;
	v29 =	vadd.f32 v33, v63;
	v14 =	vmax.f32 v35, v1  }
0x1c3: {  	v7 =	vsub.f32 v7, v50;
	v55 =	vsel vm7, v51, v52;
	v36 =	vpop (erf);
	v37 =	vperm.xlane v14, v39  }
0x1c4: {  	v8 =	vmul.f32 $1.442695020e+00, v8;
	(erf) = vpow2.f32 v27;
	v18 =	vadd.f32 v29, v36  }
0x1c5: {  	v9 =	vmul.f32 $1.442695020e+00, v9;
	v6 =	vmul.f32 $1.442695020e+00, v6;
	v38 =	vpop (erf);
	v14 =	vmax.f32 v14, v37  }
0x1c6: {  	(erf) = vpow2.f32 v8;
	v18 =	vadd.f32 v18, v38;
	v52 =	vperm.xlane v14, v3  }
0x1c7: {  	v54 =	vsub.f32 v56, v50;
	v7 =	vmul.f32 $1.442695020e+00, v7;
	v62 =	vperm.xlane v26, v39;
	v51 =	vpop (erf)  }
0x1c8: {  	(erf) = vpow2.f32 v9;
	v29 =	vld [tilespmem:s19+$0xA90];
	v18 =	vadd.f32 v18, v51;
	v8 =	vmax.f32 v14, v52  }
0x1c9: {  	v59 =	vadd.f32 v23, v20;
	v24 =	vperm.xlane v19, v5;
	v57 =	vpop (erf);
	v51 =	vld [tilespmem:s19+$0xA80];
	v58 =	vperm.xlane v8, v4  }
0x1ca: {  	(erf) = vpow2.f32 v6;
	v6 =	vmul.f32 $1.442695020e+00, v54;
	v14 =	vadd.f32 v18, v57;
	v18 =	vld [tilespmem:s19+$0xAA0]  }
0x1cb: {  	v61 =	vadd.f32 v26, v62;
	v26 =	vld [tilespmem:s19+$0xAB0];
	(erf) = vpow2.f32 v7;
	v62 =	vpop (erf);
	v7 =	vmax.f32 v8, v58  }
0x1cc: {  	(erf) = vpow2.f32 v6;
	v63 =	vadd.f32 v14, v62;
	v14 =	vld [tilespmem:s19+$0xAC0];
	v6 =	vperm.xlane v7, v5  }
0x1cd: {  	v30 =	vld [tilespmem:s19+$0xAD0];
	v54 =	vadd.f32 v19, v24;
	v27 =	vpop (erf);
	v57 =	vadd.f32 v22, v25;
	v25 =	vperm.xlane v61, v3  }
0x1ce: {  	v19 =	vld [tilespmem:s19+$0xAE0];
	v8 =	vadd.f32 v63, v27;
	v52 =	vmax.f32 v7, v6;
	v6 =	vmax.f32 v51, v29  }
0x1cf: {  	v20 =	vld [tilespmem:s19+$0xAF0];
	v22 =	vadd.f32 v61, v25;
	v7 =	vpop (erf);
	v31 =	vsub.f32 v49, v52;
	v6 =	vmax.f32 v6, v18  }
0x1d0: {  	v23 =	vld [tilespmem:s19+$0xE80];
	v7 =	vadd.f32 v8, v7;
	v32 =	vsub.f32 v21, v52;
	v6 =	vmax.f32 v6, v26  }
0x1d1: {  	v9 =	vld [tilespmem:s19+$0xE90];
	v21 =	vperm.xlane v22, v4;
	v33 =	vpop (erf);
	v17 =	vsub.f32 v17, v52;
	v6 =	vmax.f32 v6, v14  }
0x1d2: {  	v34 =	vmul.f32 $1.442695020e+00, v31;
	v7 =	vadd.f32 v7, v33;
	v36 =	vmax.f32 v6, v30;
	v6 =	vld [tilespmem:s19+$0xEA0]  }
0x1d3: {  	v8 =	vld [tilespmem:s19+$0xEB0];
	v16 =	vsub.f32 v16, v52;
	v37 =	vpop (erf);
	v35 =	vmul.f32 $1.442695020e+00, v32;
	v38 =	vmax.f32 v36, v19  }
0x1d4: {  	(erf) = vpow2.f32 v34;
	v27 =	vadd.f32 v7, v37;
	v7 =	vld [tilespmem:s19+$0xEB8];
	v58 =	vmax.f32 v38, v20  }
0x1d5: {  	v13 =	vsub.f32 v13, v52;
	(erf) = vpow2.f32 v35;
	v24 =	vmax.f32 v58, v23  }
0x1d6: {  	v63 =	vsub.f32 v53, v52;
	v17 =	vmul.f32 $1.442695020e+00, v17;
	v24 =	vmax.f32 v24, v9  }
0x1d7: {  	v10 =	vsub.f32 v10, v52;
	v11 =	vsub.f32 v11, v52;
	v62 =	vmax.f32 v24, v6  }
0x1d8: {  	v0 =	vsub.f32 v0, v52;
	(erf) = vpow2.f32 v17;
	v17 =	vmax.f32 v62, v8  }
0x1d9: {  	v16 =	vmul.f32 $1.442695020e+00, v16;
	v13 =	vmul.f32 $1.442695020e+00, v13;
	v17 =	vmax.f32 v17, v7  }
0x1da: {  	v1 =	vsub.f32 v1, v52;
	v10 =	vmul.f32 $1.442695020e+00, v10;
	v28 =	vperm.xlane v17, v39  }
0x1db: {  	v15 =	vsub.f32 v15, v52;
	v56 =	vpop (erf);
	v11 =	vmul.f32 $1.442695020e+00, v11;
	v0 =	vmul.f32 $1.442695020e+00, v0  }
0x1dc: {  	v1 =	vmul.f32 $1.442695020e+00, v1;
	v61 =	vpop (erf);
	(erf) = vpow2.f32 v16;
	v38 =	vmax.f32 v17, v28  }
0x1dd: {  	v27 =	vadd.f32 v27, v56;
	v16 =	vmul.f32 $1.442695020e+00, v63;
	v36 =	vpop (erf);
	v56 =	vperm.xlane v38, v3  }
0x1de: {  	v33 =	vld [tilespmem:s19+$0xB10];
	v25 =	vsel vm0, $0x0, v61;
	v37 =	vmul.f32 $1.442695020e+00, v15;
	(erf) = vpow2.f32 v13;
	v53 =	vpop (erf)  }
0x1df: {  	(erf) = vpow2.f32 v16;
	v17 =	vadd.f32 v53, v36;
	v53 =	vld [tilespmem:s19+$0xB00];
	v61 =	vmax.f32 v38, v56  }
0x1e0: {  	v12 =	vsub.f32 v12, v52;
	v34 =	vld [tilespmem:s19+$0xB20];
	(erf) = vpow2.f32 v37;
	v36 =	vperm.xlane v61, v4  }
0x1e1: {  	v63 =	vsub.f32 v60, v52;
	v31 =	vadd.f32 v27, v25;
	v27 =	vld [tilespmem:s19+$0xB30];
	(erf) = vpow2.f32 v10  }
0x1e2: {  	v37 =	vmul.f32 $1.442695020e+00, v12;
	v28 =	vld [tilespmem:s19+$0xB40];
	(erf) = vpow2.f32 v11;
	v13 =	vmax.f32 v61, v36  }
0x1e3: {  	v58 =	vadd.f32 v22, v21;
	v24 =	vld [tilespmem:s19+$0xB50];
	v62 =	vpop (erf);
	v56 =	vmul.f32 $1.442695020e+00, v63;
	v60 =	vperm.xlane v13, v5  }
0x1e4: {  	v25 =	vld [tilespmem:s19+$0xB60];
	(erf) = vpow2.f32 v37;
	v15 =	vadd.f32 v17, v62;
	v61 =	vmax.f32 v53, v33  }
0x1e5: {  	v21 =	vld [tilespmem:s19+$0xB70];
	(erf) = vpow2.f32 v56;
	v62 =	vmax.f32 v61, v34;
	v56 =	vmax.f32 v13, v60  }
0x1e6: {  	v22 =	vld [tilespmem:s19+$0xF00];
	v32 =	vperm.xlane v31, v39;
	v38 =	vpop (erf);
	v10 =	vmax.f32 v62, v27;
	v63 =	vsub.f32 v51, v56  }
0x1e7: {  	v16 =	vld [tilespmem:s19+$0xF10];
	v12 =	vadd.f32 v15, v38;
	v13 =	vsub.f32 v29, v56;
	v10 =	vmax.f32 v10, v28  }
0x1e8: {  	v17 =	vld [tilespmem:s19+$0xF20];
	(erf) = vpow2.f32 v0;
	v10 =	vmax.f32 v10, v24;
	v0 =	vmul.f32 $1.442695020e+00, v63  }
0x1e9: {  	(erf) = vpow2.f32 v1;
	v62 =	vld [tilespmem:s19+$0xF30];
	v1 =	vmul.f32 $1.442695020e+00, v13;
	v10 =	vmax.f32 v10, v25  }
0x1ea: {  	v10 =	vmax.f32 v10, v21;
	(erf) = vpow2.f32 v0;
	v0 =	vsub.f32 v18, v56;
	v18 =	vld [tilespmem:s19+$0xF38]  }
0x1eb: {  	v10 =	vmax.f32 v10, v22;
	(erf) = vpow2.f32 v1;
	v1 =	vsub.f32 v26, v56  }
0x1ec: {  	v29 =	vsub.f32 v14, v56;
	v10 =	vmax.f32 v10, v16;
	v0 =	vmul.f32 $1.442695020e+00, v0  }
0x1ed: {  	v30 =	vsub.f32 v30, v56;
	v10 =	vmax.f32 v10, v17;
	v1 =	vmul.f32 $1.442695020e+00, v1  }
0x1ee: {  	v35 =	vpop (erf);
	v10 =	vmax.f32 v10, v62;
	(erf) = vpow2.f32 v0;
	v0 =	vmul.f32 $1.442695020e+00, v29  }
0x1ef: {  	v36 =	vpop (erf);
	v60 =	vld [tilespmem:s19+$0xB80];
	(erf) = vpow2.f32 v1;
	v1 =	vmul.f32 $1.442695020e+00, v30;
	v10 =	vmax.f32 v10, v18  }
0x1f0: {  	v30 =	vld [tilespmem:s19+$0xB90];
	(erf) = vpow2.f32 v0;
	v0 =	vsub.f32 v19, v56;
	v37 =	vperm.xlane v10, v39  }
0x1f1: {  	v12 =	vadd.f32 v12, v35;
	v14 =	vpop (erf);
	(erf) = vpow2.f32 v1;
	v1 =	vsub.f32 v20, v56  }
0x1f2: {  	v35 =	vld [tilespmem:s19+$0xBA0];
	v38 =	vsub.f32 v23, v56;
	v0 =	vmul.f32 $1.442695020e+00, v0;
	v10 =	vmax.f32 v10, v37  }
0x1f3: {  	v11 =	vadd.f32 v31, v32;
	v23 =	vpop (erf);
	v29 =	vld [tilespmem:s19+$0xBB0];
	v1 =	vmul.f32 $1.442695020e+00, v1;
	v61 =	vperm.xlane v10, v3  }
0x1f4: {  	v31 =	vadd.f32 v12, v36;
	v15 =	vpop (erf);
	v26 =	vld [tilespmem:s19+$0xBC0];
	(erf) = vpow2.f32 v0;
	v0 =	vmul.f32 $1.442695020e+00, v38  }
0x1f5: {  	v13 =	vpop (erf);
	v19 =	vld [tilespmem:s19+$0xBD0];
	v36 =	vmax.f32 v60, v30;
	(erf) = vpow2.f32 v1;
	v63 =	vmax.f32 v10, v61  }
0x1f6: {  	v12 =	vld [tilespmem:s19+$0xBE0];
	v1 =	vsub.f32 v9, v56;
	(erf) = vpow2.f32 v0;
	v0 =	vperm.xlane v63, v4  }
0x1f7: {  	v6 =	vsub.f32 v6, v56;
	v14 =	vadd.f32 v31, v14;
	v32 =	vmax.f32 v36, v35;
	v10 =	vld [tilespmem:s19+$0xBF0]  }
0x1f8: {  	v1 =	vmul.f32 $1.442695020e+00, v1;
	v61 =	vmax.f32 v63, v0;
	v0 =	vmax.f32 v32, v29  }
0x1f9: {  	v14 =	vadd.f32 v14, v23;
	v36 =	vsub.f32 v8, v56;
	v9 =	vld [tilespmem:s19+$0xF80];
	v0 =	vmax.f32 v0, v26  }
0x1fa: {  	v20 =	vpop (erf);
	v8 =	vld [tilespmem:s19+$0xF90];
	(erf) = vpow2.f32 v1;
	v1 =	vperm.xlane v61, v5;
	v63 =	vmax.f32 v0, v19  }
0x1fb: {  	v37 =	vsub.f32 v7, v56;
	v32 =	vmul.f32 $1.442695020e+00, v6;
	v6 =	vld [tilespmem:s19+$0xFA0];
	v7 =	vmax.f32 v63, v12  }
0x1fc: {  	v38 =	vpop (erf);
	v36 =	vmul.f32 $1.442695020e+00, v36;
	v61 =	vmax.f32 v61, v1;
	v1 =	vld [tilespmem:s19+$0xFB0];
	v0 =	vmax.f32 v7, v10  }
0x1fd: {  	v7 =	vld [tilespmem:s19+$0xFB8];
	v33 =	vsub.f32 v33, v61;
	v63 =	vpop (erf);
	(erf) = vpow2.f32 v32;
	v32 =	vsub.f32 v53, v61  }
0x1fe: {  	v0 =	vmax.f32 v0, v9;
	(erf) = vpow2.f32 v36;
	v36 =	vmul.f32 $1.442695020e+00, v37  }
0x1ff: {  	v34 =	vsub.f32 v34, v61;
	v37 =	vpop (erf);
	v0 =	vmax.f32 v0, v8;
	v32 =	vmul.f32 $1.442695020e+00, v32  }
0x200: {  	[tilespmem:$0x1FDD0] =	vst v2;
	v27 =	vsub.f32 v27, v61;
	v2 =	vpop (erf);
	v0 =	vmax.f32 v0, v6;
	(erf) = vpow2.f32 v36  }
0x201: {  	v0 =	vmax.f32 v0, v1;
	(erf) = vpow2.f32 v32;
	v32 =	vmul.f32 $1.442695020e+00, v33  }
0x202: {  	v28 =	vsub.f32 v28, v61;
	v34 =	vmul.f32 $1.442695020e+00, v34;
	v0 =	vmax.f32 v0, v7  }
0x203: {  	v24 =	vsub.f32 v24, v61;
	v33 =	vpop (erf);
	(erf) = vpow2.f32 v32;
	v32 =	vperm.xlane v0, v39  }
0x204: {  	v25 =	vsub.f32 v25, v61;
	v21 =	vsub.f32 v21, v61;
	v28 =	vmul.f32 $1.442695020e+00, v28  }
0x205: {  	v22 =	vsub.f32 v22, v61;
	v27 =	vmul.f32 $1.442695020e+00, v27;
	v36 =	vpop (erf);
	v0 =	vmax.f32 v0, v32  }
0x206: {  	v2 =	vadd.f32 v2, v37;
	(erf) = vpow2.f32 v34;
	v34 =	vpop (erf);
	v37 =	vperm.xlane v0, v3  }
0x207: {  	v16 =	vsub.f32 v16, v61;
	v25 =	vmul.f32 $1.442695020e+00, v25;
	(erf) = vpow2.f32 v27;
	v32 =	vpop (erf)  }
0x208: {  	v24 =	vmul.f32 $1.442695020e+00, v24;
	(erf) = vpow2.f32 v28;
	v28 =	vpop (erf);
	v0 =	vmax.f32 v0, v37  }
0x209: {  	v17 =	vsub.f32 v17, v61;
	v18 =	vsub.f32 v18, v61;
	v27 =	vpop (erf);
	v37 =	vperm.xlane v0, v4  }
0x20a: {  	v21 =	vmul.f32 $1.442695020e+00, v21;
	v2 =	vadd.f32 v2, v33;
	(erf) = vpow2.f32 v24;
	v33 =	vpop (erf)  }
0x20b: {  	v22 =	vmul.f32 $1.442695020e+00, v22;
	(erf) = vpow2.f32 v25;
	v25 =	vpop (erf);
	v0 =	vmax.f32 v0, v37  }
0x20c: {  	v2 =	vadd.f32 v2, v36;
	(erf) = vpow2.f32 v21;
	v24 =	vpop (erf);
	v21 =	vperm.xlane v0, v5  }
0x20d: {  	v16 =	vmul.f32 $1.442695020e+00, v16;
	(erf) = vpow2.f32 v22;
	v22 =	vsub.f32 v62, v61;
	v36 =	vpop (erf)  }
0x20e: {  	v17 =	vmul.f32 $1.442695020e+00, v17;
	v2 =	vadd.f32 v2, v34;
	v37 =	vpop (erf);
	v62 =	vmax.f32 v0, v21  }
0x20f: {  	v0 =	vpop (erf);
	(erf) = vpow2.f32 v16;
	v16 =	vmul.f32 $1.442695020e+00, v22;
	v21 =	vsub.f32 v60, v62  }
0x210: {  	v2 =	vadd.f32 v2, v32;
	(erf) = vpow2.f32 v17;
	v17 =	vmul.f32 $1.442695020e+00, v18  }
0x211: {  	v22 =	vpop (erf);
	v18 =	vsub.f32 v30, v62;
	(erf) = vpow2.f32 v16;
	v16 =	vmul.f32 $1.442695020e+00, v21  }
0x212: {  	v23 =	vperm.xlane v11, v3;
	v14 =	vadd.f32 v14, v15;
	v2 =	vadd.f32 v2, v28;
	v30 =	vpop (erf)  }
0x213: {  	v32 =	vld [tilespmem:$0x1FDD0];
	v35 =	vsub.f32 v35, v62;
	v34 =	vmul.f32 $1.442695020e+00, v18;
	v21 =	vpop (erf);
	(erf) = vpow2.f32 v17  }
0x214: {  	v13 =	vadd.f32 v14, v13;
	v2 =	vadd.f32 v2, v27;
	v31 =	vpop (erf);
	(erf) = vpow2.f32 v16  }
0x215: {  	v27 =	vld [tilespmem:$0x1FDE0];
	v16 =	vpop (erf);
	(erf) = vpow2.f32 v34;
	v34 =	vmul.f32 $1.442695020e+00, v35;
	v35 =	vsub.f32 v29, v62  }
0x216: {  	v46 =	vsel vm8, v46, v59;
	v11 =	vadd.f32 v11, v23;
	v18 =	vsub.f32 v26, v62;
	v29 =	vpop (erf)  }
0x217: {  	v13 =	vadd.f32 v13, v20;
	v28 =	vpop (erf);
	(erf) = vpow2.f32 v34;
	v17 =	vmul.f32 $1.442695020e+00, v35  }
0x218: {  	v32 =	vsel vm8, v32, v40;
	v2 =	vadd.f32 v2, v33;
	v59 =	vsub.f32 v19, v62;
	v26 =	vpop (erf)  }
0x219: {  	v12 =	vsub.f32 v12, v62;
	v40 =	vmul.f32 $1.442695020e+00, v18;
	v15 =	vpop (erf);
	(erf) = vpow2.f32 v17  }
0x21a: {  	v10 =	vsub.f32 v10, v62;
	v9 =	vsub.f32 v9, v62;
	v19 =	vbroadcast v27, $0x0;
	v18 =	vpop (erf)  }
0x21b: {  	v8 =	vsub.f32 v8, v62;
	v14 =	vmul.f32 $1.442695020e+00, v59;
	(erf) = vpow2.f32 v40;
	v27 =	vpop (erf)  }
0x21c: {  	v6 =	vsub.f32 v6, v62;
	v0 =	vadd.f32 v22, v0;
	v17 =	vpop (erf)  }
0x21d: {  	v1 =	vsub.f32 v1, v62;
	v12 =	vmul.f32 $1.442695020e+00, v12;
	(erf) = vpow2.f32 v14;
	v33 =	vpop (erf)  }
0x21e: {  	v49 =	vbroadcast v49, $0x0;
	v2 =	vadd.f32 v2, v25;
	v0 =	vadd.f32 v0, v30;
	v34 =	vpop (erf)  }
0x21f: {  	v10 =	vmul.f32 $1.442695020e+00, v10;
	(erf) = vpow2.f32 v12;
	v14 =	vadd.f32 v34, v33  }
0x220: {  	v7 =	vsub.f32 v7, v62;
	v9 =	vmul.f32 $1.442695020e+00, v9;
	v0 =	vadd.f32 v0, v21;
	v40 =	vpop (erf)  }
0x221: {  	v2 =	vadd.f32 v2, v24;
	(erf) = vpow2.f32 v10;
	v12 =	vadd.f32 v14, v40  }
0x222: {  	v35 =	vsel vm0, v32, v43;
	v43 =	vsel vm0, v46, v57;
	v0 =	vadd.f32 v0, v31;
	v46 =	vpop (erf)  }
0x223: {  	v8 =	vmul.f32 $1.442695020e+00, v8;
	(erf) = vpow2.f32 v9;
	v10 =	vadd.f32 v12, v46  }
0x224: {  	v6 =	vmul.f32 $1.442695020e+00, v6;
	v2 =	vadd.f32 v2, v36;
	v0 =	vadd.f32 v0, v16;
	v57 =	vpop (erf)  }
0x225: {  	v24 =	vsel vm0, $0x0, v37;
	(erf) = vpow2.f32 v8;
	v9 =	vadd.f32 v10, v57  }
0x226: {  	v1 =	vmul.f32 $1.442695020e+00, v1;
	v2 =	vadd.f32 v2, v24;
	v0 =	vadd.f32 v0, v29;
	v14 =	vpop (erf)  }
0x227: {  	v7 =	vmul.f32 $1.442695020e+00, v7;
	(erf) = vpow2.f32 v6;
	v9 =	vadd.f32 v9, v14  }
0x228: {  	v19 =	vsel vm8, v55, v19;
	v30 =	vperm.xlane v2, v39;
	v0 =	vadd.f32 v0, v28;
	v16 =	vpop (erf)  }
0x229: {  	v55 =	vbroadcast v44, $0x0;
	(erf) = vpow2.f32 v1;
	v9 =	vadd.f32 v9, v16  }
0x22a: {  	v2 =	vadd.f32 v2, v30;
	v0 =	vadd.f32 v0, v26;
	v1 =	vpop (erf);
	(erf) = vpow2.f32 v7  }
0x22b: {  	v23 =	vperm.xlane v58, v5;
	v6 =	vadd.f32 v13, v38;
	v1 =	vadd.f32 v9, v1  }
0x22c: {  	v0 =	vadd.f32 v0, v15;
	v12 =	vsel vm0, v19, v55;
	v19 =	vsel vm0, $0x0, v63;
	v22 =	vpop (erf)  }
0x22d: {  	v59 =	vsel vm9, v35, v45;
	v6 =	vadd.f32 v6, v19;
	v1 =	vadd.f32 v1, v22  }
0x22e: {  	v21 =	vsel vm9, v43, v54;
	v37 =	vperm.xlane v2, v3;
	v0 =	vadd.f32 v0, v18;
	v25 =	vpop (erf)  }
0x22f: {  	v43 =	vbroadcast v47, $0x0;
	v26 =	vperm.xlane v6, v39;
	v1 =	vadd.f32 v1, v25  }
0x230: {  	v28 =	vperm.xlane v11, v4;
	v2 =	vadd.f32 v2, v37;
	v0 =	vadd.f32 v0, v27;
	v29 =	vpop (erf)  }
0x231: {  	v34 =	vsel vm0, $0x0, v17;
	v6 =	vadd.f32 v6, v26;
	v1 =	vadd.f32 v1, v29  }
0x232: {  	v11 =	vadd.f32 v11, v28;
	v33 =	vbroadcast v42, $0x0;
	v0 =	vadd.f32 v0, v34;
	v31 =	vpop (erf)  }
0x233: {  	v44 =	vperm.xlane v2, v4;
	v32 =	vperm.xlane v6, v3;
	v35 =	vpop (erf);
	v1 =	vadd.f32 v1, v31  }
0x234: {  	v7 =	vbroadcast v41, $0x0;
	v41 =	vperm.xlane v0, v39;
	v9 =	vsel vm0, $0x0, v35  }
0x235: {  	v36 =	vperm.xlane v11, v5;
	v6 =	vadd.f32 v6, v32;
	v1 =	vadd.f32 v1, v9  }
0x236: {  	v2 =	vadd.f32 v2, v44;
	v8 =	vsel vm10, v59, v48;
	v0 =	vadd.f32 v0, v41  }
0x237: {  	v11 =	vadd.f32 v11, v36;
	v40 =	vperm.xlane v6, v4;
	v42 =	vperm.xlane v1, v39  }
0x238: {  	v48 =	vlaneseq.u32;
	v55 =	vbroadcast v51, $0x0;
	v46 =	vperm.xlane v0, v3  }
0x239: {  	v8 =	vsel vm11, v8, v50;
	v6 =	vadd.f32 v6, v40;
	v1 =	vadd.f32 v1, v42  }
0x23a: {  	v50 =	vperm.xlane v2, v5;
	v10 =	vadd.f32 v58, v23;
	v0 =	vadd.f32 v0, v46  }
0x23b: {  	v8 =	vsel vm12, v8, v52;
	v45 =	vperm.xlane v6, v5;
	v47 =	vperm.xlane v1, v3  }
0x23c: {  	v57 =	vmul.u32 $0x100, v48;
	v2 =	vadd.f32 v2, v50;
	v52 =	vperm.xlane v0, v4  }
0x23d: {  	v38 =	vsel vm10, v21, v10;
	v6 =	vadd.f32 v6, v45;
	v1 =	vadd.f32 v1, v47  }
0x23e: {  	v8 =	vsel vm13, v8, v56;
	v0 =	vadd.f32 v0, v52;
	v9 =	vsel vm11, v38, v11  }
0x23f: {  	v7 =	vsel vm9, v12, v7;
	v6 =	vsel vm12, v9, v6;
	v54 =	vperm.xlane v1, v4  }
0x240: {  	s20 =	sshll.u32 s18, $0x4;
	v7 =	vsel vm10, v7, v33;
	v2 =	vsel vm13, v6, v2;
	v6 =	vperm.xlane v0, v5  }
0x241: {  	v56 =	vmov s20;
	v7 =	vsel vm11, v7, v43;
	v1 =	vadd.f32 v1, v54  }
0x242: {  	v63 =	vld [tilespmem:$0x1FDF0];
	v7 =	vsel vm12, v7, v49;
	v9 =	vshll.u32 v56, $0x8;
	v0 =	vadd.f32 v0, v6  }
0x243: {  	v7 =	vsel vm13, v7, v55;
	v9 =	vor.u32 v57, v9;
	v58 =	vperm.xlane v1, v5  }
0x244: {  	v6 =	vsel vm14, v8, v61;
	v61 =	vbroadcast v53, $0x0;
	v0 =	vsel vm14, v2, v0  }
0x245: {  	v2 =	vsel vm15, v6, v62;
	v6 =	vbroadcast v60, $0x0;
	v1 =	vadd.f32 v1, v58  }
0x246: {  	v59 =	vand.u32 $0xF800, v9;
	v7 =	vsel vm14, v7, v61  }
0x247: {  	v10 =	vadd.s32 v63, v59;
	v0 =	vsel vm15, v0, v1;
	v1 =	vsel vm15, v7, v6  }
0x248: {  	[tilespmem:s20+$0x10600] =	vst v1;
	v1 =	vld [tilespmem:$0x1FE00];
	_ =	sdelay $0x1  }
0x249: {  	[tilespmem:s20+$0x10400] =	vst v2  }
0x24a: {  	[tilespmem:s20+$0x10500] =	vst v0  }
0x24b: {  	v0 =	vld.idx.msk [tilespmem:v10+s3+$0x0], $0xffff  }
0x24c: {  	v1 =	vadd.s32 v1, v59  }
0x24d: {  	s21 =	sshll.u32 s18, $0x7  }
0x24e: {  	s31 =	sand.u32 $0x70, s20;
	s22 =	sand.u32 $0x400, s21  }
0x24f: {  	s19 =	sor.u32 s31, s22  }
0x250: {  	[tilespmem:s19+$0x10700] =	vst v0  }
0x251: {  	v0 =	vld.idx.msk [tilespmem:v1+s3+$0x0], $0xffff  }
0x252: {  	v1 =	vld [tilespmem:$0x1FE10];
	_ =	sdelay $0x4  }
0x253: {  	v1 =	vadd.s32 v1, v59;
	_ =	sdelay $0x2  }
0x254: {  	s22 =	sadd.s32 $0x10700, s19  }
0x255: {  	[tilespmem:s22+$0x80] =	vst v0  }
0x256: {  	v0 =	vld.idx.msk [tilespmem:v1+s3+$0x0], $0xffff  }
0x257: {  	v1 =	vld [tilespmem:$0x1FE20];
	_ =	sdelay $0x4  }
0x258: {  	v1 =	vadd.s32 v1, v59;
	_ =	sdelay $0x3  }
0x259: {  	[tilespmem:s22+$0x100] =	vst v0  }
0x25a: {  	v0 =	vld.idx.msk [tilespmem:v1+s3+$0x0], $0xffff  }
0x25b: {  	v1 =	vld [tilespmem:$0x1FE30];
	_ =	sdelay $0x4  }
0x25c: {  	v1 =	vadd.s32 v1, v59;
	_ =	sdelay $0x3  }
0x25d: {  	[tilespmem:s22+$0x180] =	vst v0  }
0x25e: {  	v0 =	vld.idx.msk [tilespmem:v1+s3+$0x0], $0xffff  }
0x25f: {  	v1 =	vld [tilespmem:$0x1FE40];
	_ =	sdelay $0x4  }
0x260: {  	v1 =	vadd.s32 v1, v59;
	_ =	sdelay $0x3  }
0x261: {  	[tilespmem:s22+$0x200] =	vst v0  }
0x262: {  	v0 =	vld.idx.msk [tilespmem:v1+s3+$0x0], $0xffff  }
0x263: {  	v1 =	vld [tilespmem:$0x1FE50];
	_ =	sdelay $0x4  }
0x264: {  	v1 =	vadd.s32 v1, v59;
	_ =	sdelay $0x3  }
0x265: {  	[tilespmem:s22+$0x280] =	vst v0  }
0x266: {  	v0 =	vld.idx.msk [tilespmem:v1+s3+$0x0], $0xffff  }
0x267: {  	v1 =	vld [tilespmem:$0x1FE60];
	_ =	sdelay $0x4  }
0x268: {  	v1 =	vadd.s32 v1, v59;
	_ =	sdelay $0x3  }
0x269: {  	[tilespmem:s22+$0x300] =	vst v0  }
0x26a: {  	v0 =	vld.idx.msk [tilespmem:v1+s3+$0x0], $0xffff  }
0x26b: {  	v1 =	vld [tilespmem:$0x1FE70];
	_ =	sdelay $0x4  }
0x26c: {  	v1 =	vadd.s32 v1, v59;
	_ =	sdelay $0x1  }
0x26d: {  	s20 =	sor.u32 s21, s20  }
0x26e: {  	s20 =	sor.u32 $0x380, s20  }
0x26f: {  	[tilespmem:s20+$0x10700] =	vst v0  }
0x270: {  	v0 =	vld.idx.msk [tilespmem:v1+s3+$0x0], $0xffff  }
0x271: {  	v1 =	vld [tilespmem:$0x1FE80];
	_ =	sdelay $0x4  }
0x272: {  	v1 =	vadd.s32 v1, v59;
	_ =	sdelay $0x3  }
0x273: {  	[tilespmem:s19+$0x10F00] =	vst v0  }
0x274: {  	v0 =	vld.idx.msk [tilespmem:v1+s3+$0x0], $0xffff  }
0x275: {  	v1 =	vld [tilespmem:$0x1FE90];
	_ =	sdelay $0x4  }
0x276: {  	v1 =	vadd.s32 v1, v59;
	_ =	sdelay $0x3  }
0x277: {  	[tilespmem:s19+$0x10F80] =	vst v0  }
0x278: {  	v0 =	vld.idx.msk [tilespmem:v1+s3+$0x0], $0xffff  }
0x279: {  	v1 =	vld [tilespmem:$0x1FEA0];
	_ =	sdelay $0x4  }
0x27a: {  	v1 =	vadd.s32 v1, v59;
	_ =	sdelay $0x3  }
0x27b: {  	[tilespmem:s19+$0x11000] =	vst v0  }
0x27c: {  	v0 =	vld.idx.msk [tilespmem:v1+s3+$0x0], $0xffff  }
0x27d: {  	v1 =	vld [tilespmem:$0x1FEB0];
	_ =	sdelay $0x4  }
0x27e: {  	v1 =	vadd.s32 v1, v59;
	_ =	sdelay $0x3  }
0x27f: {  	[tilespmem:s19+$0x11080] =	vst v0  }
0x280: {  	v0 =	vld.idx.msk [tilespmem:v1+s3+$0x0], $0xffff  }
0x281: {  	v1 =	vld [tilespmem:$0x1FEC0];
	_ =	sdelay $0x4  }
0x282: {  	v1 =	vadd.s32 v1, v59;
	_ =	sdelay $0x3  }
0x283: {  	[tilespmem:s19+$0x11100] =	vst v0  }
0x284: {  	v0 =	vld.idx.msk [tilespmem:v1+s3+$0x0], $0xffff  }
0x285: {  	v1 =	vld [tilespmem:$0x1FED0];
	_ =	sdelay $0x4  }
0x286: {  	v1 =	vadd.s32 v1, v59;
	_ =	sdelay $0x3  }
0x287: {  	[tilespmem:s19+$0x11180] =	vst v0  }
0x288: {  	v0 =	vld.idx.msk [tilespmem:v1+s3+$0x0], $0xffff  }
0x289: {  	v1 =	vld [tilespmem:$0x1FEE0];
	_ =	sdelay $0x4  }
0x28a: {  	v1 =	vadd.s32 v1, v59;
	_ =	sdelay $0x3  }
0x28b: {  	[tilespmem:s19+$0x11200] =	vst v0  }
0x28c: {  	v0 =	vld.idx.msk [tilespmem:v1+s3+$0x0], $0xffff  }
0x28d: {  	v1 =	vld [tilespmem:$0x1FEF0];
	_ =	sdelay $0x4  }
0x28e: {  	v1 =	vadd.s32 v1, v59;
	_ =	sdelay $0x3  }
0x28f: {  	[tilespmem:s19+$0x11280] =	vst v0  }
0x290: {  	v0 =	vld.idx.msk [tilespmem:v1+s3+$0x0], $0xffff  }
0x291: {  	v1 =	vld [tilespmem:$0x1FF00];
	_ =	sdelay $0x4  }
0x292: {  	v1 =	vadd.s32 v1, v59;
	_ =	sdelay $0x3  }
0x293: {  	[tilespmem:s19+$0x11700] =	vst v0  }
0x294: {  	v0 =	vld.idx.msk [tilespmem:v1+s3+$0x0], $0xffff  }
0x295: {  	v1 =	vld [tilespmem:$0x1FF10];
	_ =	sdelay $0x4  }
0x296: {  	v1 =	vadd.s32 v1, v59;
	_ =	sdelay $0x3  }
0x297: {  	[tilespmem:s19+$0x11780] =	vst v0  }
0x298: {  	v0 =	vld.idx.msk [tilespmem:v1+s3+$0x0], $0xffff  }
0x299: {  	v1 =	vld [tilespmem:$0x1FF20];
	_ =	sdelay $0x4  }
0x29a: {  	v1 =	vadd.s32 v1, v59;
	_ =	sdelay $0x3  }
0x29b: {  	[tilespmem:s19+$0x11800] =	vst v0  }
0x29c: {  	v0 =	vld.idx.msk [tilespmem:v1+s3+$0x0], $0xffff  }
0x29d: {  	v1 =	vld [tilespmem:$0x1FF30];
	_ =	sdelay $0x4  }
0x29e: {  	v1 =	vadd.s32 v1, v59;
	_ =	sdelay $0x3  }
0x29f: {  	[tilespmem:s19+$0x11880] =	vst v0  }
0x2a0: {  	v0 =	vld.idx.msk [tilespmem:v1+s3+$0x0], $0xffff  }
0x2a1: {  	v1 =	vld [tilespmem:$0x1FF40];
	_ =	sdelay $0x4  }
0x2a2: {  	v1 =	vadd.s32 v1, v59;
	_ =	sdelay $0x3  }
0x2a3: {  	[tilespmem:s19+$0x11900] =	vst v0  }
0x2a4: {  	v0 =	vld.idx.msk [tilespmem:v1+s3+$0x0], $0xffff  }
0x2a5: {  	v1 =	vld [tilespmem:$0x1FF50];
	_ =	sdelay $0x4  }
0x2a6: {  	v1 =	vadd.s32 v1, v59;
	_ =	sdelay $0x3  }
0x2a7: {  	[tilespmem:s19+$0x11980] =	vst v0  }
0x2a8: {  	v0 =	vld.idx.msk [tilespmem:v1+s3+$0x0], $0xffff  }
0x2a9: {  	v1 =	vld [tilespmem:$0x1FF60];
	_ =	sdelay $0x4  }
0x2aa: {  	v1 =	vadd.s32 v1, v59;
	_ =	sdelay $0x3  }
0x2ab: {  	[tilespmem:s19+$0x11A00] =	vst v0  }
0x2ac: {  	v0 =	vld.idx.msk [tilespmem:v1+s3+$0x0], $0xffff  }
0x2ad: {  	v1 =	vld [tilespmem:$0x1FF70];
	_ =	sdelay $0x4  }
0x2ae: {  	v1 =	vadd.s32 v1, v59;
	_ =	sdelay $0x3  }
0x2af: {  	[tilespmem:s19+$0x11A80] =	vst v0  }
0x2b0: {  	v0 =	vld.idx.msk [tilespmem:v1+s3+$0x0], $0xffff  }
0x2b1: {  	v1 =	vld [tilespmem:$0x1FF80];
	_ =	sdelay $0x4  }
0x2b2: {  	v1 =	vadd.s32 v1, v59;
	_ =	sdelay $0x3  }
0x2b3: {  	[tilespmem:s19+$0x11F00] =	vst v0  }
0x2b4: {  	v0 =	vld.idx.msk [tilespmem:v1+s3+$0x0], $0xffff  }
0x2b5: {  	v1 =	vld [tilespmem:$0x1FF90];
	_ =	sdelay $0x4  }
0x2b6: {  	v1 =	vadd.s32 v1, v59;
	_ =	sdelay $0x3  }
0x2b7: {  	[tilespmem:s19+$0x11F80] =	vst v0  }
0x2b8: {  	v0 =	vld.idx.msk [tilespmem:v1+s3+$0x0], $0xffff  }
0x2b9: {  	v1 =	vld [tilespmem:$0x1FFA0];
	_ =	sdelay $0x4  }
0x2ba: {  	v1 =	vadd.s32 v1, v59;
	_ =	sdelay $0x3  }
0x2bb: {  	[tilespmem:s19+$0x12000] =	vst v0  }
0x2bc: {  	v0 =	vld.idx.msk [tilespmem:v1+s3+$0x0], $0xffff  }
0x2bd: {  	v1 =	vld [tilespmem:$0x1FFB0];
	_ =	sdelay $0x4  }
0x2be: {  	v1 =	vadd.s32 v1, v59;
	_ =	sdelay $0x3  }
0x2bf: {  	[tilespmem:s19+$0x12080] =	vst v0  }
0x2c0: {  	v0 =	vld.idx.msk [tilespmem:v1+s3+$0x0], $0xffff  }
0x2c1: {  	v1 =	vld [tilespmem:$0x1FFC0];
	_ =	sdelay $0x4  }
0x2c2: {  	v1 =	vadd.s32 v1, v59;
	_ =	sdelay $0x3  }
0x2c3: {  	[tilespmem:s19+$0x12100] =	vst v0  }
0x2c4: {  	v0 =	vld.idx.msk [tilespmem:v1+s3+$0x0], $0xffff  }
0x2c5: {  	v1 =	vld [tilespmem:$0x1FFD0];
	_ =	sdelay $0x4  }
0x2c6: {  	v1 =	vadd.s32 v1, v59;
	_ =	sdelay $0x3  }
0x2c7: {  	[tilespmem:s19+$0x12180] =	vst v0  }
0x2c8: {  	v0 =	vld.idx.msk [tilespmem:v1+s3+$0x0], $0xffff  }
0x2c9: {  	v1 =	vld [tilespmem:$0x1FFE0];
	_ =	sdelay $0x4  }
0x2ca: {  	v1 =	vadd.s32 v1, v59;
	_ =	sdelay $0x3  }
0x2cb: {  	[tilespmem:s19+$0x12200] =	vst v0  }
0x2cc: {  	p0 =	sne.s32 s18, $0xF;
	v0 =	vld.idx.msk [tilespmem:v1+s3+$0x0], $0xffff  }
.Ltmp0:
0x2cd: {  	_ = 	snop;
	(pc) =	sbr.rel @p0 .LBB2_2-.Ltmp0, $2  }
0x2ce: {  	_ =	sdelay $0x2  }
0x2cf: {  	s18 =	sadd.s32 $0x1, s18;
	[tilespmem:s19+$0x12280] =	vst v0  }
0x2d0: {  	[hbm4b:s6+s3] =	stream.linear.scatter [tilespmem:s13], [sflag:$0x1], $0x100, $0x38;
	[tilespmem:$0x12700] =	vst v63  }
0x2d1: {  	_ =	swait.ge [sflag:s11], $0x100  }
0x2d2: {  	[sflag:s11] =	ssyncset.done $0x0  }
0x2d3: {  	[sflag:s11] =	ssyncadd.s32 $0xFFFFFF00  }
0x2d4: {  	[hbm4b:s7+s3] =	stream.linear.scatter [tilespmem:s14], [sflag:$0x1], $0x100, $0x38;
	[tilespmem:$0x12700] =	vst v63  }
0x2d5: {  	_ =	swait.ge [sflag:s11], $0x100  }
0x2d6: {  	[sflag:s11] =	ssyncset.done $0x0  }
0x2d7: {  	[sflag:s11] =	ssyncadd.s32 $0xFFFFFF00  }
0x2d8: {  	[hbm4b:s8+s3] =	stream.linear.scatter [tilespmem:s15], [sflag:$0x1], $0x100, $0x38;
	[tilespmem:$0x12700] =	vst v63  }
0x2d9: {  	s17 =	sadd.s32 $0x1, s17;
	_ =	swait.ge [sflag:s11], $0x100  }
0x2da: {  	p0 =	sne.s32 s17, s10;
	[sflag:s11] =	ssyncset.done $0x0  }
.Ltmp1:
0x2db: {  	[sflag:s11] =	ssyncadd.s32 $0xFFFFFF00;
	(pc) =	sbr.rel @p0 .LBB2_1-.Ltmp1, $4  }
0x2dc: {  	[hbm4b:s9+s3] =	stream.linear.scatter [tilespmem:s16], [sflag:$0x1], $0x2000, $0x38;
	[tilespmem:$0x12700] =	vst v63  }
0x2dd: {  	_ =	swait.ge [sflag:s11], $0x2000  }
0x2de: {  	[sflag:s11] =	ssyncset.done $0x0  }
0x2df: {  	[sflag:s11] =	ssyncadd.s32 $0xFFFFE000  }
0x2e0: {  	_ =	sfence.sel $0x180000  }
0x2e1: {  	[bflag:$0x0] =	sbarrier.arrive $0xFFFF  }
0x2e2: {  	p0 =	sne.s32 s0, $0x0;
	_ =	strace $0x90000047  }
0x2e3: {  	s0 =	sadd.s32 @!p0 $0x100000, s1;
	[bflag:$0x2] =	sbarrier.arrive $0xFFFF  }
0x2e4: {  	[sflag:s0] =	ssyncadd.tile.s32 @!p0 $0x1;
	_ =	shalt  }
.Lfunc_end2:
_tile_overlayer_lowered:
.L_overlay_start_2:
0x2e5: {  	(tag) =	ssettag $0x2  }
0x2e6: {  	s0 =	rddreg [dreg:$0x0];
	s2 =	stileid.u32  }
0x2e7: {  	s1 =	rddreg [dreg:$0x1];
	p0 =	sne.s32 s2, $0x0  }
0x2e8: {  	s3 =	rddreg [dreg:$0x2];
	[bflag:$0x3] =	sbarrier.arrive $0xFFFF;
	s2 =	simm.s32 @!p0 $0x1C01  }
0x2e9: {  	[timem:s3], [sflag:s2] =	dma.local @!p0 [hbm:s0], s1  }
0x2ea: {  	s0 =	simm.s32 @!p0 $0x1  }
0x2eb: {  	_ =	swait.ge @!p0 [sflag:s0], s1  }
0x2ec: {  	s1 =	ssub.s32 @!p0 $0x0, s1;
	[sflag:s0] =	ssyncset.done @!p0 $0x0  }
0x2ed: {  	[sflag:s0] =	ssyncadd.s32 @!p0 s1  }
0x2ee: {  	[bflag:$0x3] =	sbarrier.arrive $0xFFFF  }
0x2ef: {  	_ =	shalt  }

</sc_bundles>
